<compile_context>
chip_gen: v7x
topology: tpu7x:2x2x1
jax: 0.10.2.dev20260603
libtpu: 0.0.44.dev20260713+nightly
codegen_flags: <defaults>
</compile_context>

<pallas_src>
import functools

import jax
import jax.numpy as jnp
from jax import lax
from jax.experimental import pallas as pl
from jax.experimental.pallas import tpu as pltpu
from jax.experimental.pallas import tpu_sc as plsc

N_NODES = 10000
N_EDGES = 320000
D = 128
NG = 128
NCLS = 16
STEPS = 6

_PREC_REF = None
_PREC_HI = lax.Precision.HIGHEST

_NC = 2
_NS = 16
_NW = _NC * _NS
_LANE = 128
_EROWS = 2560
_EPAD = _EROWS * _LANE
_EPW = _EPAD // _NW
_CHUNK = _LANE
_SLAB = 1024
_SPS = _SLAB // _CHUNK
_ACC_ROWS = 10240
_ZROWS = _ACC_ROWS // _NS

def _seg_sum_sc_body(h_hbm, src_hbm, dst_hbm, zeros_hbm,
                     out_hbm, src_v, dst_v, rows0, rows1, acc_sh,
                     sem0, sem1):
    cid = lax.axis_index("c")
    sid = lax.axis_index("s")
    wid = sid * _NC + cid

    r0 = sid * _ZROWS
    pltpu.sync_copy(zeros_hbm, acc_sh.at[pl.ds(r0, _ZROWS)])
    plsc.subcore_barrier()

    e0 = wid * _EPW

    def body(t, carry):
        off = e0 + t * _SLAB
        pltpu.sync_copy(src_hbm.at[pl.ds(off, _SLAB)], src_v)
        pltpu.sync_copy(dst_hbm.at[pl.ds(off, _SLAB)], dst_v)
        bufs = (rows0, rows1)
        sems = (sem0, sem1)
        descs = [pltpu.async_copy(
            h_hbm.at[src_v.at[pl.ds(0, _CHUNK)]], rows0, sem0), None]
        for b in range(_SPS):
            descs[b % 2].wait()
            if b + 1 < _SPS:
                nxt = (b + 1) % 2
                descs[nxt] = pltpu.async_copy(
                    h_hbm.at[src_v.at[pl.ds((b + 1) * _CHUNK, _CHUNK)]],
                    bufs[nxt], sems[nxt])
            pltpu.sync_copy(bufs[b % 2],
                            acc_sh.at[dst_v.at[pl.ds(b * _CHUNK, _CHUNK)]],
                            add=True)
        return carry

    lax.fori_loop(0, _EPW // _SLAB, body, 0)
    plsc.subcore_barrier()

    pltpu.sync_copy(acc_sh.at[pl.ds(r0, _ZROWS)],
                    out_hbm.at[cid, pl.ds(r0, _ZROWS)])


@functools.cache
def _build_seg_sum_sc():
    mesh = plsc.VectorSubcoreMesh(
        core_axis_name="c", subcore_axis_name="s",
        num_cores=_NC, num_subcores=_NS)
    return pl.kernel(
        _seg_sum_sc_body,
        out_type=jax.ShapeDtypeStruct((_NC, _ACC_ROWS, D), jnp.float32),
        mesh=mesh,
        scratch_types=[
            pltpu.VMEM((_SLAB,), jnp.int32),
            pltpu.VMEM((_SLAB,), jnp.int32),
            pltpu.VMEM((_CHUNK, D), jnp.float32),
            pltpu.VMEM((_CHUNK, D), jnp.float32),
            pltpu.VMEM_SHARED((_ACC_ROWS, D), jnp.float32),
            pltpu.SemaphoreType.DMA,
            pltpu.SemaphoreType.DMA,
        ],
    )


_BLK = 1000


def _gin_body(h_ref, p_ref, w1_ref, b1_ref, w2_ref, b2_ref, o_ref):
    z = h_ref[...] + p_ref[0] + p_ref[1]
    a = jnp.maximum(
        jnp.dot(z, w1_ref[...], precision=_PREC_REF) + b1_ref[...], 0.0)
    o = jnp.dot(a, w2_ref[...], precision=_PREC_REF) + b2_ref[...]
    o_ref[...] = jnp.maximum(o, 0.0)


_gin_mlp = pl.pallas_call(
    _gin_body,
    grid=(N_NODES // _BLK,),
    in_specs=[
        pl.BlockSpec((_BLK, D), lambda i: (i, 0)),
        pl.BlockSpec((2, _BLK, D), lambda i: (0, i, 0)),
        pl.BlockSpec((D, D), lambda i: (0, 0)),
        pl.BlockSpec((1, D), lambda i: (0, 0)),
        pl.BlockSpec((D, D), lambda i: (0, 0)),
        pl.BlockSpec((1, D), lambda i: (0, 0)),
    ],
    out_specs=pl.BlockSpec((_BLK, D), lambda i: (i, 0)),
    out_shape=jax.ShapeDtypeStruct((N_NODES, D), jnp.float32),
)


_SBLK = 1000
_SNB = N_NODES // _SBLK


def _s2s_body(h_ref, bc_ref, wi_ref, wh_ref, lb_ref,
              w0_ref, b0_ref, w1_ref, b1_ref, o_ref, e_s, ex_s):
    iota_row = lax.broadcasted_iota(jnp.int32, (1, NG), 1)
    q_star = jnp.zeros((NG, 2 * D), jnp.float32)
    hl = jnp.zeros((NG, D), jnp.float32)
    cl = jnp.zeros((NG, D), jnp.float32)

    for _ in range(STEPS):
        gates = (jnp.dot(q_star, wi_ref[...], precision=_PREC_REF)
                 + jnp.dot(hl, wh_ref[...], precision=_PREC_REF)
                 + lb_ref[...])
        ii = jax.nn.sigmoid(gates[:, 0:D])
        ff = jax.nn.sigmoid(gates[:, D:2 * D])
        gg = jnp.tanh(gates[:, 2 * D:3 * D])
        oo = jax.nn.sigmoid(gates[:, 3 * D:4 * D])
        cl = ff * cl + ii * gg
        hl = oo * jnp.tanh(cl)
        q = hl

        def p1(i, m):
            hb = h_ref[pl.ds(i * _SBLK, _SBLK), :]
            pb = bc_ref[pl.ds(i * _SBLK, _SBLK), :] == iota_row
            qb = jnp.dot(jnp.where(pb, 1.0, 0.0), q, precision=_PREC_HI)
            eb = jnp.sum(hb * qb, axis=1, keepdims=True)
            e_s[pl.ds(i * _SBLK, _SBLK), :] = eb
            em = jnp.where(pb, eb, -1e30)
            return jnp.maximum(m, jnp.max(em, axis=0, keepdims=True))

        m = lax.fori_loop(0, _SNB, p1, jnp.full((1, NG), -1e30, jnp.float32))
        m = jnp.where(m < -1e29, 0.0, m)

        def p2(i, den):
            pb = bc_ref[pl.ds(i * _SBLK, _SBLK), :] == iota_row
            eb = e_s[pl.ds(i * _SBLK, _SBLK), :]
            mb = jnp.sum(jnp.where(pb, m, 0.0), axis=1, keepdims=True)
            exb = jnp.exp(eb - mb)
            ex_s[pl.ds(i * _SBLK, _SBLK), :] = exb
            return den + jnp.sum(jnp.where(pb, exb, 0.0), axis=0, keepdims=True)

        den = lax.fori_loop(0, _SNB, p2, jnp.zeros((1, NG), jnp.float32))

        def p3(i, r):
            hb = h_ref[pl.ds(i * _SBLK, _SBLK), :]
            pb = bc_ref[pl.ds(i * _SBLK, _SBLK), :] == iota_row
            exb = ex_s[pl.ds(i * _SBLK, _SBLK), :]
            db = jnp.sum(jnp.where(pb, den, 0.0), axis=1, keepdims=True)
            ab = exb / (db + 1e-16)
            pbf = jnp.where(pb, 1.0, 0.0)
            return r + lax.dot_general(
                pbf, ab * hb, (((0,), (0,)), ((), ())), precision=_PREC_HI)

        r = lax.fori_loop(0, _SNB, p3, jnp.zeros((NG, D), jnp.float32))
        q_star = jnp.concatenate([q, r], axis=1)

    t = jnp.maximum(
        jnp.dot(q_star, w0_ref[...], precision=_PREC_REF) + b0_ref[...], 0.0)
    o_ref[...] = jnp.dot(t, w1_ref[...], precision=_PREC_REF) + b1_ref[...]


_s2s = pl.pallas_call(
    _s2s_body,
    out_shape=jax.ShapeDtypeStruct((NG, NCLS), jnp.float32),
    scratch_shapes=[
        pltpu.VMEM((N_NODES, 1), jnp.float32),
        pltpu.VMEM((N_NODES, 1), jnp.float32),
    ],
)


def kernel(x, edge_index, batch,
           gin0_W1, gin0_b1, gin0_W2, gin0_b2,
           gin1_W1, gin1_b1, gin1_W2, gin1_b2,
           gin2_W1, gin2_b1, gin2_W2, gin2_b2,
           lstm_Wi, lstm_Wh, lstm_b,
           mlp1_W0, mlp1_b0, mlp1_W1, mlp1_b1):
    src, dst = edge_index[0], edge_index[1]
    pad = _EPAD - N_EDGES
    srcp = jnp.concatenate([src, jnp.zeros((pad,), jnp.int32)])
    dstp = jnp.concatenate([dst, jnp.full((pad,), N_NODES, jnp.int32)])
    dstp = jnp.concatenate(
        [dst, N_NODES + (jnp.arange(pad, dtype=jnp.int32) % (_ACC_ROWS - N_NODES))])
    order = jnp.argsort(dstp)
    srcp = srcp[order].reshape(_LANE, _EROWS).T.reshape(-1)
    dstp = dstp[order].reshape(_LANE, _EROWS).T.reshape(-1)
    zeros = jnp.zeros((_ZROWS, D), jnp.float32)

    seg_sum_sc = _build_seg_sum_sc()
    h = x
    for (W1, b1, W2, b2) in ((gin0_W1, gin0_b1, gin0_W2, gin0_b2),
                             (gin1_W1, gin1_b1, gin1_W2, gin1_b2),
                             (gin2_W1, gin2_b1, gin2_W2, gin2_b2)):
        parts = seg_sum_sc(h, srcp, dstp, zeros)
        h = _gin_mlp(h, parts, W1, b1.reshape(1, D), W2, b2.reshape(1, D))

    return _s2s(h, batch.reshape(N_NODES, 1),
                lstm_Wi, lstm_Wh, lstm_b.reshape(1, 4 * D),
                mlp1_W0, mlp1_b0.reshape(1, D),
                mlp1_W1, mlp1_b1.reshape(1, NCLS))

# --- scband reference (transcript-rebuilt; emitter-appended) ---
"""Pipeline reference for scband-al-gin-87892210745965 (READ-ONLY COPY).

The authoritative reference and input builder live on the scoring server;
editing this copy changes nothing except your own understanding.
"""

import jax, jax.numpy as jnp
import numpy as np

N_NODES = 10000
N_EDGES = 320000
D_FEAT = 128
HIDDEN = 128
NUM_CLASSES = 16
NUM_GRAPHS = 128
NUM_LAYERS = 3
PROCESSING_STEPS = 6


def _lin(k, fi, fo):
    return (jax.random.normal(k, (fi, fo), dtype=jnp.float32) / np.sqrt(fi)).astype(jnp.float32)


def setup_inputs(seed: int = 0) -> dict:
    key = jax.random.key(seed)
    ks = jax.random.split(key, 40)
    inp = {}
    inp["x"] = jax.random.normal(ks[0], (N_NODES, D_FEAT), dtype=jnp.float32)
    inp["edge_index"] = jax.random.randint(ks[1], (2, N_EDGES), 0, N_NODES, dtype=jnp.int32)
    inp["batch"] = jnp.sort(jax.random.randint(ks[2], (N_NODES,), 0, NUM_GRAPHS, dtype=jnp.int32))
    ki = 3
    for i in range(NUM_LAYERS):
        fi = D_FEAT if i == 0 else HIDDEN
        inp[f"gin{i}_W1"] = _lin(ks[ki], fi, HIDDEN); ki += 1
        inp[f"gin{i}_b1"] = jnp.zeros((HIDDEN,), jnp.float32)
        inp[f"gin{i}_W2"] = _lin(ks[ki], HIDDEN, HIDDEN); ki += 1
        inp[f"gin{i}_b2"] = jnp.zeros((HIDDEN,), jnp.float32)
    inp["lstm_Wi"] = _lin(ks[ki], 2 * HIDDEN, 4 * HIDDEN); ki += 1
    inp["lstm_Wh"] = _lin(ks[ki], HIDDEN, 4 * HIDDEN); ki += 1
    inp["lstm_b"] = jnp.zeros((4 * HIDDEN,), jnp.float32)
    inp["mlp1_W0"] = _lin(ks[ki], 2 * HIDDEN, HIDDEN); ki += 1
    inp["mlp1_b0"] = jnp.zeros((HIDDEN,), jnp.float32)
    inp["mlp1_W1"] = _lin(ks[ki], HIDDEN, NUM_CLASSES); ki += 1
    inp["mlp1_b1"] = jnp.zeros((NUM_CLASSES,), jnp.float32)
    return inp


def reference(x, edge_index, batch,
              gin0_W1, gin0_b1, gin0_W2, gin0_b2,
              gin1_W1, gin1_b1, gin1_W2, gin1_b2,
              gin2_W1, gin2_b1, gin2_W2, gin2_b2,
              lstm_Wi, lstm_Wh, lstm_b,
              mlp1_W0, mlp1_b0, mlp1_W1, mlp1_b1):
    src, dst = edge_index[0], edge_index[1]
    n = x.shape[0]
    gin = [(gin0_W1, gin0_b1, gin0_W2, gin0_b2),
           (gin1_W1, gin1_b1, gin1_W2, gin1_b2),
           (gin2_W1, gin2_b1, gin2_W2, gin2_b2)]
    h = x
    for (W1, b1, W2, b2) in gin:
        # GINConv: mlp((1+eps)*x + sum_j x_j), eps=0
        agg = jax.ops.segment_sum(h[src], dst, num_segments=n)
        z = h + agg
        z = jax.nn.relu(z @ W1 + b1)
        z = z @ W2 + b2
        h = jax.nn.relu(z)
    # Set2Set pooling, processing_steps=6
    B = NUM_GRAPHS
    H = lstm_Wh.shape[0]
    q_star = jnp.zeros((B, 2 * H), jnp.float32)
    hl = jnp.zeros((B, H), jnp.float32)
    cl = jnp.zeros((B, H), jnp.float32)
    for _ in range(PROCESSING_STEPS):
        gates = q_star @ lstm_Wi + hl @ lstm_Wh + lstm_b
        ii, ff, gg, oo = jnp.split(gates, 4, axis=-1)
        ii = jax.nn.sigmoid(ii); ff = jax.nn.sigmoid(ff)
        gg = jnp.tanh(gg); oo = jax.nn.sigmoid(oo)
        cl = ff * cl + ii * gg
        hl = oo * jnp.tanh(cl)
        q = hl
        e = jnp.sum(h * q[batch], axis=-1)
        m = jax.ops.segment_max(e, batch, num_segments=B)
        m = jnp.where(jnp.isfinite(m), m, 0.0)
        ex = jnp.exp(e - m[batch])
        denom = jax.ops.segment_sum(ex, batch, num_segments=B)
        a = ex / (denom[batch] + 1e-16)
        r = jax.ops.segment_sum(a[:, None] * h, batch, num_segments=B)
        q_star = jnp.concatenate([q, r], axis=-1)
    # mlp1: [2*hidden] -> [hidden] -> [num_classes]
    out = jax.nn.relu(q_star @ mlp1_W0 + mlp1_b0) @ mlp1_W1 + mlp1_b1
    return out

if __name__ == "__main__":
    import jax
    _d = setup_inputs()
    print(jax.jit(kernel)(*tuple(_d.values())))

</pallas_src>

<mosaic_0001>
#map = affine_map<(d0, d1) -> (0, 0)>
#map1 = affine_map<(d0, d1) -> (0)>
#map2 = affine_map<(d0, d1) -> (0, 0, 0)>
module attributes {stable_mosaic.version = 14 : i64} {
  func.func @_seg_sum_sc_body(%arg0: i32, %arg1: i32, %arg2: memref<10000x128xf32, #tpu.memory_space<hbm>>, %arg3: memref<327680xi32, #tpu.memory_space<hbm>>, %arg4: memref<327680xi32, #tpu.memory_space<hbm>>, %arg5: memref<640x128xf32, #tpu.memory_space<hbm>>, %arg6: memref<2x10240x128xf32, #tpu.memory_space<hbm>>, %arg7: memref<1024xi32, #tpu.memory_space<vmem>>, %arg8: memref<1024xi32, #tpu.memory_space<vmem>>, %arg9: memref<128x128xf32, #tpu.memory_space<vmem>>, %arg10: memref<128x128xf32, #tpu.memory_space<vmem>>, %arg11: memref<10240x128xf32, #tpu.memory_space<vmem_shared>>, %arg12: memref<!tpu.dma_semaphore, #tpu.memory_space<semaphore_mem>>, %arg13: memref<!tpu.dma_semaphore, #tpu.memory_space<semaphore_mem>>) attributes {dimension_semantics = [#tpu.dimension_semantics<core_parallel>, #tpu.dimension_semantics<subcore_parallel>], iteration_bounds = array<i64: 2, 16>, scalar_prefetch = 0 : i64, scratch_operands = 7 : i64, tpu.core_type = #tpu.core_type<sc_vector_subcore>, window_params = [{transform_indices = #map}, {transform_indices = #map1}, {transform_indices = #map1}, {transform_indices = #map}, {transform_indices = #map2}]} {
    %mul3A = arith.constant 2 : i32
    %mul3A_0 = arith.muli %arg1, %mul3A : i32
    %add3A = arith.addi %mul3A_0, %arg0 : i32
    %mul3A_1 = arith.constant 640 : i32
    %mul3A_2 = arith.muli %arg1, %mul3A_1 : i32
    "tpu.region"() ({
      %run_scoped3A = tpu.sem_alloc : memref<!tpu.dma_semaphore, #tpu.memory_space<semaphore_mem>>
      %dma_start3A = arith.constant 0 : i32
      %dma_start3A_11 = tpu.memref_slice %arg11[%mul3A_2, %dma_start3A] : memref<10240x128xf32, #tpu.memory_space<vmem_shared>> -> memref<640x128xf32, #tpu.memory_space<vmem_shared>>
      tpu.enqueue_dma source(%arg5 : memref<640x128xf32, #tpu.memory_space<hbm>>) target(%dma_start3A_11 : memref<640x128xf32, #tpu.memory_space<vmem_shared>>) target_semaphore(%run_scoped3A : memref<!tpu.dma_semaphore, #tpu.memory_space<semaphore_mem>>)
      %dma_wait3A = arith.constant 0 : i32
      %dma_wait3A_12 = tpu.memref_slice %arg11[%mul3A_2, %dma_wait3A] : memref<10240x128xf32, #tpu.memory_space<vmem_shared>> -> memref<640x128xf32, #tpu.memory_space<vmem_shared>>
      tpu.wait_dma2 semaphore(%run_scoped3A : memref<!tpu.dma_semaphore, #tpu.memory_space<semaphore_mem>>) src(%arg5 : memref<640x128xf32, #tpu.memory_space<hbm>>) dst(%dma_wait3A_12 : memref<640x128xf32, #tpu.memory_space<vmem_shared>>)
      tpu.yield
    }) : () -> ()
    %barrier3A = arith.constant 0 : index
    tpu.barrier barrier_id(%barrier3A)
    %mul3A_3 = arith.constant 10240 : i32
    %mul3A_4 = arith.muli %add3A, %mul3A_3 : i32
    %scan3A = arith.constant 0 : i32
    %scan3A_5 = arith.constant 0 : i32
    %scan3A_6 = arith.constant 10 : i32
    %scan3A_7 = arith.addi %scan3A_5, %scan3A_6 : i32
    %scan3A_8 = arith.constant 1 : i32
    scf.for %scan3A_11 = %scan3A_5 to %scan3A_7 step %scan3A_8  : i32 {
      %mul3A_12 = arith.constant 1024 : i32
      %mul3A_13 = arith.muli %scan3A_11, %mul3A_12 : i32
      %add3A_14 = arith.addi %mul3A_4, %mul3A_13 : i32
      "tpu.region"() ({
        %run_scoped3A = tpu.sem_alloc : memref<!tpu.dma_semaphore, #tpu.memory_space<semaphore_mem>>
        %dma_start3A_93 = tpu.memref_slice %arg3[%add3A_14] : memref<327680xi32, #tpu.memory_space<hbm>> -> memref<1024xi32, #tpu.memory_space<hbm>>
        %dma_start3A_94 = tpu.memref_slice %arg3[%add3A_14] : memref<327680xi32, #tpu.memory_space<hbm>> -> memref<1024xi32, #tpu.memory_space<hbm>>
        tpu.enqueue_dma source(%dma_start3A_94 : memref<1024xi32, #tpu.memory_space<hbm>>) target(%arg7 : memref<1024xi32, #tpu.memory_space<vmem>>) target_semaphore(%run_scoped3A : memref<!tpu.dma_semaphore, #tpu.memory_space<semaphore_mem>>)
        %dma_wait3A_95 = tpu.memref_slice %arg3[%add3A_14] : memref<327680xi32, #tpu.memory_space<hbm>> -> memref<1024xi32, #tpu.memory_space<hbm>>
        %dma_wait3A_96 = tpu.memref_slice %arg3[%add3A_14] : memref<327680xi32, #tpu.memory_space<hbm>> -> memref<1024xi32, #tpu.memory_space<hbm>>
        tpu.wait_dma2 semaphore(%run_scoped3A : memref<!tpu.dma_semaphore, #tpu.memory_space<semaphore_mem>>) src(%dma_wait3A_96 : memref<1024xi32, #tpu.memory_space<hbm>>) dst(%arg7 : memref<1024xi32, #tpu.memory_space<vmem>>)
        tpu.yield
      }) : () -> ()
      "tpu.region"() ({
        %run_scoped3A = tpu.sem_alloc : memref<!tpu.dma_semaphore, #tpu.memory_space<semaphore_mem>>
        %dma_start3A_93 = tpu.memref_slice %arg4[%add3A_14] : memref<327680xi32, #tpu.memory_space<hbm>> -> memref<1024xi32, #tpu.memory_space<hbm>>
        %dma_start3A_94 = tpu.memref_slice %arg4[%add3A_14] : memref<327680xi32, #tpu.memory_space<hbm>> -> memref<1024xi32, #tpu.memory_space<hbm>>
        tpu.enqueue_dma source(%dma_start3A_94 : memref<1024xi32, #tpu.memory_space<hbm>>) target(%arg8 : memref<1024xi32, #tpu.memory_space<vmem>>) target_semaphore(%run_scoped3A : memref<!tpu.dma_semaphore, #tpu.memory_space<semaphore_mem>>)
        %dma_wait3A_95 = tpu.memref_slice %arg4[%add3A_14] : memref<327680xi32, #tpu.memory_space<hbm>> -> memref<1024xi32, #tpu.memory_space<hbm>>
        %dma_wait3A_96 = tpu.memref_slice %arg4[%add3A_14] : memref<327680xi32, #tpu.memory_space<hbm>> -> memref<1024xi32, #tpu.memory_space<hbm>>
        tpu.wait_dma2 semaphore(%run_scoped3A : memref<!tpu.dma_semaphore, #tpu.memory_space<semaphore_mem>>) src(%dma_wait3A_96 : memref<1024xi32, #tpu.memory_space<hbm>>) dst(%arg8 : memref<1024xi32, #tpu.memory_space<vmem>>)
        tpu.yield
      }) : () -> ()
      %dma_start3A = arith.constant 0 : i32
      %dma_start3A_15 = tpu.memref_slice %arg7[%dma_start3A] : memref<1024xi32, #tpu.memory_space<vmem>> -> memref<128xi32, #tpu.memory_space<vmem>>
      %dma_start3A_16 = arith.constant 0 : i32
      %dma_start3A_17 = arith.constant 0 : i32
      %dma_start3A_18 = tpu.memref_slice %arg2[%dma_start3A_16, %dma_start3A_17] : memref<10000x128xf32, #tpu.memory_space<hbm>> -> memref<10000x128xf32, #tpu.memory_space<hbm>>
      tpu.enqueue_indirect_dma source(%dma_start3A_18 : memref<10000x128xf32, #tpu.memory_space<hbm>>) target(%arg9 : memref<128x128xf32, #tpu.memory_space<vmem>>) offsets(%dma_start3A_15 : memref<128xi32, #tpu.memory_space<vmem>>) semaphore(%arg12 : memref<!tpu.dma_semaphore, #tpu.memory_space<semaphore_mem>>)
      %dma_wait3A = arith.constant 0 : i32
      %dma_wait3A_19 = tpu.memref_slice %arg7[%dma_wait3A] : memref<1024xi32, #tpu.memory_space<vmem>> -> memref<128xi32, #tpu.memory_space<vmem>>
      %dma_wait3A_20 = arith.constant 0 : i32
      %dma_wait3A_21 = arith.constant 0 : i32
      %dma_wait3A_22 = tpu.memref_slice %arg2[%dma_wait3A_20, %dma_wait3A_21] : memref<10000x128xf32, #tpu.memory_space<hbm>> -> memref<10000x128xf32, #tpu.memory_space<hbm>>
      tpu.wait_indirect_dma semaphore(%arg12 : memref<!tpu.dma_semaphore, #tpu.memory_space<semaphore_mem>>) src(%dma_wait3A_22 : memref<10000x128xf32, #tpu.memory_space<hbm>>) dst(%arg9 : memref<128x128xf32, #tpu.memory_space<vmem>>)
      %dma_start3A_23 = arith.constant 128 : i32
      %dma_start3A_24 = tpu.memref_slice %arg7[%dma_start3A_23] : memref<1024xi32, #tpu.memory_space<vmem>> -> memref<128xi32, #tpu.memory_space<vmem>>
      %dma_start3A_25 = arith.constant 0 : i32
      %dma_start3A_26 = arith.constant 0 : i32
      %dma_start3A_27 = tpu.memref_slice %arg2[%dma_start3A_25, %dma_start3A_26] : memref<10000x128xf32, #tpu.memory_space<hbm>> -> memref<10000x128xf32, #tpu.memory_space<hbm>>
      tpu.enqueue_indirect_dma source(%dma_start3A_27 : memref<10000x128xf32, #tpu.memory_space<hbm>>) target(%arg10 : memref<128x128xf32, #tpu.memory_space<vmem>>) offsets(%dma_start3A_24 : memref<128xi32, #tpu.memory_space<vmem>>) semaphore(%arg13 : memref<!tpu.dma_semaphore, #tpu.memory_space<semaphore_mem>>)
      "tpu.region"() ({
        %run_scoped3A = tpu.sem_alloc : memref<!tpu.dma_semaphore, #tpu.memory_space<semaphore_mem>>
        %dma_start3A_93 = arith.constant 0 : i32
        %dma_start3A_94 = tpu.memref_slice %arg8[%dma_start3A_93] : memref<1024xi32, #tpu.memory_space<vmem>> -> memref<128xi32, #tpu.memory_space<vmem>>
        %dma_start3A_95 = arith.constant 0 : i32
        %dma_start3A_96 = arith.constant 0 : i32
        %dma_start3A_97 = tpu.memref_slice %arg11[%dma_start3A_95, %dma_start3A_96] : memref<10240x128xf32, #tpu.memory_space<vmem_shared>> -> memref<10240x128xf32, #tpu.memory_space<vmem_shared>>
        tpu.enqueue_indirect_dma source(%arg9 : memref<128x128xf32, #tpu.memory_space<vmem>>) target(%dma_start3A_97 : memref<10240x128xf32, #tpu.memory_space<vmem_shared>>) offsets(%dma_start3A_94 : memref<128xi32, #tpu.memory_space<vmem>>) semaphore(%run_scoped3A : memref<!tpu.dma_semaphore, #tpu.memory_space<semaphore_mem>>) {add = true}
        %dma_wait3A_98 = arith.constant 0 : i32
        %dma_wait3A_99 = tpu.memref_slice %arg8[%dma_wait3A_98] : memref<1024xi32, #tpu.memory_space<vmem>> -> memref<128xi32, #tpu.memory_space<vmem>>
        %dma_wait3A_100 = arith.constant 0 : i32
        %dma_wait3A_101 = arith.constant 0 : i32
        %dma_wait3A_102 = tpu.memref_slice %arg11[%dma_wait3A_100, %dma_wait3A_101] : memref<10240x128xf32, #tpu.memory_space<vmem_shared>> -> memref<10240x128xf32, #tpu.memory_space<vmem_shared>>
        tpu.wait_indirect_dma semaphore(%run_scoped3A : memref<!tpu.dma_semaphore, #tpu.memory_space<semaphore_mem>>) src(%arg9 : memref<128x128xf32, #tpu.memory_space<vmem>>) dst(%dma_wait3A_102 : memref<10240x128xf32, #tpu.memory_space<vmem_shared>>)
        tpu.yield
      }) : () -> ()
      %dma_wait3A_28 = arith.constant 128 : i32
      %dma_wait3A_29 = tpu.memref_slice %arg7[%dma_wait3A_28] : memref<1024xi32, #tpu.memory_space<vmem>> -> memref<128xi32, #tpu.memory_space<vmem>>
      %dma_wait3A_30 = arith.constant 0 : i32
      %dma_wait3A_31 = arith.constant 0 : i32
      %dma_wait3A_32 = tpu.memref_slice %arg2[%dma_wait3A_30, %dma_wait3A_31] : memref<10000x128xf32, #tpu.memory_space<hbm>> -> memref<10000x128xf32, #tpu.memory_space<hbm>>
      tpu.wait_indirect_dma semaphore(%arg13 : memref<!tpu.dma_semaphore, #tpu.memory_space<semaphore_mem>>) src(%dma_wait3A_32 : memref<10000x128xf32, #tpu.memory_space<hbm>>) dst(%arg10 : memref<128x128xf32, #tpu.memory_space<vmem>>)
      %dma_start3A_33 = arith.constant 256 : i32
      %dma_start3A_34 = tpu.memref_slice %arg7[%dma_start3A_33] : memref<1024xi32, #tpu.memory_space<vmem>> -> memref<128xi32, #tpu.memory_space<vmem>>
      %dma_start3A_35 = arith.constant 0 : i32
      %dma_start3A_36 = arith.constant 0 : i32
      %dma_start3A_37 = tpu.memref_slice %arg2[%dma_start3A_35, %dma_start3A_36] : memref<10000x128xf32, #tpu.memory_space<hbm>> -> memref<10000x128xf32, #tpu.memory_space<hbm>>
      tpu.enqueue_indirect_dma source(%dma_start3A_37 : memref<10000x128xf32, #tpu.memory_space<hbm>>) target(%arg9 : memref<128x128xf32, #tpu.memory_space<vmem>>) offsets(%dma_start3A_34 : memref<128xi32, #tpu.memory_space<vmem>>) semaphore(%arg12 : memref<!tpu.dma_semaphore, #tpu.memory_space<semaphore_mem>>)
      "tpu.region"() ({
        %run_scoped3A = tpu.sem_alloc : memref<!tpu.dma_semaphore, #tpu.memory_space<semaphore_mem>>
        %dma_start3A_93 = arith.constant 128 : i32
        %dma_start3A_94 = tpu.memref_slice %arg8[%dma_start3A_93] : memref<1024xi32, #tpu.memory_space<vmem>> -> memref<128xi32, #tpu.memory_space<vmem>>
        %dma_start3A_95 = arith.constant 0 : i32
        %dma_start3A_96 = arith.constant 0 : i32
        %dma_start3A_97 = tpu.memref_slice %arg11[%dma_start3A_95, %dma_start3A_96] : memref<10240x128xf32, #tpu.memory_space<vmem_shared>> -> memref<10240x128xf32, #tpu.memory_space<vmem_shared>>
        tpu.enqueue_indirect_dma source(%arg10 : memref<128x128xf32, #tpu.memory_space<vmem>>) target(%dma_start3A_97 : memref<10240x128xf32, #tpu.memory_space<vmem_shared>>) offsets(%dma_start3A_94 : memref<128xi32, #tpu.memory_space<vmem>>) semaphore(%run_scoped3A : memref<!tpu.dma_semaphore, #tpu.memory_space<semaphore_mem>>) {add = true}
        %dma_wait3A_98 = arith.constant 128 : i32
        %dma_wait3A_99 = tpu.memref_slice %arg8[%dma_wait3A_98] : memref<1024xi32, #tpu.memory_space<vmem>> -> memref<128xi32, #tpu.memory_space<vmem>>
        %dma_wait3A_100 = arith.constant 0 : i32
        %dma_wait3A_101 = arith.constant 0 : i32
        %dma_wait3A_102 = tpu.memref_slice %arg11[%dma_wait3A_100, %dma_wait3A_101] : memref<10240x128xf32, #tpu.memory_space<vmem_shared>> -> memref<10240x128xf32, #tpu.memory_space<vmem_shared>>
        tpu.wait_indirect_dma semaphore(%run_scoped3A : memref<!tpu.dma_semaphore, #tpu.memory_space<semaphore_mem>>) src(%arg10 : memref<128x128xf32, #tpu.memory_space<vmem>>) dst(%dma_wait3A_102 : memref<10240x128xf32, #tpu.memory_space<vmem_shared>>)
        tpu.yield
      }) : () -> ()
      %dma_wait3A_38 = arith.constant 256 : i32
      %dma_wait3A_39 = tpu.memref_slice %arg7[%dma_wait3A_38] : memref<1024xi32, #tpu.memory_space<vmem>> -> memref<128xi32, #tpu.memory_space<vmem>>
      %dma_wait3A_40 = arith.constant 0 : i32
      %dma_wait3A_41 = arith.constant 0 : i32
      %dma_wait3A_42 = tpu.memref_slice %arg2[%dma_wait3A_40, %dma_wait3A_41] : memref<10000x128xf32, #tpu.memory_space<hbm>> -> memref<10000x128xf32, #tpu.memory_space<hbm>>
      tpu.wait_indirect_dma semaphore(%arg12 : memref<!tpu.dma_semaphore, #tpu.memory_space<semaphore_mem>>) src(%dma_wait3A_42 : memref<10000x128xf32, #tpu.memory_space<hbm>>) dst(%arg9 : memref<128x128xf32, #tpu.memory_space<vmem>>)
      %dma_start3A_43 = arith.constant 384 : i32
      %dma_start3A_44 = tpu.memref_slice %arg7[%dma_start3A_43] : memref<1024xi32, #tpu.memory_space<vmem>> -> memref<128xi32, #tpu.memory_space<vmem>>
      %dma_start3A_45 = arith.constant 0 : i32
      %dma_start3A_46 = arith.constant 0 : i32
      %dma_start3A_47 = tpu.memref_slice %arg2[%dma_start3A_45, %dma_start3A_46] : memref<10000x128xf32, #tpu.memory_space<hbm>> -> memref<10000x128xf32, #tpu.memory_space<hbm>>
      tpu.enqueue_indirect_dma source(%dma_start3A_47 : memref<10000x128xf32, #tpu.memory_space<hbm>>) target(%arg10 : memref<128x128xf32, #tpu.memory_space<vmem>>) offsets(%dma_start3A_44 : memref<128xi32, #tpu.memory_space<vmem>>) semaphore(%arg13 : memref<!tpu.dma_semaphore, #tpu.memory_space<semaphore_mem>>)
      "tpu.region"() ({
        %run_scoped3A = tpu.sem_alloc : memref<!tpu.dma_semaphore, #tpu.memory_space<semaphore_mem>>
        %dma_start3A_93 = arith.constant 256 : i32
        %dma_start3A_94 = tpu.memref_slice %arg8[%dma_start3A_93] : memref<1024xi32, #tpu.memory_space<vmem>> -> memref<128xi32, #tpu.memory_space<vmem>>
        %dma_start3A_95 = arith.constant 0 : i32
        %dma_start3A_96 = arith.constant 0 : i32
        %dma_start3A_97 = tpu.memref_slice %arg11[%dma_start3A_95, %dma_start3A_96] : memref<10240x128xf32, #tpu.memory_space<vmem_shared>> -> memref<10240x128xf32, #tpu.memory_space<vmem_shared>>
        tpu.enqueue_indirect_dma source(%arg9 : memref<128x128xf32, #tpu.memory_space<vmem>>) target(%dma_start3A_97 : memref<10240x128xf32, #tpu.memory_space<vmem_shared>>) offsets(%dma_start3A_94 : memref<128xi32, #tpu.memory_space<vmem>>) semaphore(%run_scoped3A : memref<!tpu.dma_semaphore, #tpu.memory_space<semaphore_mem>>) {add = true}
        %dma_wait3A_98 = arith.constant 256 : i32
        %dma_wait3A_99 = tpu.memref_slice %arg8[%dma_wait3A_98] : memref<1024xi32, #tpu.memory_space<vmem>> -> memref<128xi32, #tpu.memory_space<vmem>>
        %dma_wait3A_100 = arith.constant 0 : i32
        %dma_wait3A_101 = arith.constant 0 : i32
        %dma_wait3A_102 = tpu.memref_slice %arg11[%dma_wait3A_100, %dma_wait3A_101] : memref<10240x128xf32, #tpu.memory_space<vmem_shared>> -> memref<10240x128xf32, #tpu.memory_space<vmem_shared>>
        tpu.wait_indirect_dma semaphore(%run_scoped3A : memref<!tpu.dma_semaphore, #tpu.memory_space<semaphore_mem>>) src(%arg9 : memref<128x128xf32, #tpu.memory_space<vmem>>) dst(%dma_wait3A_102 : memref<10240x128xf32, #tpu.memory_space<vmem_shared>>)
        tpu.yield
      }) : () -> ()
      %dma_wait3A_48 = arith.constant 384 : i32
      %dma_wait3A_49 = tpu.memref_slice %arg7[%dma_wait3A_48] : memref<1024xi32, #tpu.memory_space<vmem>> -> memref<128xi32, #tpu.memory_space<vmem>>
      %dma_wait3A_50 = arith.constant 0 : i32
      %dma_wait3A_51 = arith.constant 0 : i32
      %dma_wait3A_52 = tpu.memref_slice %arg2[%dma_wait3A_50, %dma_wait3A_51] : memref<10000x128xf32, #tpu.memory_space<hbm>> -> memref<10000x128xf32, #tpu.memory_space<hbm>>
      tpu.wait_indirect_dma semaphore(%arg13 : memref<!tpu.dma_semaphore, #tpu.memory_space<semaphore_mem>>) src(%dma_wait3A_52 : memref<10000x128xf32, #tpu.memory_space<hbm>>) dst(%arg10 : memref<128x128xf32, #tpu.memory_space<vmem>>)
      %dma_start3A_53 = arith.constant 512 : i32
      %dma_start3A_54 = tpu.memref_slice %arg7[%dma_start3A_53] : memref<1024xi32, #tpu.memory_space<vmem>> -> memref<128xi32, #tpu.memory_space<vmem>>
      %dma_start3A_55 = arith.constant 0 : i32
      %dma_start3A_56 = arith.constant 0 : i32
      %dma_start3A_57 = tpu.memref_slice %arg2[%dma_start3A_55, %dma_start3A_56] : memref<10000x128xf32, #tpu.memory_space<hbm>> -> memref<10000x128xf32, #tpu.memory_space<hbm>>
      tpu.enqueue_indirect_dma source(%dma_start3A_57 : memref<10000x128xf32, #tpu.memory_space<hbm>>) target(%arg9 : memref<128x128xf32, #tpu.memory_space<vmem>>) offsets(%dma_start3A_54 : memref<128xi32, #tpu.memory_space<vmem>>) semaphore(%arg12 : memref<!tpu.dma_semaphore, #tpu.memory_space<semaphore_mem>>)
      "tpu.region"() ({
        %run_scoped3A = tpu.sem_alloc : memref<!tpu.dma_semaphore, #tpu.memory_space<semaphore_mem>>
        %dma_start3A_93 = arith.constant 384 : i32
        %dma_start3A_94 = tpu.memref_slice %arg8[%dma_start3A_93] : memref<1024xi32, #tpu.memory_space<vmem>> -> memref<128xi32, #tpu.memory_space<vmem>>
        %dma_start3A_95 = arith.constant 0 : i32
        %dma_start3A_96 = arith.constant 0 : i32
        %dma_start3A_97 = tpu.memref_slice %arg11[%dma_start3A_95, %dma_start3A_96] : memref<10240x128xf32, #tpu.memory_space<vmem_shared>> -> memref<10240x128xf32, #tpu.memory_space<vmem_shared>>
        tpu.enqueue_indirect_dma source(%arg10 : memref<128x128xf32, #tpu.memory_space<vmem>>) target(%dma_start3A_97 : memref<10240x128xf32, #tpu.memory_space<vmem_shared>>) offsets(%dma_start3A_94 : memref<128xi32, #tpu.memory_space<vmem>>) semaphore(%run_scoped3A : memref<!tpu.dma_semaphore, #tpu.memory_space<semaphore_mem>>) {add = true}
        %dma_wait3A_98 = arith.constant 384 : i32
        %dma_wait3A_99 = tpu.memref_slice %arg8[%dma_wait3A_98] : memref<1024xi32, #tpu.memory_space<vmem>> -> memref<128xi32, #tpu.memory_space<vmem>>
        %dma_wait3A_100 = arith.constant 0 : i32
        %dma_wait3A_101 = arith.constant 0 : i32
        %dma_wait3A_102 = tpu.memref_slice %arg11[%dma_wait3A_100, %dma_wait3A_101] : memref<10240x128xf32, #tpu.memory_space<vmem_shared>> -> memref<10240x128xf32, #tpu.memory_space<vmem_shared>>
        tpu.wait_indirect_dma semaphore(%run_scoped3A : memref<!tpu.dma_semaphore, #tpu.memory_space<semaphore_mem>>) src(%arg10 : memref<128x128xf32, #tpu.memory_space<vmem>>) dst(%dma_wait3A_102 : memref<10240x128xf32, #tpu.memory_space<vmem_shared>>)
        tpu.yield
      }) : () -> ()
      %dma_wait3A_58 = arith.constant 512 : i32
      %dma_wait3A_59 = tpu.memref_slice %arg7[%dma_wait3A_58] : memref<1024xi32, #tpu.memory_space<vmem>> -> memref<128xi32, #tpu.memory_space<vmem>>
      %dma_wait3A_60 = arith.constant 0 : i32
      %dma_wait3A_61 = arith.constant 0 : i32
      %dma_wait3A_62 = tpu.memref_slice %arg2[%dma_wait3A_60, %dma_wait3A_61] : memref<10000x128xf32, #tpu.memory_space<hbm>> -> memref<10000x128xf32, #tpu.memory_space<hbm>>
      tpu.wait_indirect_dma semaphore(%arg12 : memref<!tpu.dma_semaphore, #tpu.memory_space<semaphore_mem>>) src(%dma_wait3A_62 : memref<10000x128xf32, #tpu.memory_space<hbm>>) dst(%arg9 : memref<128x128xf32, #tpu.memory_space<vmem>>)
      %dma_start3A_63 = arith.constant 640 : i32
      %dma_start3A_64 = tpu.memref_slice %arg7[%dma_start3A_63] : memref<1024xi32, #tpu.memory_space<vmem>> -> memref<128xi32, #tpu.memory_space<vmem>>
      %dma_start3A_65 = arith.constant 0 : i32
      %dma_start3A_66 = arith.constant 0 : i32
      %dma_start3A_67 = tpu.memref_slice %arg2[%dma_start3A_65, %dma_start3A_66] : memref<10000x128xf32, #tpu.memory_space<hbm>> -> memref<10000x128xf32, #tpu.memory_space<hbm>>
      tpu.enqueue_indirect_dma source(%dma_start3A_67 : memref<10000x128xf32, #tpu.memory_space<hbm>>) target(%arg10 : memref<128x128xf32, #tpu.memory_space<vmem>>) offsets(%dma_start3A_64 : memref<128xi32, #tpu.memory_space<vmem>>) semaphore(%arg13 : memref<!tpu.dma_semaphore, #tpu.memory_space<semaphore_mem>>)
      "tpu.region"() ({
        %run_scoped3A = tpu.sem_alloc : memref<!tpu.dma_semaphore, #tpu.memory_space<semaphore_mem>>
        %dma_start3A_93 = arith.constant 512 : i32
        %dma_start3A_94 = tpu.memref_slice %arg8[%dma_start3A_93] : memref<1024xi32, #tpu.memory_space<vmem>> -> memref<128xi32, #tpu.memory_space<vmem>>
        %dma_start3A_95 = arith.constant 0 : i32
        %dma_start3A_96 = arith.constant 0 : i32
        %dma_start3A_97 = tpu.memref_slice %arg11[%dma_start3A_95, %dma_start3A_96] : memref<10240x128xf32, #tpu.memory_space<vmem_shared>> -> memref<10240x128xf32, #tpu.memory_space<vmem_shared>>
        tpu.enqueue_indirect_dma source(%arg9 : memref<128x128xf32, #tpu.memory_space<vmem>>) target(%dma_start3A_97 : memref<10240x128xf32, #tpu.memory_space<vmem_shared>>) offsets(%dma_start3A_94 : memref<128xi32, #tpu.memory_space<vmem>>) semaphore(%run_scoped3A : memref<!tpu.dma_semaphore, #tpu.memory_space<semaphore_mem>>) {add = true}
        %dma_wait3A_98 = arith.constant 512 : i32
        %dma_wait3A_99 = tpu.memref_slice %arg8[%dma_wait3A_98] : memref<1024xi32, #tpu.memory_space<vmem>> -> memref<128xi32, #tpu.memory_space<vmem>>
        %dma_wait3A_100 = arith.constant 0 : i32
        %dma_wait3A_101 = arith.constant 0 : i32
        %dma_wait3A_102 = tpu.memref_slice %arg11[%dma_wait3A_100, %dma_wait3A_101] : memref<10240x128xf32, #tpu.memory_space<vmem_shared>> -> memref<10240x128xf32, #tpu.memory_space<vmem_shared>>
        tpu.wait_indirect_dma semaphore(%run_scoped3A : memref<!tpu.dma_semaphore, #tpu.memory_space<semaphore_mem>>) src(%arg9 : memref<128x128xf32, #tpu.memory_space<vmem>>) dst(%dma_wait3A_102 : memref<10240x128xf32, #tpu.memory_space<vmem_shared>>)
        tpu.yield
      }) : () -> ()
      %dma_wait3A_68 = arith.constant 640 : i32
      %dma_wait3A_69 = tpu.memref_slice %arg7[%dma_wait3A_68] : memref<1024xi32, #tpu.memory_space<vmem>> -> memref<128xi32, #tpu.memory_space<vmem>>
      %dma_wait3A_70 = arith.constant 0 : i32
      %dma_wait3A_71 = arith.constant 0 : i32
      %dma_wait3A_72 = tpu.memref_slice %arg2[%dma_wait3A_70, %dma_wait3A_71] : memref<10000x128xf32, #tpu.memory_space<hbm>> -> memref<10000x128xf32, #tpu.memory_space<hbm>>
      tpu.wait_indirect_dma semaphore(%arg13 : memref<!tpu.dma_semaphore, #tpu.memory_space<semaphore_mem>>) src(%dma_wait3A_72 : memref<10000x128xf32, #tpu.memory_space<hbm>>) dst(%arg10 : memref<128x128xf32, #tpu.memory_space<vmem>>)
      %dma_start3A_73 = arith.constant 768 : i32
      %dma_start3A_74 = tpu.memref_slice %arg7[%dma_start3A_73] : memref<1024xi32, #tpu.memory_space<vmem>> -> memref<128xi32, #tpu.memory_space<vmem>>
      %dma_start3A_75 = arith.constant 0 : i32
      %dma_start3A_76 = arith.constant 0 : i32
      %dma_start3A_77 = tpu.memref_slice %arg2[%dma_start3A_75, %dma_start3A_76] : memref<10000x128xf32, #tpu.memory_space<hbm>> -> memref<10000x128xf32, #tpu.memory_space<hbm>>
      tpu.enqueue_indirect_dma source(%dma_start3A_77 : memref<10000x128xf32, #tpu.memory_space<hbm>>) target(%arg9 : memref<128x128xf32, #tpu.memory_space<vmem>>) offsets(%dma_start3A_74 : memref<128xi32, #tpu.memory_space<vmem>>) semaphore(%arg12 : memref<!tpu.dma_semaphore, #tpu.memory_space<semaphore_mem>>)
      "tpu.region"() ({
        %run_scoped3A = tpu.sem_alloc : memref<!tpu.dma_semaphore, #tpu.memory_space<semaphore_mem>>
        %dma_start3A_93 = arith.constant 640 : i32
        %dma_start3A_94 = tpu.memref_slice %arg8[%dma_start3A_93] : memref<1024xi32, #tpu.memory_space<vmem>> -> memref<128xi32, #tpu.memory_space<vmem>>
        %dma_start3A_95 = arith.constant 0 : i32
        %dma_start3A_96 = arith.constant 0 : i32
        %dma_start3A_97 = tpu.memref_slice %arg11[%dma_start3A_95, %dma_start3A_96] : memref<10240x128xf32, #tpu.memory_space<vmem_shared>> -> memref<10240x128xf32, #tpu.memory_space<vmem_shared>>
        tpu.enqueue_indirect_dma source(%arg10 : memref<128x128xf32, #tpu.memory_space<vmem>>) target(%dma_start3A_97 : memref<10240x128xf32, #tpu.memory_space<vmem_shared>>) offsets(%dma_start3A_94 : memref<128xi32, #tpu.memory_space<vmem>>) semaphore(%run_scoped3A : memref<!tpu.dma_semaphore, #tpu.memory_space<semaphore_mem>>) {add = true}
        %dma_wait3A_98 = arith.constant 640 : i32
        %dma_wait3A_99 = tpu.memref_slice %arg8[%dma_wait3A_98] : memref<1024xi32, #tpu.memory_space<vmem>> -> memref<128xi32, #tpu.memory_space<vmem>>
        %dma_wait3A_100 = arith.constant 0 : i32
        %dma_wait3A_101 = arith.constant 0 : i32
        %dma_wait3A_102 = tpu.memref_slice %arg11[%dma_wait3A_100, %dma_wait3A_101] : memref<10240x128xf32, #tpu.memory_space<vmem_shared>> -> memref<10240x128xf32, #tpu.memory_space<vmem_shared>>
        tpu.wait_indirect_dma semaphore(%run_scoped3A : memref<!tpu.dma_semaphore, #tpu.memory_space<semaphore_mem>>) src(%arg10 : memref<128x128xf32, #tpu.memory_space<vmem>>) dst(%dma_wait3A_102 : memref<10240x128xf32, #tpu.memory_space<vmem_shared>>)
        tpu.yield
      }) : () -> ()
      %dma_wait3A_78 = arith.constant 768 : i32
      %dma_wait3A_79 = tpu.memref_slice %arg7[%dma_wait3A_78] : memref<1024xi32, #tpu.memory_space<vmem>> -> memref<128xi32, #tpu.memory_space<vmem>>
      %dma_wait3A_80 = arith.constant 0 : i32
      %dma_wait3A_81 = arith.constant 0 : i32
      %dma_wait3A_82 = tpu.memref_slice %arg2[%dma_wait3A_80, %dma_wait3A_81] : memref<10000x128xf32, #tpu.memory_space<hbm>> -> memref<10000x128xf32, #tpu.memory_space<hbm>>
      tpu.wait_indirect_dma semaphore(%arg12 : memref<!tpu.dma_semaphore, #tpu.memory_space<semaphore_mem>>) src(%dma_wait3A_82 : memref<10000x128xf32, #tpu.memory_space<hbm>>) dst(%arg9 : memref<128x128xf32, #tpu.memory_space<vmem>>)
      %dma_start3A_83 = arith.constant 896 : i32
      %dma_start3A_84 = tpu.memref_slice %arg7[%dma_start3A_83] : memref<1024xi32, #tpu.memory_space<vmem>> -> memref<128xi32, #tpu.memory_space<vmem>>
      %dma_start3A_85 = arith.constant 0 : i32
      %dma_start3A_86 = arith.constant 0 : i32
      %dma_start3A_87 = tpu.memref_slice %arg2[%dma_start3A_85, %dma_start3A_86] : memref<10000x128xf32, #tpu.memory_space<hbm>> -> memref<10000x128xf32, #tpu.memory_space<hbm>>
      tpu.enqueue_indirect_dma source(%dma_start3A_87 : memref<10000x128xf32, #tpu.memory_space<hbm>>) target(%arg10 : memref<128x128xf32, #tpu.memory_space<vmem>>) offsets(%dma_start3A_84 : memref<128xi32, #tpu.memory_space<vmem>>) semaphore(%arg13 : memref<!tpu.dma_semaphore, #tpu.memory_space<semaphore_mem>>)
      "tpu.region"() ({
        %run_scoped3A = tpu.sem_alloc : memref<!tpu.dma_semaphore, #tpu.memory_space<semaphore_mem>>
        %dma_start3A_93 = arith.constant 768 : i32
        %dma_start3A_94 = tpu.memref_slice %arg8[%dma_start3A_93] : memref<1024xi32, #tpu.memory_space<vmem>> -> memref<128xi32, #tpu.memory_space<vmem>>
        %dma_start3A_95 = arith.constant 0 : i32
        %dma_start3A_96 = arith.constant 0 : i32
        %dma_start3A_97 = tpu.memref_slice %arg11[%dma_start3A_95, %dma_start3A_96] : memref<10240x128xf32, #tpu.memory_space<vmem_shared>> -> memref<10240x128xf32, #tpu.memory_space<vmem_shared>>
        tpu.enqueue_indirect_dma source(%arg9 : memref<128x128xf32, #tpu.memory_space<vmem>>) target(%dma_start3A_97 : memref<10240x128xf32, #tpu.memory_space<vmem_shared>>) offsets(%dma_start3A_94 : memref<128xi32, #tpu.memory_space<vmem>>) semaphore(%run_scoped3A : memref<!tpu.dma_semaphore, #tpu.memory_space<semaphore_mem>>) {add = true}
        %dma_wait3A_98 = arith.constant 768 : i32
        %dma_wait3A_99 = tpu.memref_slice %arg8[%dma_wait3A_98] : memref<1024xi32, #tpu.memory_space<vmem>> -> memref<128xi32, #tpu.memory_space<vmem>>
        %dma_wait3A_100 = arith.constant 0 : i32
        %dma_wait3A_101 = arith.constant 0 : i32
        %dma_wait3A_102 = tpu.memref_slice %arg11[%dma_wait3A_100, %dma_wait3A_101] : memref<10240x128xf32, #tpu.memory_space<vmem_shared>> -> memref<10240x128xf32, #tpu.memory_space<vmem_shared>>
        tpu.wait_indirect_dma semaphore(%run_scoped3A : memref<!tpu.dma_semaphore, #tpu.memory_space<semaphore_mem>>) src(%arg9 : memref<128x128xf32, #tpu.memory_space<vmem>>) dst(%dma_wait3A_102 : memref<10240x128xf32, #tpu.memory_space<vmem_shared>>)
        tpu.yield
      }) : () -> ()
      %dma_wait3A_88 = arith.constant 896 : i32
      %dma_wait3A_89 = tpu.memref_slice %arg7[%dma_wait3A_88] : memref<1024xi32, #tpu.memory_space<vmem>> -> memref<128xi32, #tpu.memory_space<vmem>>
      %dma_wait3A_90 = arith.constant 0 : i32
      %dma_wait3A_91 = arith.constant 0 : i32
      %dma_wait3A_92 = tpu.memref_slice %arg2[%dma_wait3A_90, %dma_wait3A_91] : memref<10000x128xf32, #tpu.memory_space<hbm>> -> memref<10000x128xf32, #tpu.memory_space<hbm>>
      tpu.wait_indirect_dma semaphore(%arg13 : memref<!tpu.dma_semaphore, #tpu.memory_space<semaphore_mem>>) src(%dma_wait3A_92 : memref<10000x128xf32, #tpu.memory_space<hbm>>) dst(%arg10 : memref<128x128xf32, #tpu.memory_space<vmem>>)
      "tpu.region"() ({
        %run_scoped3A = tpu.sem_alloc : memref<!tpu.dma_semaphore, #tpu.memory_space<semaphore_mem>>
        %dma_start3A_93 = arith.constant 896 : i32
        %dma_start3A_94 = tpu.memref_slice %arg8[%dma_start3A_93] : memref<1024xi32, #tpu.memory_space<vmem>> -> memref<128xi32, #tpu.memory_space<vmem>>
        %dma_start3A_95 = arith.constant 0 : i32
        %dma_start3A_96 = arith.constant 0 : i32
        %dma_start3A_97 = tpu.memref_slice %arg11[%dma_start3A_95, %dma_start3A_96] : memref<10240x128xf32, #tpu.memory_space<vmem_shared>> -> memref<10240x128xf32, #tpu.memory_space<vmem_shared>>
        tpu.enqueue_indirect_dma source(%arg10 : memref<128x128xf32, #tpu.memory_space<vmem>>) target(%dma_start3A_97 : memref<10240x128xf32, #tpu.memory_space<vmem_shared>>) offsets(%dma_start3A_94 : memref<128xi32, #tpu.memory_space<vmem>>) semaphore(%run_scoped3A : memref<!tpu.dma_semaphore, #tpu.memory_space<semaphore_mem>>) {add = true}
        %dma_wait3A_98 = arith.constant 896 : i32
        %dma_wait3A_99 = tpu.memref_slice %arg8[%dma_wait3A_98] : memref<1024xi32, #tpu.memory_space<vmem>> -> memref<128xi32, #tpu.memory_space<vmem>>
        %dma_wait3A_100 = arith.constant 0 : i32
        %dma_wait3A_101 = arith.constant 0 : i32
        %dma_wait3A_102 = tpu.memref_slice %arg11[%dma_wait3A_100, %dma_wait3A_101] : memref<10240x128xf32, #tpu.memory_space<vmem_shared>> -> memref<10240x128xf32, #tpu.memory_space<vmem_shared>>
        tpu.wait_indirect_dma semaphore(%run_scoped3A : memref<!tpu.dma_semaphore, #tpu.memory_space<semaphore_mem>>) src(%arg10 : memref<128x128xf32, #tpu.memory_space<vmem>>) dst(%dma_wait3A_102 : memref<10240x128xf32, #tpu.memory_space<vmem_shared>>)
        tpu.yield
      }) : () -> ()
    }
    %scan3A_9 = arith.constant 10 : i32
    %barrier3A_10 = arith.constant 0 : index
    tpu.barrier barrier_id(%barrier3A_10)
    "tpu.region"() ({
      %run_scoped3A = tpu.sem_alloc : memref<!tpu.dma_semaphore, #tpu.memory_space<semaphore_mem>>
      %dma_start3A = arith.constant 0 : i32
      %dma_start3A_11 = tpu.memref_slice %arg6[%arg0, %mul3A_2, %dma_start3A] : memref<2x10240x128xf32, #tpu.memory_space<hbm>> -> memref<1x640x128xf32, #tpu.memory_space<hbm>>
      %dma_start3A_12 = tpu.memref_squeeze %dma_start3A_11 : memref<1x640x128xf32, #tpu.memory_space<hbm>> -> memref<640x128xf32, #tpu.memory_space<hbm>>
      %dma_start3A_13 = arith.constant 0 : i32
      %dma_start3A_14 = tpu.memref_slice %arg11[%mul3A_2, %dma_start3A_13] : memref<10240x128xf32, #tpu.memory_space<vmem_shared>> -> memref<640x128xf32, #tpu.memory_space<vmem_shared>>
      tpu.enqueue_dma source(%dma_start3A_14 : memref<640x128xf32, #tpu.memory_space<vmem_shared>>) target(%dma_start3A_12 : memref<640x128xf32, #tpu.memory_space<hbm>>) target_semaphore(%run_scoped3A : memref<!tpu.dma_semaphore, #tpu.memory_space<semaphore_mem>>)
      %dma_wait3A = arith.constant 0 : i32
      %dma_wait3A_15 = tpu.memref_slice %arg6[%arg0, %mul3A_2, %dma_wait3A] : memref<2x10240x128xf32, #tpu.memory_space<hbm>> -> memref<1x640x128xf32, #tpu.memory_space<hbm>>
      %dma_wait3A_16 = tpu.memref_squeeze %dma_wait3A_15 : memref<1x640x128xf32, #tpu.memory_space<hbm>> -> memref<640x128xf32, #tpu.memory_space<hbm>>
      %dma_wait3A_17 = arith.constant 0 : i32
      %dma_wait3A_18 = tpu.memref_slice %arg11[%mul3A_2, %dma_wait3A_17] : memref<10240x128xf32, #tpu.memory_space<vmem_shared>> -> memref<640x128xf32, #tpu.memory_space<vmem_shared>>
      tpu.wait_dma2 semaphore(%run_scoped3A : memref<!tpu.dma_semaphore, #tpu.memory_space<semaphore_mem>>) src(%dma_wait3A_18 : memref<640x128xf32, #tpu.memory_space<vmem_shared>>) dst(%dma_wait3A_16 : memref<640x128xf32, #tpu.memory_space<hbm>>)
      tpu.yield
    }) : () -> ()
    return
  }
}

#map = affine_map<(d0, d1) -> (0, 0)>
#map1 = affine_map<(d0, d1) -> (0)>
#map2 = affine_map<(d0, d1) -> (0, 0, 0)>
module attributes {stable_mosaic.version = 14 : i64} {
  func.func @_seg_sum_sc_body(%arg0: i32, %arg1: i32, %arg2: memref<10000x128xf32, #tpu.memory_space<hbm>>, %arg3: memref<327680xi32, #tpu.memory_space<hbm>>, %arg4: memref<327680xi32, #tpu.memory_space<hbm>>, %arg5: memref<640x128xf32, #tpu.memory_space<hbm>>, %arg6: memref<2x10240x128xf32, #tpu.memory_space<hbm>>, %arg7: memref<1024xi32, #tpu.memory_space<vmem>>, %arg8: memref<1024xi32, #tpu.memory_space<vmem>>, %arg9: memref<128x128xf32, #tpu.memory_space<vmem>>, %arg10: memref<128x128xf32, #tpu.memory_space<vmem>>, %arg11: memref<10240x128xf32, #tpu.memory_space<vmem_shared>>, %arg12: memref<!tpu.dma_semaphore, #tpu.memory_space<semaphore_mem>>, %arg13: memref<!tpu.dma_semaphore, #tpu.memory_space<semaphore_mem>>) attributes {dimension_semantics = [#tpu.dimension_semantics<core_parallel>, #tpu.dimension_semantics<subcore_parallel>], iteration_bounds = array<i64: 2, 16>, scalar_prefetch = 0 : i64, scratch_operands = 7 : i64, tpu.core_type = #tpu.core_type<sc_vector_subcore>, window_params = [{transform_indices = #map}, {transform_indices = #map1}, {transform_indices = #map1}, {transform_indices = #map}, {transform_indices = #map2}]} {
    %mul3A = arith.constant 2 : i32
    %mul3A_0 = arith.muli %arg1, %mul3A : i32
    %add3A = arith.addi %mul3A_0, %arg0 : i32
    %mul3A_1 = arith.constant 640 : i32
    %mul3A_2 = arith.muli %arg1, %mul3A_1 : i32
    "tpu.region"() ({
      %run_scoped3A = tpu.sem_alloc : memref<!tpu.dma_semaphore, #tpu.memory_space<semaphore_mem>>
      %dma_start3A = arith.constant 0 : i32
      %dma_start3A_11 = tpu.memref_slice %arg11[%mul3A_2, %dma_start3A] : memref<10240x128xf32, #tpu.memory_space<vmem_shared>> -> memref<640x128xf32, #tpu.memory_space<vmem_shared>>
      tpu.enqueue_dma source(%arg5 : memref<640x128xf32, #tpu.memory_space<hbm>>) target(%dma_start3A_11 : memref<640x128xf32, #tpu.memory_space<vmem_shared>>) target_semaphore(%run_scoped3A : memref<!tpu.dma_semaphore, #tpu.memory_space<semaphore_mem>>)
      %dma_wait3A = arith.constant 0 : i32
      %dma_wait3A_12 = tpu.memref_slice %arg11[%mul3A_2, %dma_wait3A] : memref<10240x128xf32, #tpu.memory_space<vmem_shared>> -> memref<640x128xf32, #tpu.memory_space<vmem_shared>>
      tpu.wait_dma2 semaphore(%run_scoped3A : memref<!tpu.dma_semaphore, #tpu.memory_space<semaphore_mem>>) src(%arg5 : memref<640x128xf32, #tpu.memory_space<hbm>>) dst(%dma_wait3A_12 : memref<640x128xf32, #tpu.memory_space<vmem_shared>>)
      tpu.yield
    }) : () -> ()
    %barrier3A = arith.constant 0 : index
    tpu.barrier barrier_id(%barrier3A)
    %mul3A_3 = arith.constant 10240 : i32
    %mul3A_4 = arith.muli %add3A, %mul3A_3 : i32
    %scan3A = arith.constant 0 : i32
    %scan3A_5 = arith.constant 0 : i32
    %scan3A_6 = arith.constant 10 : i32
    %scan3A_7 = arith.addi %scan3A_5, %scan3A_6 : i32
    %scan3A_8 = arith.constant 1 : i32
    scf.for %scan3A_11 = %scan3A_5 to %scan3A_7 step %scan3A_8  : i32 {
      %mul3A_12 = arith.constant 1024 : i32
      %mul3A_13 = arith.muli %scan3A_11, %mul3A_12 : i32
      %add3A_14 = arith.addi %mul3A_4, %mul3A_13 : i32
      "tpu.region"() ({
        %run_scoped3A = tpu.sem_alloc : memref<!tpu.dma_semaphore, #tpu.memory_space<semaphore_mem>>
        %dma_start3A_93 = tpu.memref_slice %arg3[%add3A_14] : memref<327680xi32, #tpu.memory_space<hbm>> -> memref<1024xi32, #tpu.memory_space<hbm>>
        %dma_start3A_94 = tpu.memref_slice %arg3[%add3A_14] : memref<327680xi32, #tpu.memory_space<hbm>> -> memref<1024xi32, #tpu.memory_space<hbm>>
        tpu.enqueue_dma source(%dma_start3A_94 : memref<1024xi32, #tpu.memory_space<hbm>>) target(%arg7 : memref<1024xi32, #tpu.memory_space<vmem>>) target_semaphore(%run_scoped3A : memref<!tpu.dma_semaphore, #tpu.memory_space<semaphore_mem>>)
        %dma_wait3A_95 = tpu.memref_slice %arg3[%add3A_14] : memref<327680xi32, #tpu.memory_space<hbm>> -> memref<1024xi32, #tpu.memory_space<hbm>>
        %dma_wait3A_96 = tpu.memref_slice %arg3[%add3A_14] : memref<327680xi32, #tpu.memory_space<hbm>> -> memref<1024xi32, #tpu.memory_space<hbm>>
        tpu.wait_dma2 semaphore(%run_scoped3A : memref<!tpu.dma_semaphore, #tpu.memory_space<semaphore_mem>>) src(%dma_wait3A_96 : memref<1024xi32, #tpu.memory_space<hbm>>) dst(%arg7 : memref<1024xi32, #tpu.memory_space<vmem>>)
        tpu.yield
      }) : () -> ()
      "tpu.region"() ({
        %run_scoped3A = tpu.sem_alloc : memref<!tpu.dma_semaphore, #tpu.memory_space<semaphore_mem>>
        %dma_start3A_93 = tpu.memref_slice %arg4[%add3A_14] : memref<327680xi32, #tpu.memory_space<hbm>> -> memref<1024xi32, #tpu.memory_space<hbm>>
        %dma_start3A_94 = tpu.memref_slice %arg4[%add3A_14] : memref<327680xi32, #tpu.memory_space<hbm>> -> memref<1024xi32, #tpu.memory_space<hbm>>
        tpu.enqueue_dma source(%dma_start3A_94 : memref<1024xi32, #tpu.memory_space<hbm>>) target(%arg8 : memref<1024xi32, #tpu.memory_space<vmem>>) target_semaphore(%run_scoped3A : memref<!tpu.dma_semaphore, #tpu.memory_space<semaphore_mem>>)
        %dma_wait3A_95 = tpu.memref_slice %arg4[%add3A_14] : memref<327680xi32, #tpu.memory_space<hbm>> -> memref<1024xi32, #tpu.memory_space<hbm>>
        %dma_wait3A_96 = tpu.memref_slice %arg4[%add3A_14] : memref<327680xi32, #tpu.memory_space<hbm>> -> memref<1024xi32, #tpu.memory_space<hbm>>
        tpu.wait_dma2 semaphore(%run_scoped3A : memref<!tpu.dma_semaphore, #tpu.memory_space<semaphore_mem>>) src(%dma_wait3A_96 : memref<1024xi32, #tpu.memory_space<hbm>>) dst(%arg8 : memref<1024xi32, #tpu.memory_space<vmem>>)
        tpu.yield
      }) : () -> ()
      %dma_start3A = arith.constant 0 : i32
      %dma_start3A_15 = tpu.memref_slice %arg7[%dma_start3A] : memref<1024xi32, #tpu.memory_space<vmem>> -> memref<128xi32, #tpu.memory_space<vmem>>
      %dma_start3A_16 = arith.constant 0 : i32
      %dma_start3A_17 = arith.constant 0 : i32
      %dma_start3A_18 = tpu.memref_slice %arg2[%dma_start3A_16, %dma_start3A_17] : memref<10000x128xf32, #tpu.memory_space<hbm>> -> memref<10000x128xf32, #tpu.memory_space<hbm>>
      tpu.enqueue_indirect_dma source(%dma_start3A_18 : memref<10000x128xf32, #tpu.memory_space<hbm>>) target(%arg9 : memref<128x128xf32, #tpu.memory_space<vmem>>) offsets(%dma_start3A_15 : memref<128xi32, #tpu.memory_space<vmem>>) semaphore(%arg12 : memref<!tpu.dma_semaphore, #tpu.memory_space<semaphore_mem>>)
      %dma_wait3A = arith.constant 0 : i32
      %dma_wait3A_19 = tpu.memref_slice %arg7[%dma_wait3A] : memref<1024xi32, #tpu.memory_space<vmem>> -> memref<128xi32, #tpu.memory_space<vmem>>
      %dma_wait3A_20 = arith.constant 0 : i32
      %dma_wait3A_21 = arith.constant 0 : i32
      %dma_wait3A_22 = tpu.memref_slice %arg2[%dma_wait3A_20, %dma_wait3A_21] : memref<10000x128xf32, #tpu.memory_space<hbm>> -> memref<10000x128xf32, #tpu.memory_space<hbm>>
      tpu.wait_indirect_dma semaphore(%arg12 : memref<!tpu.dma_semaphore, #tpu.memory_space<semaphore_mem>>) src(%dma_wait3A_22 : memref<10000x128xf32, #tpu.memory_space<hbm>>) dst(%arg9 : memref<128x128xf32, #tpu.memory_space<vmem>>)
      %dma_start3A_23 = arith.constant 128 : i32
      %dma_start3A_24 = tpu.memref_slice %arg7[%dma_start3A_23] : memref<1024xi32, #tpu.memory_space<vmem>> -> memref<128xi32, #tpu.memory_space<vmem>>
      %dma_start3A_25 = arith.constant 0 : i32
      %dma_start3A_26 = arith.constant 0 : i32
      %dma_start3A_27 = tpu.memref_slice %arg2[%dma_start3A_25, %dma_start3A_26] : memref<10000x128xf32, #tpu.memory_space<hbm>> -> memref<10000x128xf32, #tpu.memory_space<hbm>>
      tpu.enqueue_indirect_dma source(%dma_start3A_27 : memref<10000x128xf32, #tpu.memory_space<hbm>>) target(%arg10 : memref<128x128xf32, #tpu.memory_space<vmem>>) offsets(%dma_start3A_24 : memref<128xi32, #tpu.memory_space<vmem>>) semaphore(%arg13 : memref<!tpu.dma_semaphore, #tpu.memory_space<semaphore_mem>>)
      "tpu.region"() ({
        %run_scoped3A = tpu.sem_alloc : memref<!tpu.dma_semaphore, #tpu.memory_space<semaphore_mem>>
        %dma_start3A_93 = arith.constant 0 : i32
        %dma_start3A_94 = tpu.memref_slice %arg8[%dma_start3A_93] : memref<1024xi32, #tpu.memory_space<vmem>> -> memref<128xi32, #tpu.memory_space<vmem>>
        %dma_start3A_95 = arith.constant 0 : i32
        %dma_start3A_96 = arith.constant 0 : i32
        %dma_start3A_97 = tpu.memref_slice %arg11[%dma_start3A_95, %dma_start3A_96] : memref<10240x128xf32, #tpu.memory_space<vmem_shared>> -> memref<10240x128xf32, #tpu.memory_space<vmem_shared>>
        tpu.enqueue_indirect_dma source(%arg9 : memref<128x128xf32, #tpu.memory_space<vmem>>) target(%dma_start3A_97 : memref<10240x128xf32, #tpu.memory_space<vmem_shared>>) offsets(%dma_start3A_94 : memref<128xi32, #tpu.memory_space<vmem>>) semaphore(%run_scoped3A : memref<!tpu.dma_semaphore, #tpu.memory_space<semaphore_mem>>) {add = true}
        %dma_wait3A_98 = arith.constant 0 : i32
        %dma_wait3A_99 = tpu.memref_slice %arg8[%dma_wait3A_98] : memref<1024xi32, #tpu.memory_space<vmem>> -> memref<128xi32, #tpu.memory_space<vmem>>
        %dma_wait3A_100 = arith.constant 0 : i32
        %dma_wait3A_101 = arith.constant 0 : i32
        %dma_wait3A_102 = tpu.memref_slice %arg11[%dma_wait3A_100, %dma_wait3A_101] : memref<10240x128xf32, #tpu.memory_space<vmem_shared>> -> memref<10240x128xf32, #tpu.memory_space<vmem_shared>>
        tpu.wait_indirect_dma semaphore(%run_scoped3A : memref<!tpu.dma_semaphore, #tpu.memory_space<semaphore_mem>>) src(%arg9 : memref<128x128xf32, #tpu.memory_space<vmem>>) dst(%dma_wait3A_102 : memref<10240x128xf32, #tpu.memory_space<vmem_shared>>)
        tpu.yield
      }) : () -> ()
      %dma_wait3A_28 = arith.constant 128 : i32
      %dma_wait3A_29 = tpu.memref_slice %arg7[%dma_wait3A_28] : memref<1024xi32, #tpu.memory_space<vmem>> -> memref<128xi32, #tpu.memory_space<vmem>>
      %dma_wait3A_30 = arith.constant 0 : i32
      %dma_wait3A_31 = arith.constant 0 : i32
      %dma_wait3A_32 = tpu.memref_slice %arg2[%dma_wait3A_30, %dma_wait3A_31] : memref<10000x128xf32, #tpu.memory_space<hbm>> -> memref<10000x128xf32, #tpu.memory_space<hbm>>
      tpu.wait_indirect_dma semaphore(%arg13 : memref<!tpu.dma_semaphore, #tpu.memory_space<semaphore_mem>>) src(%dma_wait3A_32 : memref<10000x128xf32, #tpu.memory_space<hbm>>) dst(%arg10 : memref<128x128xf32, #tpu.memory_space<vmem>>)
      %dma_start3A_33 = arith.constant 256 : i32
      %dma_start3A_34 = tpu.memref_slice %arg7[%dma_start3A_33] : memref<1024xi32, #tpu.memory_space<vmem>> -> memref<128xi32, #tpu.memory_space<vmem>>
      %dma_start3A_35 = arith.constant 0 : i32
      %dma_start3A_36 = arith.constant 0 : i32
      %dma_start3A_37 = tpu.memref_slice %arg2[%dma_start3A_35, %dma_start3A_36] : memref<10000x128xf32, #tpu.memory_space<hbm>> -> memref<10000x128xf32, #tpu.memory_space<hbm>>
      tpu.enqueue_indirect_dma source(%dma_start3A_37 : memref<10000x128xf32, #tpu.memory_space<hbm>>) target(%arg9 : memref<128x128xf32, #tpu.memory_space<vmem>>) offsets(%dma_start3A_34 : memref<128xi32, #tpu.memory_space<vmem>>) semaphore(%arg12 : memref<!tpu.dma_semaphore, #tpu.memory_space<semaphore_mem>>)
      "tpu.region"() ({
        %run_scoped3A = tpu.sem_alloc : memref<!tpu.dma_semaphore, #tpu.memory_space<semaphore_mem>>
        %dma_start3A_93 = arith.constant 128 : i32
        %dma_start3A_94 = tpu.memref_slice %arg8[%dma_start3A_93] : memref<1024xi32, #tpu.memory_space<vmem>> -> memref<128xi32, #tpu.memory_space<vmem>>
        %dma_start3A_95 = arith.constant 0 : i32
        %dma_start3A_96 = arith.constant 0 : i32
        %dma_start3A_97 = tpu.memref_slice %arg11[%dma_start3A_95, %dma_start3A_96] : memref<10240x128xf32, #tpu.memory_space<vmem_shared>> -> memref<10240x128xf32, #tpu.memory_space<vmem_shared>>
        tpu.enqueue_indirect_dma source(%arg10 : memref<128x128xf32, #tpu.memory_space<vmem>>) target(%dma_start3A_97 : memref<10240x128xf32, #tpu.memory_space<vmem_shared>>) offsets(%dma_start3A_94 : memref<128xi32, #tpu.memory_space<vmem>>) semaphore(%run_scoped3A : memref<!tpu.dma_semaphore, #tpu.memory_space<semaphore_mem>>) {add = true}
        %dma_wait3A_98 = arith.constant 128 : i32
        %dma_wait3A_99 = tpu.memref_slice %arg8[%dma_wait3A_98] : memref<1024xi32, #tpu.memory_space<vmem>> -> memref<128xi32, #tpu.memory_space<vmem>>
        %dma_wait3A_100 = arith.constant 0 : i32
        %dma_wait3A_101 = arith.constant 0 : i32
        %dma_wait3A_102 = tpu.memref_slice %arg11[%dma_wait3A_100, %dma_wait3A_101] : memref<10240x128xf32, #tpu.memory_space<vmem_shared>> -> memref<10240x128xf32, #tpu.memory_space<vmem_shared>>
        tpu.wait_indirect_dma semaphore(%run_scoped3A : memref<!tpu.dma_semaphore, #tpu.memory_space<semaphore_mem>>) src(%arg10 : memref<128x128xf32, #tpu.memory_space<vmem>>) dst(%dma_wait3A_102 : memref<10240x128xf32, #tpu.memory_space<vmem_shared>>)
        tpu.yield
      }) : () -> ()
      %dma_wait3A_38 = arith.constant 256 : i32
      %dma_wait3A_39 = tpu.memref_slice %arg7[%dma_wait3A_38] : memref<1024xi32, #tpu.memory_space<vmem>> -> memref<128xi32, #tpu.memory_space<vmem>>
      %dma_wait3A_40 = arith.constant 0 : i32
      %dma_wait3A_41 = arith.constant 0 : i32
      %dma_wait3A_42 = tpu.memref_slice %arg2[%dma_wait3A_40, %dma_wait3A_41] : memref<10000x128xf32, #tpu.memory_space<hbm>> -> memref<10000x128xf32, #tpu.memory_space<hbm>>
      tpu.wait_indirect_dma semaphore(%arg12 : memref<!tpu.dma_semaphore, #tpu.memory_space<semaphore_mem>>) src(%dma_wait3A_42 : memref<10000x128xf32, #tpu.memory_space<hbm>>) dst(%arg9 : memref<128x128xf32, #tpu.memory_space<vmem>>)
      %dma_start3A_43 = arith.constant 384 : i32
      %dma_start3A_44 = tpu.memref_slice %arg7[%dma_start3A_43] : memref<1024xi32, #tpu.memory_space<vmem>> -> memref<128xi32, #tpu.memory_space<vmem>>
      %dma_start3A_45 = arith.constant 0 : i32
      %dma_start3A_46 = arith.constant 0 : i32
      %dma_start3A_47 = tpu.memref_slice %arg2[%dma_start3A_45, %dma_start3A_46] : memref<10000x128xf32, #tpu.memory_space<hbm>> -> memref<10000x128xf32, #tpu.memory_space<hbm>>
      tpu.enqueue_indirect_dma source(%dma_start3A_47 : memref<10000x128xf32, #tpu.memory_space<hbm>>) target(%arg10 : memref<128x128xf32, #tpu.memory_space<vmem>>) offsets(%dma_start3A_44 : memref<128xi32, #tpu.memory_space<vmem>>) semaphore(%arg13 : memref<!tpu.dma_semaphore, #tpu.memory_space<semaphore_mem>>)
      "tpu.region"() ({
        %run_scoped3A = tpu.sem_alloc : memref<!tpu.dma_semaphore, #tpu.memory_space<semaphore_mem>>
        %dma_start3A_93 = arith.constant 256 : i32
        %dma_start3A_94 = tpu.memref_slice %arg8[%dma_start3A_93] : memref<1024xi32, #tpu.memory_space<vmem>> -> memref<128xi32, #tpu.memory_space<vmem>>
        %dma_start3A_95 = arith.constant 0 : i32
        %dma_start3A_96 = arith.constant 0 : i32
        %dma_start3A_97 = tpu.memref_slice %arg11[%dma_start3A_95, %dma_start3A_96] : memref<10240x128xf32, #tpu.memory_space<vmem_shared>> -> memref<10240x128xf32, #tpu.memory_space<vmem_shared>>
        tpu.enqueue_indirect_dma source(%arg9 : memref<128x128xf32, #tpu.memory_space<vmem>>) target(%dma_start3A_97 : memref<10240x128xf32, #tpu.memory_space<vmem_shared>>) offsets(%dma_start3A_94 : memref<128xi32, #tpu.memory_space<vmem>>) semaphore(%run_scoped3A : memref<!tpu.dma_semaphore, #tpu.memory_space<semaphore_mem>>) {add = true}
        %dma_wait3A_98 = arith.constant 256 : i32
        %dma_wait3A_99 = tpu.memref_slice %arg8[%dma_wait3A_98] : memref<1024xi32, #tpu.memory_space<vmem>> -> memref<128xi32, #tpu.memory_space<vmem>>
        %dma_wait3A_100 = arith.constant 0 : i32
        %dma_wait3A_101 = arith.constant 0 : i32
        %dma_wait3A_102 = tpu.memref_slice %arg11[%dma_wait3A_100, %dma_wait3A_101] : memref<10240x128xf32, #tpu.memory_space<vmem_shared>> -> memref<10240x128xf32, #tpu.memory_space<vmem_shared>>
        tpu.wait_indirect_dma semaphore(%run_scoped3A : memref<!tpu.dma_semaphore, #tpu.memory_space<semaphore_mem>>) src(%arg9 : memref<128x128xf32, #tpu.memory_space<vmem>>) dst(%dma_wait3A_102 : memref<10240x128xf32, #tpu.memory_space<vmem_shared>>)
        tpu.yield
      }) : () -> ()
      %dma_wait3A_48 = arith.constant 384 : i32
      %dma_wait3A_49 = tpu.memref_slice %arg7[%dma_wait3A_48] : memref<1024xi32, #tpu.memory_space<vmem>> -> memref<128xi32, #tpu.memory_space<vmem>>
      %dma_wait3A_50 = arith.constant 0 : i32
      %dma_wait3A_51 = arith.constant 0 : i32
      %dma_wait3A_52 = tpu.memref_slice %arg2[%dma_wait3A_50, %dma_wait3A_51] : memref<10000x128xf32, #tpu.memory_space<hbm>> -> memref<10000x128xf32, #tpu.memory_space<hbm>>
      tpu.wait_indirect_dma semaphore(%arg13 : memref<!tpu.dma_semaphore, #tpu.memory_space<semaphore_mem>>) src(%dma_wait3A_52 : memref<10000x128xf32, #tpu.memory_space<hbm>>) dst(%arg10 : memref<128x128xf32, #tpu.memory_space<vmem>>)
      %dma_start3A_53 = arith.constant 512 : i32
      %dma_start3A_54 = tpu.memref_slice %arg7[%dma_start3A_53] : memref<1024xi32, #tpu.memory_space<vmem>> -> memref<128xi32, #tpu.memory_space<vmem>>
      %dma_start3A_55 = arith.constant 0 : i32
      %dma_start3A_56 = arith.constant 0 : i32
      %dma_start3A_57 = tpu.memref_slice %arg2[%dma_start3A_55, %dma_start3A_56] : memref<10000x128xf32, #tpu.memory_space<hbm>> -> memref<10000x128xf32, #tpu.memory_space<hbm>>
      tpu.enqueue_indirect_dma source(%dma_start3A_57 : memref<10000x128xf32, #tpu.memory_space<hbm>>) target(%arg9 : memref<128x128xf32, #tpu.memory_space<vmem>>) offsets(%dma_start3A_54 : memref<128xi32, #tpu.memory_space<vmem>>) semaphore(%arg12 : memref<!tpu.dma_semaphore, #tpu.memory_space<semaphore_mem>>)
      "tpu.region"() ({
        %run_scoped3A = tpu.sem_alloc : memref<!tpu.dma_semaphore, #tpu.memory_space<semaphore_mem>>
        %dma_start3A_93 = arith.constant 384 : i32
        %dma_start3A_94 = tpu.memref_slice %arg8[%dma_start3A_93] : memref<1024xi32, #tpu.memory_space<vmem>> -> memref<128xi32, #tpu.memory_space<vmem>>
        %dma_start3A_95 = arith.constant 0 : i32
        %dma_start3A_96 = arith.constant 0 : i32
        %dma_start3A_97 = tpu.memref_slice %arg11[%dma_start3A_95, %dma_start3A_96] : memref<10240x128xf32, #tpu.memory_space<vmem_shared>> -> memref<10240x128xf32, #tpu.memory_space<vmem_shared>>
        tpu.enqueue_indirect_dma source(%arg10 : memref<128x128xf32, #tpu.memory_space<vmem>>) target(%dma_start3A_97 : memref<10240x128xf32, #tpu.memory_space<vmem_shared>>) offsets(%dma_start3A_94 : memref<128xi32, #tpu.memory_space<vmem>>) semaphore(%run_scoped3A : memref<!tpu.dma_semaphore, #tpu.memory_space<semaphore_mem>>) {add = true}
        %dma_wait3A_98 = arith.constant 384 : i32
        %dma_wait3A_99 = tpu.memref_slice %arg8[%dma_wait3A_98] : memref<1024xi32, #tpu.memory_space<vmem>> -> memref<128xi32, #tpu.memory_space<vmem>>
        %dma_wait3A_100 = arith.constant 0 : i32
        %dma_wait3A_101 = arith.constant 0 : i32
        %dma_wait3A_102 = tpu.memref_slice %arg11[%dma_wait3A_100, %dma_wait3A_101] : memref<10240x128xf32, #tpu.memory_space<vmem_shared>> -> memref<10240x128xf32, #tpu.memory_space<vmem_shared>>
        tpu.wait_indirect_dma semaphore(%run_scoped3A : memref<!tpu.dma_semaphore, #tpu.memory_space<semaphore_mem>>) src(%arg10 : memref<128x128xf32, #tpu.memory_space<vmem>>) dst(%dma_wait3A_102 : memref<10240x128xf32, #tpu.memory_space<vmem_shared>>)
        tpu.yield
      }) : () -> ()
      %dma_wait3A_58 = arith.constant 512 : i32
      %dma_wait3A_59 = tpu.memref_slice %arg7[%dma_wait3A_58] : memref<1024xi32, #tpu.memory_space<vmem>> -> memref<128xi32, #tpu.memory_space<vmem>>
      %dma_wait3A_60 = arith.constant 0 : i32
      %dma_wait3A_61 = arith.constant 0 : i32
      %dma_wait3A_62 = tpu.memref_slice %arg2[%dma_wait3A_60, %dma_wait3A_61] : memref<10000x128xf32, #tpu.memory_space<hbm>> -> memref<10000x128xf32, #tpu.memory_space<hbm>>
      tpu.wait_indirect_dma semaphore(%arg12 : memref<!tpu.dma_semaphore, #tpu.memory_space<semaphore_mem>>) src(%dma_wait3A_62 : memref<10000x128xf32, #tpu.memory_space<hbm>>) dst(%arg9 : memref<128x128xf32, #tpu.memory_space<vmem>>)
      %dma_start3A_63 = arith.constant 640 : i32
      %dma_start3A_64 = tpu.memref_slice %arg7[%dma_start3A_63] : memref<1024xi32, #tpu.memory_space<vmem>> -> memref<128xi32, #tpu.memory_space<vmem>>
      %dma_start3A_65 = arith.constant 0 : i32
      %dma_start3A_66 = arith.constant 0 : i32
      %dma_start3A_67 = tpu.memref_slice %arg2[%dma_start3A_65, %dma_start3A_66] : memref<10000x128xf32, #tpu.memory_space<hbm>> -> memref<10000x128xf32, #tpu.memory_space<hbm>>
      tpu.enqueue_indirect_dma source(%dma_start3A_67 : memref<10000x128xf32, #tpu.memory_space<hbm>>) target(%arg10 : memref<128x128xf32, #tpu.memory_space<vmem>>) offsets(%dma_start3A_64 : memref<128xi32, #tpu.memory_space<vmem>>) semaphore(%arg13 : memref<!tpu.dma_semaphore, #tpu.memory_space<semaphore_mem>>)
      "tpu.region"() ({
        %run_scoped3A = tpu.sem_alloc : memref<!tpu.dma_semaphore, #tpu.memory_space<semaphore_mem>>
        %dma_start3A_93 = arith.constant 512 : i32
        %dma_start3A_94 = tpu.memref_slice %arg8[%dma_start3A_93] : memref<1024xi32, #tpu.memory_space<vmem>> -> memref<128xi32, #tpu.memory_space<vmem>>
        %dma_start3A_95 = arith.constant 0 : i32
        %dma_start3A_96 = arith.constant 0 : i32
        %dma_start3A_97 = tpu.memref_slice %arg11[%dma_start3A_95, %dma_start3A_96] : memref<10240x128xf32, #tpu.memory_space<vmem_shared>> -> memref<10240x128xf32, #tpu.memory_space<vmem_shared>>
        tpu.enqueue_indirect_dma source(%arg9 : memref<128x128xf32, #tpu.memory_space<vmem>>) target(%dma_start3A_97 : memref<10240x128xf32, #tpu.memory_space<vmem_shared>>) offsets(%dma_start3A_94 : memref<128xi32, #tpu.memory_space<vmem>>) semaphore(%run_scoped3A : memref<!tpu.dma_semaphore, #tpu.memory_space<semaphore_mem>>) {add = true}
        %dma_wait3A_98 = arith.constant 512 : i32
        %dma_wait3A_99 = tpu.memref_slice %arg8[%dma_wait3A_98] : memref<1024xi32, #tpu.memory_space<vmem>> -> memref<128xi32, #tpu.memory_space<vmem>>
        %dma_wait3A_100 = arith.constant 0 : i32
        %dma_wait3A_101 = arith.constant 0 : i32
        %dma_wait3A_102 = tpu.memref_slice %arg11[%dma_wait3A_100, %dma_wait3A_101] : memref<10240x128xf32, #tpu.memory_space<vmem_shared>> -> memref<10240x128xf32, #tpu.memory_space<vmem_shared>>
        tpu.wait_indirect_dma semaphore(%run_scoped3A : memref<!tpu.dma_semaphore, #tpu.memory_space<semaphore_mem>>) src(%arg9 : memref<128x128xf32, #tpu.memory_space<vmem>>) dst(%dma_wait3A_102 : memref<10240x128xf32, #tpu.memory_space<vmem_shared>>)
        tpu.yield
      }) : () -> ()
      %dma_wait3A_68 = arith.constant 640 : i32
      %dma_wait3A_69 = tpu.memref_slice %arg7[%dma_wait3A_68] : memref<1024xi32, #tpu.memory_space<vmem>> -> memref<128xi32, #tpu.memory_space<vmem>>
      %dma_wait3A_70 = arith.constant 0 : i32
      %dma_wait3A_71 = arith.constant 0 : i32
      %dma_wait3A_72 = tpu.memref_slice %arg2[%dma_wait3A_70, %dma_wait3A_71] : memref<10000x128xf32, #tpu.memory_space<hbm>> -> memref<10000x128xf32, #tpu.memory_space<hbm>>
      tpu.wait_indirect_dma semaphore(%arg13 : memref<!tpu.dma_semaphore, #tpu.memory_space<semaphore_mem>>) src(%dma_wait3A_72 : memref<10000x128xf32, #tpu.memory_space<hbm>>) dst(%arg10 : memref<128x128xf32, #tpu.memory_space<vmem>>)
      %dma_start3A_73 = arith.constant 768 : i32
      %dma_start3A_74 = tpu.memref_slice %arg7[%dma_start3A_73] : memref<1024xi32, #tpu.memory_space<vmem>> -> memref<128xi32, #tpu.memory_space<vmem>>
      %dma_start3A_75 = arith.constant 0 : i32
      %dma_start3A_76 = arith.constant 0 : i32
      %dma_start3A_77 = tpu.memref_slice %arg2[%dma_start3A_75, %dma_start3A_76] : memref<10000x128xf32, #tpu.memory_space<hbm>> -> memref<10000x128xf32, #tpu.memory_space<hbm>>
      tpu.enqueue_indirect_dma source(%dma_start3A_77 : memref<10000x128xf32, #tpu.memory_space<hbm>>) target(%arg9 : memref<128x128xf32, #tpu.memory_space<vmem>>) offsets(%dma_start3A_74 : memref<128xi32, #tpu.memory_space<vmem>>) semaphore(%arg12 : memref<!tpu.dma_semaphore, #tpu.memory_space<semaphore_mem>>)
      "tpu.region"() ({
        %run_scoped3A = tpu.sem_alloc : memref<!tpu.dma_semaphore, #tpu.memory_space<semaphore_mem>>
        %dma_start3A_93 = arith.constant 640 : i32
        %dma_start3A_94 = tpu.memref_slice %arg8[%dma_start3A_93] : memref<1024xi32, #tpu.memory_space<vmem>> -> memref<128xi32, #tpu.memory_space<vmem>>
        %dma_start3A_95 = arith.constant 0 : i32
        %dma_start3A_96 = arith.constant 0 : i32
        %dma_start3A_97 = tpu.memref_slice %arg11[%dma_start3A_95, %dma_start3A_96] : memref<10240x128xf32, #tpu.memory_space<vmem_shared>> -> memref<10240x128xf32, #tpu.memory_space<vmem_shared>>
        tpu.enqueue_indirect_dma source(%arg10 : memref<128x128xf32, #tpu.memory_space<vmem>>) target(%dma_start3A_97 : memref<10240x128xf32, #tpu.memory_space<vmem_shared>>) offsets(%dma_start3A_94 : memref<128xi32, #tpu.memory_space<vmem>>) semaphore(%run_scoped3A : memref<!tpu.dma_semaphore, #tpu.memory_space<semaphore_mem>>) {add = true}
        %dma_wait3A_98 = arith.constant 640 : i32
        %dma_wait3A_99 = tpu.memref_slice %arg8[%dma_wait3A_98] : memref<1024xi32, #tpu.memory_space<vmem>> -> memref<128xi32, #tpu.memory_space<vmem>>
        %dma_wait3A_100 = arith.constant 0 : i32
        %dma_wait3A_101 = arith.constant 0 : i32
        %dma_wait3A_102 = tpu.memref_slice %arg11[%dma_wait3A_100, %dma_wait3A_101] : memref<10240x128xf32, #tpu.memory_space<vmem_shared>> -> memref<10240x128xf32, #tpu.memory_space<vmem_shared>>
        tpu.wait_indirect_dma semaphore(%run_scoped3A : memref<!tpu.dma_semaphore, #tpu.memory_space<semaphore_mem>>) src(%arg10 : memref<128x128xf32, #tpu.memory_space<vmem>>) dst(%dma_wait3A_102 : memref<10240x128xf32, #tpu.memory_space<vmem_shared>>)
        tpu.yield
      }) : () -> ()
      %dma_wait3A_78 = arith.constant 768 : i32
      %dma_wait3A_79 = tpu.memref_slice %arg7[%dma_wait3A_78] : memref<1024xi32, #tpu.memory_space<vmem>> -> memref<128xi32, #tpu.memory_space<vmem>>
      %dma_wait3A_80 = arith.constant 0 : i32
      %dma_wait3A_81 = arith.constant 0 : i32
      %dma_wait3A_82 = tpu.memref_slice %arg2[%dma_wait3A_80, %dma_wait3A_81] : memref<10000x128xf32, #tpu.memory_space<hbm>> -> memref<10000x128xf32, #tpu.memory_space<hbm>>
      tpu.wait_indirect_dma semaphore(%arg12 : memref<!tpu.dma_semaphore, #tpu.memory_space<semaphore_mem>>) src(%dma_wait3A_82 : memref<10000x128xf32, #tpu.memory_space<hbm>>) dst(%arg9 : memref<128x128xf32, #tpu.memory_space<vmem>>)
      %dma_start3A_83 = arith.constant 896 : i32
      %dma_start3A_84 = tpu.memref_slice %arg7[%dma_start3A_83] : memref<1024xi32, #tpu.memory_space<vmem>> -> memref<128xi32, #tpu.memory_space<vmem>>
      %dma_start3A_85 = arith.constant 0 : i32
      %dma_start3A_86 = arith.constant 0 : i32
      %dma_start3A_87 = tpu.memref_slice %arg2[%dma_start3A_85, %dma_start3A_86] : memref<10000x128xf32, #tpu.memory_space<hbm>> -> memref<10000x128xf32, #tpu.memory_space<hbm>>
      tpu.enqueue_indirect_dma source(%dma_start3A_87 : memref<10000x128xf32, #tpu.memory_space<hbm>>) target(%arg10 : memref<128x128xf32, #tpu.memory_space<vmem>>) offsets(%dma_start3A_84 : memref<128xi32, #tpu.memory_space<vmem>>) semaphore(%arg13 : memref<!tpu.dma_semaphore, #tpu.memory_space<semaphore_mem>>)
      "tpu.region"() ({
        %run_scoped3A = tpu.sem_alloc : memref<!tpu.dma_semaphore, #tpu.memory_space<semaphore_mem>>
        %dma_start3A_93 = arith.constant 768 : i32
        %dma_start3A_94 = tpu.memref_slice %arg8[%dma_start3A_93] : memref<1024xi32, #tpu.memory_space<vmem>> -> memref<128xi32, #tpu.memory_space<vmem>>
        %dma_start3A_95 = arith.constant 0 : i32
        %dma_start3A_96 = arith.constant 0 : i32
        %dma_start3A_97 = tpu.memref_slice %arg11[%dma_start3A_95, %dma_start3A_96] : memref<10240x128xf32, #tpu.memory_space<vmem_shared>> -> memref<10240x128xf32, #tpu.memory_space<vmem_shared>>
        tpu.enqueue_indirect_dma source(%arg9 : memref<128x128xf32, #tpu.memory_space<vmem>>) target(%dma_start3A_97 : memref<10240x128xf32, #tpu.memory_space<vmem_shared>>) offsets(%dma_start3A_94 : memref<128xi32, #tpu.memory_space<vmem>>) semaphore(%run_scoped3A : memref<!tpu.dma_semaphore, #tpu.memory_space<semaphore_mem>>) {add = true}
        %dma_wait3A_98 = arith.constant 768 : i32
        %dma_wait3A_99 = tpu.memref_slice %arg8[%dma_wait3A_98] : memref<1024xi32, #tpu.memory_space<vmem>> -> memref<128xi32, #tpu.memory_space<vmem>>
        %dma_wait3A_100 = arith.constant 0 : i32
        %dma_wait3A_101 = arith.constant 0 : i32
        %dma_wait3A_102 = tpu.memref_slice %arg11[%dma_wait3A_100, %dma_wait3A_101] : memref<10240x128xf32, #tpu.memory_space<vmem_shared>> -> memref<10240x128xf32, #tpu.memory_space<vmem_shared>>
        tpu.wait_indirect_dma semaphore(%run_scoped3A : memref<!tpu.dma_semaphore, #tpu.memory_space<semaphore_mem>>) src(%arg9 : memref<128x128xf32, #tpu.memory_space<vmem>>) dst(%dma_wait3A_102 : memref<10240x128xf32, #tpu.memory_space<vmem_shared>>)
        tpu.yield
      }) : () -> ()
      %dma_wait3A_88 = arith.constant 896 : i32
      %dma_wait3A_89 = tpu.memref_slice %arg7[%dma_wait3A_88] : memref<1024xi32, #tpu.memory_space<vmem>> -> memref<128xi32, #tpu.memory_space<vmem>>
      %dma_wait3A_90 = arith.constant 0 : i32
      %dma_wait3A_91 = arith.constant 0 : i32
      %dma_wait3A_92 = tpu.memref_slice %arg2[%dma_wait3A_90, %dma_wait3A_91] : memref<10000x128xf32, #tpu.memory_space<hbm>> -> memref<10000x128xf32, #tpu.memory_space<hbm>>
      tpu.wait_indirect_dma semaphore(%arg13 : memref<!tpu.dma_semaphore, #tpu.memory_space<semaphore_mem>>) src(%dma_wait3A_92 : memref<10000x128xf32, #tpu.memory_space<hbm>>) dst(%arg10 : memref<128x128xf32, #tpu.memory_space<vmem>>)
      "tpu.region"() ({
        %run_scoped3A = tpu.sem_alloc : memref<!tpu.dma_semaphore, #tpu.memory_space<semaphore_mem>>
        %dma_start3A_93 = arith.constant 896 : i32
        %dma_start3A_94 = tpu.memref_slice %arg8[%dma_start3A_93] : memref<1024xi32, #tpu.memory_space<vmem>> -> memref<128xi32, #tpu.memory_space<vmem>>
        %dma_start3A_95 = arith.constant 0 : i32
        %dma_start3A_96 = arith.constant 0 : i32
        %dma_start3A_97 = tpu.memref_slice %arg11[%dma_start3A_95, %dma_start3A_96] : memref<10240x128xf32, #tpu.memory_space<vmem_shared>> -> memref<10240x128xf32, #tpu.memory_space<vmem_shared>>
        tpu.enqueue_indirect_dma source(%arg10 : memref<128x128xf32, #tpu.memory_space<vmem>>) target(%dma_start3A_97 : memref<10240x128xf32, #tpu.memory_space<vmem_shared>>) offsets(%dma_start3A_94 : memref<128xi32, #tpu.memory_space<vmem>>) semaphore(%run_scoped3A : memref<!tpu.dma_semaphore, #tpu.memory_space<semaphore_mem>>) {add = true}
        %dma_wait3A_98 = arith.constant 896 : i32
        %dma_wait3A_99 = tpu.memref_slice %arg8[%dma_wait3A_98] : memref<1024xi32, #tpu.memory_space<vmem>> -> memref<128xi32, #tpu.memory_space<vmem>>
        %dma_wait3A_100 = arith.constant 0 : i32
        %dma_wait3A_101 = arith.constant 0 : i32
        %dma_wait3A_102 = tpu.memref_slice %arg11[%dma_wait3A_100, %dma_wait3A_101] : memref<10240x128xf32, #tpu.memory_space<vmem_shared>> -> memref<10240x128xf32, #tpu.memory_space<vmem_shared>>
        tpu.wait_indirect_dma semaphore(%run_scoped3A : memref<!tpu.dma_semaphore, #tpu.memory_space<semaphore_mem>>) src(%arg10 : memref<128x128xf32, #tpu.memory_space<vmem>>) dst(%dma_wait3A_102 : memref<10240x128xf32, #tpu.memory_space<vmem_shared>>)
        tpu.yield
      }) : () -> ()
    }
    %scan3A_9 = arith.constant 10 : i32
    %barrier3A_10 = arith.constant 0 : index
    tpu.barrier barrier_id(%barrier3A_10)
    "tpu.region"() ({
      %run_scoped3A = tpu.sem_alloc : memref<!tpu.dma_semaphore, #tpu.memory_space<semaphore_mem>>
      %dma_start3A = arith.constant 0 : i32
      %dma_start3A_11 = tpu.memref_slice %arg6[%arg0, %mul3A_2, %dma_start3A] : memref<2x10240x128xf32, #tpu.memory_space<hbm>> -> memref<1x640x128xf32, #tpu.memory_space<hbm>>
      %dma_start3A_12 = tpu.memref_squeeze %dma_start3A_11 : memref<1x640x128xf32, #tpu.memory_space<hbm>> -> memref<640x128xf32, #tpu.memory_space<hbm>>
      %dma_start3A_13 = arith.constant 0 : i32
      %dma_start3A_14 = tpu.memref_slice %arg11[%mul3A_2, %dma_start3A_13] : memref<10240x128xf32, #tpu.memory_space<vmem_shared>> -> memref<640x128xf32, #tpu.memory_space<vmem_shared>>
      tpu.enqueue_dma source(%dma_start3A_14 : memref<640x128xf32, #tpu.memory_space<vmem_shared>>) target(%dma_start3A_12 : memref<640x128xf32, #tpu.memory_space<hbm>>) target_semaphore(%run_scoped3A : memref<!tpu.dma_semaphore, #tpu.memory_space<semaphore_mem>>)
      %dma_wait3A = arith.constant 0 : i32
      %dma_wait3A_15 = tpu.memref_slice %arg6[%arg0, %mul3A_2, %dma_wait3A] : memref<2x10240x128xf32, #tpu.memory_space<hbm>> -> memref<1x640x128xf32, #tpu.memory_space<hbm>>
      %dma_wait3A_16 = tpu.memref_squeeze %dma_wait3A_15 : memref<1x640x128xf32, #tpu.memory_space<hbm>> -> memref<640x128xf32, #tpu.memory_space<hbm>>
      %dma_wait3A_17 = arith.constant 0 : i32
      %dma_wait3A_18 = tpu.memref_slice %arg11[%mul3A_2, %dma_wait3A_17] : memref<10240x128xf32, #tpu.memory_space<vmem_shared>> -> memref<640x128xf32, #tpu.memory_space<vmem_shared>>
      tpu.wait_dma2 semaphore(%run_scoped3A : memref<!tpu.dma_semaphore, #tpu.memory_space<semaphore_mem>>) src(%dma_wait3A_18 : memref<640x128xf32, #tpu.memory_space<vmem_shared>>) dst(%dma_wait3A_16 : memref<640x128xf32, #tpu.memory_space<hbm>>)
      tpu.yield
    }) : () -> ()
    return
  }
}

#map = affine_map<(d0, d1) -> (0, 0)>
#map1 = affine_map<(d0, d1) -> (0)>
#map2 = affine_map<(d0, d1) -> (0, 0, 0)>
module attributes {stable_mosaic.version = 14 : i64} {
  func.func @_seg_sum_sc_body(%arg0: i32, %arg1: i32, %arg2: memref<10000x128xf32, #tpu.memory_space<hbm>>, %arg3: memref<327680xi32, #tpu.memory_space<hbm>>, %arg4: memref<327680xi32, #tpu.memory_space<hbm>>, %arg5: memref<640x128xf32, #tpu.memory_space<hbm>>, %arg6: memref<2x10240x128xf32, #tpu.memory_space<hbm>>, %arg7: memref<1024xi32, #tpu.memory_space<vmem>>, %arg8: memref<1024xi32, #tpu.memory_space<vmem>>, %arg9: memref<128x128xf32, #tpu.memory_space<vmem>>, %arg10: memref<128x128xf32, #tpu.memory_space<vmem>>, %arg11: memref<10240x128xf32, #tpu.memory_space<vmem_shared>>, %arg12: memref<!tpu.dma_semaphore, #tpu.memory_space<semaphore_mem>>, %arg13: memref<!tpu.dma_semaphore, #tpu.memory_space<semaphore_mem>>) attributes {dimension_semantics = [#tpu.dimension_semantics<core_parallel>, #tpu.dimension_semantics<subcore_parallel>], iteration_bounds = array<i64: 2, 16>, scalar_prefetch = 0 : i64, scratch_operands = 7 : i64, tpu.core_type = #tpu.core_type<sc_vector_subcore>, window_params = [{transform_indices = #map}, {transform_indices = #map1}, {transform_indices = #map1}, {transform_indices = #map}, {transform_indices = #map2}]} {
    %mul3A = arith.constant 2 : i32
    %mul3A_0 = arith.muli %arg1, %mul3A : i32
    %add3A = arith.addi %mul3A_0, %arg0 : i32
    %mul3A_1 = arith.constant 640 : i32
    %mul3A_2 = arith.muli %arg1, %mul3A_1 : i32
    "tpu.region"() ({
      %run_scoped3A = tpu.sem_alloc : memref<!tpu.dma_semaphore, #tpu.memory_space<semaphore_mem>>
      %dma_start3A = arith.constant 0 : i32
      %dma_start3A_11 = tpu.memref_slice %arg11[%mul3A_2, %dma_start3A] : memref<10240x128xf32, #tpu.memory_space<vmem_shared>> -> memref<640x128xf32, #tpu.memory_space<vmem_shared>>
      tpu.enqueue_dma source(%arg5 : memref<640x128xf32, #tpu.memory_space<hbm>>) target(%dma_start3A_11 : memref<640x128xf32, #tpu.memory_space<vmem_shared>>) target_semaphore(%run_scoped3A : memref<!tpu.dma_semaphore, #tpu.memory_space<semaphore_mem>>)
      %dma_wait3A = arith.constant 0 : i32
      %dma_wait3A_12 = tpu.memref_slice %arg11[%mul3A_2, %dma_wait3A] : memref<10240x128xf32, #tpu.memory_space<vmem_shared>> -> memref<640x128xf32, #tpu.memory_space<vmem_shared>>
      tpu.wait_dma2 semaphore(%run_scoped3A : memref<!tpu.dma_semaphore, #tpu.memory_space<semaphore_mem>>) src(%arg5 : memref<640x128xf32, #tpu.memory_space<hbm>>) dst(%dma_wait3A_12 : memref<640x128xf32, #tpu.memory_space<vmem_shared>>)
      tpu.yield
    }) : () -> ()
    %barrier3A = arith.constant 0 : index
    tpu.barrier barrier_id(%barrier3A)
    %mul3A_3 = arith.constant 10240 : i32
    %mul3A_4 = arith.muli %add3A, %mul3A_3 : i32
    %scan3A = arith.constant 0 : i32
    %scan3A_5 = arith.constant 0 : i32
    %scan3A_6 = arith.constant 10 : i32
    %scan3A_7 = arith.addi %scan3A_5, %scan3A_6 : i32
    %scan3A_8 = arith.constant 1 : i32
    scf.for %scan3A_11 = %scan3A_5 to %scan3A_7 step %scan3A_8  : i32 {
      %mul3A_12 = arith.constant 1024 : i32
      %mul3A_13 = arith.muli %scan3A_11, %mul3A_12 : i32
      %add3A_14 = arith.addi %mul3A_4, %mul3A_13 : i32
      "tpu.region"() ({
        %run_scoped3A = tpu.sem_alloc : memref<!tpu.dma_semaphore, #tpu.memory_space<semaphore_mem>>
        %dma_start3A_93 = tpu.memref_slice %arg3[%add3A_14] : memref<327680xi32, #tpu.memory_space<hbm>> -> memref<1024xi32, #tpu.memory_space<hbm>>
        %dma_start3A_94 = tpu.memref_slice %arg3[%add3A_14] : memref<327680xi32, #tpu.memory_space<hbm>> -> memref<1024xi32, #tpu.memory_space<hbm>>
        tpu.enqueue_dma source(%dma_start3A_94 : memref<1024xi32, #tpu.memory_space<hbm>>) target(%arg7 : memref<1024xi32, #tpu.memory_space<vmem>>) target_semaphore(%run_scoped3A : memref<!tpu.dma_semaphore, #tpu.memory_space<semaphore_mem>>)
        %dma_wait3A_95 = tpu.memref_slice %arg3[%add3A_14] : memref<327680xi32, #tpu.memory_space<hbm>> -> memref<1024xi32, #tpu.memory_space<hbm>>
        %dma_wait3A_96 = tpu.memref_slice %arg3[%add3A_14] : memref<327680xi32, #tpu.memory_space<hbm>> -> memref<1024xi32, #tpu.memory_space<hbm>>
        tpu.wait_dma2 semaphore(%run_scoped3A : memref<!tpu.dma_semaphore, #tpu.memory_space<semaphore_mem>>) src(%dma_wait3A_96 : memref<1024xi32, #tpu.memory_space<hbm>>) dst(%arg7 : memref<1024xi32, #tpu.memory_space<vmem>>)
        tpu.yield
      }) : () -> ()
      "tpu.region"() ({
        %run_scoped3A = tpu.sem_alloc : memref<!tpu.dma_semaphore, #tpu.memory_space<semaphore_mem>>
        %dma_start3A_93 = tpu.memref_slice %arg4[%add3A_14] : memref<327680xi32, #tpu.memory_space<hbm>> -> memref<1024xi32, #tpu.memory_space<hbm>>
        %dma_start3A_94 = tpu.memref_slice %arg4[%add3A_14] : memref<327680xi32, #tpu.memory_space<hbm>> -> memref<1024xi32, #tpu.memory_space<hbm>>
        tpu.enqueue_dma source(%dma_start3A_94 : memref<1024xi32, #tpu.memory_space<hbm>>) target(%arg8 : memref<1024xi32, #tpu.memory_space<vmem>>) target_semaphore(%run_scoped3A : memref<!tpu.dma_semaphore, #tpu.memory_space<semaphore_mem>>)
        %dma_wait3A_95 = tpu.memref_slice %arg4[%add3A_14] : memref<327680xi32, #tpu.memory_space<hbm>> -> memref<1024xi32, #tpu.memory_space<hbm>>
        %dma_wait3A_96 = tpu.memref_slice %arg4[%add3A_14] : memref<327680xi32, #tpu.memory_space<hbm>> -> memref<1024xi32, #tpu.memory_space<hbm>>
        tpu.wait_dma2 semaphore(%run_scoped3A : memref<!tpu.dma_semaphore, #tpu.memory_space<semaphore_mem>>) src(%dma_wait3A_96 : memref<1024xi32, #tpu.memory_space<hbm>>) dst(%arg8 : memref<1024xi32, #tpu.memory_space<vmem>>)
        tpu.yield
      }) : () -> ()
      %dma_start3A = arith.constant 0 : i32
      %dma_start3A_15 = tpu.memref_slice %arg7[%dma_start3A] : memref<1024xi32, #tpu.memory_space<vmem>> -> memref<128xi32, #tpu.memory_space<vmem>>
      %dma_start3A_16 = arith.constant 0 : i32
      %dma_start3A_17 = arith.constant 0 : i32
      %dma_start3A_18 = tpu.memref_slice %arg2[%dma_start3A_16, %dma_start3A_17] : memref<10000x128xf32, #tpu.memory_space<hbm>> -> memref<10000x128xf32, #tpu.memory_space<hbm>>
      tpu.enqueue_indirect_dma source(%dma_start3A_18 : memref<10000x128xf32, #tpu.memory_space<hbm>>) target(%arg9 : memref<128x128xf32, #tpu.memory_space<vmem>>) offsets(%dma_start3A_15 : memref<128xi32, #tpu.memory_space<vmem>>) semaphore(%arg12 : memref<!tpu.dma_semaphore, #tpu.memory_space<semaphore_mem>>)
      %dma_wait3A = arith.constant 0 : i32
      %dma_wait3A_19 = tpu.memref_slice %arg7[%dma_wait3A] : memref<1024xi32, #tpu.memory_space<vmem>> -> memref<128xi32, #tpu.memory_space<vmem>>
      %dma_wait3A_20 = arith.constant 0 : i32
      %dma_wait3A_21 = arith.constant 0 : i32
      %dma_wait3A_22 = tpu.memref_slice %arg2[%dma_wait3A_20, %dma_wait3A_21] : memref<10000x128xf32, #tpu.memory_space<hbm>> -> memref<10000x128xf32, #tpu.memory_space<hbm>>
      tpu.wait_indirect_dma semaphore(%arg12 : memref<!tpu.dma_semaphore, #tpu.memory_space<semaphore_mem>>) src(%dma_wait3A_22 : memref<10000x128xf32, #tpu.memory_space<hbm>>) dst(%arg9 : memref<128x128xf32, #tpu.memory_space<vmem>>)
      %dma_start3A_23 = arith.constant 128 : i32
      %dma_start3A_24 = tpu.memref_slice %arg7[%dma_start3A_23] : memref<1024xi32, #tpu.memory_space<vmem>> -> memref<128xi32, #tpu.memory_space<vmem>>
      %dma_start3A_25 = arith.constant 0 : i32
      %dma_start3A_26 = arith.constant 0 : i32
      %dma_start3A_27 = tpu.memref_slice %arg2[%dma_start3A_25, %dma_start3A_26] : memref<10000x128xf32, #tpu.memory_space<hbm>> -> memref<10000x128xf32, #tpu.memory_space<hbm>>
      tpu.enqueue_indirect_dma source(%dma_start3A_27 : memref<10000x128xf32, #tpu.memory_space<hbm>>) target(%arg10 : memref<128x128xf32, #tpu.memory_space<vmem>>) offsets(%dma_start3A_24 : memref<128xi32, #tpu.memory_space<vmem>>) semaphore(%arg13 : memref<!tpu.dma_semaphore, #tpu.memory_space<semaphore_mem>>)
      "tpu.region"() ({
        %run_scoped3A = tpu.sem_alloc : memref<!tpu.dma_semaphore, #tpu.memory_space<semaphore_mem>>
        %dma_start3A_93 = arith.constant 0 : i32
        %dma_start3A_94 = tpu.memref_slice %arg8[%dma_start3A_93] : memref<1024xi32, #tpu.memory_space<vmem>> -> memref<128xi32, #tpu.memory_space<vmem>>
        %dma_start3A_95 = arith.constant 0 : i32
        %dma_start3A_96 = arith.constant 0 : i32
        %dma_start3A_97 = tpu.memref_slice %arg11[%dma_start3A_95, %dma_start3A_96] : memref<10240x128xf32, #tpu.memory_space<vmem_shared>> -> memref<10240x128xf32, #tpu.memory_space<vmem_shared>>
        tpu.enqueue_indirect_dma source(%arg9 : memref<128x128xf32, #tpu.memory_space<vmem>>) target(%dma_start3A_97 : memref<10240x128xf32, #tpu.memory_space<vmem_shared>>) offsets(%dma_start3A_94 : memref<128xi32, #tpu.memory_space<vmem>>) semaphore(%run_scoped3A : memref<!tpu.dma_semaphore, #tpu.memory_space<semaphore_mem>>) {add = true}
        %dma_wait3A_98 = arith.constant 0 : i32
        %dma_wait3A_99 = tpu.memref_slice %arg8[%dma_wait3A_98] : memref<1024xi32, #tpu.memory_space<vmem>> -> memref<128xi32, #tpu.memory_space<vmem>>
        %dma_wait3A_100 = arith.constant 0 : i32
        %dma_wait3A_101 = arith.constant 0 : i32
        %dma_wait3A_102 = tpu.memref_slice %arg11[%dma_wait3A_100, %dma_wait3A_101] : memref<10240x128xf32, #tpu.memory_space<vmem_shared>> -> memref<10240x128xf32, #tpu.memory_space<vmem_shared>>
        tpu.wait_indirect_dma semaphore(%run_scoped3A : memref<!tpu.dma_semaphore, #tpu.memory_space<semaphore_mem>>) src(%arg9 : memref<128x128xf32, #tpu.memory_space<vmem>>) dst(%dma_wait3A_102 : memref<10240x128xf32, #tpu.memory_space<vmem_shared>>)
        tpu.yield
      }) : () -> ()
      %dma_wait3A_28 = arith.constant 128 : i32
      %dma_wait3A_29 = tpu.memref_slice %arg7[%dma_wait3A_28] : memref<1024xi32, #tpu.memory_space<vmem>> -> memref<128xi32, #tpu.memory_space<vmem>>
      %dma_wait3A_30 = arith.constant 0 : i32
      %dma_wait3A_31 = arith.constant 0 : i32
      %dma_wait3A_32 = tpu.memref_slice %arg2[%dma_wait3A_30, %dma_wait3A_31] : memref<10000x128xf32, #tpu.memory_space<hbm>> -> memref<10000x128xf32, #tpu.memory_space<hbm>>
      tpu.wait_indirect_dma semaphore(%arg13 : memref<!tpu.dma_semaphore, #tpu.memory_space<semaphore_mem>>) src(%dma_wait3A_32 : memref<10000x128xf32, #tpu.memory_space<hbm>>) dst(%arg10 : memref<128x128xf32, #tpu.memory_space<vmem>>)
      %dma_start3A_33 = arith.constant 256 : i32
      %dma_start3A_34 = tpu.memref_slice %arg7[%dma_start3A_33] : memref<1024xi32, #tpu.memory_space<vmem>> -> memref<128xi32, #tpu.memory_space<vmem>>
      %dma_start3A_35 = arith.constant 0 : i32
      %dma_start3A_36 = arith.constant 0 : i32
      %dma_start3A_37 = tpu.memref_slice %arg2[%dma_start3A_35, %dma_start3A_36] : memref<10000x128xf32, #tpu.memory_space<hbm>> -> memref<10000x128xf32, #tpu.memory_space<hbm>>
      tpu.enqueue_indirect_dma source(%dma_start3A_37 : memref<10000x128xf32, #tpu.memory_space<hbm>>) target(%arg9 : memref<128x128xf32, #tpu.memory_space<vmem>>) offsets(%dma_start3A_34 : memref<128xi32, #tpu.memory_space<vmem>>) semaphore(%arg12 : memref<!tpu.dma_semaphore, #tpu.memory_space<semaphore_mem>>)
      "tpu.region"() ({
        %run_scoped3A = tpu.sem_alloc : memref<!tpu.dma_semaphore, #tpu.memory_space<semaphore_mem>>
        %dma_start3A_93 = arith.constant 128 : i32
        %dma_start3A_94 = tpu.memref_slice %arg8[%dma_start3A_93] : memref<1024xi32, #tpu.memory_space<vmem>> -> memref<128xi32, #tpu.memory_space<vmem>>
        %dma_start3A_95 = arith.constant 0 : i32
        %dma_start3A_96 = arith.constant 0 : i32
        %dma_start3A_97 = tpu.memref_slice %arg11[%dma_start3A_95, %dma_start3A_96] : memref<10240x128xf32, #tpu.memory_space<vmem_shared>> -> memref<10240x128xf32, #tpu.memory_space<vmem_shared>>
        tpu.enqueue_indirect_dma source(%arg10 : memref<128x128xf32, #tpu.memory_space<vmem>>) target(%dma_start3A_97 : memref<10240x128xf32, #tpu.memory_space<vmem_shared>>) offsets(%dma_start3A_94 : memref<128xi32, #tpu.memory_space<vmem>>) semaphore(%run_scoped3A : memref<!tpu.dma_semaphore, #tpu.memory_space<semaphore_mem>>) {add = true}
        %dma_wait3A_98 = arith.constant 128 : i32
        %dma_wait3A_99 = tpu.memref_slice %arg8[%dma_wait3A_98] : memref<1024xi32, #tpu.memory_space<vmem>> -> memref<128xi32, #tpu.memory_space<vmem>>
        %dma_wait3A_100 = arith.constant 0 : i32
        %dma_wait3A_101 = arith.constant 0 : i32
        %dma_wait3A_102 = tpu.memref_slice %arg11[%dma_wait3A_100, %dma_wait3A_101] : memref<10240x128xf32, #tpu.memory_space<vmem_shared>> -> memref<10240x128xf32, #tpu.memory_space<vmem_shared>>
        tpu.wait_indirect_dma semaphore(%run_scoped3A : memref<!tpu.dma_semaphore, #tpu.memory_space<semaphore_mem>>) src(%arg10 : memref<128x128xf32, #tpu.memory_space<vmem>>) dst(%dma_wait3A_102 : memref<10240x128xf32, #tpu.memory_space<vmem_shared>>)
        tpu.yield
      }) : () -> ()
      %dma_wait3A_38 = arith.constant 256 : i32
      %dma_wait3A_39 = tpu.memref_slice %arg7[%dma_wait3A_38] : memref<1024xi32, #tpu.memory_space<vmem>> -> memref<128xi32, #tpu.memory_space<vmem>>
      %dma_wait3A_40 = arith.constant 0 : i32
      %dma_wait3A_41 = arith.constant 0 : i32
      %dma_wait3A_42 = tpu.memref_slice %arg2[%dma_wait3A_40, %dma_wait3A_41] : memref<10000x128xf32, #tpu.memory_space<hbm>> -> memref<10000x128xf32, #tpu.memory_space<hbm>>
      tpu.wait_indirect_dma semaphore(%arg12 : memref<!tpu.dma_semaphore, #tpu.memory_space<semaphore_mem>>) src(%dma_wait3A_42 : memref<10000x128xf32, #tpu.memory_space<hbm>>) dst(%arg9 : memref<128x128xf32, #tpu.memory_space<vmem>>)
      %dma_start3A_43 = arith.constant 384 : i32
      %dma_start3A_44 = tpu.memref_slice %arg7[%dma_start3A_43] : memref<1024xi32, #tpu.memory_space<vmem>> -> memref<128xi32, #tpu.memory_space<vmem>>
      %dma_start3A_45 = arith.constant 0 : i32
      %dma_start3A_46 = arith.constant 0 : i32
      %dma_start3A_47 = tpu.memref_slice %arg2[%dma_start3A_45, %dma_start3A_46] : memref<10000x128xf32, #tpu.memory_space<hbm>> -> memref<10000x128xf32, #tpu.memory_space<hbm>>
      tpu.enqueue_indirect_dma source(%dma_start3A_47 : memref<10000x128xf32, #tpu.memory_space<hbm>>) target(%arg10 : memref<128x128xf32, #tpu.memory_space<vmem>>) offsets(%dma_start3A_44 : memref<128xi32, #tpu.memory_space<vmem>>) semaphore(%arg13 : memref<!tpu.dma_semaphore, #tpu.memory_space<semaphore_mem>>)
      "tpu.region"() ({
        %run_scoped3A = tpu.sem_alloc : memref<!tpu.dma_semaphore, #tpu.memory_space<semaphore_mem>>
        %dma_start3A_93 = arith.constant 256 : i32
        %dma_start3A_94 = tpu.memref_slice %arg8[%dma_start3A_93] : memref<1024xi32, #tpu.memory_space<vmem>> -> memref<128xi32, #tpu.memory_space<vmem>>
        %dma_start3A_95 = arith.constant 0 : i32
        %dma_start3A_96 = arith.constant 0 : i32
        %dma_start3A_97 = tpu.memref_slice %arg11[%dma_start3A_95, %dma_start3A_96] : memref<10240x128xf32, #tpu.memory_space<vmem_shared>> -> memref<10240x128xf32, #tpu.memory_space<vmem_shared>>
        tpu.enqueue_indirect_dma source(%arg9 : memref<128x128xf32, #tpu.memory_space<vmem>>) target(%dma_start3A_97 : memref<10240x128xf32, #tpu.memory_space<vmem_shared>>) offsets(%dma_start3A_94 : memref<128xi32, #tpu.memory_space<vmem>>) semaphore(%run_scoped3A : memref<!tpu.dma_semaphore, #tpu.memory_space<semaphore_mem>>) {add = true}
        %dma_wait3A_98 = arith.constant 256 : i32
        %dma_wait3A_99 = tpu.memref_slice %arg8[%dma_wait3A_98] : memref<1024xi32, #tpu.memory_space<vmem>> -> memref<128xi32, #tpu.memory_space<vmem>>
        %dma_wait3A_100 = arith.constant 0 : i32
        %dma_wait3A_101 = arith.constant 0 : i32
        %dma_wait3A_102 = tpu.memref_slice %arg11[%dma_wait3A_100, %dma_wait3A_101] : memref<10240x128xf32, #tpu.memory_space<vmem_shared>> -> memref<10240x128xf32, #tpu.memory_space<vmem_shared>>
        tpu.wait_indirect_dma semaphore(%run_scoped3A : memref<!tpu.dma_semaphore, #tpu.memory_space<semaphore_mem>>) src(%arg9 : memref<128x128xf32, #tpu.memory_space<vmem>>) dst(%dma_wait3A_102 : memref<10240x128xf32, #tpu.memory_space<vmem_shared>>)
        tpu.yield
      }) : () -> ()
      %dma_wait3A_48 = arith.constant 384 : i32
      %dma_wait3A_49 = tpu.memref_slice %arg7[%dma_wait3A_48] : memref<1024xi32, #tpu.memory_space<vmem>> -> memref<128xi32, #tpu.memory_space<vmem>>
      %dma_wait3A_50 = arith.constant 0 : i32
      %dma_wait3A_51 = arith.constant 0 : i32
      %dma_wait3A_52 = tpu.memref_slice %arg2[%dma_wait3A_50, %dma_wait3A_51] : memref<10000x128xf32, #tpu.memory_space<hbm>> -> memref<10000x128xf32, #tpu.memory_space<hbm>>
      tpu.wait_indirect_dma semaphore(%arg13 : memref<!tpu.dma_semaphore, #tpu.memory_space<semaphore_mem>>) src(%dma_wait3A_52 : memref<10000x128xf32, #tpu.memory_space<hbm>>) dst(%arg10 : memref<128x128xf32, #tpu.memory_space<vmem>>)
      %dma_start3A_53 = arith.constant 512 : i32
      %dma_start3A_54 = tpu.memref_slice %arg7[%dma_start3A_53] : memref<1024xi32, #tpu.memory_space<vmem>> -> memref<128xi32, #tpu.memory_space<vmem>>
      %dma_start3A_55 = arith.constant 0 : i32
      %dma_start3A_56 = arith.constant 0 : i32
      %dma_start3A_57 = tpu.memref_slice %arg2[%dma_start3A_55, %dma_start3A_56] : memref<10000x128xf32, #tpu.memory_space<hbm>> -> memref<10000x128xf32, #tpu.memory_space<hbm>>
      tpu.enqueue_indirect_dma source(%dma_start3A_57 : memref<10000x128xf32, #tpu.memory_space<hbm>>) target(%arg9 : memref<128x128xf32, #tpu.memory_space<vmem>>) offsets(%dma_start3A_54 : memref<128xi32, #tpu.memory_space<vmem>>) semaphore(%arg12 : memref<!tpu.dma_semaphore, #tpu.memory_space<semaphore_mem>>)
      "tpu.region"() ({
        %run_scoped3A = tpu.sem_alloc : memref<!tpu.dma_semaphore, #tpu.memory_space<semaphore_mem>>
        %dma_start3A_93 = arith.constant 384 : i32
        %dma_start3A_94 = tpu.memref_slice %arg8[%dma_start3A_93] : memref<1024xi32, #tpu.memory_space<vmem>> -> memref<128xi32, #tpu.memory_space<vmem>>
        %dma_start3A_95 = arith.constant 0 : i32
        %dma_start3A_96 = arith.constant 0 : i32
        %dma_start3A_97 = tpu.memref_slice %arg11[%dma_start3A_95, %dma_start3A_96] : memref<10240x128xf32, #tpu.memory_space<vmem_shared>> -> memref<10240x128xf32, #tpu.memory_space<vmem_shared>>
        tpu.enqueue_indirect_dma source(%arg10 : memref<128x128xf32, #tpu.memory_space<vmem>>) target(%dma_start3A_97 : memref<10240x128xf32, #tpu.memory_space<vmem_shared>>) offsets(%dma_start3A_94 : memref<128xi32, #tpu.memory_space<vmem>>) semaphore(%run_scoped3A : memref<!tpu.dma_semaphore, #tpu.memory_space<semaphore_mem>>) {add = true}
        %dma_wait3A_98 = arith.constant 384 : i32
        %dma_wait3A_99 = tpu.memref_slice %arg8[%dma_wait3A_98] : memref<1024xi32, #tpu.memory_space<vmem>> -> memref<128xi32, #tpu.memory_space<vmem>>
        %dma_wait3A_100 = arith.constant 0 : i32
        %dma_wait3A_101 = arith.constant 0 : i32
        %dma_wait3A_102 = tpu.memref_slice %arg11[%dma_wait3A_100, %dma_wait3A_101] : memref<10240x128xf32, #tpu.memory_space<vmem_shared>> -> memref<10240x128xf32, #tpu.memory_space<vmem_shared>>
        tpu.wait_indirect_dma semaphore(%run_scoped3A : memref<!tpu.dma_semaphore, #tpu.memory_space<semaphore_mem>>) src(%arg10 : memref<128x128xf32, #tpu.memory_space<vmem>>) dst(%dma_wait3A_102 : memref<10240x128xf32, #tpu.memory_space<vmem_shared>>)
        tpu.yield
      }) : () -> ()
      %dma_wait3A_58 = arith.constant 512 : i32
      %dma_wait3A_59 = tpu.memref_slice %arg7[%dma_wait3A_58] : memref<1024xi32, #tpu.memory_space<vmem>> -> memref<128xi32, #tpu.memory_space<vmem>>
      %dma_wait3A_60 = arith.constant 0 : i32
      %dma_wait3A_61 = arith.constant 0 : i32
      %dma_wait3A_62 = tpu.memref_slice %arg2[%dma_wait3A_60, %dma_wait3A_61] : memref<10000x128xf32, #tpu.memory_space<hbm>> -> memref<10000x128xf32, #tpu.memory_space<hbm>>
      tpu.wait_indirect_dma semaphore(%arg12 : memref<!tpu.dma_semaphore, #tpu.memory_space<semaphore_mem>>) src(%dma_wait3A_62 : memref<10000x128xf32, #tpu.memory_space<hbm>>) dst(%arg9 : memref<128x128xf32, #tpu.memory_space<vmem>>)
      %dma_start3A_63 = arith.constant 640 : i32
      %dma_start3A_64 = tpu.memref_slice %arg7[%dma_start3A_63] : memref<1024xi32, #tpu.memory_space<vmem>> -> memref<128xi32, #tpu.memory_space<vmem>>
      %dma_start3A_65 = arith.constant 0 : i32
      %dma_start3A_66 = arith.constant 0 : i32
      %dma_start3A_67 = tpu.memref_slice %arg2[%dma_start3A_65, %dma_start3A_66] : memref<10000x128xf32, #tpu.memory_space<hbm>> -> memref<10000x128xf32, #tpu.memory_space<hbm>>
      tpu.enqueue_indirect_dma source(%dma_start3A_67 : memref<10000x128xf32, #tpu.memory_space<hbm>>) target(%arg10 : memref<128x128xf32, #tpu.memory_space<vmem>>) offsets(%dma_start3A_64 : memref<128xi32, #tpu.memory_space<vmem>>) semaphore(%arg13 : memref<!tpu.dma_semaphore, #tpu.memory_space<semaphore_mem>>)
      "tpu.region"() ({
        %run_scoped3A = tpu.sem_alloc : memref<!tpu.dma_semaphore, #tpu.memory_space<semaphore_mem>>
        %dma_start3A_93 = arith.constant 512 : i32
        %dma_start3A_94 = tpu.memref_slice %arg8[%dma_start3A_93] : memref<1024xi32, #tpu.memory_space<vmem>> -> memref<128xi32, #tpu.memory_space<vmem>>
        %dma_start3A_95 = arith.constant 0 : i32
        %dma_start3A_96 = arith.constant 0 : i32
        %dma_start3A_97 = tpu.memref_slice %arg11[%dma_start3A_95, %dma_start3A_96] : memref<10240x128xf32, #tpu.memory_space<vmem_shared>> -> memref<10240x128xf32, #tpu.memory_space<vmem_shared>>
        tpu.enqueue_indirect_dma source(%arg9 : memref<128x128xf32, #tpu.memory_space<vmem>>) target(%dma_start3A_97 : memref<10240x128xf32, #tpu.memory_space<vmem_shared>>) offsets(%dma_start3A_94 : memref<128xi32, #tpu.memory_space<vmem>>) semaphore(%run_scoped3A : memref<!tpu.dma_semaphore, #tpu.memory_space<semaphore_mem>>) {add = true}
        %dma_wait3A_98 = arith.constant 512 : i32
        %dma_wait3A_99 = tpu.memref_slice %arg8[%dma_wait3A_98] : memref<1024xi32, #tpu.memory_space<vmem>> -> memref<128xi32, #tpu.memory_space<vmem>>
        %dma_wait3A_100 = arith.constant 0 : i32
        %dma_wait3A_101 = arith.constant 0 : i32
        %dma_wait3A_102 = tpu.memref_slice %arg11[%dma_wait3A_100, %dma_wait3A_101] : memref<10240x128xf32, #tpu.memory_space<vmem_shared>> -> memref<10240x128xf32, #tpu.memory_space<vmem_shared>>
        tpu.wait_indirect_dma semaphore(%run_scoped3A : memref<!tpu.dma_semaphore, #tpu.memory_space<semaphore_mem>>) src(%arg9 : memref<128x128xf32, #tpu.memory_space<vmem>>) dst(%dma_wait3A_102 : memref<10240x128xf32, #tpu.memory_space<vmem_shared>>)
        tpu.yield
      }) : () -> ()
      %dma_wait3A_68 = arith.constant 640 : i32
      %dma_wait3A_69 = tpu.memref_slice %arg7[%dma_wait3A_68] : memref<1024xi32, #tpu.memory_space<vmem>> -> memref<128xi32, #tpu.memory_space<vmem>>
      %dma_wait3A_70 = arith.constant 0 : i32
      %dma_wait3A_71 = arith.constant 0 : i32
      %dma_wait3A_72 = tpu.memref_slice %arg2[%dma_wait3A_70, %dma_wait3A_71] : memref<10000x128xf32, #tpu.memory_space<hbm>> -> memref<10000x128xf32, #tpu.memory_space<hbm>>
      tpu.wait_indirect_dma semaphore(%arg13 : memref<!tpu.dma_semaphore, #tpu.memory_space<semaphore_mem>>) src(%dma_wait3A_72 : memref<10000x128xf32, #tpu.memory_space<hbm>>) dst(%arg10 : memref<128x128xf32, #tpu.memory_space<vmem>>)
      %dma_start3A_73 = arith.constant 768 : i32
      %dma_start3A_74 = tpu.memref_slice %arg7[%dma_start3A_73] : memref<1024xi32, #tpu.memory_space<vmem>> -> memref<128xi32, #tpu.memory_space<vmem>>
      %dma_start3A_75 = arith.constant 0 : i32
      %dma_start3A_76 = arith.constant 0 : i32
      %dma_start3A_77 = tpu.memref_slice %arg2[%dma_start3A_75, %dma_start3A_76] : memref<10000x128xf32, #tpu.memory_space<hbm>> -> memref<10000x128xf32, #tpu.memory_space<hbm>>
      tpu.enqueue_indirect_dma source(%dma_start3A_77 : memref<10000x128xf32, #tpu.memory_space<hbm>>) target(%arg9 : memref<128x128xf32, #tpu.memory_space<vmem>>) offsets(%dma_start3A_74 : memref<128xi32, #tpu.memory_space<vmem>>) semaphore(%arg12 : memref<!tpu.dma_semaphore, #tpu.memory_space<semaphore_mem>>)
      "tpu.region"() ({
        %run_scoped3A = tpu.sem_alloc : memref<!tpu.dma_semaphore, #tpu.memory_space<semaphore_mem>>
        %dma_start3A_93 = arith.constant 640 : i32
        %dma_start3A_94 = tpu.memref_slice %arg8[%dma_start3A_93] : memref<1024xi32, #tpu.memory_space<vmem>> -> memref<128xi32, #tpu.memory_space<vmem>>
        %dma_start3A_95 = arith.constant 0 : i32
        %dma_start3A_96 = arith.constant 0 : i32
        %dma_start3A_97 = tpu.memref_slice %arg11[%dma_start3A_95, %dma_start3A_96] : memref<10240x128xf32, #tpu.memory_space<vmem_shared>> -> memref<10240x128xf32, #tpu.memory_space<vmem_shared>>
        tpu.enqueue_indirect_dma source(%arg10 : memref<128x128xf32, #tpu.memory_space<vmem>>) target(%dma_start3A_97 : memref<10240x128xf32, #tpu.memory_space<vmem_shared>>) offsets(%dma_start3A_94 : memref<128xi32, #tpu.memory_space<vmem>>) semaphore(%run_scoped3A : memref<!tpu.dma_semaphore, #tpu.memory_space<semaphore_mem>>) {add = true}
        %dma_wait3A_98 = arith.constant 640 : i32
        %dma_wait3A_99 = tpu.memref_slice %arg8[%dma_wait3A_98] : memref<1024xi32, #tpu.memory_space<vmem>> -> memref<128xi32, #tpu.memory_space<vmem>>
        %dma_wait3A_100 = arith.constant 0 : i32
        %dma_wait3A_101 = arith.constant 0 : i32
        %dma_wait3A_102 = tpu.memref_slice %arg11[%dma_wait3A_100, %dma_wait3A_101] : memref<10240x128xf32, #tpu.memory_space<vmem_shared>> -> memref<10240x128xf32, #tpu.memory_space<vmem_shared>>
        tpu.wait_indirect_dma semaphore(%run_scoped3A : memref<!tpu.dma_semaphore, #tpu.memory_space<semaphore_mem>>) src(%arg10 : memref<128x128xf32, #tpu.memory_space<vmem>>) dst(%dma_wait3A_102 : memref<10240x128xf32, #tpu.memory_space<vmem_shared>>)
        tpu.yield
      }) : () -> ()
      %dma_wait3A_78 = arith.constant 768 : i32
      %dma_wait3A_79 = tpu.memref_slice %arg7[%dma_wait3A_78] : memref<1024xi32, #tpu.memory_space<vmem>> -> memref<128xi32, #tpu.memory_space<vmem>>
      %dma_wait3A_80 = arith.constant 0 : i32
      %dma_wait3A_81 = arith.constant 0 : i32
      %dma_wait3A_82 = tpu.memref_slice %arg2[%dma_wait3A_80, %dma_wait3A_81] : memref<10000x128xf32, #tpu.memory_space<hbm>> -> memref<10000x128xf32, #tpu.memory_space<hbm>>
      tpu.wait_indirect_dma semaphore(%arg12 : memref<!tpu.dma_semaphore, #tpu.memory_space<semaphore_mem>>) src(%dma_wait3A_82 : memref<10000x128xf32, #tpu.memory_space<hbm>>) dst(%arg9 : memref<128x128xf32, #tpu.memory_space<vmem>>)
      %dma_start3A_83 = arith.constant 896 : i32
      %dma_start3A_84 = tpu.memref_slice %arg7[%dma_start3A_83] : memref<1024xi32, #tpu.memory_space<vmem>> -> memref<128xi32, #tpu.memory_space<vmem>>
      %dma_start3A_85 = arith.constant 0 : i32
      %dma_start3A_86 = arith.constant 0 : i32
      %dma_start3A_87 = tpu.memref_slice %arg2[%dma_start3A_85, %dma_start3A_86] : memref<10000x128xf32, #tpu.memory_space<hbm>> -> memref<10000x128xf32, #tpu.memory_space<hbm>>
      tpu.enqueue_indirect_dma source(%dma_start3A_87 : memref<10000x128xf32, #tpu.memory_space<hbm>>) target(%arg10 : memref<128x128xf32, #tpu.memory_space<vmem>>) offsets(%dma_start3A_84 : memref<128xi32, #tpu.memory_space<vmem>>) semaphore(%arg13 : memref<!tpu.dma_semaphore, #tpu.memory_space<semaphore_mem>>)
      "tpu.region"() ({
        %run_scoped3A = tpu.sem_alloc : memref<!tpu.dma_semaphore, #tpu.memory_space<semaphore_mem>>
        %dma_start3A_93 = arith.constant 768 : i32
        %dma_start3A_94 = tpu.memref_slice %arg8[%dma_start3A_93] : memref<1024xi32, #tpu.memory_space<vmem>> -> memref<128xi32, #tpu.memory_space<vmem>>
        %dma_start3A_95 = arith.constant 0 : i32
        %dma_start3A_96 = arith.constant 0 : i32
        %dma_start3A_97 = tpu.memref_slice %arg11[%dma_start3A_95, %dma_start3A_96] : memref<10240x128xf32, #tpu.memory_space<vmem_shared>> -> memref<10240x128xf32, #tpu.memory_space<vmem_shared>>
        tpu.enqueue_indirect_dma source(%arg9 : memref<128x128xf32, #tpu.memory_space<vmem>>) target(%dma_start3A_97 : memref<10240x128xf32, #tpu.memory_space<vmem_shared>>) offsets(%dma_start3A_94 : memref<128xi32, #tpu.memory_space<vmem>>) semaphore(%run_scoped3A : memref<!tpu.dma_semaphore, #tpu.memory_space<semaphore_mem>>) {add = true}
        %dma_wait3A_98 = arith.constant 768 : i32
        %dma_wait3A_99 = tpu.memref_slice %arg8[%dma_wait3A_98] : memref<1024xi32, #tpu.memory_space<vmem>> -> memref<128xi32, #tpu.memory_space<vmem>>
        %dma_wait3A_100 = arith.constant 0 : i32
        %dma_wait3A_101 = arith.constant 0 : i32
        %dma_wait3A_102 = tpu.memref_slice %arg11[%dma_wait3A_100, %dma_wait3A_101] : memref<10240x128xf32, #tpu.memory_space<vmem_shared>> -> memref<10240x128xf32, #tpu.memory_space<vmem_shared>>
        tpu.wait_indirect_dma semaphore(%run_scoped3A : memref<!tpu.dma_semaphore, #tpu.memory_space<semaphore_mem>>) src(%arg9 : memref<128x128xf32, #tpu.memory_space<vmem>>) dst(%dma_wait3A_102 : memref<10240x128xf32, #tpu.memory_space<vmem_shared>>)
        tpu.yield
      }) : () -> ()
      %dma_wait3A_88 = arith.constant 896 : i32
      %dma_wait3A_89 = tpu.memref_slice %arg7[%dma_wait3A_88] : memref<1024xi32, #tpu.memory_space<vmem>> -> memref<128xi32, #tpu.memory_space<vmem>>
      %dma_wait3A_90 = arith.constant 0 : i32
      %dma_wait3A_91 = arith.constant 0 : i32
      %dma_wait3A_92 = tpu.memref_slice %arg2[%dma_wait3A_90, %dma_wait3A_91] : memref<10000x128xf32, #tpu.memory_space<hbm>> -> memref<10000x128xf32, #tpu.memory_space<hbm>>
      tpu.wait_indirect_dma semaphore(%arg13 : memref<!tpu.dma_semaphore, #tpu.memory_space<semaphore_mem>>) src(%dma_wait3A_92 : memref<10000x128xf32, #tpu.memory_space<hbm>>) dst(%arg10 : memref<128x128xf32, #tpu.memory_space<vmem>>)
      "tpu.region"() ({
        %run_scoped3A = tpu.sem_alloc : memref<!tpu.dma_semaphore, #tpu.memory_space<semaphore_mem>>
        %dma_start3A_93 = arith.constant 896 : i32
        %dma_start3A_94 = tpu.memref_slice %arg8[%dma_start3A_93] : memref<1024xi32, #tpu.memory_space<vmem>> -> memref<128xi32, #tpu.memory_space<vmem>>
        %dma_start3A_95 = arith.constant 0 : i32
        %dma_start3A_96 = arith.constant 0 : i32
        %dma_start3A_97 = tpu.memref_slice %arg11[%dma_start3A_95, %dma_start3A_96] : memref<10240x128xf32, #tpu.memory_space<vmem_shared>> -> memref<10240x128xf32, #tpu.memory_space<vmem_shared>>
        tpu.enqueue_indirect_dma source(%arg10 : memref<128x128xf32, #tpu.memory_space<vmem>>) target(%dma_start3A_97 : memref<10240x128xf32, #tpu.memory_space<vmem_shared>>) offsets(%dma_start3A_94 : memref<128xi32, #tpu.memory_space<vmem>>) semaphore(%run_scoped3A : memref<!tpu.dma_semaphore, #tpu.memory_space<semaphore_mem>>) {add = true}
        %dma_wait3A_98 = arith.constant 896 : i32
        %dma_wait3A_99 = tpu.memref_slice %arg8[%dma_wait3A_98] : memref<1024xi32, #tpu.memory_space<vmem>> -> memref<128xi32, #tpu.memory_space<vmem>>
        %dma_wait3A_100 = arith.constant 0 : i32
        %dma_wait3A_101 = arith.constant 0 : i32
        %dma_wait3A_102 = tpu.memref_slice %arg11[%dma_wait3A_100, %dma_wait3A_101] : memref<10240x128xf32, #tpu.memory_space<vmem_shared>> -> memref<10240x128xf32, #tpu.memory_space<vmem_shared>>
        tpu.wait_indirect_dma semaphore(%run_scoped3A : memref<!tpu.dma_semaphore, #tpu.memory_space<semaphore_mem>>) src(%arg10 : memref<128x128xf32, #tpu.memory_space<vmem>>) dst(%dma_wait3A_102 : memref<10240x128xf32, #tpu.memory_space<vmem_shared>>)
        tpu.yield
      }) : () -> ()
    }
    %scan3A_9 = arith.constant 10 : i32
    %barrier3A_10 = arith.constant 0 : index
    tpu.barrier barrier_id(%barrier3A_10)
    "tpu.region"() ({
      %run_scoped3A = tpu.sem_alloc : memref<!tpu.dma_semaphore, #tpu.memory_space<semaphore_mem>>
      %dma_start3A = arith.constant 0 : i32
      %dma_start3A_11 = tpu.memref_slice %arg6[%arg0, %mul3A_2, %dma_start3A] : memref<2x10240x128xf32, #tpu.memory_space<hbm>> -> memref<1x640x128xf32, #tpu.memory_space<hbm>>
      %dma_start3A_12 = tpu.memref_squeeze %dma_start3A_11 : memref<1x640x128xf32, #tpu.memory_space<hbm>> -> memref<640x128xf32, #tpu.memory_space<hbm>>
      %dma_start3A_13 = arith.constant 0 : i32
      %dma_start3A_14 = tpu.memref_slice %arg11[%mul3A_2, %dma_start3A_13] : memref<10240x128xf32, #tpu.memory_space<vmem_shared>> -> memref<640x128xf32, #tpu.memory_space<vmem_shared>>
      tpu.enqueue_dma source(%dma_start3A_14 : memref<640x128xf32, #tpu.memory_space<vmem_shared>>) target(%dma_start3A_12 : memref<640x128xf32, #tpu.memory_space<hbm>>) target_semaphore(%run_scoped3A : memref<!tpu.dma_semaphore, #tpu.memory_space<semaphore_mem>>)
      %dma_wait3A = arith.constant 0 : i32
      %dma_wait3A_15 = tpu.memref_slice %arg6[%arg0, %mul3A_2, %dma_wait3A] : memref<2x10240x128xf32, #tpu.memory_space<hbm>> -> memref<1x640x128xf32, #tpu.memory_space<hbm>>
      %dma_wait3A_16 = tpu.memref_squeeze %dma_wait3A_15 : memref<1x640x128xf32, #tpu.memory_space<hbm>> -> memref<640x128xf32, #tpu.memory_space<hbm>>
      %dma_wait3A_17 = arith.constant 0 : i32
      %dma_wait3A_18 = tpu.memref_slice %arg11[%mul3A_2, %dma_wait3A_17] : memref<10240x128xf32, #tpu.memory_space<vmem_shared>> -> memref<640x128xf32, #tpu.memory_space<vmem_shared>>
      tpu.wait_dma2 semaphore(%run_scoped3A : memref<!tpu.dma_semaphore, #tpu.memory_space<semaphore_mem>>) src(%dma_wait3A_18 : memref<640x128xf32, #tpu.memory_space<vmem_shared>>) dst(%dma_wait3A_16 : memref<640x128xf32, #tpu.memory_space<hbm>>)
      tpu.yield
    }) : () -> ()
    return
  }
}

module attributes {stable_mosaic.version = 14 : i64} {
  func.func @_gin_body(%arg0: i32, %arg1: memref<1000x128xf32, #tpu.memory_space<vmem>>, %arg2: memref<2x1000x128xf32, #tpu.memory_space<vmem>>, %arg3: memref<128x128xf32, #tpu.memory_space<vmem>>, %arg4: memref<1x128xf32, #tpu.memory_space<vmem>>, %arg5: memref<128x128xf32, #tpu.memory_space<vmem>>, %arg6: memref<1x128xf32, #tpu.memory_space<vmem>>, %arg7: memref<1000x128xf32, #tpu.memory_space<vmem>>) attributes {dimension_semantics = [#tpu.dimension_semantics<arbitrary>], iteration_bounds = array<i64: 10>, scalar_prefetch = 0 : i64, scratch_operands = 0 : i64, tpu.core_type = #tpu.core_type<tc>, window_params = [{transform_indices = @transform_0, window_bounds = array<i64: 1000, 128>}, {transform_indices = @transform_1, window_bounds = array<i64: 2, 1000, 128>}, {pipeline_mode = #tpu.pipeline_mode<synchronous>, transform_indices = @transform_2, window_bounds = array<i64: 128, 128>}, {pipeline_mode = #tpu.pipeline_mode<synchronous>, transform_indices = @transform_3, window_bounds = array<i64: 1, 128>}, {pipeline_mode = #tpu.pipeline_mode<synchronous>, transform_indices = @transform_4, window_bounds = array<i64: 128, 128>}, {pipeline_mode = #tpu.pipeline_mode<synchronous>, transform_indices = @transform_5, window_bounds = array<i64: 1, 128>}, {transform_indices = @transform_6, window_bounds = array<i64: 1000, 128>}]} {
    %get3A = arith.constant 0 : index
    %get3A_0 = arith.constant 0 : index
    %get3A_1 = vector.load %arg1[%get3A, %get3A_0] : memref<1000x128xf32, #tpu.memory_space<vmem>>, vector<1000x128xf32>
    %get3A_2 = arith.constant 0 : index
    %get3A_3 = arith.constant 0 : index
    %get3A_4 = arith.constant 0 : index
    %get3A_5 = vector.load %arg2[%get3A_2, %get3A_3, %get3A_4] : memref<2x1000x128xf32, #tpu.memory_space<vmem>>, vector<1x1000x128xf32>
    %get3A_6 = vector.shape_cast %get3A_5 : vector<1x1000x128xf32> to vector<1000x128xf32>
    %add3A = arith.addf %get3A_1, %get3A_6 : vector<1000x128xf32>
    %get3A_7 = arith.constant 1 : index
    %get3A_8 = arith.constant 0 : index
    %get3A_9 = arith.constant 0 : index
    %get3A_10 = vector.load %arg2[%get3A_7, %get3A_8, %get3A_9] : memref<2x1000x128xf32, #tpu.memory_space<vmem>>, vector<1x1000x128xf32>
    %get3A_11 = vector.shape_cast %get3A_10 : vector<1x1000x128xf32> to vector<1000x128xf32>
    %add3A_12 = arith.addf %add3A, %get3A_11 : vector<1000x128xf32>
    %get3A_13 = arith.constant 0 : index
    %get3A_14 = arith.constant 0 : index
    %get3A_15 = vector.load %arg3[%get3A_13, %get3A_14] : memref<128x128xf32, #tpu.memory_space<vmem>>, vector<128x128xf32>
    %dot_general3A = arith.constant dense<0.000000e+00> : vector<1000x128xf32>
    %dot_general3A_16 = tpu.matmul %add3A_12, %get3A_15, %dot_general3A {dimension_numbers = #tpu.dot_dimension_numbers<[1], [0], [0], [1], [0, 0, 1, 1], [], []>, transpose_lhs_hint = false} : vector<1000x128xf32>, vector<128x128xf32>, vector<1000x128xf32> -> vector<1000x128xf32>
    %get3A_17 = arith.constant 0 : index
    %get3A_18 = arith.constant 0 : index
    %get3A_19 = vector.load %arg4[%get3A_17, %get3A_18] : memref<1x128xf32, #tpu.memory_space<vmem>>, vector<1x128xf32>
    %add3A_20 = vector.broadcast %get3A_19 : vector<1x128xf32> to vector<1000x128xf32>
    %add3A_21 = arith.addf %dot_general3A_16, %add3A_20 : vector<1000x128xf32>
    %max3A = arith.constant 0.000000e+00 : f32
    %max3A_22 = vector.broadcast %max3A : f32 to vector<1000x128xf32>
    %max3A_23 = arith.maximumf %add3A_21, %max3A_22 : vector<1000x128xf32>
    %get3A_24 = arith.constant 0 : index
    %get3A_25 = arith.constant 0 : index
    %get3A_26 = vector.load %arg5[%get3A_24, %get3A_25] : memref<128x128xf32, #tpu.memory_space<vmem>>, vector<128x128xf32>
    %dot_general3A_27 = arith.constant dense<0.000000e+00> : vector<1000x128xf32>
    %dot_general3A_28 = tpu.matmul %max3A_23, %get3A_26, %dot_general3A_27 {dimension_numbers = #tpu.dot_dimension_numbers<[1], [0], [0], [1], [0, 0, 1, 1], [], []>, transpose_lhs_hint = false} : vector<1000x128xf32>, vector<128x128xf32>, vector<1000x128xf32> -> vector<1000x128xf32>
    %get3A_29 = arith.constant 0 : index
    %get3A_30 = arith.constant 0 : index
    %get3A_31 = vector.load %arg6[%get3A_29, %get3A_30] : memref<1x128xf32, #tpu.memory_space<vmem>>, vector<1x128xf32>
    %add3A_32 = vector.broadcast %get3A_31 : vector<1x128xf32> to vector<1000x128xf32>
    %add3A_33 = arith.addf %dot_general3A_28, %add3A_32 : vector<1000x128xf32>
    %max3A_34 = arith.constant 0.000000e+00 : f32
    %max3A_35 = vector.broadcast %max3A_34 : f32 to vector<1000x128xf32>
    %max3A_36 = arith.maximumf %add3A_33, %max3A_35 : vector<1000x128xf32>
    %swap3A = arith.constant 0 : index
    %swap3A_37 = arith.constant 0 : index
    %swap3A_38 = vector.load %arg7[%swap3A, %swap3A_37] : memref<1000x128xf32, #tpu.memory_space<vmem>>, vector<1000x128xf32>
    tpu.vector_store %arg7[%swap3A, %swap3A_37], %max3A_36 {strides = array<i32>} : memref<1000x128xf32, #tpu.memory_space<vmem>>, vector<1000x128xf32>,
    return
  }
  func.func @transform_0(%arg0: i32) -> (i32, i32) {
    %c0_i32 = arith.constant 0 : i32
    %c0_i32_0 = arith.constant 0 : i32
    return %arg0, %c0_i32 : i32, i32
  }
  func.func @transform_1(%arg0: i32) -> (i32, i32, i32) {
    %c0_i32 = arith.constant 0 : i32
    %c0_i32_0 = arith.constant 0 : i32
    %c0_i32_1 = arith.constant 0 : i32
    return %c0_i32, %arg0, %c0_i32_0 : i32, i32, i32
  }
  func.func @transform_2(%arg0: i32) -> (i32, i32) {
    %c0_i32 = arith.constant 0 : i32
    %c0_i32_0 = arith.constant 0 : i32
    %c0_i32_1 = arith.constant 0 : i32
    return %c0_i32, %c0_i32_0 : i32, i32
  }
  func.func @transform_3(%arg0: i32) -> (i32, i32) {
    %c0_i32 = arith.constant 0 : i32
    %c0_i32_0 = arith.constant 0 : i32
    %c0_i32_1 = arith.constant 0 : i32
    return %c0_i32, %c0_i32_0 : i32, i32
  }
  func.func @transform_4(%arg0: i32) -> (i32, i32) {
    %c0_i32 = arith.constant 0 : i32
    %c0_i32_0 = arith.constant 0 : i32
    %c0_i32_1 = arith.constant 0 : i32
    return %c0_i32, %c0_i32_0 : i32, i32
  }
  func.func @transform_5(%arg0: i32) -> (i32, i32) {
    %c0_i32 = arith.constant 0 : i32
    %c0_i32_0 = arith.constant 0 : i32
    %c0_i32_1 = arith.constant 0 : i32
    return %c0_i32, %c0_i32_0 : i32, i32
  }
  func.func @transform_6(%arg0: i32) -> (i32, i32) {
    %c0_i32 = arith.constant 0 : i32
    %c0_i32_0 = arith.constant 0 : i32
    return %arg0, %c0_i32 : i32, i32
  }
}

module attributes {stable_mosaic.version = 14 : i64} {
  func.func @_s2s_body(%arg0: memref<10000x128xf32, #tpu.memory_space<vmem>>, %arg1: memref<10000x1xi32, #tpu.memory_space<vmem>>, %arg2: memref<256x512xf32, #tpu.memory_space<vmem>>, %arg3: memref<128x512xf32, #tpu.memory_space<vmem>>, %arg4: memref<1x512xf32, #tpu.memory_space<vmem>>, %arg5: memref<256x128xf32, #tpu.memory_space<vmem>>, %arg6: memref<1x128xf32, #tpu.memory_space<vmem>>, %arg7: memref<128x16xf32, #tpu.memory_space<vmem>>, %arg8: memref<1x16xf32, #tpu.memory_space<vmem>>, %arg9: memref<128x16xf32, #tpu.memory_space<vmem>>, %arg10: memref<10000x1xf32, #tpu.memory_space<vmem>>, %arg11: memref<10000x1xf32, #tpu.memory_space<vmem>>) attributes {dimension_semantics = [], scalar_prefetch = 0 : i64, scratch_operands = 2 : i64, tpu.core_type = #tpu.core_type<tc>} {
    %iota3A = tpu.iota {dimensions = array<i32: 1>} : vector<1x128xi32>
    %broadcast_in_dim3A = arith.constant 0.000000e+00 : f32
    %broadcast_in_dim3A_0 = vector.broadcast %broadcast_in_dim3A : f32 to vector<128x256xf32>
    %broadcast_in_dim3A_1 = arith.constant 0.000000e+00 : f32
    %broadcast_in_dim3A_2 = vector.broadcast %broadcast_in_dim3A_1 : f32 to vector<128x128xf32>
    %broadcast_in_dim3A_3 = arith.constant 0.000000e+00 : f32
    %broadcast_in_dim3A_4 = vector.broadcast %broadcast_in_dim3A_3 : f32 to vector<128x128xf32>
    %get3A = arith.constant 0 : index
    %get3A_5 = arith.constant 0 : index
    %get3A_6 = vector.load %arg2[%get3A, %get3A_5] : memref<256x512xf32, #tpu.memory_space<vmem>>, vector<256x512xf32>
    %dot_general3A = arith.constant dense<0.000000e+00> : vector<128x512xf32>
    %dot_general3A_7 = tpu.matmul %broadcast_in_dim3A_0, %get3A_6, %dot_general3A {dimension_numbers = #tpu.dot_dimension_numbers<[1], [0], [0], [1], [0, 0, 1, 1], [], []>, transpose_lhs_hint = false} : vector<128x256xf32>, vector<256x512xf32>, vector<128x512xf32> -> vector<128x512xf32>
    %get3A_8 = arith.constant 0 : index
    %get3A_9 = arith.constant 0 : index
    %get3A_10 = vector.load %arg3[%get3A_8, %get3A_9] : memref<128x512xf32, #tpu.memory_space<vmem>>, vector<128x512xf32>
    %dot_general3A_11 = arith.constant dense<0.000000e+00> : vector<128x512xf32>
    %dot_general3A_12 = tpu.matmul %broadcast_in_dim3A_2, %get3A_10, %dot_general3A_11 {dimension_numbers = #tpu.dot_dimension_numbers<[1], [0], [0], [1], [0, 0, 1, 1], [], []>, transpose_lhs_hint = false} : vector<128x128xf32>, vector<128x512xf32>, vector<128x512xf32> -> vector<128x512xf32>
    %add3A = arith.addf %dot_general3A_7, %dot_general3A_12 : vector<128x512xf32>
    %get3A_13 = arith.constant 0 : index
    %get3A_14 = arith.constant 0 : index
    %get3A_15 = vector.load %arg4[%get3A_13, %get3A_14] : memref<1x512xf32, #tpu.memory_space<vmem>>, vector<1x512xf32>
    %add3A_16 = vector.broadcast %get3A_15 : vector<1x512xf32> to vector<128x512xf32>
    %add3A_17 = arith.addf %add3A, %add3A_16 : vector<128x512xf32>
    %slice3A = vector.extract_strided_slice %add3A_17 {offsets = [0, 0], sizes = [128, 128], strides = [1, 1]} : vector<128x512xf32> to vector<128x128xf32>
    %logistic3A = arith.negf %slice3A : vector<128x128xf32>
    %logistic3A_18 = math.exp %logistic3A : vector<128x128xf32>
    %logistic3A_19 = arith.constant 1.000000e+00 : f32
    %logistic3A_20 = vector.broadcast %logistic3A_19 : f32 to vector<128x128xf32>
    %logistic3A_21 = arith.addf %logistic3A_20, %logistic3A_18 : vector<128x128xf32>
    %logistic3A_22 = arith.divf %logistic3A_20, %logistic3A_21 : vector<128x128xf32>
    %slice3A_23 = vector.extract_strided_slice %add3A_17 {offsets = [0, 128], sizes = [128, 128], strides = [1, 1]} : vector<128x512xf32> to vector<128x128xf32>
    %logistic3A_24 = arith.negf %slice3A_23 : vector<128x128xf32>
    %logistic3A_25 = math.exp %logistic3A_24 : vector<128x128xf32>
    %logistic3A_26 = arith.constant 1.000000e+00 : f32
    %logistic3A_27 = vector.broadcast %logistic3A_26 : f32 to vector<128x128xf32>
    %logistic3A_28 = arith.addf %logistic3A_27, %logistic3A_25 : vector<128x128xf32>
    %logistic3A_29 = arith.divf %logistic3A_27, %logistic3A_28 : vector<128x128xf32>
    %slice3A_30 = vector.extract_strided_slice %add3A_17 {offsets = [0, 256], sizes = [128, 128], strides = [1, 1]} : vector<128x512xf32> to vector<128x128xf32>
    %tanh3A = math.tanh %slice3A_30 : vector<128x128xf32>
    %slice3A_31 = vector.extract_strided_slice %add3A_17 {offsets = [0, 384], sizes = [128, 128], strides = [1, 1]} : vector<128x512xf32> to vector<128x128xf32>
    %logistic3A_32 = arith.negf %slice3A_31 : vector<128x128xf32>
    %logistic3A_33 = math.exp %logistic3A_32 : vector<128x128xf32>
    %logistic3A_34 = arith.constant 1.000000e+00 : f32
    %logistic3A_35 = vector.broadcast %logistic3A_34 : f32 to vector<128x128xf32>
    %logistic3A_36 = arith.addf %logistic3A_35, %logistic3A_33 : vector<128x128xf32>
    %logistic3A_37 = arith.divf %logistic3A_35, %logistic3A_36 : vector<128x128xf32>
    %mul3A = arith.mulf %logistic3A_29, %broadcast_in_dim3A_4 : vector<128x128xf32>
    %mul3A_38 = arith.mulf %logistic3A_22, %tanh3A : vector<128x128xf32>
    %add3A_39 = arith.addf %mul3A, %mul3A_38 : vector<128x128xf32>
    %tanh3A_40 = math.tanh %add3A_39 : vector<128x128xf32>
    %mul3A_41 = arith.mulf %logistic3A_37, %tanh3A_40 : vector<128x128xf32>
    %broadcast_in_dim3A_42 = arith.constant -1.000000e+30 : f32
    %broadcast_in_dim3A_43 = vector.broadcast %broadcast_in_dim3A_42 : f32 to vector<1x128xf32>
    %scan3A = arith.constant 0 : i32
    %scan3A_44 = arith.constant 10 : i32
    %scan3A_45 = arith.addi %scan3A, %scan3A_44 : i32
    %scan3A_46 = arith.constant 1 : i32
    %scan3A_47 = scf.for %scan3A_467 = %scan3A to %scan3A_45 step %scan3A_46 iter_args(%scan3A_468 = %broadcast_in_dim3A_43) -> (vector<1x128xf32>)  : i32 {
      %mul3A_469 = arith.constant 1000 : i32
      %mul3A_470 = arith.muli %scan3A_467, %mul3A_469 : i32
      %get3A_471 = arith.index_cast %mul3A_470 : i32 to index
      %get3A_472 = arith.constant 0 : index
      %get3A_473 = vector.load %arg0[%get3A_471, %get3A_472] : memref<10000x128xf32, #tpu.memory_space<vmem>>, vector<1000x128xf32>
      %mul3A_474 = arith.constant 1000 : i32
      %mul3A_475 = arith.muli %scan3A_467, %mul3A_474 : i32
      %get3A_476 = arith.index_cast %mul3A_475 : i32 to index
      %get3A_477 = arith.constant 0 : index
      %get3A_478 = vector.load %arg1[%get3A_476, %get3A_477] : memref<10000x1xi32, #tpu.memory_space<vmem>>, vector<1000x1xi32>
      %eq3A = vector.broadcast %get3A_478 : vector<1000x1xi32> to vector<1000x128xi32>
      %eq3A_479 = vector.broadcast %iota3A : vector<1x128xi32> to vector<1000x128xi32>
      %eq3A_480 = arith.cmpi eq, %eq3A, %eq3A_479 : vector<1000x128xi32>
      %jit3A_481 = arith.constant 1.000000e+00 : f32
      %jit3A_482 = arith.constant 0.000000e+00 : f32
      %broadcast_in_dim3A_483 = vector.broadcast %jit3A_481 : f32 to vector<1000x128xf32>
      %broadcast_in_dim3A_484 = vector.broadcast %jit3A_482 : f32 to vector<1000x128xf32>
      %select_n3A_485 = arith.select %eq3A_480, %broadcast_in_dim3A_483, %broadcast_in_dim3A_484 : vector<1000x128xi1>, vector<1000x128xf32>
      %dot_general3A_486 = arith.constant dense<0.000000e+00> : vector<1000x128xf32>
      %dot_general3A_487 = tpu.matmul %select_n3A_485, %mul3A_41, %dot_general3A_486 {dimension_numbers = #tpu.dot_dimension_numbers<[1], [0], [0], [1], [0, 0, 1, 1], [], []>, precision = #tpu.contract_precision<fp32>, transpose_lhs_hint = false} : vector<1000x128xf32>, vector<128x128xf32>, vector<1000x128xf32> -> vector<1000x128xf32>
      %mul3A_488 = arith.mulf %get3A_473, %dot_general3A_487 : vector<1000x128xf32>
      %reduce_sum3A = arith.constant dense<0.000000e+00> : vector<1000xf32>
      %reduce_sum3A_489 = vector.multi_reduction <add>, %mul3A_488, %reduce_sum3A [1] : vector<1000x128xf32> to vector<1000xf32>
      %broadcast_in_dim3A_490 = vector.shape_cast %reduce_sum3A_489 : vector<1000xf32> to vector<1000x1xf32>
      %mul3A_491 = arith.constant 1000 : i32
      %mul3A_492 = arith.muli %scan3A_467, %mul3A_491 : i32
      %swap3A_493 = arith.index_cast %mul3A_492 : i32 to index
      %swap3A_494 = arith.constant 0 : index
      %swap3A_495 = vector.load %arg10[%swap3A_493, %swap3A_494] : memref<10000x1xf32, #tpu.memory_space<vmem>>, vector<1000x1xf32>
      tpu.vector_store %arg10[%swap3A_493, %swap3A_494], %broadcast_in_dim3A_490 {strides = array<i32>} : memref<10000x1xf32, #tpu.memory_space<vmem>>, vector<1000x1xf32>,
      %jit3A_496 = arith.constant -1.000000e+30 : f32
      %broadcast_in_dim3A_497 = vector.shape_cast %broadcast_in_dim3A_490 : vector<1000x1xf32> to vector<1000x1xf32>
      %broadcast_in_dim3A_498 = vector.broadcast %broadcast_in_dim3A_497 : vector<1000x1xf32> to vector<1000x128xf32>
      %broadcast_in_dim3A_499 = vector.broadcast %jit3A_496 : f32 to vector<1000x128xf32>
      %select_n3A_500 = arith.select %eq3A_480, %broadcast_in_dim3A_498, %broadcast_in_dim3A_499 : vector<1000x128xi1>, vector<1000x128xf32>
      %reduce_max3A = arith.constant dense<0xFF800000> : vector<128xf32>
      %reduce_max3A_501 = vector.multi_reduction <maximumf>, %select_n3A_500, %reduce_max3A [0] : vector<1000x128xf32> to vector<128xf32>
      %broadcast_in_dim3A_502 = vector.shape_cast %reduce_max3A_501 : vector<128xf32> to vector<1x128xf32>
      %max3A_503 = arith.maximumf %scan3A_468, %broadcast_in_dim3A_502 : vector<1x128xf32>
      scf.yield %max3A_503 : vector<1x128xf32>
    }
    %scan3A_48 = arith.constant 10 : i32
    %lt3A = arith.constant -1.000000e+29 : f32
    %lt3A_49 = vector.broadcast %lt3A : f32 to vector<1x128xf32>
    %lt3A_50 = arith.cmpf olt, %scan3A_47, %lt3A_49 : vector<1x128xf32>
    %jit3A = arith.constant 0.000000e+00 : f32
    %broadcast_in_dim3A_51 = vector.broadcast %jit3A : f32 to vector<1x128xf32>
    %select_n3A = arith.select %lt3A_50, %broadcast_in_dim3A_51, %scan3A_47 : vector<1x128xi1>, vector<1x128xf32>
    %broadcast_in_dim3A_52 = arith.constant 0.000000e+00 : f32
    %broadcast_in_dim3A_53 = vector.broadcast %broadcast_in_dim3A_52 : f32 to vector<1x128xf32>
    %scan3A_54 = arith.constant 0 : i32
    %scan3A_55 = arith.constant 10 : i32
    %scan3A_56 = arith.addi %scan3A_54, %scan3A_55 : i32
    %scan3A_57 = arith.constant 1 : i32
    %scan3A_58 = scf.for %scan3A_467 = %scan3A_54 to %scan3A_56 step %scan3A_57 iter_args(%scan3A_468 = %broadcast_in_dim3A_53) -> (vector<1x128xf32>)  : i32 {
      %mul3A_469 = arith.constant 1000 : i32
      %mul3A_470 = arith.muli %scan3A_467, %mul3A_469 : i32
      %get3A_471 = arith.index_cast %mul3A_470 : i32 to index
      %get3A_472 = arith.constant 0 : index
      %get3A_473 = vector.load %arg1[%get3A_471, %get3A_472] : memref<10000x1xi32, #tpu.memory_space<vmem>>, vector<1000x1xi32>
      %eq3A = vector.broadcast %get3A_473 : vector<1000x1xi32> to vector<1000x128xi32>
      %eq3A_474 = vector.broadcast %iota3A : vector<1x128xi32> to vector<1000x128xi32>
      %eq3A_475 = arith.cmpi eq, %eq3A, %eq3A_474 : vector<1000x128xi32>
      %mul3A_476 = arith.constant 1000 : i32
      %mul3A_477 = arith.muli %scan3A_467, %mul3A_476 : i32
      %get3A_478 = arith.index_cast %mul3A_477 : i32 to index
      %get3A_479 = arith.constant 0 : index
      %get3A_480 = vector.load %arg10[%get3A_478, %get3A_479] : memref<10000x1xf32, #tpu.memory_space<vmem>>, vector<1000x1xf32>
      %jit3A_481 = arith.constant 0.000000e+00 : f32
      %broadcast_in_dim3A_482 = vector.shape_cast %select_n3A : vector<1x128xf32> to vector<1x128xf32>
      %broadcast_in_dim3A_483 = vector.broadcast %broadcast_in_dim3A_482 : vector<1x128xf32> to vector<1000x128xf32>
      %broadcast_in_dim3A_484 = vector.broadcast %jit3A_481 : f32 to vector<1000x128xf32>
      %select_n3A_485 = arith.select %eq3A_475, %broadcast_in_dim3A_483, %broadcast_in_dim3A_484 : vector<1000x128xi1>, vector<1000x128xf32>
      %reduce_sum3A = arith.constant dense<0.000000e+00> : vector<1000xf32>
      %reduce_sum3A_486 = vector.multi_reduction <add>, %select_n3A_485, %reduce_sum3A [1] : vector<1000x128xf32> to vector<1000xf32>
      %broadcast_in_dim3A_487 = vector.shape_cast %reduce_sum3A_486 : vector<1000xf32> to vector<1000x1xf32>
      %sub3A = arith.subf %get3A_480, %broadcast_in_dim3A_487 : vector<1000x1xf32>
      %exp3A = math.exp %sub3A : vector<1000x1xf32>
      %mul3A_488 = arith.constant 1000 : i32
      %mul3A_489 = arith.muli %scan3A_467, %mul3A_488 : i32
      %swap3A_490 = arith.index_cast %mul3A_489 : i32 to index
      %swap3A_491 = arith.constant 0 : index
      %swap3A_492 = vector.load %arg11[%swap3A_490, %swap3A_491] : memref<10000x1xf32, #tpu.memory_space<vmem>>, vector<1000x1xf32>
      tpu.vector_store %arg11[%swap3A_490, %swap3A_491], %exp3A {strides = array<i32>} : memref<10000x1xf32, #tpu.memory_space<vmem>>, vector<1000x1xf32>,
      %jit3A_493 = arith.constant 0.000000e+00 : f32
      %broadcast_in_dim3A_494 = vector.shape_cast %exp3A : vector<1000x1xf32> to vector<1000x1xf32>
      %broadcast_in_dim3A_495 = vector.broadcast %broadcast_in_dim3A_494 : vector<1000x1xf32> to vector<1000x128xf32>
      %broadcast_in_dim3A_496 = vector.broadcast %jit3A_493 : f32 to vector<1000x128xf32>
      %select_n3A_497 = arith.select %eq3A_475, %broadcast_in_dim3A_495, %broadcast_in_dim3A_496 : vector<1000x128xi1>, vector<1000x128xf32>
      %reduce_sum3A_498 = arith.constant dense<0.000000e+00> : vector<128xf32>
      %reduce_sum3A_499 = vector.multi_reduction <add>, %select_n3A_497, %reduce_sum3A_498 [0] : vector<1000x128xf32> to vector<128xf32>
      %broadcast_in_dim3A_500 = vector.shape_cast %reduce_sum3A_499 : vector<128xf32> to vector<1x128xf32>
      %add3A_501 = arith.addf %scan3A_468, %broadcast_in_dim3A_500 : vector<1x128xf32>
      scf.yield %add3A_501 : vector<1x128xf32>
    }
    %scan3A_59 = arith.constant 10 : i32
    %broadcast_in_dim3A_60 = arith.constant 0.000000e+00 : f32
    %broadcast_in_dim3A_61 = vector.broadcast %broadcast_in_dim3A_60 : f32 to vector<128x128xf32>
    %scan3A_62 = arith.constant 0 : i32
    %scan3A_63 = arith.constant 10 : i32
    %scan3A_64 = arith.addi %scan3A_62, %scan3A_63 : i32
    %scan3A_65 = arith.constant 1 : i32
    %scan3A_66 = scf.for %scan3A_467 = %scan3A_62 to %scan3A_64 step %scan3A_65 iter_args(%scan3A_468 = %broadcast_in_dim3A_61) -> (vector<128x128xf32>)  : i32 {
      %mul3A_469 = arith.constant 1000 : i32
      %mul3A_470 = arith.muli %scan3A_467, %mul3A_469 : i32
      %get3A_471 = arith.index_cast %mul3A_470 : i32 to index
      %get3A_472 = arith.constant 0 : index
      %get3A_473 = vector.load %arg0[%get3A_471, %get3A_472] : memref<10000x128xf32, #tpu.memory_space<vmem>>, vector<1000x128xf32>
      %mul3A_474 = arith.constant 1000 : i32
      %mul3A_475 = arith.muli %scan3A_467, %mul3A_474 : i32
      %get3A_476 = arith.index_cast %mul3A_475 : i32 to index
      %get3A_477 = arith.constant 0 : index
      %get3A_478 = vector.load %arg1[%get3A_476, %get3A_477] : memref<10000x1xi32, #tpu.memory_space<vmem>>, vector<1000x1xi32>
      %eq3A = vector.broadcast %get3A_478 : vector<1000x1xi32> to vector<1000x128xi32>
      %eq3A_479 = vector.broadcast %iota3A : vector<1x128xi32> to vector<1000x128xi32>
      %eq3A_480 = arith.cmpi eq, %eq3A, %eq3A_479 : vector<1000x128xi32>
      %mul3A_481 = arith.constant 1000 : i32
      %mul3A_482 = arith.muli %scan3A_467, %mul3A_481 : i32
      %get3A_483 = arith.index_cast %mul3A_482 : i32 to index
      %get3A_484 = arith.constant 0 : index
      %get3A_485 = vector.load %arg11[%get3A_483, %get3A_484] : memref<10000x1xf32, #tpu.memory_space<vmem>>, vector<1000x1xf32>
      %jit3A_486 = arith.constant 0.000000e+00 : f32
      %broadcast_in_dim3A_487 = vector.shape_cast %scan3A_58 : vector<1x128xf32> to vector<1x128xf32>
      %broadcast_in_dim3A_488 = vector.broadcast %broadcast_in_dim3A_487 : vector<1x128xf32> to vector<1000x128xf32>
      %broadcast_in_dim3A_489 = vector.broadcast %jit3A_486 : f32 to vector<1000x128xf32>
      %select_n3A_490 = arith.select %eq3A_480, %broadcast_in_dim3A_488, %broadcast_in_dim3A_489 : vector<1000x128xi1>, vector<1000x128xf32>
      %reduce_sum3A = arith.constant dense<0.000000e+00> : vector<1000xf32>
      %reduce_sum3A_491 = vector.multi_reduction <add>, %select_n3A_490, %reduce_sum3A [1] : vector<1000x128xf32> to vector<1000xf32>
      %broadcast_in_dim3A_492 = vector.shape_cast %reduce_sum3A_491 : vector<1000xf32> to vector<1000x1xf32>
      %add3A_493 = arith.constant 1.000000e-16 : f32
      %add3A_494 = vector.broadcast %add3A_493 : f32 to vector<1000x1xf32>
      %add3A_495 = arith.addf %broadcast_in_dim3A_492, %add3A_494 : vector<1000x1xf32>
      %div3A = arith.divf %get3A_485, %add3A_495 : vector<1000x1xf32>
      %jit3A_496 = arith.constant 1.000000e+00 : f32
      %jit3A_497 = arith.constant 0.000000e+00 : f32
      %broadcast_in_dim3A_498 = vector.broadcast %jit3A_496 : f32 to vector<1000x128xf32>
      %broadcast_in_dim3A_499 = vector.broadcast %jit3A_497 : f32 to vector<1000x128xf32>
      %select_n3A_500 = arith.select %eq3A_480, %broadcast_in_dim3A_498, %broadcast_in_dim3A_499 : vector<1000x128xi1>, vector<1000x128xf32>
      %mul3A_501 = vector.broadcast %div3A : vector<1000x1xf32> to vector<1000x128xf32>
      %mul3A_502 = arith.mulf %mul3A_501, %get3A_473 : vector<1000x128xf32>
      %dot_general3A_503 = arith.constant dense<0.000000e+00> : vector<128x128xf32>
      %dot_general3A_504 = tpu.matmul %select_n3A_500, %mul3A_502, %dot_general3A_503 {dimension_numbers = #tpu.dot_dimension_numbers<[0], [0], [1], [1], [0, 1, 1, 1], [], []>, precision = #tpu.contract_precision<fp32>, transpose_lhs_hint = false} : vector<1000x128xf32>, vector<1000x128xf32>, vector<128x128xf32> -> vector<128x128xf32>
      %add3A_505 = arith.addf %scan3A_468, %dot_general3A_504 : vector<128x128xf32>
      scf.yield %add3A_505 : vector<128x128xf32>
    }
    %scan3A_67 = arith.constant 10 : i32
    %concatenate3A = tpu.concatenate %mul3A_41, %scan3A_66 in 1 : vector<128x128xf32>, vector<128x128xf32> -> vector<128x256xf32>
    %get3A_68 = arith.constant 0 : index
    %get3A_69 = arith.constant 0 : index
    %get3A_70 = vector.load %arg2[%get3A_68, %get3A_69] : memref<256x512xf32, #tpu.memory_space<vmem>>, vector<256x512xf32>
    %dot_general3A_71 = arith.constant dense<0.000000e+00> : vector<128x512xf32>
    %dot_general3A_72 = tpu.matmul %concatenate3A, %get3A_70, %dot_general3A_71 {dimension_numbers = #tpu.dot_dimension_numbers<[1], [0], [0], [1], [0, 0, 1, 1], [], []>, transpose_lhs_hint = false} : vector<128x256xf32>, vector<256x512xf32>, vector<128x512xf32> -> vector<128x512xf32>
    %get3A_73 = arith.constant 0 : index
    %get3A_74 = arith.constant 0 : index
    %get3A_75 = vector.load %arg3[%get3A_73, %get3A_74] : memref<128x512xf32, #tpu.memory_space<vmem>>, vector<128x512xf32>
    %dot_general3A_76 = arith.constant dense<0.000000e+00> : vector<128x512xf32>
    %dot_general3A_77 = tpu.matmul %mul3A_41, %get3A_75, %dot_general3A_76 {dimension_numbers = #tpu.dot_dimension_numbers<[1], [0], [0], [1], [0, 0, 1, 1], [], []>, transpose_lhs_hint = false} : vector<128x128xf32>, vector<128x512xf32>, vector<128x512xf32> -> vector<128x512xf32>
    %add3A_78 = arith.addf %dot_general3A_72, %dot_general3A_77 : vector<128x512xf32>
    %get3A_79 = arith.constant 0 : index
    %get3A_80 = arith.constant 0 : index
    %get3A_81 = vector.load %arg4[%get3A_79, %get3A_80] : memref<1x512xf32, #tpu.memory_space<vmem>>, vector<1x512xf32>
    %add3A_82 = vector.broadcast %get3A_81 : vector<1x512xf32> to vector<128x512xf32>
    %add3A_83 = arith.addf %add3A_78, %add3A_82 : vector<128x512xf32>
    %slice3A_84 = vector.extract_strided_slice %add3A_83 {offsets = [0, 0], sizes = [128, 128], strides = [1, 1]} : vector<128x512xf32> to vector<128x128xf32>
    %logistic3A_85 = arith.negf %slice3A_84 : vector<128x128xf32>
    %logistic3A_86 = math.exp %logistic3A_85 : vector<128x128xf32>
    %logistic3A_87 = arith.constant 1.000000e+00 : f32
    %logistic3A_88 = vector.broadcast %logistic3A_87 : f32 to vector<128x128xf32>
    %logistic3A_89 = arith.addf %logistic3A_88, %logistic3A_86 : vector<128x128xf32>
    %logistic3A_90 = arith.divf %logistic3A_88, %logistic3A_89 : vector<128x128xf32>
    %slice3A_91 = vector.extract_strided_slice %add3A_83 {offsets = [0, 128], sizes = [128, 128], strides = [1, 1]} : vector<128x512xf32> to vector<128x128xf32>
    %logistic3A_92 = arith.negf %slice3A_91 : vector<128x128xf32>
    %logistic3A_93 = math.exp %logistic3A_92 : vector<128x128xf32>
    %logistic3A_94 = arith.constant 1.000000e+00 : f32
    %logistic3A_95 = vector.broadcast %logistic3A_94 : f32 to vector<128x128xf32>
    %logistic3A_96 = arith.addf %logistic3A_95, %logistic3A_93 : vector<128x128xf32>
    %logistic3A_97 = arith.divf %logistic3A_95, %logistic3A_96 : vector<128x128xf32>
    %slice3A_98 = vector.extract_strided_slice %add3A_83 {offsets = [0, 256], sizes = [128, 128], strides = [1, 1]} : vector<128x512xf32> to vector<128x128xf32>
    %tanh3A_99 = math.tanh %slice3A_98 : vector<128x128xf32>
    %slice3A_100 = vector.extract_strided_slice %add3A_83 {offsets = [0, 384], sizes = [128, 128], strides = [1, 1]} : vector<128x512xf32> to vector<128x128xf32>
    %logistic3A_101 = arith.negf %slice3A_100 : vector<128x128xf32>
    %logistic3A_102 = math.exp %logistic3A_101 : vector<128x128xf32>
    %logistic3A_103 = arith.constant 1.000000e+00 : f32
    %logistic3A_104 = vector.broadcast %logistic3A_103 : f32 to vector<128x128xf32>
    %logistic3A_105 = arith.addf %logistic3A_104, %logistic3A_102 : vector<128x128xf32>
    %logistic3A_106 = arith.divf %logistic3A_104, %logistic3A_105 : vector<128x128xf32>
    %mul3A_107 = arith.mulf %logistic3A_97, %add3A_39 : vector<128x128xf32>
    %mul3A_108 = arith.mulf %logistic3A_90, %tanh3A_99 : vector<128x128xf32>
    %add3A_109 = arith.addf %mul3A_107, %mul3A_108 : vector<128x128xf32>
    %tanh3A_110 = math.tanh %add3A_109 : vector<128x128xf32>
    %mul3A_111 = arith.mulf %logistic3A_106, %tanh3A_110 : vector<128x128xf32>
    %broadcast_in_dim3A_112 = arith.constant -1.000000e+30 : f32
    %broadcast_in_dim3A_113 = vector.broadcast %broadcast_in_dim3A_112 : f32 to vector<1x128xf32>
    %scan3A_114 = arith.constant 0 : i32
    %scan3A_115 = arith.constant 10 : i32
    %scan3A_116 = arith.addi %scan3A_114, %scan3A_115 : i32
    %scan3A_117 = arith.constant 1 : i32
    %scan3A_118 = scf.for %scan3A_467 = %scan3A_114 to %scan3A_116 step %scan3A_117 iter_args(%scan3A_468 = %broadcast_in_dim3A_113) -> (vector<1x128xf32>)  : i32 {
      %mul3A_469 = arith.constant 1000 : i32
      %mul3A_470 = arith.muli %scan3A_467, %mul3A_469 : i32
      %get3A_471 = arith.index_cast %mul3A_470 : i32 to index
      %get3A_472 = arith.constant 0 : index
      %get3A_473 = vector.load %arg0[%get3A_471, %get3A_472] : memref<10000x128xf32, #tpu.memory_space<vmem>>, vector<1000x128xf32>
      %mul3A_474 = arith.constant 1000 : i32
      %mul3A_475 = arith.muli %scan3A_467, %mul3A_474 : i32
      %get3A_476 = arith.index_cast %mul3A_475 : i32 to index
      %get3A_477 = arith.constant 0 : index
      %get3A_478 = vector.load %arg1[%get3A_476, %get3A_477] : memref<10000x1xi32, #tpu.memory_space<vmem>>, vector<1000x1xi32>
      %eq3A = vector.broadcast %get3A_478 : vector<1000x1xi32> to vector<1000x128xi32>
      %eq3A_479 = vector.broadcast %iota3A : vector<1x128xi32> to vector<1000x128xi32>
      %eq3A_480 = arith.cmpi eq, %eq3A, %eq3A_479 : vector<1000x128xi32>
      %jit3A_481 = arith.constant 1.000000e+00 : f32
      %jit3A_482 = arith.constant 0.000000e+00 : f32
      %broadcast_in_dim3A_483 = vector.broadcast %jit3A_481 : f32 to vector<1000x128xf32>
      %broadcast_in_dim3A_484 = vector.broadcast %jit3A_482 : f32 to vector<1000x128xf32>
      %select_n3A_485 = arith.select %eq3A_480, %broadcast_in_dim3A_483, %broadcast_in_dim3A_484 : vector<1000x128xi1>, vector<1000x128xf32>
      %dot_general3A_486 = arith.constant dense<0.000000e+00> : vector<1000x128xf32>
      %dot_general3A_487 = tpu.matmul %select_n3A_485, %mul3A_111, %dot_general3A_486 {dimension_numbers = #tpu.dot_dimension_numbers<[1], [0], [0], [1], [0, 0, 1, 1], [], []>, precision = #tpu.contract_precision<fp32>, transpose_lhs_hint = false} : vector<1000x128xf32>, vector<128x128xf32>, vector<1000x128xf32> -> vector<1000x128xf32>
      %mul3A_488 = arith.mulf %get3A_473, %dot_general3A_487 : vector<1000x128xf32>
      %reduce_sum3A = arith.constant dense<0.000000e+00> : vector<1000xf32>
      %reduce_sum3A_489 = vector.multi_reduction <add>, %mul3A_488, %reduce_sum3A [1] : vector<1000x128xf32> to vector<1000xf32>
      %broadcast_in_dim3A_490 = vector.shape_cast %reduce_sum3A_489 : vector<1000xf32> to vector<1000x1xf32>
      %mul3A_491 = arith.constant 1000 : i32
      %mul3A_492 = arith.muli %scan3A_467, %mul3A_491 : i32
      %swap3A_493 = arith.index_cast %mul3A_492 : i32 to index
      %swap3A_494 = arith.constant 0 : index
      %swap3A_495 = vector.load %arg10[%swap3A_493, %swap3A_494] : memref<10000x1xf32, #tpu.memory_space<vmem>>, vector<1000x1xf32>
      tpu.vector_store %arg10[%swap3A_493, %swap3A_494], %broadcast_in_dim3A_490 {strides = array<i32>} : memref<10000x1xf32, #tpu.memory_space<vmem>>, vector<1000x1xf32>,
      %jit3A_496 = arith.constant -1.000000e+30 : f32
      %broadcast_in_dim3A_497 = vector.shape_cast %broadcast_in_dim3A_490 : vector<1000x1xf32> to vector<1000x1xf32>
      %broadcast_in_dim3A_498 = vector.broadcast %broadcast_in_dim3A_497 : vector<1000x1xf32> to vector<1000x128xf32>
      %broadcast_in_dim3A_499 = vector.broadcast %jit3A_496 : f32 to vector<1000x128xf32>
      %select_n3A_500 = arith.select %eq3A_480, %broadcast_in_dim3A_498, %broadcast_in_dim3A_499 : vector<1000x128xi1>, vector<1000x128xf32>
      %reduce_max3A = arith.constant dense<0xFF800000> : vector<128xf32>
      %reduce_max3A_501 = vector.multi_reduction <maximumf>, %select_n3A_500, %reduce_max3A [0] : vector<1000x128xf32> to vector<128xf32>
      %broadcast_in_dim3A_502 = vector.shape_cast %reduce_max3A_501 : vector<128xf32> to vector<1x128xf32>
      %max3A_503 = arith.maximumf %scan3A_468, %broadcast_in_dim3A_502 : vector<1x128xf32>
      scf.yield %max3A_503 : vector<1x128xf32>
    }
    %scan3A_119 = arith.constant 10 : i32
    %lt3A_120 = arith.constant -1.000000e+29 : f32
    %lt3A_121 = vector.broadcast %lt3A_120 : f32 to vector<1x128xf32>
    %lt3A_122 = arith.cmpf olt, %scan3A_118, %lt3A_121 : vector<1x128xf32>
    %jit3A_123 = arith.constant 0.000000e+00 : f32
    %broadcast_in_dim3A_124 = vector.broadcast %jit3A_123 : f32 to vector<1x128xf32>
    %select_n3A_125 = arith.select %lt3A_122, %broadcast_in_dim3A_124, %scan3A_118 : vector<1x128xi1>, vector<1x128xf32>
    %broadcast_in_dim3A_126 = arith.constant 0.000000e+00 : f32
    %broadcast_in_dim3A_127 = vector.broadcast %broadcast_in_dim3A_126 : f32 to vector<1x128xf32>
    %scan3A_128 = arith.constant 0 : i32
    %scan3A_129 = arith.constant 10 : i32
    %scan3A_130 = arith.addi %scan3A_128, %scan3A_129 : i32
    %scan3A_131 = arith.constant 1 : i32
    %scan3A_132 = scf.for %scan3A_467 = %scan3A_128 to %scan3A_130 step %scan3A_131 iter_args(%scan3A_468 = %broadcast_in_dim3A_127) -> (vector<1x128xf32>)  : i32 {
      %mul3A_469 = arith.constant 1000 : i32
      %mul3A_470 = arith.muli %scan3A_467, %mul3A_469 : i32
      %get3A_471 = arith.index_cast %mul3A_470 : i32 to index
      %get3A_472 = arith.constant 0 : index
      %get3A_473 = vector.load %arg1[%get3A_471, %get3A_472] : memref<10000x1xi32, #tpu.memory_space<vmem>>, vector<1000x1xi32>
      %eq3A = vector.broadcast %get3A_473 : vector<1000x1xi32> to vector<1000x128xi32>
      %eq3A_474 = vector.broadcast %iota3A : vector<1x128xi32> to vector<1000x128xi32>
      %eq3A_475 = arith.cmpi eq, %eq3A, %eq3A_474 : vector<1000x128xi32>
      %mul3A_476 = arith.constant 1000 : i32
      %mul3A_477 = arith.muli %scan3A_467, %mul3A_476 : i32
      %get3A_478 = arith.index_cast %mul3A_477 : i32 to index
      %get3A_479 = arith.constant 0 : index
      %get3A_480 = vector.load %arg10[%get3A_478, %get3A_479] : memref<10000x1xf32, #tpu.memory_space<vmem>>, vector<1000x1xf32>
      %jit3A_481 = arith.constant 0.000000e+00 : f32
      %broadcast_in_dim3A_482 = vector.shape_cast %select_n3A_125 : vector<1x128xf32> to vector<1x128xf32>
      %broadcast_in_dim3A_483 = vector.broadcast %broadcast_in_dim3A_482 : vector<1x128xf32> to vector<1000x128xf32>
      %broadcast_in_dim3A_484 = vector.broadcast %jit3A_481 : f32 to vector<1000x128xf32>
      %select_n3A_485 = arith.select %eq3A_475, %broadcast_in_dim3A_483, %broadcast_in_dim3A_484 : vector<1000x128xi1>, vector<1000x128xf32>
      %reduce_sum3A = arith.constant dense<0.000000e+00> : vector<1000xf32>
      %reduce_sum3A_486 = vector.multi_reduction <add>, %select_n3A_485, %reduce_sum3A [1] : vector<1000x128xf32> to vector<1000xf32>
      %broadcast_in_dim3A_487 = vector.shape_cast %reduce_sum3A_486 : vector<1000xf32> to vector<1000x1xf32>
      %sub3A = arith.subf %get3A_480, %broadcast_in_dim3A_487 : vector<1000x1xf32>
      %exp3A = math.exp %sub3A : vector<1000x1xf32>
      %mul3A_488 = arith.constant 1000 : i32
      %mul3A_489 = arith.muli %scan3A_467, %mul3A_488 : i32
      %swap3A_490 = arith.index_cast %mul3A_489 : i32 to index
      %swap3A_491 = arith.constant 0 : index
      %swap3A_492 = vector.load %arg11[%swap3A_490, %swap3A_491] : memref<10000x1xf32, #tpu.memory_space<vmem>>, vector<1000x1xf32>
      tpu.vector_store %arg11[%swap3A_490, %swap3A_491], %exp3A {strides = array<i32>} : memref<10000x1xf32, #tpu.memory_space<vmem>>, vector<1000x1xf32>,
      %jit3A_493 = arith.constant 0.000000e+00 : f32
      %broadcast_in_dim3A_494 = vector.shape_cast %exp3A : vector<1000x1xf32> to vector<1000x1xf32>
      %broadcast_in_dim3A_495 = vector.broadcast %broadcast_in_dim3A_494 : vector<1000x1xf32> to vector<1000x128xf32>
      %broadcast_in_dim3A_496 = vector.broadcast %jit3A_493 : f32 to vector<1000x128xf32>
      %select_n3A_497 = arith.select %eq3A_475, %broadcast_in_dim3A_495, %broadcast_in_dim3A_496 : vector<1000x128xi1>, vector<1000x128xf32>
      %reduce_sum3A_498 = arith.constant dense<0.000000e+00> : vector<128xf32>
      %reduce_sum3A_499 = vector.multi_reduction <add>, %select_n3A_497, %reduce_sum3A_498 [0] : vector<1000x128xf32> to vector<128xf32>
      %broadcast_in_dim3A_500 = vector.shape_cast %reduce_sum3A_499 : vector<128xf32> to vector<1x128xf32>
      %add3A_501 = arith.addf %scan3A_468, %broadcast_in_dim3A_500 : vector<1x128xf32>
      scf.yield %add3A_501 : vector<1x128xf32>
    }
    %scan3A_133 = arith.constant 10 : i32
    %broadcast_in_dim3A_134 = arith.constant 0.000000e+00 : f32
    %broadcast_in_dim3A_135 = vector.broadcast %broadcast_in_dim3A_134 : f32 to vector<128x128xf32>
    %scan3A_136 = arith.constant 0 : i32
    %scan3A_137 = arith.constant 10 : i32
    %scan3A_138 = arith.addi %scan3A_136, %scan3A_137 : i32
    %scan3A_139 = arith.constant 1 : i32
    %scan3A_140 = scf.for %scan3A_467 = %scan3A_136 to %scan3A_138 step %scan3A_139 iter_args(%scan3A_468 = %broadcast_in_dim3A_135) -> (vector<128x128xf32>)  : i32 {
      %mul3A_469 = arith.constant 1000 : i32
      %mul3A_470 = arith.muli %scan3A_467, %mul3A_469 : i32
      %get3A_471 = arith.index_cast %mul3A_470 : i32 to index
      %get3A_472 = arith.constant 0 : index
      %get3A_473 = vector.load %arg0[%get3A_471, %get3A_472] : memref<10000x128xf32, #tpu.memory_space<vmem>>, vector<1000x128xf32>
      %mul3A_474 = arith.constant 1000 : i32
      %mul3A_475 = arith.muli %scan3A_467, %mul3A_474 : i32
      %get3A_476 = arith.index_cast %mul3A_475 : i32 to index
      %get3A_477 = arith.constant 0 : index
      %get3A_478 = vector.load %arg1[%get3A_476, %get3A_477] : memref<10000x1xi32, #tpu.memory_space<vmem>>, vector<1000x1xi32>
      %eq3A = vector.broadcast %get3A_478 : vector<1000x1xi32> to vector<1000x128xi32>
      %eq3A_479 = vector.broadcast %iota3A : vector<1x128xi32> to vector<1000x128xi32>
      %eq3A_480 = arith.cmpi eq, %eq3A, %eq3A_479 : vector<1000x128xi32>
      %mul3A_481 = arith.constant 1000 : i32
      %mul3A_482 = arith.muli %scan3A_467, %mul3A_481 : i32
      %get3A_483 = arith.index_cast %mul3A_482 : i32 to index
      %get3A_484 = arith.constant 0 : index
      %get3A_485 = vector.load %arg11[%get3A_483, %get3A_484] : memref<10000x1xf32, #tpu.memory_space<vmem>>, vector<1000x1xf32>
      %jit3A_486 = arith.constant 0.000000e+00 : f32
      %broadcast_in_dim3A_487 = vector.shape_cast %scan3A_132 : vector<1x128xf32> to vector<1x128xf32>
      %broadcast_in_dim3A_488 = vector.broadcast %broadcast_in_dim3A_487 : vector<1x128xf32> to vector<1000x128xf32>
      %broadcast_in_dim3A_489 = vector.broadcast %jit3A_486 : f32 to vector<1000x128xf32>
      %select_n3A_490 = arith.select %eq3A_480, %broadcast_in_dim3A_488, %broadcast_in_dim3A_489 : vector<1000x128xi1>, vector<1000x128xf32>
      %reduce_sum3A = arith.constant dense<0.000000e+00> : vector<1000xf32>
      %reduce_sum3A_491 = vector.multi_reduction <add>, %select_n3A_490, %reduce_sum3A [1] : vector<1000x128xf32> to vector<1000xf32>
      %broadcast_in_dim3A_492 = vector.shape_cast %reduce_sum3A_491 : vector<1000xf32> to vector<1000x1xf32>
      %add3A_493 = arith.constant 1.000000e-16 : f32
      %add3A_494 = vector.broadcast %add3A_493 : f32 to vector<1000x1xf32>
      %add3A_495 = arith.addf %broadcast_in_dim3A_492, %add3A_494 : vector<1000x1xf32>
      %div3A = arith.divf %get3A_485, %add3A_495 : vector<1000x1xf32>
      %jit3A_496 = arith.constant 1.000000e+00 : f32
      %jit3A_497 = arith.constant 0.000000e+00 : f32
      %broadcast_in_dim3A_498 = vector.broadcast %jit3A_496 : f32 to vector<1000x128xf32>
      %broadcast_in_dim3A_499 = vector.broadcast %jit3A_497 : f32 to vector<1000x128xf32>
      %select_n3A_500 = arith.select %eq3A_480, %broadcast_in_dim3A_498, %broadcast_in_dim3A_499 : vector<1000x128xi1>, vector<1000x128xf32>
      %mul3A_501 = vector.broadcast %div3A : vector<1000x1xf32> to vector<1000x128xf32>
      %mul3A_502 = arith.mulf %mul3A_501, %get3A_473 : vector<1000x128xf32>
      %dot_general3A_503 = arith.constant dense<0.000000e+00> : vector<128x128xf32>
      %dot_general3A_504 = tpu.matmul %select_n3A_500, %mul3A_502, %dot_general3A_503 {dimension_numbers = #tpu.dot_dimension_numbers<[0], [0], [1], [1], [0, 1, 1, 1], [], []>, precision = #tpu.contract_precision<fp32>, transpose_lhs_hint = false} : vector<1000x128xf32>, vector<1000x128xf32>, vector<128x128xf32> -> vector<128x128xf32>
      %add3A_505 = arith.addf %scan3A_468, %dot_general3A_504 : vector<128x128xf32>
      scf.yield %add3A_505 : vector<128x128xf32>
    }
    %scan3A_141 = arith.constant 10 : i32
    %concatenate3A_142 = tpu.concatenate %mul3A_111, %scan3A_140 in 1 : vector<128x128xf32>, vector<128x128xf32> -> vector<128x256xf32>
    %get3A_143 = arith.constant 0 : index
    %get3A_144 = arith.constant 0 : index
    %get3A_145 = vector.load %arg2[%get3A_143, %get3A_144] : memref<256x512xf32, #tpu.memory_space<vmem>>, vector<256x512xf32>
    %dot_general3A_146 = arith.constant dense<0.000000e+00> : vector<128x512xf32>
    %dot_general3A_147 = tpu.matmul %concatenate3A_142, %get3A_145, %dot_general3A_146 {dimension_numbers = #tpu.dot_dimension_numbers<[1], [0], [0], [1], [0, 0, 1, 1], [], []>, transpose_lhs_hint = false} : vector<128x256xf32>, vector<256x512xf32>, vector<128x512xf32> -> vector<128x512xf32>
    %get3A_148 = arith.constant 0 : index
    %get3A_149 = arith.constant 0 : index
    %get3A_150 = vector.load %arg3[%get3A_148, %get3A_149] : memref<128x512xf32, #tpu.memory_space<vmem>>, vector<128x512xf32>
    %dot_general3A_151 = arith.constant dense<0.000000e+00> : vector<128x512xf32>
    %dot_general3A_152 = tpu.matmul %mul3A_111, %get3A_150, %dot_general3A_151 {dimension_numbers = #tpu.dot_dimension_numbers<[1], [0], [0], [1], [0, 0, 1, 1], [], []>, transpose_lhs_hint = false} : vector<128x128xf32>, vector<128x512xf32>, vector<128x512xf32> -> vector<128x512xf32>
    %add3A_153 = arith.addf %dot_general3A_147, %dot_general3A_152 : vector<128x512xf32>
    %get3A_154 = arith.constant 0 : index
    %get3A_155 = arith.constant 0 : index
    %get3A_156 = vector.load %arg4[%get3A_154, %get3A_155] : memref<1x512xf32, #tpu.memory_space<vmem>>, vector<1x512xf32>
    %add3A_157 = vector.broadcast %get3A_156 : vector<1x512xf32> to vector<128x512xf32>
    %add3A_158 = arith.addf %add3A_153, %add3A_157 : vector<128x512xf32>
    %slice3A_159 = vector.extract_strided_slice %add3A_158 {offsets = [0, 0], sizes = [128, 128], strides = [1, 1]} : vector<128x512xf32> to vector<128x128xf32>
    %logistic3A_160 = arith.negf %slice3A_159 : vector<128x128xf32>
    %logistic3A_161 = math.exp %logistic3A_160 : vector<128x128xf32>
    %logistic3A_162 = arith.constant 1.000000e+00 : f32
    %logistic3A_163 = vector.broadcast %logistic3A_162 : f32 to vector<128x128xf32>
    %logistic3A_164 = arith.addf %logistic3A_163, %logistic3A_161 : vector<128x128xf32>
    %logistic3A_165 = arith.divf %logistic3A_163, %logistic3A_164 : vector<128x128xf32>
    %slice3A_166 = vector.extract_strided_slice %add3A_158 {offsets = [0, 128], sizes = [128, 128], strides = [1, 1]} : vector<128x512xf32> to vector<128x128xf32>
    %logistic3A_167 = arith.negf %slice3A_166 : vector<128x128xf32>
    %logistic3A_168 = math.exp %logistic3A_167 : vector<128x128xf32>
    %logistic3A_169 = arith.constant 1.000000e+00 : f32
    %logistic3A_170 = vector.broadcast %logistic3A_169 : f32 to vector<128x128xf32>
    %logistic3A_171 = arith.addf %logistic3A_170, %logistic3A_168 : vector<128x128xf32>
    %logistic3A_172 = arith.divf %logistic3A_170, %logistic3A_171 : vector<128x128xf32>
    %slice3A_173 = vector.extract_strided_slice %add3A_158 {offsets = [0, 256], sizes = [128, 128], strides = [1, 1]} : vector<128x512xf32> to vector<128x128xf32>
    %tanh3A_174 = math.tanh %slice3A_173 : vector<128x128xf32>
    %slice3A_175 = vector.extract_strided_slice %add3A_158 {offsets = [0, 384], sizes = [128, 128], strides = [1, 1]} : vector<128x512xf32> to vector<128x128xf32>
    %logistic3A_176 = arith.negf %slice3A_175 : vector<128x128xf32>
    %logistic3A_177 = math.exp %logistic3A_176 : vector<128x128xf32>
    %logistic3A_178 = arith.constant 1.000000e+00 : f32
    %logistic3A_179 = vector.broadcast %logistic3A_178 : f32 to vector<128x128xf32>
    %logistic3A_180 = arith.addf %logistic3A_179, %logistic3A_177 : vector<128x128xf32>
    %logistic3A_181 = arith.divf %logistic3A_179, %logistic3A_180 : vector<128x128xf32>
    %mul3A_182 = arith.mulf %logistic3A_172, %add3A_109 : vector<128x128xf32>
    %mul3A_183 = arith.mulf %logistic3A_165, %tanh3A_174 : vector<128x128xf32>
    %add3A_184 = arith.addf %mul3A_182, %mul3A_183 : vector<128x128xf32>
    %tanh3A_185 = math.tanh %add3A_184 : vector<128x128xf32>
    %mul3A_186 = arith.mulf %logistic3A_181, %tanh3A_185 : vector<128x128xf32>
    %broadcast_in_dim3A_187 = arith.constant -1.000000e+30 : f32
    %broadcast_in_dim3A_188 = vector.broadcast %broadcast_in_dim3A_187 : f32 to vector<1x128xf32>
    %scan3A_189 = arith.constant 0 : i32
    %scan3A_190 = arith.constant 10 : i32
    %scan3A_191 = arith.addi %scan3A_189, %scan3A_190 : i32
    %scan3A_192 = arith.constant 1 : i32
    %scan3A_193 = scf.for %scan3A_467 = %scan3A_189 to %scan3A_191 step %scan3A_192 iter_args(%scan3A_468 = %broadcast_in_dim3A_188) -> (vector<1x128xf32>)  : i32 {
      %mul3A_469 = arith.constant 1000 : i32
      %mul3A_470 = arith.muli %scan3A_467, %mul3A_469 : i32
      %get3A_471 = arith.index_cast %mul3A_470 : i32 to index
      %get3A_472 = arith.constant 0 : index
      %get3A_473 = vector.load %arg0[%get3A_471, %get3A_472] : memref<10000x128xf32, #tpu.memory_space<vmem>>, vector<1000x128xf32>
      %mul3A_474 = arith.constant 1000 : i32
      %mul3A_475 = arith.muli %scan3A_467, %mul3A_474 : i32
      %get3A_476 = arith.index_cast %mul3A_475 : i32 to index
      %get3A_477 = arith.constant 0 : index
      %get3A_478 = vector.load %arg1[%get3A_476, %get3A_477] : memref<10000x1xi32, #tpu.memory_space<vmem>>, vector<1000x1xi32>
      %eq3A = vector.broadcast %get3A_478 : vector<1000x1xi32> to vector<1000x128xi32>
      %eq3A_479 = vector.broadcast %iota3A : vector<1x128xi32> to vector<1000x128xi32>
      %eq3A_480 = arith.cmpi eq, %eq3A, %eq3A_479 : vector<1000x128xi32>
      %jit3A_481 = arith.constant 1.000000e+00 : f32
      %jit3A_482 = arith.constant 0.000000e+00 : f32
      %broadcast_in_dim3A_483 = vector.broadcast %jit3A_481 : f32 to vector<1000x128xf32>
      %broadcast_in_dim3A_484 = vector.broadcast %jit3A_482 : f32 to vector<1000x128xf32>
      %select_n3A_485 = arith.select %eq3A_480, %broadcast_in_dim3A_483, %broadcast_in_dim3A_484 : vector<1000x128xi1>, vector<1000x128xf32>
      %dot_general3A_486 = arith.constant dense<0.000000e+00> : vector<1000x128xf32>
      %dot_general3A_487 = tpu.matmul %select_n3A_485, %mul3A_186, %dot_general3A_486 {dimension_numbers = #tpu.dot_dimension_numbers<[1], [0], [0], [1], [0, 0, 1, 1], [], []>, precision = #tpu.contract_precision<fp32>, transpose_lhs_hint = false} : vector<1000x128xf32>, vector<128x128xf32>, vector<1000x128xf32> -> vector<1000x128xf32>
      %mul3A_488 = arith.mulf %get3A_473, %dot_general3A_487 : vector<1000x128xf32>
      %reduce_sum3A = arith.constant dense<0.000000e+00> : vector<1000xf32>
      %reduce_sum3A_489 = vector.multi_reduction <add>, %mul3A_488, %reduce_sum3A [1] : vector<1000x128xf32> to vector<1000xf32>
      %broadcast_in_dim3A_490 = vector.shape_cast %reduce_sum3A_489 : vector<1000xf32> to vector<1000x1xf32>
      %mul3A_491 = arith.constant 1000 : i32
      %mul3A_492 = arith.muli %scan3A_467, %mul3A_491 : i32
      %swap3A_493 = arith.index_cast %mul3A_492 : i32 to index
      %swap3A_494 = arith.constant 0 : index
      %swap3A_495 = vector.load %arg10[%swap3A_493, %swap3A_494] : memref<10000x1xf32, #tpu.memory_space<vmem>>, vector<1000x1xf32>
      tpu.vector_store %arg10[%swap3A_493, %swap3A_494], %broadcast_in_dim3A_490 {strides = array<i32>} : memref<10000x1xf32, #tpu.memory_space<vmem>>, vector<1000x1xf32>,
      %jit3A_496 = arith.constant -1.000000e+30 : f32
      %broadcast_in_dim3A_497 = vector.shape_cast %broadcast_in_dim3A_490 : vector<1000x1xf32> to vector<1000x1xf32>
      %broadcast_in_dim3A_498 = vector.broadcast %broadcast_in_dim3A_497 : vector<1000x1xf32> to vector<1000x128xf32>
      %broadcast_in_dim3A_499 = vector.broadcast %jit3A_496 : f32 to vector<1000x128xf32>
      %select_n3A_500 = arith.select %eq3A_480, %broadcast_in_dim3A_498, %broadcast_in_dim3A_499 : vector<1000x128xi1>, vector<1000x128xf32>
      %reduce_max3A = arith.constant dense<0xFF800000> : vector<128xf32>
      %reduce_max3A_501 = vector.multi_reduction <maximumf>, %select_n3A_500, %reduce_max3A [0] : vector<1000x128xf32> to vector<128xf32>
      %broadcast_in_dim3A_502 = vector.shape_cast %reduce_max3A_501 : vector<128xf32> to vector<1x128xf32>
      %max3A_503 = arith.maximumf %scan3A_468, %broadcast_in_dim3A_502 : vector<1x128xf32>
      scf.yield %max3A_503 : vector<1x128xf32>
    }
    %scan3A_194 = arith.constant 10 : i32
    %lt3A_195 = arith.constant -1.000000e+29 : f32
    %lt3A_196 = vector.broadcast %lt3A_195 : f32 to vector<1x128xf32>
    %lt3A_197 = arith.cmpf olt, %scan3A_193, %lt3A_196 : vector<1x128xf32>
    %jit3A_198 = arith.constant 0.000000e+00 : f32
    %broadcast_in_dim3A_199 = vector.broadcast %jit3A_198 : f32 to vector<1x128xf32>
    %select_n3A_200 = arith.select %lt3A_197, %broadcast_in_dim3A_199, %scan3A_193 : vector<1x128xi1>, vector<1x128xf32>
    %broadcast_in_dim3A_201 = arith.constant 0.000000e+00 : f32
    %broadcast_in_dim3A_202 = vector.broadcast %broadcast_in_dim3A_201 : f32 to vector<1x128xf32>
    %scan3A_203 = arith.constant 0 : i32
    %scan3A_204 = arith.constant 10 : i32
    %scan3A_205 = arith.addi %scan3A_203, %scan3A_204 : i32
    %scan3A_206 = arith.constant 1 : i32
    %scan3A_207 = scf.for %scan3A_467 = %scan3A_203 to %scan3A_205 step %scan3A_206 iter_args(%scan3A_468 = %broadcast_in_dim3A_202) -> (vector<1x128xf32>)  : i32 {
      %mul3A_469 = arith.constant 1000 : i32
      %mul3A_470 = arith.muli %scan3A_467, %mul3A_469 : i32
      %get3A_471 = arith.index_cast %mul3A_470 : i32 to index
      %get3A_472 = arith.constant 0 : index
      %get3A_473 = vector.load %arg1[%get3A_471, %get3A_472] : memref<10000x1xi32, #tpu.memory_space<vmem>>, vector<1000x1xi32>
      %eq3A = vector.broadcast %get3A_473 : vector<1000x1xi32> to vector<1000x128xi32>
      %eq3A_474 = vector.broadcast %iota3A : vector<1x128xi32> to vector<1000x128xi32>
      %eq3A_475 = arith.cmpi eq, %eq3A, %eq3A_474 : vector<1000x128xi32>
      %mul3A_476 = arith.constant 1000 : i32
      %mul3A_477 = arith.muli %scan3A_467, %mul3A_476 : i32
      %get3A_478 = arith.index_cast %mul3A_477 : i32 to index
      %get3A_479 = arith.constant 0 : index
      %get3A_480 = vector.load %arg10[%get3A_478, %get3A_479] : memref<10000x1xf32, #tpu.memory_space<vmem>>, vector<1000x1xf32>
      %jit3A_481 = arith.constant 0.000000e+00 : f32
      %broadcast_in_dim3A_482 = vector.shape_cast %select_n3A_200 : vector<1x128xf32> to vector<1x128xf32>
      %broadcast_in_dim3A_483 = vector.broadcast %broadcast_in_dim3A_482 : vector<1x128xf32> to vector<1000x128xf32>
      %broadcast_in_dim3A_484 = vector.broadcast %jit3A_481 : f32 to vector<1000x128xf32>
      %select_n3A_485 = arith.select %eq3A_475, %broadcast_in_dim3A_483, %broadcast_in_dim3A_484 : vector<1000x128xi1>, vector<1000x128xf32>
      %reduce_sum3A = arith.constant dense<0.000000e+00> : vector<1000xf32>
      %reduce_sum3A_486 = vector.multi_reduction <add>, %select_n3A_485, %reduce_sum3A [1] : vector<1000x128xf32> to vector<1000xf32>
      %broadcast_in_dim3A_487 = vector.shape_cast %reduce_sum3A_486 : vector<1000xf32> to vector<1000x1xf32>
      %sub3A = arith.subf %get3A_480, %broadcast_in_dim3A_487 : vector<1000x1xf32>
      %exp3A = math.exp %sub3A : vector<1000x1xf32>
      %mul3A_488 = arith.constant 1000 : i32
      %mul3A_489 = arith.muli %scan3A_467, %mul3A_488 : i32
      %swap3A_490 = arith.index_cast %mul3A_489 : i32 to index
      %swap3A_491 = arith.constant 0 : index
      %swap3A_492 = vector.load %arg11[%swap3A_490, %swap3A_491] : memref<10000x1xf32, #tpu.memory_space<vmem>>, vector<1000x1xf32>
      tpu.vector_store %arg11[%swap3A_490, %swap3A_491], %exp3A {strides = array<i32>} : memref<10000x1xf32, #tpu.memory_space<vmem>>, vector<1000x1xf32>,
      %jit3A_493 = arith.constant 0.000000e+00 : f32
      %broadcast_in_dim3A_494 = vector.shape_cast %exp3A : vector<1000x1xf32> to vector<1000x1xf32>
      %broadcast_in_dim3A_495 = vector.broadcast %broadcast_in_dim3A_494 : vector<1000x1xf32> to vector<1000x128xf32>
      %broadcast_in_dim3A_496 = vector.broadcast %jit3A_493 : f32 to vector<1000x128xf32>
      %select_n3A_497 = arith.select %eq3A_475, %broadcast_in_dim3A_495, %broadcast_in_dim3A_496 : vector<1000x128xi1>, vector<1000x128xf32>
      %reduce_sum3A_498 = arith.constant dense<0.000000e+00> : vector<128xf32>
      %reduce_sum3A_499 = vector.multi_reduction <add>, %select_n3A_497, %reduce_sum3A_498 [0] : vector<1000x128xf32> to vector<128xf32>
      %broadcast_in_dim3A_500 = vector.shape_cast %reduce_sum3A_499 : vector<128xf32> to vector<1x128xf32>
      %add3A_501 = arith.addf %scan3A_468, %broadcast_in_dim3A_500 : vector<1x128xf32>
      scf.yield %add3A_501 : vector<1x128xf32>
    }
    %scan3A_208 = arith.constant 10 : i32
    %broadcast_in_dim3A_209 = arith.constant 0.000000e+00 : f32
    %broadcast_in_dim3A_210 = vector.broadcast %broadcast_in_dim3A_209 : f32 to vector<128x128xf32>
    %scan3A_211 = arith.constant 0 : i32
    %scan3A_212 = arith.constant 10 : i32
    %scan3A_213 = arith.addi %scan3A_211, %scan3A_212 : i32
    %scan3A_214 = arith.constant 1 : i32
    %scan3A_215 = scf.for %scan3A_467 = %scan3A_211 to %scan3A_213 step %scan3A_214 iter_args(%scan3A_468 = %broadcast_in_dim3A_210) -> (vector<128x128xf32>)  : i32 {
      %mul3A_469 = arith.constant 1000 : i32
      %mul3A_470 = arith.muli %scan3A_467, %mul3A_469 : i32
      %get3A_471 = arith.index_cast %mul3A_470 : i32 to index
      %get3A_472 = arith.constant 0 : index
      %get3A_473 = vector.load %arg0[%get3A_471, %get3A_472] : memref<10000x128xf32, #tpu.memory_space<vmem>>, vector<1000x128xf32>
      %mul3A_474 = arith.constant 1000 : i32
      %mul3A_475 = arith.muli %scan3A_467, %mul3A_474 : i32
      %get3A_476 = arith.index_cast %mul3A_475 : i32 to index
      %get3A_477 = arith.constant 0 : index
      %get3A_478 = vector.load %arg1[%get3A_476, %get3A_477] : memref<10000x1xi32, #tpu.memory_space<vmem>>, vector<1000x1xi32>
      %eq3A = vector.broadcast %get3A_478 : vector<1000x1xi32> to vector<1000x128xi32>
      %eq3A_479 = vector.broadcast %iota3A : vector<1x128xi32> to vector<1000x128xi32>
      %eq3A_480 = arith.cmpi eq, %eq3A, %eq3A_479 : vector<1000x128xi32>
      %mul3A_481 = arith.constant 1000 : i32
      %mul3A_482 = arith.muli %scan3A_467, %mul3A_481 : i32
      %get3A_483 = arith.index_cast %mul3A_482 : i32 to index
      %get3A_484 = arith.constant 0 : index
      %get3A_485 = vector.load %arg11[%get3A_483, %get3A_484] : memref<10000x1xf32, #tpu.memory_space<vmem>>, vector<1000x1xf32>
      %jit3A_486 = arith.constant 0.000000e+00 : f32
      %broadcast_in_dim3A_487 = vector.shape_cast %scan3A_207 : vector<1x128xf32> to vector<1x128xf32>
      %broadcast_in_dim3A_488 = vector.broadcast %broadcast_in_dim3A_487 : vector<1x128xf32> to vector<1000x128xf32>
      %broadcast_in_dim3A_489 = vector.broadcast %jit3A_486 : f32 to vector<1000x128xf32>
      %select_n3A_490 = arith.select %eq3A_480, %broadcast_in_dim3A_488, %broadcast_in_dim3A_489 : vector<1000x128xi1>, vector<1000x128xf32>
      %reduce_sum3A = arith.constant dense<0.000000e+00> : vector<1000xf32>
      %reduce_sum3A_491 = vector.multi_reduction <add>, %select_n3A_490, %reduce_sum3A [1] : vector<1000x128xf32> to vector<1000xf32>
      %broadcast_in_dim3A_492 = vector.shape_cast %reduce_sum3A_491 : vector<1000xf32> to vector<1000x1xf32>
      %add3A_493 = arith.constant 1.000000e-16 : f32
      %add3A_494 = vector.broadcast %add3A_493 : f32 to vector<1000x1xf32>
      %add3A_495 = arith.addf %broadcast_in_dim3A_492, %add3A_494 : vector<1000x1xf32>
      %div3A = arith.divf %get3A_485, %add3A_495 : vector<1000x1xf32>
      %jit3A_496 = arith.constant 1.000000e+00 : f32
      %jit3A_497 = arith.constant 0.000000e+00 : f32
      %broadcast_in_dim3A_498 = vector.broadcast %jit3A_496 : f32 to vector<1000x128xf32>
      %broadcast_in_dim3A_499 = vector.broadcast %jit3A_497 : f32 to vector<1000x128xf32>
      %select_n3A_500 = arith.select %eq3A_480, %broadcast_in_dim3A_498, %broadcast_in_dim3A_499 : vector<1000x128xi1>, vector<1000x128xf32>
      %mul3A_501 = vector.broadcast %div3A : vector<1000x1xf32> to vector<1000x128xf32>
      %mul3A_502 = arith.mulf %mul3A_501, %get3A_473 : vector<1000x128xf32>
      %dot_general3A_503 = arith.constant dense<0.000000e+00> : vector<128x128xf32>
      %dot_general3A_504 = tpu.matmul %select_n3A_500, %mul3A_502, %dot_general3A_503 {dimension_numbers = #tpu.dot_dimension_numbers<[0], [0], [1], [1], [0, 1, 1, 1], [], []>, precision = #tpu.contract_precision<fp32>, transpose_lhs_hint = false} : vector<1000x128xf32>, vector<1000x128xf32>, vector<128x128xf32> -> vector<128x128xf32>
      %add3A_505 = arith.addf %scan3A_468, %dot_general3A_504 : vector<128x128xf32>
      scf.yield %add3A_505 : vector<128x128xf32>
    }
    %scan3A_216 = arith.constant 10 : i32
    %concatenate3A_217 = tpu.concatenate %mul3A_186, %scan3A_215 in 1 : vector<128x128xf32>, vector<128x128xf32> -> vector<128x256xf32>
    %get3A_218 = arith.constant 0 : index
    %get3A_219 = arith.constant 0 : index
    %get3A_220 = vector.load %arg2[%get3A_218, %get3A_219] : memref<256x512xf32, #tpu.memory_space<vmem>>, vector<256x512xf32>
    %dot_general3A_221 = arith.constant dense<0.000000e+00> : vector<128x512xf32>
    %dot_general3A_222 = tpu.matmul %concatenate3A_217, %get3A_220, %dot_general3A_221 {dimension_numbers = #tpu.dot_dimension_numbers<[1], [0], [0], [1], [0, 0, 1, 1], [], []>, transpose_lhs_hint = false} : vector<128x256xf32>, vector<256x512xf32>, vector<128x512xf32> -> vector<128x512xf32>
    %get3A_223 = arith.constant 0 : index
    %get3A_224 = arith.constant 0 : index
    %get3A_225 = vector.load %arg3[%get3A_223, %get3A_224] : memref<128x512xf32, #tpu.memory_space<vmem>>, vector<128x512xf32>
    %dot_general3A_226 = arith.constant dense<0.000000e+00> : vector<128x512xf32>
    %dot_general3A_227 = tpu.matmul %mul3A_186, %get3A_225, %dot_general3A_226 {dimension_numbers = #tpu.dot_dimension_numbers<[1], [0], [0], [1], [0, 0, 1, 1], [], []>, transpose_lhs_hint = false} : vector<128x128xf32>, vector<128x512xf32>, vector<128x512xf32> -> vector<128x512xf32>
    %add3A_228 = arith.addf %dot_general3A_222, %dot_general3A_227 : vector<128x512xf32>
    %get3A_229 = arith.constant 0 : index
    %get3A_230 = arith.constant 0 : index
    %get3A_231 = vector.load %arg4[%get3A_229, %get3A_230] : memref<1x512xf32, #tpu.memory_space<vmem>>, vector<1x512xf32>
    %add3A_232 = vector.broadcast %get3A_231 : vector<1x512xf32> to vector<128x512xf32>
    %add3A_233 = arith.addf %add3A_228, %add3A_232 : vector<128x512xf32>
    %slice3A_234 = vector.extract_strided_slice %add3A_233 {offsets = [0, 0], sizes = [128, 128], strides = [1, 1]} : vector<128x512xf32> to vector<128x128xf32>
    %logistic3A_235 = arith.negf %slice3A_234 : vector<128x128xf32>
    %logistic3A_236 = math.exp %logistic3A_235 : vector<128x128xf32>
    %logistic3A_237 = arith.constant 1.000000e+00 : f32
    %logistic3A_238 = vector.broadcast %logistic3A_237 : f32 to vector<128x128xf32>
    %logistic3A_239 = arith.addf %logistic3A_238, %logistic3A_236 : vector<128x128xf32>
    %logistic3A_240 = arith.divf %logistic3A_238, %logistic3A_239 : vector<128x128xf32>
    %slice3A_241 = vector.extract_strided_slice %add3A_233 {offsets = [0, 128], sizes = [128, 128], strides = [1, 1]} : vector<128x512xf32> to vector<128x128xf32>
    %logistic3A_242 = arith.negf %slice3A_241 : vector<128x128xf32>
    %logistic3A_243 = math.exp %logistic3A_242 : vector<128x128xf32>
    %logistic3A_244 = arith.constant 1.000000e+00 : f32
    %logistic3A_245 = vector.broadcast %logistic3A_244 : f32 to vector<128x128xf32>
    %logistic3A_246 = arith.addf %logistic3A_245, %logistic3A_243 : vector<128x128xf32>
    %logistic3A_247 = arith.divf %logistic3A_245, %logistic3A_246 : vector<128x128xf32>
    %slice3A_248 = vector.extract_strided_slice %add3A_233 {offsets = [0, 256], sizes = [128, 128], strides = [1, 1]} : vector<128x512xf32> to vector<128x128xf32>
    %tanh3A_249 = math.tanh %slice3A_248 : vector<128x128xf32>
    %slice3A_250 = vector.extract_strided_slice %add3A_233 {offsets = [0, 384], sizes = [128, 128], strides = [1, 1]} : vector<128x512xf32> to vector<128x128xf32>
    %logistic3A_251 = arith.negf %slice3A_250 : vector<128x128xf32>
    %logistic3A_252 = math.exp %logistic3A_251 : vector<128x128xf32>
    %logistic3A_253 = arith.constant 1.000000e+00 : f32
    %logistic3A_254 = vector.broadcast %logistic3A_253 : f32 to vector<128x128xf32>
    %logistic3A_255 = arith.addf %logistic3A_254, %logistic3A_252 : vector<128x128xf32>
    %logistic3A_256 = arith.divf %logistic3A_254, %logistic3A_255 : vector<128x128xf32>
    %mul3A_257 = arith.mulf %logistic3A_247, %add3A_184 : vector<128x128xf32>
    %mul3A_258 = arith.mulf %logistic3A_240, %tanh3A_249 : vector<128x128xf32>
    %add3A_259 = arith.addf %mul3A_257, %mul3A_258 : vector<128x128xf32>
    %tanh3A_260 = math.tanh %add3A_259 : vector<128x128xf32>
    %mul3A_261 = arith.mulf %logistic3A_256, %tanh3A_260 : vector<128x128xf32>
    %broadcast_in_dim3A_262 = arith.constant -1.000000e+30 : f32
    %broadcast_in_dim3A_263 = vector.broadcast %broadcast_in_dim3A_262 : f32 to vector<1x128xf32>
    %scan3A_264 = arith.constant 0 : i32
    %scan3A_265 = arith.constant 10 : i32
    %scan3A_266 = arith.addi %scan3A_264, %scan3A_265 : i32
    %scan3A_267 = arith.constant 1 : i32
    %scan3A_268 = scf.for %scan3A_467 = %scan3A_264 to %scan3A_266 step %scan3A_267 iter_args(%scan3A_468 = %broadcast_in_dim3A_263) -> (vector<1x128xf32>)  : i32 {
      %mul3A_469 = arith.constant 1000 : i32
      %mul3A_470 = arith.muli %scan3A_467, %mul3A_469 : i32
      %get3A_471 = arith.index_cast %mul3A_470 : i32 to index
      %get3A_472 = arith.constant 0 : index
      %get3A_473 = vector.load %arg0[%get3A_471, %get3A_472] : memref<10000x128xf32, #tpu.memory_space<vmem>>, vector<1000x128xf32>
      %mul3A_474 = arith.constant 1000 : i32
      %mul3A_475 = arith.muli %scan3A_467, %mul3A_474 : i32
      %get3A_476 = arith.index_cast %mul3A_475 : i32 to index
      %get3A_477 = arith.constant 0 : index
      %get3A_478 = vector.load %arg1[%get3A_476, %get3A_477] : memref<10000x1xi32, #tpu.memory_space<vmem>>, vector<1000x1xi32>
      %eq3A = vector.broadcast %get3A_478 : vector<1000x1xi32> to vector<1000x128xi32>
      %eq3A_479 = vector.broadcast %iota3A : vector<1x128xi32> to vector<1000x128xi32>
      %eq3A_480 = arith.cmpi eq, %eq3A, %eq3A_479 : vector<1000x128xi32>
      %jit3A_481 = arith.constant 1.000000e+00 : f32
      %jit3A_482 = arith.constant 0.000000e+00 : f32
      %broadcast_in_dim3A_483 = vector.broadcast %jit3A_481 : f32 to vector<1000x128xf32>
      %broadcast_in_dim3A_484 = vector.broadcast %jit3A_482 : f32 to vector<1000x128xf32>
      %select_n3A_485 = arith.select %eq3A_480, %broadcast_in_dim3A_483, %broadcast_in_dim3A_484 : vector<1000x128xi1>, vector<1000x128xf32>
      %dot_general3A_486 = arith.constant dense<0.000000e+00> : vector<1000x128xf32>
      %dot_general3A_487 = tpu.matmul %select_n3A_485, %mul3A_261, %dot_general3A_486 {dimension_numbers = #tpu.dot_dimension_numbers<[1], [0], [0], [1], [0, 0, 1, 1], [], []>, precision = #tpu.contract_precision<fp32>, transpose_lhs_hint = false} : vector<1000x128xf32>, vector<128x128xf32>, vector<1000x128xf32> -> vector<1000x128xf32>
      %mul3A_488 = arith.mulf %get3A_473, %dot_general3A_487 : vector<1000x128xf32>
      %reduce_sum3A = arith.constant dense<0.000000e+00> : vector<1000xf32>
      %reduce_sum3A_489 = vector.multi_reduction <add>, %mul3A_488, %reduce_sum3A [1] : vector<1000x128xf32> to vector<1000xf32>
      %broadcast_in_dim3A_490 = vector.shape_cast %reduce_sum3A_489 : vector<1000xf32> to vector<1000x1xf32>
      %mul3A_491 = arith.constant 1000 : i32
      %mul3A_492 = arith.muli %scan3A_467, %mul3A_491 : i32
      %swap3A_493 = arith.index_cast %mul3A_492 : i32 to index
      %swap3A_494 = arith.constant 0 : index
      %swap3A_495 = vector.load %arg10[%swap3A_493, %swap3A_494] : memref<10000x1xf32, #tpu.memory_space<vmem>>, vector<1000x1xf32>
      tpu.vector_store %arg10[%swap3A_493, %swap3A_494], %broadcast_in_dim3A_490 {strides = array<i32>} : memref<10000x1xf32, #tpu.memory_space<vmem>>, vector<1000x1xf32>,
      %jit3A_496 = arith.constant -1.000000e+30 : f32
      %broadcast_in_dim3A_497 = vector.shape_cast %broadcast_in_dim3A_490 : vector<1000x1xf32> to vector<1000x1xf32>
      %broadcast_in_dim3A_498 = vector.broadcast %broadcast_in_dim3A_497 : vector<1000x1xf32> to vector<1000x128xf32>
      %broadcast_in_dim3A_499 = vector.broadcast %jit3A_496 : f32 to vector<1000x128xf32>
      %select_n3A_500 = arith.select %eq3A_480, %broadcast_in_dim3A_498, %broadcast_in_dim3A_499 : vector<1000x128xi1>, vector<1000x128xf32>
      %reduce_max3A = arith.constant dense<0xFF800000> : vector<128xf32>
      %reduce_max3A_501 = vector.multi_reduction <maximumf>, %select_n3A_500, %reduce_max3A [0] : vector<1000x128xf32> to vector<128xf32>
      %broadcast_in_dim3A_502 = vector.shape_cast %reduce_max3A_501 : vector<128xf32> to vector<1x128xf32>
      %max3A_503 = arith.maximumf %scan3A_468, %broadcast_in_dim3A_502 : vector<1x128xf32>
      scf.yield %max3A_503 : vector<1x128xf32>
    }
    %scan3A_269 = arith.constant 10 : i32
    %lt3A_270 = arith.constant -1.000000e+29 : f32
    %lt3A_271 = vector.broadcast %lt3A_270 : f32 to vector<1x128xf32>
    %lt3A_272 = arith.cmpf olt, %scan3A_268, %lt3A_271 : vector<1x128xf32>
    %jit3A_273 = arith.constant 0.000000e+00 : f32
    %broadcast_in_dim3A_274 = vector.broadcast %jit3A_273 : f32 to vector<1x128xf32>
    %select_n3A_275 = arith.select %lt3A_272, %broadcast_in_dim3A_274, %scan3A_268 : vector<1x128xi1>, vector<1x128xf32>
    %broadcast_in_dim3A_276 = arith.constant 0.000000e+00 : f32
    %broadcast_in_dim3A_277 = vector.broadcast %broadcast_in_dim3A_276 : f32 to vector<1x128xf32>
    %scan3A_278 = arith.constant 0 : i32
    %scan3A_279 = arith.constant 10 : i32
    %scan3A_280 = arith.addi %scan3A_278, %scan3A_279 : i32
    %scan3A_281 = arith.constant 1 : i32
    %scan3A_282 = scf.for %scan3A_467 = %scan3A_278 to %scan3A_280 step %scan3A_281 iter_args(%scan3A_468 = %broadcast_in_dim3A_277) -> (vector<1x128xf32>)  : i32 {
      %mul3A_469 = arith.constant 1000 : i32
      %mul3A_470 = arith.muli %scan3A_467, %mul3A_469 : i32
      %get3A_471 = arith.index_cast %mul3A_470 : i32 to index
      %get3A_472 = arith.constant 0 : index
      %get3A_473 = vector.load %arg1[%get3A_471, %get3A_472] : memref<10000x1xi32, #tpu.memory_space<vmem>>, vector<1000x1xi32>
      %eq3A = vector.broadcast %get3A_473 : vector<1000x1xi32> to vector<1000x128xi32>
      %eq3A_474 = vector.broadcast %iota3A : vector<1x128xi32> to vector<1000x128xi32>
      %eq3A_475 = arith.cmpi eq, %eq3A, %eq3A_474 : vector<1000x128xi32>
      %mul3A_476 = arith.constant 1000 : i32
      %mul3A_477 = arith.muli %scan3A_467, %mul3A_476 : i32
      %get3A_478 = arith.index_cast %mul3A_477 : i32 to index
      %get3A_479 = arith.constant 0 : index
      %get3A_480 = vector.load %arg10[%get3A_478, %get3A_479] : memref<10000x1xf32, #tpu.memory_space<vmem>>, vector<1000x1xf32>
      %jit3A_481 = arith.constant 0.000000e+00 : f32
      %broadcast_in_dim3A_482 = vector.shape_cast %select_n3A_275 : vector<1x128xf32> to vector<1x128xf32>
      %broadcast_in_dim3A_483 = vector.broadcast %broadcast_in_dim3A_482 : vector<1x128xf32> to vector<1000x128xf32>
      %broadcast_in_dim3A_484 = vector.broadcast %jit3A_481 : f32 to vector<1000x128xf32>
      %select_n3A_485 = arith.select %eq3A_475, %broadcast_in_dim3A_483, %broadcast_in_dim3A_484 : vector<1000x128xi1>, vector<1000x128xf32>
      %reduce_sum3A = arith.constant dense<0.000000e+00> : vector<1000xf32>
      %reduce_sum3A_486 = vector.multi_reduction <add>, %select_n3A_485, %reduce_sum3A [1] : vector<1000x128xf32> to vector<1000xf32>
      %broadcast_in_dim3A_487 = vector.shape_cast %reduce_sum3A_486 : vector<1000xf32> to vector<1000x1xf32>
      %sub3A = arith.subf %get3A_480, %broadcast_in_dim3A_487 : vector<1000x1xf32>
      %exp3A = math.exp %sub3A : vector<1000x1xf32>
      %mul3A_488 = arith.constant 1000 : i32
      %mul3A_489 = arith.muli %scan3A_467, %mul3A_488 : i32
      %swap3A_490 = arith.index_cast %mul3A_489 : i32 to index
      %swap3A_491 = arith.constant 0 : index
      %swap3A_492 = vector.load %arg11[%swap3A_490, %swap3A_491] : memref<10000x1xf32, #tpu.memory_space<vmem>>, vector<1000x1xf32>
      tpu.vector_store %arg11[%swap3A_490, %swap3A_491], %exp3A {strides = array<i32>} : memref<10000x1xf32, #tpu.memory_space<vmem>>, vector<1000x1xf32>,
      %jit3A_493 = arith.constant 0.000000e+00 : f32
      %broadcast_in_dim3A_494 = vector.shape_cast %exp3A : vector<1000x1xf32> to vector<1000x1xf32>
      %broadcast_in_dim3A_495 = vector.broadcast %broadcast_in_dim3A_494 : vector<1000x1xf32> to vector<1000x128xf32>
      %broadcast_in_dim3A_496 = vector.broadcast %jit3A_493 : f32 to vector<1000x128xf32>
      %select_n3A_497 = arith.select %eq3A_475, %broadcast_in_dim3A_495, %broadcast_in_dim3A_496 : vector<1000x128xi1>, vector<1000x128xf32>
      %reduce_sum3A_498 = arith.constant dense<0.000000e+00> : vector<128xf32>
      %reduce_sum3A_499 = vector.multi_reduction <add>, %select_n3A_497, %reduce_sum3A_498 [0] : vector<1000x128xf32> to vector<128xf32>
      %broadcast_in_dim3A_500 = vector.shape_cast %reduce_sum3A_499 : vector<128xf32> to vector<1x128xf32>
      %add3A_501 = arith.addf %scan3A_468, %broadcast_in_dim3A_500 : vector<1x128xf32>
      scf.yield %add3A_501 : vector<1x128xf32>
    }
    %scan3A_283 = arith.constant 10 : i32
    %broadcast_in_dim3A_284 = arith.constant 0.000000e+00 : f32
    %broadcast_in_dim3A_285 = vector.broadcast %broadcast_in_dim3A_284 : f32 to vector<128x128xf32>
    %scan3A_286 = arith.constant 0 : i32
    %scan3A_287 = arith.constant 10 : i32
    %scan3A_288 = arith.addi %scan3A_286, %scan3A_287 : i32
    %scan3A_289 = arith.constant 1 : i32
    %scan3A_290 = scf.for %scan3A_467 = %scan3A_286 to %scan3A_288 step %scan3A_289 iter_args(%scan3A_468 = %broadcast_in_dim3A_285) -> (vector<128x128xf32>)  : i32 {
      %mul3A_469 = arith.constant 1000 : i32
      %mul3A_470 = arith.muli %scan3A_467, %mul3A_469 : i32
      %get3A_471 = arith.index_cast %mul3A_470 : i32 to index
      %get3A_472 = arith.constant 0 : index
      %get3A_473 = vector.load %arg0[%get3A_471, %get3A_472] : memref<10000x128xf32, #tpu.memory_space<vmem>>, vector<1000x128xf32>
      %mul3A_474 = arith.constant 1000 : i32
      %mul3A_475 = arith.muli %scan3A_467, %mul3A_474 : i32
      %get3A_476 = arith.index_cast %mul3A_475 : i32 to index
      %get3A_477 = arith.constant 0 : index
      %get3A_478 = vector.load %arg1[%get3A_476, %get3A_477] : memref<10000x1xi32, #tpu.memory_space<vmem>>, vector<1000x1xi32>
      %eq3A = vector.broadcast %get3A_478 : vector<1000x1xi32> to vector<1000x128xi32>
      %eq3A_479 = vector.broadcast %iota3A : vector<1x128xi32> to vector<1000x128xi32>
      %eq3A_480 = arith.cmpi eq, %eq3A, %eq3A_479 : vector<1000x128xi32>
      %mul3A_481 = arith.constant 1000 : i32
      %mul3A_482 = arith.muli %scan3A_467, %mul3A_481 : i32
      %get3A_483 = arith.index_cast %mul3A_482 : i32 to index
      %get3A_484 = arith.constant 0 : index
      %get3A_485 = vector.load %arg11[%get3A_483, %get3A_484] : memref<10000x1xf32, #tpu.memory_space<vmem>>, vector<1000x1xf32>
      %jit3A_486 = arith.constant 0.000000e+00 : f32
      %broadcast_in_dim3A_487 = vector.shape_cast %scan3A_282 : vector<1x128xf32> to vector<1x128xf32>
      %broadcast_in_dim3A_488 = vector.broadcast %broadcast_in_dim3A_487 : vector<1x128xf32> to vector<1000x128xf32>
      %broadcast_in_dim3A_489 = vector.broadcast %jit3A_486 : f32 to vector<1000x128xf32>
      %select_n3A_490 = arith.select %eq3A_480, %broadcast_in_dim3A_488, %broadcast_in_dim3A_489 : vector<1000x128xi1>, vector<1000x128xf32>
      %reduce_sum3A = arith.constant dense<0.000000e+00> : vector<1000xf32>
      %reduce_sum3A_491 = vector.multi_reduction <add>, %select_n3A_490, %reduce_sum3A [1] : vector<1000x128xf32> to vector<1000xf32>
      %broadcast_in_dim3A_492 = vector.shape_cast %reduce_sum3A_491 : vector<1000xf32> to vector<1000x1xf32>
      %add3A_493 = arith.constant 1.000000e-16 : f32
      %add3A_494 = vector.broadcast %add3A_493 : f32 to vector<1000x1xf32>
      %add3A_495 = arith.addf %broadcast_in_dim3A_492, %add3A_494 : vector<1000x1xf32>
      %div3A = arith.divf %get3A_485, %add3A_495 : vector<1000x1xf32>
      %jit3A_496 = arith.constant 1.000000e+00 : f32
      %jit3A_497 = arith.constant 0.000000e+00 : f32
      %broadcast_in_dim3A_498 = vector.broadcast %jit3A_496 : f32 to vector<1000x128xf32>
      %broadcast_in_dim3A_499 = vector.broadcast %jit3A_497 : f32 to vector<1000x128xf32>
      %select_n3A_500 = arith.select %eq3A_480, %broadcast_in_dim3A_498, %broadcast_in_dim3A_499 : vector<1000x128xi1>, vector<1000x128xf32>
      %mul3A_501 = vector.broadcast %div3A : vector<1000x1xf32> to vector<1000x128xf32>
      %mul3A_502 = arith.mulf %mul3A_501, %get3A_473 : vector<1000x128xf32>
      %dot_general3A_503 = arith.constant dense<0.000000e+00> : vector<128x128xf32>
      %dot_general3A_504 = tpu.matmul %select_n3A_500, %mul3A_502, %dot_general3A_503 {dimension_numbers = #tpu.dot_dimension_numbers<[0], [0], [1], [1], [0, 1, 1, 1], [], []>, precision = #tpu.contract_precision<fp32>, transpose_lhs_hint = false} : vector<1000x128xf32>, vector<1000x128xf32>, vector<128x128xf32> -> vector<128x128xf32>
      %add3A_505 = arith.addf %scan3A_468, %dot_general3A_504 : vector<128x128xf32>
      scf.yield %add3A_505 : vector<128x128xf32>
    }
    %scan3A_291 = arith.constant 10 : i32
    %concatenate3A_292 = tpu.concatenate %mul3A_261, %scan3A_290 in 1 : vector<128x128xf32>, vector<128x128xf32> -> vector<128x256xf32>
    %get3A_293 = arith.constant 0 : index
    %get3A_294 = arith.constant 0 : index
    %get3A_295 = vector.load %arg2[%get3A_293, %get3A_294] : memref<256x512xf32, #tpu.memory_space<vmem>>, vector<256x512xf32>
    %dot_general3A_296 = arith.constant dense<0.000000e+00> : vector<128x512xf32>
    %dot_general3A_297 = tpu.matmul %concatenate3A_292, %get3A_295, %dot_general3A_296 {dimension_numbers = #tpu.dot_dimension_numbers<[1], [0], [0], [1], [0, 0, 1, 1], [], []>, transpose_lhs_hint = false} : vector<128x256xf32>, vector<256x512xf32>, vector<128x512xf32> -> vector<128x512xf32>
    %get3A_298 = arith.constant 0 : index
    %get3A_299 = arith.constant 0 : index
    %get3A_300 = vector.load %arg3[%get3A_298, %get3A_299] : memref<128x512xf32, #tpu.memory_space<vmem>>, vector<128x512xf32>
    %dot_general3A_301 = arith.constant dense<0.000000e+00> : vector<128x512xf32>
    %dot_general3A_302 = tpu.matmul %mul3A_261, %get3A_300, %dot_general3A_301 {dimension_numbers = #tpu.dot_dimension_numbers<[1], [0], [0], [1], [0, 0, 1, 1], [], []>, transpose_lhs_hint = false} : vector<128x128xf32>, vector<128x512xf32>, vector<128x512xf32> -> vector<128x512xf32>
    %add3A_303 = arith.addf %dot_general3A_297, %dot_general3A_302 : vector<128x512xf32>
    %get3A_304 = arith.constant 0 : index
    %get3A_305 = arith.constant 0 : index
    %get3A_306 = vector.load %arg4[%get3A_304, %get3A_305] : memref<1x512xf32, #tpu.memory_space<vmem>>, vector<1x512xf32>
    %add3A_307 = vector.broadcast %get3A_306 : vector<1x512xf32> to vector<128x512xf32>
    %add3A_308 = arith.addf %add3A_303, %add3A_307 : vector<128x512xf32>
    %slice3A_309 = vector.extract_strided_slice %add3A_308 {offsets = [0, 0], sizes = [128, 128], strides = [1, 1]} : vector<128x512xf32> to vector<128x128xf32>
    %logistic3A_310 = arith.negf %slice3A_309 : vector<128x128xf32>
    %logistic3A_311 = math.exp %logistic3A_310 : vector<128x128xf32>
    %logistic3A_312 = arith.constant 1.000000e+00 : f32
    %logistic3A_313 = vector.broadcast %logistic3A_312 : f32 to vector<128x128xf32>
    %logistic3A_314 = arith.addf %logistic3A_313, %logistic3A_311 : vector<128x128xf32>
    %logistic3A_315 = arith.divf %logistic3A_313, %logistic3A_314 : vector<128x128xf32>
    %slice3A_316 = vector.extract_strided_slice %add3A_308 {offsets = [0, 128], sizes = [128, 128], strides = [1, 1]} : vector<128x512xf32> to vector<128x128xf32>
    %logistic3A_317 = arith.negf %slice3A_316 : vector<128x128xf32>
    %logistic3A_318 = math.exp %logistic3A_317 : vector<128x128xf32>
    %logistic3A_319 = arith.constant 1.000000e+00 : f32
    %logistic3A_320 = vector.broadcast %logistic3A_319 : f32 to vector<128x128xf32>
    %logistic3A_321 = arith.addf %logistic3A_320, %logistic3A_318 : vector<128x128xf32>
    %logistic3A_322 = arith.divf %logistic3A_320, %logistic3A_321 : vector<128x128xf32>
    %slice3A_323 = vector.extract_strided_slice %add3A_308 {offsets = [0, 256], sizes = [128, 128], strides = [1, 1]} : vector<128x512xf32> to vector<128x128xf32>
    %tanh3A_324 = math.tanh %slice3A_323 : vector<128x128xf32>
    %slice3A_325 = vector.extract_strided_slice %add3A_308 {offsets = [0, 384], sizes = [128, 128], strides = [1, 1]} : vector<128x512xf32> to vector<128x128xf32>
    %logistic3A_326 = arith.negf %slice3A_325 : vector<128x128xf32>
    %logistic3A_327 = math.exp %logistic3A_326 : vector<128x128xf32>
    %logistic3A_328 = arith.constant 1.000000e+00 : f32
    %logistic3A_329 = vector.broadcast %logistic3A_328 : f32 to vector<128x128xf32>
    %logistic3A_330 = arith.addf %logistic3A_329, %logistic3A_327 : vector<128x128xf32>
    %logistic3A_331 = arith.divf %logistic3A_329, %logistic3A_330 : vector<128x128xf32>
    %mul3A_332 = arith.mulf %logistic3A_322, %add3A_259 : vector<128x128xf32>
    %mul3A_333 = arith.mulf %logistic3A_315, %tanh3A_324 : vector<128x128xf32>
    %add3A_334 = arith.addf %mul3A_332, %mul3A_333 : vector<128x128xf32>
    %tanh3A_335 = math.tanh %add3A_334 : vector<128x128xf32>
    %mul3A_336 = arith.mulf %logistic3A_331, %tanh3A_335 : vector<128x128xf32>
    %broadcast_in_dim3A_337 = arith.constant -1.000000e+30 : f32
    %broadcast_in_dim3A_338 = vector.broadcast %broadcast_in_dim3A_337 : f32 to vector<1x128xf32>
    %scan3A_339 = arith.constant 0 : i32
    %scan3A_340 = arith.constant 10 : i32
    %scan3A_341 = arith.addi %scan3A_339, %scan3A_340 : i32
    %scan3A_342 = arith.constant 1 : i32
    %scan3A_343 = scf.for %scan3A_467 = %scan3A_339 to %scan3A_341 step %scan3A_342 iter_args(%scan3A_468 = %broadcast_in_dim3A_338) -> (vector<1x128xf32>)  : i32 {
      %mul3A_469 = arith.constant 1000 : i32
      %mul3A_470 = arith.muli %scan3A_467, %mul3A_469 : i32
      %get3A_471 = arith.index_cast %mul3A_470 : i32 to index
      %get3A_472 = arith.constant 0 : index
      %get3A_473 = vector.load %arg0[%get3A_471, %get3A_472] : memref<10000x128xf32, #tpu.memory_space<vmem>>, vector<1000x128xf32>
      %mul3A_474 = arith.constant 1000 : i32
      %mul3A_475 = arith.muli %scan3A_467, %mul3A_474 : i32
      %get3A_476 = arith.index_cast %mul3A_475 : i32 to index
      %get3A_477 = arith.constant 0 : index
      %get3A_478 = vector.load %arg1[%get3A_476, %get3A_477] : memref<10000x1xi32, #tpu.memory_space<vmem>>, vector<1000x1xi32>
      %eq3A = vector.broadcast %get3A_478 : vector<1000x1xi32> to vector<1000x128xi32>
      %eq3A_479 = vector.broadcast %iota3A : vector<1x128xi32> to vector<1000x128xi32>
      %eq3A_480 = arith.cmpi eq, %eq3A, %eq3A_479 : vector<1000x128xi32>
      %jit3A_481 = arith.constant 1.000000e+00 : f32
      %jit3A_482 = arith.constant 0.000000e+00 : f32
      %broadcast_in_dim3A_483 = vector.broadcast %jit3A_481 : f32 to vector<1000x128xf32>
      %broadcast_in_dim3A_484 = vector.broadcast %jit3A_482 : f32 to vector<1000x128xf32>
      %select_n3A_485 = arith.select %eq3A_480, %broadcast_in_dim3A_483, %broadcast_in_dim3A_484 : vector<1000x128xi1>, vector<1000x128xf32>
      %dot_general3A_486 = arith.constant dense<0.000000e+00> : vector<1000x128xf32>
      %dot_general3A_487 = tpu.matmul %select_n3A_485, %mul3A_336, %dot_general3A_486 {dimension_numbers = #tpu.dot_dimension_numbers<[1], [0], [0], [1], [0, 0, 1, 1], [], []>, precision = #tpu.contract_precision<fp32>, transpose_lhs_hint = false} : vector<1000x128xf32>, vector<128x128xf32>, vector<1000x128xf32> -> vector<1000x128xf32>
      %mul3A_488 = arith.mulf %get3A_473, %dot_general3A_487 : vector<1000x128xf32>
      %reduce_sum3A = arith.constant dense<0.000000e+00> : vector<1000xf32>
      %reduce_sum3A_489 = vector.multi_reduction <add>, %mul3A_488, %reduce_sum3A [1] : vector<1000x128xf32> to vector<1000xf32>
      %broadcast_in_dim3A_490 = vector.shape_cast %reduce_sum3A_489 : vector<1000xf32> to vector<1000x1xf32>
      %mul3A_491 = arith.constant 1000 : i32
      %mul3A_492 = arith.muli %scan3A_467, %mul3A_491 : i32
      %swap3A_493 = arith.index_cast %mul3A_492 : i32 to index
      %swap3A_494 = arith.constant 0 : index
      %swap3A_495 = vector.load %arg10[%swap3A_493, %swap3A_494] : memref<10000x1xf32, #tpu.memory_space<vmem>>, vector<1000x1xf32>
      tpu.vector_store %arg10[%swap3A_493, %swap3A_494], %broadcast_in_dim3A_490 {strides = array<i32>} : memref<10000x1xf32, #tpu.memory_space<vmem>>, vector<1000x1xf32>,
      %jit3A_496 = arith.constant -1.000000e+30 : f32
      %broadcast_in_dim3A_497 = vector.shape_cast %broadcast_in_dim3A_490 : vector<1000x1xf32> to vector<1000x1xf32>
      %broadcast_in_dim3A_498 = vector.broadcast %broadcast_in_dim3A_497 : vector<1000x1xf32> to vector<1000x128xf32>
      %broadcast_in_dim3A_499 = vector.broadcast %jit3A_496 : f32 to vector<1000x128xf32>
      %select_n3A_500 = arith.select %eq3A_480, %broadcast_in_dim3A_498, %broadcast_in_dim3A_499 : vector<1000x128xi1>, vector<1000x128xf32>
      %reduce_max3A = arith.constant dense<0xFF800000> : vector<128xf32>
      %reduce_max3A_501 = vector.multi_reduction <maximumf>, %select_n3A_500, %reduce_max3A [0] : vector<1000x128xf32> to vector<128xf32>
      %broadcast_in_dim3A_502 = vector.shape_cast %reduce_max3A_501 : vector<128xf32> to vector<1x128xf32>
      %max3A_503 = arith.maximumf %scan3A_468, %broadcast_in_dim3A_502 : vector<1x128xf32>
      scf.yield %max3A_503 : vector<1x128xf32>
    }
    %scan3A_344 = arith.constant 10 : i32
    %lt3A_345 = arith.constant -1.000000e+29 : f32
    %lt3A_346 = vector.broadcast %lt3A_345 : f32 to vector<1x128xf32>
    %lt3A_347 = arith.cmpf olt, %scan3A_343, %lt3A_346 : vector<1x128xf32>
    %jit3A_348 = arith.constant 0.000000e+00 : f32
    %broadcast_in_dim3A_349 = vector.broadcast %jit3A_348 : f32 to vector<1x128xf32>
    %select_n3A_350 = arith.select %lt3A_347, %broadcast_in_dim3A_349, %scan3A_343 : vector<1x128xi1>, vector<1x128xf32>
    %broadcast_in_dim3A_351 = arith.constant 0.000000e+00 : f32
    %broadcast_in_dim3A_352 = vector.broadcast %broadcast_in_dim3A_351 : f32 to vector<1x128xf32>
    %scan3A_353 = arith.constant 0 : i32
    %scan3A_354 = arith.constant 10 : i32
    %scan3A_355 = arith.addi %scan3A_353, %scan3A_354 : i32
    %scan3A_356 = arith.constant 1 : i32
    %scan3A_357 = scf.for %scan3A_467 = %scan3A_353 to %scan3A_355 step %scan3A_356 iter_args(%scan3A_468 = %broadcast_in_dim3A_352) -> (vector<1x128xf32>)  : i32 {
      %mul3A_469 = arith.constant 1000 : i32
      %mul3A_470 = arith.muli %scan3A_467, %mul3A_469 : i32
      %get3A_471 = arith.index_cast %mul3A_470 : i32 to index
      %get3A_472 = arith.constant 0 : index
      %get3A_473 = vector.load %arg1[%get3A_471, %get3A_472] : memref<10000x1xi32, #tpu.memory_space<vmem>>, vector<1000x1xi32>
      %eq3A = vector.broadcast %get3A_473 : vector<1000x1xi32> to vector<1000x128xi32>
      %eq3A_474 = vector.broadcast %iota3A : vector<1x128xi32> to vector<1000x128xi32>
      %eq3A_475 = arith.cmpi eq, %eq3A, %eq3A_474 : vector<1000x128xi32>
      %mul3A_476 = arith.constant 1000 : i32
      %mul3A_477 = arith.muli %scan3A_467, %mul3A_476 : i32
      %get3A_478 = arith.index_cast %mul3A_477 : i32 to index
      %get3A_479 = arith.constant 0 : index
      %get3A_480 = vector.load %arg10[%get3A_478, %get3A_479] : memref<10000x1xf32, #tpu.memory_space<vmem>>, vector<1000x1xf32>
      %jit3A_481 = arith.constant 0.000000e+00 : f32
      %broadcast_in_dim3A_482 = vector.shape_cast %select_n3A_350 : vector<1x128xf32> to vector<1x128xf32>
      %broadcast_in_dim3A_483 = vector.broadcast %broadcast_in_dim3A_482 : vector<1x128xf32> to vector<1000x128xf32>
      %broadcast_in_dim3A_484 = vector.broadcast %jit3A_481 : f32 to vector<1000x128xf32>
      %select_n3A_485 = arith.select %eq3A_475, %broadcast_in_dim3A_483, %broadcast_in_dim3A_484 : vector<1000x128xi1>, vector<1000x128xf32>
      %reduce_sum3A = arith.constant dense<0.000000e+00> : vector<1000xf32>
      %reduce_sum3A_486 = vector.multi_reduction <add>, %select_n3A_485, %reduce_sum3A [1] : vector<1000x128xf32> to vector<1000xf32>
      %broadcast_in_dim3A_487 = vector.shape_cast %reduce_sum3A_486 : vector<1000xf32> to vector<1000x1xf32>
      %sub3A = arith.subf %get3A_480, %broadcast_in_dim3A_487 : vector<1000x1xf32>
      %exp3A = math.exp %sub3A : vector<1000x1xf32>
      %mul3A_488 = arith.constant 1000 : i32
      %mul3A_489 = arith.muli %scan3A_467, %mul3A_488 : i32
      %swap3A_490 = arith.index_cast %mul3A_489 : i32 to index
      %swap3A_491 = arith.constant 0 : index
      %swap3A_492 = vector.load %arg11[%swap3A_490, %swap3A_491] : memref<10000x1xf32, #tpu.memory_space<vmem>>, vector<1000x1xf32>
      tpu.vector_store %arg11[%swap3A_490, %swap3A_491], %exp3A {strides = array<i32>} : memref<10000x1xf32, #tpu.memory_space<vmem>>, vector<1000x1xf32>,
      %jit3A_493 = arith.constant 0.000000e+00 : f32
      %broadcast_in_dim3A_494 = vector.shape_cast %exp3A : vector<1000x1xf32> to vector<1000x1xf32>
      %broadcast_in_dim3A_495 = vector.broadcast %broadcast_in_dim3A_494 : vector<1000x1xf32> to vector<1000x128xf32>
      %broadcast_in_dim3A_496 = vector.broadcast %jit3A_493 : f32 to vector<1000x128xf32>
      %select_n3A_497 = arith.select %eq3A_475, %broadcast_in_dim3A_495, %broadcast_in_dim3A_496 : vector<1000x128xi1>, vector<1000x128xf32>
      %reduce_sum3A_498 = arith.constant dense<0.000000e+00> : vector<128xf32>
      %reduce_sum3A_499 = vector.multi_reduction <add>, %select_n3A_497, %reduce_sum3A_498 [0] : vector<1000x128xf32> to vector<128xf32>
      %broadcast_in_dim3A_500 = vector.shape_cast %reduce_sum3A_499 : vector<128xf32> to vector<1x128xf32>
      %add3A_501 = arith.addf %scan3A_468, %broadcast_in_dim3A_500 : vector<1x128xf32>
      scf.yield %add3A_501 : vector<1x128xf32>
    }
    %scan3A_358 = arith.constant 10 : i32
    %broadcast_in_dim3A_359 = arith.constant 0.000000e+00 : f32
    %broadcast_in_dim3A_360 = vector.broadcast %broadcast_in_dim3A_359 : f32 to vector<128x128xf32>
    %scan3A_361 = arith.constant 0 : i32
    %scan3A_362 = arith.constant 10 : i32
    %scan3A_363 = arith.addi %scan3A_361, %scan3A_362 : i32
    %scan3A_364 = arith.constant 1 : i32
    %scan3A_365 = scf.for %scan3A_467 = %scan3A_361 to %scan3A_363 step %scan3A_364 iter_args(%scan3A_468 = %broadcast_in_dim3A_360) -> (vector<128x128xf32>)  : i32 {
      %mul3A_469 = arith.constant 1000 : i32
      %mul3A_470 = arith.muli %scan3A_467, %mul3A_469 : i32
      %get3A_471 = arith.index_cast %mul3A_470 : i32 to index
      %get3A_472 = arith.constant 0 : index
      %get3A_473 = vector.load %arg0[%get3A_471, %get3A_472] : memref<10000x128xf32, #tpu.memory_space<vmem>>, vector<1000x128xf32>
      %mul3A_474 = arith.constant 1000 : i32
      %mul3A_475 = arith.muli %scan3A_467, %mul3A_474 : i32
      %get3A_476 = arith.index_cast %mul3A_475 : i32 to index
      %get3A_477 = arith.constant 0 : index
      %get3A_478 = vector.load %arg1[%get3A_476, %get3A_477] : memref<10000x1xi32, #tpu.memory_space<vmem>>, vector<1000x1xi32>
      %eq3A = vector.broadcast %get3A_478 : vector<1000x1xi32> to vector<1000x128xi32>
      %eq3A_479 = vector.broadcast %iota3A : vector<1x128xi32> to vector<1000x128xi32>
      %eq3A_480 = arith.cmpi eq, %eq3A, %eq3A_479 : vector<1000x128xi32>
      %mul3A_481 = arith.constant 1000 : i32
      %mul3A_482 = arith.muli %scan3A_467, %mul3A_481 : i32
      %get3A_483 = arith.index_cast %mul3A_482 : i32 to index
      %get3A_484 = arith.constant 0 : index
      %get3A_485 = vector.load %arg11[%get3A_483, %get3A_484] : memref<10000x1xf32, #tpu.memory_space<vmem>>, vector<1000x1xf32>
      %jit3A_486 = arith.constant 0.000000e+00 : f32
      %broadcast_in_dim3A_487 = vector.shape_cast %scan3A_357 : vector<1x128xf32> to vector<1x128xf32>
      %broadcast_in_dim3A_488 = vector.broadcast %broadcast_in_dim3A_487 : vector<1x128xf32> to vector<1000x128xf32>
      %broadcast_in_dim3A_489 = vector.broadcast %jit3A_486 : f32 to vector<1000x128xf32>
      %select_n3A_490 = arith.select %eq3A_480, %broadcast_in_dim3A_488, %broadcast_in_dim3A_489 : vector<1000x128xi1>, vector<1000x128xf32>
      %reduce_sum3A = arith.constant dense<0.000000e+00> : vector<1000xf32>
      %reduce_sum3A_491 = vector.multi_reduction <add>, %select_n3A_490, %reduce_sum3A [1] : vector<1000x128xf32> to vector<1000xf32>
      %broadcast_in_dim3A_492 = vector.shape_cast %reduce_sum3A_491 : vector<1000xf32> to vector<1000x1xf32>
      %add3A_493 = arith.constant 1.000000e-16 : f32
      %add3A_494 = vector.broadcast %add3A_493 : f32 to vector<1000x1xf32>
      %add3A_495 = arith.addf %broadcast_in_dim3A_492, %add3A_494 : vector<1000x1xf32>
      %div3A = arith.divf %get3A_485, %add3A_495 : vector<1000x1xf32>
      %jit3A_496 = arith.constant 1.000000e+00 : f32
      %jit3A_497 = arith.constant 0.000000e+00 : f32
      %broadcast_in_dim3A_498 = vector.broadcast %jit3A_496 : f32 to vector<1000x128xf32>
      %broadcast_in_dim3A_499 = vector.broadcast %jit3A_497 : f32 to vector<1000x128xf32>
      %select_n3A_500 = arith.select %eq3A_480, %broadcast_in_dim3A_498, %broadcast_in_dim3A_499 : vector<1000x128xi1>, vector<1000x128xf32>
      %mul3A_501 = vector.broadcast %div3A : vector<1000x1xf32> to vector<1000x128xf32>
      %mul3A_502 = arith.mulf %mul3A_501, %get3A_473 : vector<1000x128xf32>
      %dot_general3A_503 = arith.constant dense<0.000000e+00> : vector<128x128xf32>
      %dot_general3A_504 = tpu.matmul %select_n3A_500, %mul3A_502, %dot_general3A_503 {dimension_numbers = #tpu.dot_dimension_numbers<[0], [0], [1], [1], [0, 1, 1, 1], [], []>, precision = #tpu.contract_precision<fp32>, transpose_lhs_hint = false} : vector<1000x128xf32>, vector<1000x128xf32>, vector<128x128xf32> -> vector<128x128xf32>
      %add3A_505 = arith.addf %scan3A_468, %dot_general3A_504 : vector<128x128xf32>
      scf.yield %add3A_505 : vector<128x128xf32>
    }
    %scan3A_366 = arith.constant 10 : i32
    %concatenate3A_367 = tpu.concatenate %mul3A_336, %scan3A_365 in 1 : vector<128x128xf32>, vector<128x128xf32> -> vector<128x256xf32>
    %get3A_368 = arith.constant 0 : index
    %get3A_369 = arith.constant 0 : index
    %get3A_370 = vector.load %arg2[%get3A_368, %get3A_369] : memref<256x512xf32, #tpu.memory_space<vmem>>, vector<256x512xf32>
    %dot_general3A_371 = arith.constant dense<0.000000e+00> : vector<128x512xf32>
    %dot_general3A_372 = tpu.matmul %concatenate3A_367, %get3A_370, %dot_general3A_371 {dimension_numbers = #tpu.dot_dimension_numbers<[1], [0], [0], [1], [0, 0, 1, 1], [], []>, transpose_lhs_hint = false} : vector<128x256xf32>, vector<256x512xf32>, vector<128x512xf32> -> vector<128x512xf32>
    %get3A_373 = arith.constant 0 : index
    %get3A_374 = arith.constant 0 : index
    %get3A_375 = vector.load %arg3[%get3A_373, %get3A_374] : memref<128x512xf32, #tpu.memory_space<vmem>>, vector<128x512xf32>
    %dot_general3A_376 = arith.constant dense<0.000000e+00> : vector<128x512xf32>
    %dot_general3A_377 = tpu.matmul %mul3A_336, %get3A_375, %dot_general3A_376 {dimension_numbers = #tpu.dot_dimension_numbers<[1], [0], [0], [1], [0, 0, 1, 1], [], []>, transpose_lhs_hint = false} : vector<128x128xf32>, vector<128x512xf32>, vector<128x512xf32> -> vector<128x512xf32>
    %add3A_378 = arith.addf %dot_general3A_372, %dot_general3A_377 : vector<128x512xf32>
    %get3A_379 = arith.constant 0 : index
    %get3A_380 = arith.constant 0 : index
    %get3A_381 = vector.load %arg4[%get3A_379, %get3A_380] : memref<1x512xf32, #tpu.memory_space<vmem>>, vector<1x512xf32>
    %add3A_382 = vector.broadcast %get3A_381 : vector<1x512xf32> to vector<128x512xf32>
    %add3A_383 = arith.addf %add3A_378, %add3A_382 : vector<128x512xf32>
    %slice3A_384 = vector.extract_strided_slice %add3A_383 {offsets = [0, 0], sizes = [128, 128], strides = [1, 1]} : vector<128x512xf32> to vector<128x128xf32>
    %logistic3A_385 = arith.negf %slice3A_384 : vector<128x128xf32>
    %logistic3A_386 = math.exp %logistic3A_385 : vector<128x128xf32>
    %logistic3A_387 = arith.constant 1.000000e+00 : f32
    %logistic3A_388 = vector.broadcast %logistic3A_387 : f32 to vector<128x128xf32>
    %logistic3A_389 = arith.addf %logistic3A_388, %logistic3A_386 : vector<128x128xf32>
    %logistic3A_390 = arith.divf %logistic3A_388, %logistic3A_389 : vector<128x128xf32>
    %slice3A_391 = vector.extract_strided_slice %add3A_383 {offsets = [0, 128], sizes = [128, 128], strides = [1, 1]} : vector<128x512xf32> to vector<128x128xf32>
    %logistic3A_392 = arith.negf %slice3A_391 : vector<128x128xf32>
    %logistic3A_393 = math.exp %logistic3A_392 : vector<128x128xf32>
    %logistic3A_394 = arith.constant 1.000000e+00 : f32
    %logistic3A_395 = vector.broadcast %logistic3A_394 : f32 to vector<128x128xf32>
    %logistic3A_396 = arith.addf %logistic3A_395, %logistic3A_393 : vector<128x128xf32>
    %logistic3A_397 = arith.divf %logistic3A_395, %logistic3A_396 : vector<128x128xf32>
    %slice3A_398 = vector.extract_strided_slice %add3A_383 {offsets = [0, 256], sizes = [128, 128], strides = [1, 1]} : vector<128x512xf32> to vector<128x128xf32>
    %tanh3A_399 = math.tanh %slice3A_398 : vector<128x128xf32>
    %slice3A_400 = vector.extract_strided_slice %add3A_383 {offsets = [0, 384], sizes = [128, 128], strides = [1, 1]} : vector<128x512xf32> to vector<128x128xf32>
    %logistic3A_401 = arith.negf %slice3A_400 : vector<128x128xf32>
    %logistic3A_402 = math.exp %logistic3A_401 : vector<128x128xf32>
    %logistic3A_403 = arith.constant 1.000000e+00 : f32
    %logistic3A_404 = vector.broadcast %logistic3A_403 : f32 to vector<128x128xf32>
    %logistic3A_405 = arith.addf %logistic3A_404, %logistic3A_402 : vector<128x128xf32>
    %logistic3A_406 = arith.divf %logistic3A_404, %logistic3A_405 : vector<128x128xf32>
    %mul3A_407 = arith.mulf %logistic3A_397, %add3A_334 : vector<128x128xf32>
    %mul3A_408 = arith.mulf %logistic3A_390, %tanh3A_399 : vector<128x128xf32>
    %add3A_409 = arith.addf %mul3A_407, %mul3A_408 : vector<128x128xf32>
    %tanh3A_410 = math.tanh %add3A_409 : vector<128x128xf32>
    %mul3A_411 = arith.mulf %logistic3A_406, %tanh3A_410 : vector<128x128xf32>
    %broadcast_in_dim3A_412 = arith.constant -1.000000e+30 : f32
    %broadcast_in_dim3A_413 = vector.broadcast %broadcast_in_dim3A_412 : f32 to vector<1x128xf32>
    %scan3A_414 = arith.constant 0 : i32
    %scan3A_415 = arith.constant 10 : i32
    %scan3A_416 = arith.addi %scan3A_414, %scan3A_415 : i32
    %scan3A_417 = arith.constant 1 : i32
    %scan3A_418 = scf.for %scan3A_467 = %scan3A_414 to %scan3A_416 step %scan3A_417 iter_args(%scan3A_468 = %broadcast_in_dim3A_413) -> (vector<1x128xf32>)  : i32 {
      %mul3A_469 = arith.constant 1000 : i32
      %mul3A_470 = arith.muli %scan3A_467, %mul3A_469 : i32
      %get3A_471 = arith.index_cast %mul3A_470 : i32 to index
      %get3A_472 = arith.constant 0 : index
      %get3A_473 = vector.load %arg0[%get3A_471, %get3A_472] : memref<10000x128xf32, #tpu.memory_space<vmem>>, vector<1000x128xf32>
      %mul3A_474 = arith.constant 1000 : i32
      %mul3A_475 = arith.muli %scan3A_467, %mul3A_474 : i32
      %get3A_476 = arith.index_cast %mul3A_475 : i32 to index
      %get3A_477 = arith.constant 0 : index
      %get3A_478 = vector.load %arg1[%get3A_476, %get3A_477] : memref<10000x1xi32, #tpu.memory_space<vmem>>, vector<1000x1xi32>
      %eq3A = vector.broadcast %get3A_478 : vector<1000x1xi32> to vector<1000x128xi32>
      %eq3A_479 = vector.broadcast %iota3A : vector<1x128xi32> to vector<1000x128xi32>
      %eq3A_480 = arith.cmpi eq, %eq3A, %eq3A_479 : vector<1000x128xi32>
      %jit3A_481 = arith.constant 1.000000e+00 : f32
      %jit3A_482 = arith.constant 0.000000e+00 : f32
      %broadcast_in_dim3A_483 = vector.broadcast %jit3A_481 : f32 to vector<1000x128xf32>
      %broadcast_in_dim3A_484 = vector.broadcast %jit3A_482 : f32 to vector<1000x128xf32>
      %select_n3A_485 = arith.select %eq3A_480, %broadcast_in_dim3A_483, %broadcast_in_dim3A_484 : vector<1000x128xi1>, vector<1000x128xf32>
      %dot_general3A_486 = arith.constant dense<0.000000e+00> : vector<1000x128xf32>
      %dot_general3A_487 = tpu.matmul %select_n3A_485, %mul3A_411, %dot_general3A_486 {dimension_numbers = #tpu.dot_dimension_numbers<[1], [0], [0], [1], [0, 0, 1, 1], [], []>, precision = #tpu.contract_precision<fp32>, transpose_lhs_hint = false} : vector<1000x128xf32>, vector<128x128xf32>, vector<1000x128xf32> -> vector<1000x128xf32>
      %mul3A_488 = arith.mulf %get3A_473, %dot_general3A_487 : vector<1000x128xf32>
      %reduce_sum3A = arith.constant dense<0.000000e+00> : vector<1000xf32>
      %reduce_sum3A_489 = vector.multi_reduction <add>, %mul3A_488, %reduce_sum3A [1] : vector<1000x128xf32> to vector<1000xf32>
      %broadcast_in_dim3A_490 = vector.shape_cast %reduce_sum3A_489 : vector<1000xf32> to vector<1000x1xf32>
      %mul3A_491 = arith.constant 1000 : i32
      %mul3A_492 = arith.muli %scan3A_467, %mul3A_491 : i32
      %swap3A_493 = arith.index_cast %mul3A_492 : i32 to index
      %swap3A_494 = arith.constant 0 : index
      %swap3A_495 = vector.load %arg10[%swap3A_493, %swap3A_494] : memref<10000x1xf32, #tpu.memory_space<vmem>>, vector<1000x1xf32>
      tpu.vector_store %arg10[%swap3A_493, %swap3A_494], %broadcast_in_dim3A_490 {strides = array<i32>} : memref<10000x1xf32, #tpu.memory_space<vmem>>, vector<1000x1xf32>,
      %jit3A_496 = arith.constant -1.000000e+30 : f32
      %broadcast_in_dim3A_497 = vector.shape_cast %broadcast_in_dim3A_490 : vector<1000x1xf32> to vector<1000x1xf32>
      %broadcast_in_dim3A_498 = vector.broadcast %broadcast_in_dim3A_497 : vector<1000x1xf32> to vector<1000x128xf32>
      %broadcast_in_dim3A_499 = vector.broadcast %jit3A_496 : f32 to vector<1000x128xf32>
      %select_n3A_500 = arith.select %eq3A_480, %broadcast_in_dim3A_498, %broadcast_in_dim3A_499 : vector<1000x128xi1>, vector<1000x128xf32>
      %reduce_max3A = arith.constant dense<0xFF800000> : vector<128xf32>
      %reduce_max3A_501 = vector.multi_reduction <maximumf>, %select_n3A_500, %reduce_max3A [0] : vector<1000x128xf32> to vector<128xf32>
      %broadcast_in_dim3A_502 = vector.shape_cast %reduce_max3A_501 : vector<128xf32> to vector<1x128xf32>
      %max3A_503 = arith.maximumf %scan3A_468, %broadcast_in_dim3A_502 : vector<1x128xf32>
      scf.yield %max3A_503 : vector<1x128xf32>
    }
    %scan3A_419 = arith.constant 10 : i32
    %lt3A_420 = arith.constant -1.000000e+29 : f32
    %lt3A_421 = vector.broadcast %lt3A_420 : f32 to vector<1x128xf32>
    %lt3A_422 = arith.cmpf olt, %scan3A_418, %lt3A_421 : vector<1x128xf32>
    %jit3A_423 = arith.constant 0.000000e+00 : f32
    %broadcast_in_dim3A_424 = vector.broadcast %jit3A_423 : f32 to vector<1x128xf32>
    %select_n3A_425 = arith.select %lt3A_422, %broadcast_in_dim3A_424, %scan3A_418 : vector<1x128xi1>, vector<1x128xf32>
    %broadcast_in_dim3A_426 = arith.constant 0.000000e+00 : f32
    %broadcast_in_dim3A_427 = vector.broadcast %broadcast_in_dim3A_426 : f32 to vector<1x128xf32>
    %scan3A_428 = arith.constant 0 : i32
    %scan3A_429 = arith.constant 10 : i32
    %scan3A_430 = arith.addi %scan3A_428, %scan3A_429 : i32
    %scan3A_431 = arith.constant 1 : i32
    %scan3A_432 = scf.for %scan3A_467 = %scan3A_428 to %scan3A_430 step %scan3A_431 iter_args(%scan3A_468 = %broadcast_in_dim3A_427) -> (vector<1x128xf32>)  : i32 {
      %mul3A_469 = arith.constant 1000 : i32
      %mul3A_470 = arith.muli %scan3A_467, %mul3A_469 : i32
      %get3A_471 = arith.index_cast %mul3A_470 : i32 to index
      %get3A_472 = arith.constant 0 : index
      %get3A_473 = vector.load %arg1[%get3A_471, %get3A_472] : memref<10000x1xi32, #tpu.memory_space<vmem>>, vector<1000x1xi32>
      %eq3A = vector.broadcast %get3A_473 : vector<1000x1xi32> to vector<1000x128xi32>
      %eq3A_474 = vector.broadcast %iota3A : vector<1x128xi32> to vector<1000x128xi32>
      %eq3A_475 = arith.cmpi eq, %eq3A, %eq3A_474 : vector<1000x128xi32>
      %mul3A_476 = arith.constant 1000 : i32
      %mul3A_477 = arith.muli %scan3A_467, %mul3A_476 : i32
      %get3A_478 = arith.index_cast %mul3A_477 : i32 to index
      %get3A_479 = arith.constant 0 : index
      %get3A_480 = vector.load %arg10[%get3A_478, %get3A_479] : memref<10000x1xf32, #tpu.memory_space<vmem>>, vector<1000x1xf32>
      %jit3A_481 = arith.constant 0.000000e+00 : f32
      %broadcast_in_dim3A_482 = vector.shape_cast %select_n3A_425 : vector<1x128xf32> to vector<1x128xf32>
      %broadcast_in_dim3A_483 = vector.broadcast %broadcast_in_dim3A_482 : vector<1x128xf32> to vector<1000x128xf32>
      %broadcast_in_dim3A_484 = vector.broadcast %jit3A_481 : f32 to vector<1000x128xf32>
      %select_n3A_485 = arith.select %eq3A_475, %broadcast_in_dim3A_483, %broadcast_in_dim3A_484 : vector<1000x128xi1>, vector<1000x128xf32>
      %reduce_sum3A = arith.constant dense<0.000000e+00> : vector<1000xf32>
      %reduce_sum3A_486 = vector.multi_reduction <add>, %select_n3A_485, %reduce_sum3A [1] : vector<1000x128xf32> to vector<1000xf32>
      %broadcast_in_dim3A_487 = vector.shape_cast %reduce_sum3A_486 : vector<1000xf32> to vector<1000x1xf32>
      %sub3A = arith.subf %get3A_480, %broadcast_in_dim3A_487 : vector<1000x1xf32>
      %exp3A = math.exp %sub3A : vector<1000x1xf32>
      %mul3A_488 = arith.constant 1000 : i32
      %mul3A_489 = arith.muli %scan3A_467, %mul3A_488 : i32
      %swap3A_490 = arith.index_cast %mul3A_489 : i32 to index
      %swap3A_491 = arith.constant 0 : index
      %swap3A_492 = vector.load %arg11[%swap3A_490, %swap3A_491] : memref<10000x1xf32, #tpu.memory_space<vmem>>, vector<1000x1xf32>
      tpu.vector_store %arg11[%swap3A_490, %swap3A_491], %exp3A {strides = array<i32>} : memref<10000x1xf32, #tpu.memory_space<vmem>>, vector<1000x1xf32>,
      %jit3A_493 = arith.constant 0.000000e+00 : f32
      %broadcast_in_dim3A_494 = vector.shape_cast %exp3A : vector<1000x1xf32> to vector<1000x1xf32>
      %broadcast_in_dim3A_495 = vector.broadcast %broadcast_in_dim3A_494 : vector<1000x1xf32> to vector<1000x128xf32>
      %broadcast_in_dim3A_496 = vector.broadcast %jit3A_493 : f32 to vector<1000x128xf32>
      %select_n3A_497 = arith.select %eq3A_475, %broadcast_in_dim3A_495, %broadcast_in_dim3A_496 : vector<1000x128xi1>, vector<1000x128xf32>
      %reduce_sum3A_498 = arith.constant dense<0.000000e+00> : vector<128xf32>
      %reduce_sum3A_499 = vector.multi_reduction <add>, %select_n3A_497, %reduce_sum3A_498 [0] : vector<1000x128xf32> to vector<128xf32>
      %broadcast_in_dim3A_500 = vector.shape_cast %reduce_sum3A_499 : vector<128xf32> to vector<1x128xf32>
      %add3A_501 = arith.addf %scan3A_468, %broadcast_in_dim3A_500 : vector<1x128xf32>
      scf.yield %add3A_501 : vector<1x128xf32>
    }
    %scan3A_433 = arith.constant 10 : i32
    %broadcast_in_dim3A_434 = arith.constant 0.000000e+00 : f32
    %broadcast_in_dim3A_435 = vector.broadcast %broadcast_in_dim3A_434 : f32 to vector<128x128xf32>
    %scan3A_436 = arith.constant 0 : i32
    %scan3A_437 = arith.constant 10 : i32
    %scan3A_438 = arith.addi %scan3A_436, %scan3A_437 : i32
    %scan3A_439 = arith.constant 1 : i32
    %scan3A_440 = scf.for %scan3A_467 = %scan3A_436 to %scan3A_438 step %scan3A_439 iter_args(%scan3A_468 = %broadcast_in_dim3A_435) -> (vector<128x128xf32>)  : i32 {
      %mul3A_469 = arith.constant 1000 : i32
      %mul3A_470 = arith.muli %scan3A_467, %mul3A_469 : i32
      %get3A_471 = arith.index_cast %mul3A_470 : i32 to index
      %get3A_472 = arith.constant 0 : index
      %get3A_473 = vector.load %arg0[%get3A_471, %get3A_472] : memref<10000x128xf32, #tpu.memory_space<vmem>>, vector<1000x128xf32>
      %mul3A_474 = arith.constant 1000 : i32
      %mul3A_475 = arith.muli %scan3A_467, %mul3A_474 : i32
      %get3A_476 = arith.index_cast %mul3A_475 : i32 to index
      %get3A_477 = arith.constant 0 : index
      %get3A_478 = vector.load %arg1[%get3A_476, %get3A_477] : memref<10000x1xi32, #tpu.memory_space<vmem>>, vector<1000x1xi32>
      %eq3A = vector.broadcast %get3A_478 : vector<1000x1xi32> to vector<1000x128xi32>
      %eq3A_479 = vector.broadcast %iota3A : vector<1x128xi32> to vector<1000x128xi32>
      %eq3A_480 = arith.cmpi eq, %eq3A, %eq3A_479 : vector<1000x128xi32>
      %mul3A_481 = arith.constant 1000 : i32
      %mul3A_482 = arith.muli %scan3A_467, %mul3A_481 : i32
      %get3A_483 = arith.index_cast %mul3A_482 : i32 to index
      %get3A_484 = arith.constant 0 : index
      %get3A_485 = vector.load %arg11[%get3A_483, %get3A_484] : memref<10000x1xf32, #tpu.memory_space<vmem>>, vector<1000x1xf32>
      %jit3A_486 = arith.constant 0.000000e+00 : f32
      %broadcast_in_dim3A_487 = vector.shape_cast %scan3A_432 : vector<1x128xf32> to vector<1x128xf32>
      %broadcast_in_dim3A_488 = vector.broadcast %broadcast_in_dim3A_487 : vector<1x128xf32> to vector<1000x128xf32>
      %broadcast_in_dim3A_489 = vector.broadcast %jit3A_486 : f32 to vector<1000x128xf32>
      %select_n3A_490 = arith.select %eq3A_480, %broadcast_in_dim3A_488, %broadcast_in_dim3A_489 : vector<1000x128xi1>, vector<1000x128xf32>
      %reduce_sum3A = arith.constant dense<0.000000e+00> : vector<1000xf32>
      %reduce_sum3A_491 = vector.multi_reduction <add>, %select_n3A_490, %reduce_sum3A [1] : vector<1000x128xf32> to vector<1000xf32>
      %broadcast_in_dim3A_492 = vector.shape_cast %reduce_sum3A_491 : vector<1000xf32> to vector<1000x1xf32>
      %add3A_493 = arith.constant 1.000000e-16 : f32
      %add3A_494 = vector.broadcast %add3A_493 : f32 to vector<1000x1xf32>
      %add3A_495 = arith.addf %broadcast_in_dim3A_492, %add3A_494 : vector<1000x1xf32>
      %div3A = arith.divf %get3A_485, %add3A_495 : vector<1000x1xf32>
      %jit3A_496 = arith.constant 1.000000e+00 : f32
      %jit3A_497 = arith.constant 0.000000e+00 : f32
      %broadcast_in_dim3A_498 = vector.broadcast %jit3A_496 : f32 to vector<1000x128xf32>
      %broadcast_in_dim3A_499 = vector.broadcast %jit3A_497 : f32 to vector<1000x128xf32>
      %select_n3A_500 = arith.select %eq3A_480, %broadcast_in_dim3A_498, %broadcast_in_dim3A_499 : vector<1000x128xi1>, vector<1000x128xf32>
      %mul3A_501 = vector.broadcast %div3A : vector<1000x1xf32> to vector<1000x128xf32>
      %mul3A_502 = arith.mulf %mul3A_501, %get3A_473 : vector<1000x128xf32>
      %dot_general3A_503 = arith.constant dense<0.000000e+00> : vector<128x128xf32>
      %dot_general3A_504 = tpu.matmul %select_n3A_500, %mul3A_502, %dot_general3A_503 {dimension_numbers = #tpu.dot_dimension_numbers<[0], [0], [1], [1], [0, 1, 1, 1], [], []>, precision = #tpu.contract_precision<fp32>, transpose_lhs_hint = false} : vector<1000x128xf32>, vector<1000x128xf32>, vector<128x128xf32> -> vector<128x128xf32>
      %add3A_505 = arith.addf %scan3A_468, %dot_general3A_504 : vector<128x128xf32>
      scf.yield %add3A_505 : vector<128x128xf32>
    }
    %scan3A_441 = arith.constant 10 : i32
    %concatenate3A_442 = tpu.concatenate %mul3A_411, %scan3A_440 in 1 : vector<128x128xf32>, vector<128x128xf32> -> vector<128x256xf32>
    %get3A_443 = arith.constant 0 : index
    %get3A_444 = arith.constant 0 : index
    %get3A_445 = vector.load %arg5[%get3A_443, %get3A_444] : memref<256x128xf32, #tpu.memory_space<vmem>>, vector<256x128xf32>
    %dot_general3A_446 = arith.constant dense<0.000000e+00> : vector<128x128xf32>
    %dot_general3A_447 = tpu.matmul %concatenate3A_442, %get3A_445, %dot_general3A_446 {dimension_numbers = #tpu.dot_dimension_numbers<[1], [0], [0], [1], [0, 0, 1, 1], [], []>, transpose_lhs_hint = false} : vector<128x256xf32>, vector<256x128xf32>, vector<128x128xf32> -> vector<128x128xf32>
    %get3A_448 = arith.constant 0 : index
    %get3A_449 = arith.constant 0 : index
    %get3A_450 = vector.load %arg6[%get3A_448, %get3A_449] : memref<1x128xf32, #tpu.memory_space<vmem>>, vector<1x128xf32>
    %add3A_451 = vector.broadcast %get3A_450 : vector<1x128xf32> to vector<128x128xf32>
    %add3A_452 = arith.addf %dot_general3A_447, %add3A_451 : vector<128x128xf32>
    %max3A = arith.constant 0.000000e+00 : f32
    %max3A_453 = vector.broadcast %max3A : f32 to vector<128x128xf32>
    %max3A_454 = arith.maximumf %add3A_452, %max3A_453 : vector<128x128xf32>
    %get3A_455 = arith.constant 0 : index
    %get3A_456 = arith.constant 0 : index
    %get3A_457 = vector.load %arg7[%get3A_455, %get3A_456] : memref<128x16xf32, #tpu.memory_space<vmem>>, vector<128x16xf32>
    %dot_general3A_458 = arith.constant dense<0.000000e+00> : vector<128x16xf32>
    %dot_general3A_459 = tpu.matmul %max3A_454, %get3A_457, %dot_general3A_458 {dimension_numbers = #tpu.dot_dimension_numbers<[1], [0], [0], [1], [0, 0, 1, 1], [], []>, transpose_lhs_hint = false} : vector<128x128xf32>, vector<128x16xf32>, vector<128x16xf32> -> vector<128x16xf32>
    %get3A_460 = arith.constant 0 : index
    %get3A_461 = arith.constant 0 : index
    %get3A_462 = vector.load %arg8[%get3A_460, %get3A_461] : memref<1x16xf32, #tpu.memory_space<vmem>>, vector<1x16xf32>
    %add3A_463 = vector.broadcast %get3A_462 : vector<1x16xf32> to vector<128x16xf32>
    %add3A_464 = arith.addf %dot_general3A_459, %add3A_463 : vector<128x16xf32>
    %swap3A = arith.constant 0 : index
    %swap3A_465 = arith.constant 0 : index
    %swap3A_466 = vector.load %arg9[%swap3A, %swap3A_465] : memref<128x16xf32, #tpu.memory_space<vmem>>, vector<128x16xf32>
    tpu.vector_store %arg9[%swap3A, %swap3A_465], %add3A_464 {strides = array<i32>} : memref<128x16xf32, #tpu.memory_space<vmem>>, vector<128x16xf32>,
    return
  }
}

</mosaic_0001>

<sc_bundles>
// kernel: gather_offload_async_start.1
scs
__scs_entry_jumppad:
0x0: {  	(pc) =	sbr.rel $0x88, $3  }
0x1: {  	(tag) =	ssettag $0x0;
	lr =	simm.s32 $0x1  }
0x2: {  	[smem:$0x3F8B] =	sst lr;
	_ =	strace $0xD0000000  }
0x3: {  	_ = 	snop  }
0x4: {  	_ = 	snop  }
0x5: {  	_ = 	snop  }
0x6: {  	_ = 	snop  }
0x7: {  	_ = 	snop  }
__scs_overlays_trampoline_lowered:
0x8: {  	[smem:$0x3F9A] =	sst s0  }
0x9: {  	[smem:$0x3F9B] =	sst s1  }
0xa: {  	[smem:$0x3F9C] =	sst s2  }
0xb: {  	[smem:$0x3F9D] =	sst s3  }
0xc: {  	[smem:$0x3F9E] =	sst s4  }
0xd: {  	[smem:$0x3F9F] =	sst s5  }
0xe: {  	[smem:$0x3FA0] =	sst s6  }
0xf: {  	[smem:$0x3FA1] =	sst s7  }
0x10: {  	[smem:$0x3FA2] =	sst s8  }
0x11: {  	[smem:$0x3FA3] =	sst s9;
	s0 =	simm.s32 @!p0 $0x0  }
0x12: {  	s1 =	sld [smem:$0x3F89];
	s0 =	simm.s32 @p0 $0x1  }
0x13: {  	[smem:$0x3FA4] =	sst s0;
	s0 =	simm.s32 @!p1 $0x0  }
0x14: {  	s2 =	sld [smem:$0x3F88];
	s0 =	simm.s32 @p1 $0x1  }
0x15: {  	[smem:$0x3FA5] =	sst s0;
	s0 =	simm.s32 @!p2 $0x0  }
0x16: {  	s3 =	sld [smem:$0x3FDB];
	s0 =	simm.s32 @p2 $0x1  }
0x17: {  	s4 =	simm.s32 $0x1BF5;
	[smem:$0x3FA7] =	sst s0  }
0x18: {  	s0 =	sld [smem:$0x3F8A];
	_ =	swait.ge [sflag:s4], $0x0  }
0x19: {  	s7 =	sld [smem:$0x3F8B]  }
0x1a: {  	s8 =	sadd.s32 $0xFFFFE003, lr  }
0x1b: {  	s9 =	sadd.s32 $0xFFFFFEF7, lr;
	s5 =	simm.s32 $0xFFFFFFFF;
	p2 =	slt.u32 s8, $0xFFFFF086  }
0x1c: {  	p1 =	slt.u32 s9, $0xF7A;
	s5 =	simm.s32 @!p2 $0x0  }
0x1d: {  	s5 =	simm.s32 @p1 $0x1;
	p0 =	seq.s32 s7, s2  }
0x1e: {  	s7 =	smul.u32 @!p0 $0xF7A, s2;
	p2 =	seq.s32 @!p0 s5, $0x0  }
0x1f: {  	s9 =	smul.u32 $0xF7A, s1;
	s8 =	simm.s32 @!p0 $0x1BF5;
	p2 =	por !p2, p0  }
0x20: {  	[sflag:s8] =	ssyncset.s32 @!p0 $0xFFFFF086;
	s6 =	sadd.s32 @!p0 s3, s7;
	s7 =	simm.s32 @!p0 $0x108  }
0x21: {  	s3 =	sadd.s32 s3, s9;
	s6 =	sadd.s32 @!p0 $0x88, s6;
	s7 =	simm.s32 @p2 $0x1082  }
0x22: {  	[simem:s7], [sflag:s8] =	dma.local @!p0 [hbm:s6], $0xF7A  }
0x23: {  	s9 =	sor.u32 $0xD0000000, s2;
	s6 =	simm.s32 $0x108;
	_ =	swait.ge @!p0 [sflag:s8], $0x0  }
0x24: {  	s3 =	sadd.s32 $0x88, s3;
	s6 =	simm.s32 @!p1 $0x1082;
	[sflag:s4] =	ssyncset.s32 $0xFFFFF086  }
0x25: {  	[simem:s6], [sflag:s4] =	dma.local [hbm:s3], $0xF7A  }
0x26: {  	[smem:$0x3F8B] =	sst s1;
	(tag) =	ssettag s2;
	_ =	strace s9  }
0x27: {  	s1 =	sld [smem:$0x3F9B]  }
0x28: {  	s2 =	sld [smem:$0x3F9C]  }
0x29: {  	s4 =	sld [smem:$0x3F9E]  }
0x2a: {  	p0 =	seq.s32 s5, $0x0;
	s5 =	sld [smem:$0x3F9F]  }
0x2b: {  	s6 =	sld [smem:$0x3FA0]  }
0x2c: {  	s7 =	sld [smem:$0x3FA1]  }
0x2d: {  	s3 =	simm.s32 $0x108;
	s8 =	sld [smem:$0x3FA2]  }
0x2e: {  	s3 =	simm.s32 @!p0 $0x1082;
	s9 =	sld [smem:$0x3FA3]  }
0x2f: {  	lr =	sadd.s32 s0, s3;
	s0 =	sld [smem:$0x3F9A]  }
0x30: {  	s3 =	sld [smem:$0x3F9D]  }
0x31: {  	[smem:$0x3FA6] =	sst s10  }
0x32: {  	s10 =	sld [smem:$0x3FA4];
	_ =	sdelay $0x3  }
0x33: {  	p0 =	seq.s32 s10, $0x1;
	s10 =	sld [smem:$0x3FA6];
	_ =	sdelay $0x3  }
0x34: {  	[smem:$0x3FA6] =	sst s10  }
0x35: {  	s10 =	sld [smem:$0x3FA5];
	_ =	sdelay $0x3  }
0x36: {  	p1 =	seq.s32 s10, $0x1;
	s10 =	sld [smem:$0x3FA6];
	_ =	sdelay $0x3  }
0x37: {  	[smem:$0x3FA6] =	sst s10  }
0x38: {  	s10 =	sld [smem:$0x3FA7]  }
0x39: {  	_ = 	snop;
	(pc) =	sbr.ind lr, $3  }
0x3a: {  	_ = 	snop  }
0x3b: {  	_ = 	snop  }
0x3c: {  	p2 =	seq.s32 s10, $0x1;
	s10 =	sld [smem:$0x3FA6]  }
0x3d: {  	_ =	shalt  }
0x3e: {  	_ =	shalt  }
0x3f: {  	_ =	shalt  }
0x40: {  	_ =	shalt  }
0x41: {  	_ =	shalt  }
0x42: {  	_ =	shalt  }
0x43: {  	_ =	shalt  }
0x44: {  	_ =	shalt  }
0x45: {  	_ =	shalt  }
0x46: {  	_ =	shalt  }
0x47: {  	_ =	shalt  }
0x48: {  	_ =	shalt  }
0x49: {  	_ =	shalt  }
0x4a: {  	_ =	shalt  }
0x4b: {  	_ =	shalt  }
0x4c: {  	_ =	shalt  }
0x4d: {  	_ =	shalt  }
0x4e: {  	_ =	shalt  }
0x4f: {  	_ =	shalt  }
0x50: {  	_ =	shalt  }
0x51: {  	_ =	shalt  }
0x52: {  	_ =	shalt  }
0x53: {  	_ =	shalt  }
0x54: {  	_ =	shalt  }
0x55: {  	_ =	shalt  }
0x56: {  	_ =	shalt  }
0x57: {  	_ =	shalt  }
0x58: {  	_ =	shalt  }
0x59: {  	_ =	shalt  }
0x5a: {  	_ =	shalt  }
0x5b: {  	_ =	shalt  }
0x5c: {  	_ =	shalt  }
0x5d: {  	_ =	shalt  }
0x5e: {  	_ =	shalt  }
0x5f: {  	_ =	shalt  }
0x60: {  	_ =	shalt  }
0x61: {  	_ =	shalt  }
0x62: {  	_ =	shalt  }
0x63: {  	_ =	shalt  }
0x64: {  	_ =	shalt  }
0x65: {  	_ =	shalt  }
0x66: {  	_ =	shalt  }
0x67: {  	_ =	shalt  }
0x68: {  	_ =	shalt  }
0x69: {  	_ =	shalt  }
0x6a: {  	_ =	shalt  }
0x6b: {  	_ =	shalt  }
0x6c: {  	_ =	shalt  }
0x6d: {  	_ =	shalt  }
0x6e: {  	_ =	shalt  }
0x6f: {  	_ =	shalt  }
0x70: {  	_ =	shalt  }
0x71: {  	_ =	shalt  }
0x72: {  	_ =	shalt  }
0x73: {  	_ =	shalt  }
0x74: {  	_ =	shalt  }
0x75: {  	_ =	shalt  }
0x76: {  	_ =	shalt  }
0x77: {  	_ =	shalt  }
0x78: {  	_ =	shalt  }
0x79: {  	_ =	shalt  }
0x7a: {  	_ =	shalt  }
0x7b: {  	_ =	shalt  }
0x7c: {  	_ =	shalt  }
0x7d: {  	_ =	shalt  }
0x7e: {  	_ =	shalt  }
0x7f: {  	_ =	shalt  }
0x80: {  	_ =	shalt  }
0x81: {  	_ =	shalt  }
0x82: {  	_ =	shalt  }
0x83: {  	_ =	shalt  }
0x84: {  	_ =	shalt  }
0x85: {  	_ =	shalt  }
0x86: {  	_ =	shalt  }
0x87: {  	_ =	shalt  }
.Lfunc_end0:
.L_simem_size_0:
called_computation.1_lowered:
.L_overlay_start_0:
0x88: {  	s2 =	sld [smem:$0x3FD9]  }
0x89: {  	s3 =	sld [smem:$0x3FFE];
	_ =	sdelay $0x1  }
0x8a: {  	s1 =	srdreg.scid  }
0x8b: {  	s0 =	sand.u32 $0x1, s1  }
0x8c: {  	s16 =	sshll.u32 s0, $0xA;
	s2 =	sadd.s32 s3, s2  }
0x8d: {  	s2 =	sadd.s32 s2, s16  }
0x8e: {  	[smem:$0x3FB2] =	sst s2  }
0x8f: {  	_ = 	snop  }
0x90: {  	(tm) =	ssettm $0x1  }
0x91: {  	s17 =	sld [smem:$0x3FFB];
	_ =	sdelay $0x3  }
0x92: {  	_ =	strace s17  }
0x93: {  	s2 =	sld [smem:$0x3FFC];
	_ =	sdelay $0x3  }
0x94: {  	_ =	strace s2  }
0x95: {  	s2 =	sld [smem:$0x3FFD];
	_ =	sdelay $0x3  }
0x96: {  	_ =	strace s2  }
0x97: {  	_ =	strace $0x8FFFFFFF  }
0x98: {  	s18 =	sld [smem:$0x3FDB];
	_ =	sdelay $0x1  }
0x99: {  	s19 =	simm.s32 $_scs_section_size  }
0x9a: {  	s4 =	simm.s32 $_size__tile_overlayer_lowered;
	s5 =	simm.s32 $_tile_overlayer_lowered  }
0x9b: {  	s22 =	simm.s32 $0x1BFF;
	s21 =	sshll.u32 s5, $0x1;
	s2 =	sadd.s32 s19, s18  }
0x9c: {  	s6 =	simm.s32 $0x0;
	s20 =	sshll.u32 s4, $0x1;
	s4 =	sadd.s32 s21, s2  }
0x9d: {  	[timem:s6], [sflag:s22] =	dma.local [hbm:s4], s20  }
0x9e: {  	_ =	swait.ge [sflag:s22], s20  }
0x9f: {  	s3 =	ssub.s32 $0x0, s20;
	[sflag:s22] =	ssyncset.done $0x0  }
0xa0: {  	[sflag:s22] =	ssyncadd.s32 s3;
	_ =	sdelay $0x1  }
0xa1: {  	s23 =	simm.s32 $0x1B8B  }
0xa2: {  	_ =	swait.ge [sflag:s23], $0x1  }
0xa3: {  	[sflag:s23] =	ssyncset.done $0x0  }
0xa4: {  	s25 =	simm.s32 $0x1B8E;
	s24 =	sld [smem:$0x3FFE];
	[sflag:s23] =	ssyncadd.s32 $0xFFFFFFFF  }
0xa5: {  	s26 =	simm.s32 $execute0_lowered;
	[smem:$0x3FD2] =	sst s25  }
0xa6: {  	s4 =	sshll.u32 s26, $0x1;
	_ =	strace $0x80000046;
	[dreg:$0x1] =	wrdreg $0xFFFFFFFF  }
0xa7: {  	s28 =	simm.s32 $_size_execute0_lowered;
	s2 =	sadd.s32 s2, s4;
	[dreg:$0x0] =	wrdreg $0x0  }
0xa8: {  	s4 =	sshll.u32 s28, $0x1;
	[dreg:$0x2] =	wrdreg s2  }
0xa9: {  	[dreg:$0x3] =	wrdreg s4  }
0xaa: {  	[dreg:$0x4] =	wrdreg $0xC0  }
0xab: {  	_ =	task [dreg:s6], $0x5FFFF  }
0xac: {  	[dreg:$0x1] =	wrdreg $0xFFFFFFFF  }
0xad: {  	[dreg:$0x0] =	wrdreg $0x60  }
0xae: {  	[dreg:$0x2] =	wrdreg s24  }
0xaf: {  	[dreg:$0x3] =	wrdreg $0x9  }
0xb0: {  	_ =	task.clear_ibuf [dreg:s6], $0x4FFFF;
	_ =	strace $0x90000046  }
0xb1: {  	s29 =	simm.s32 $0x9;
	_ =	strace $0x80000048  }
0xb2: {  	_ =	swait.ge [sflag:s29], $0x1  }
0xb3: {  	[sflag:s29] =	ssyncadd.s32 $0xFFFFFFFF  }
0xb4: {  	_ =	strace $0x90000048  }
0xb5: {  	_ =	sfence  }
0xb6: {  	s30 =	sld [smem:$0x0];
	_ =	sdelay $0x2  }
0xb7: {  	s31 =	sshll.u32 s1, $0xD;
	s1 =	sshrl.u32 s1, $0x2  }
0xb8: {  	s3 =	sand.u32 $0x4000, s31;
	s1 =	sadd.s32 s1, s30  }
0xb9: {  	s0 =	sor.u32 s3, s0;
	s1 =	sshll.u32 s1, $0x11  }
0xba: {  	s0 =	sor.u32 s1, s0  }
0xbb: {  	s0 =	sadd.s32 $0x8F2B, s0  }
0xbc: {  	[sflag:s0] =	ssyncadd.remote.s32 $0x1  }
0xbd: {  	_ =	sfence.sel $0xFFFF  }
0xbe: {  	[dreg:$0x0] =	wrdreg $0xFFFFFFFF;
	(pc) =	sbr.abs _section_cstart, $3  }
0xbf: {  	[dreg:$0x1] =	wrdreg $0xFFFFFFFF  }
0xc0: {  	_ =	task.clear_ibuf [dreg:s6], $0x2FFFF;
	_ =	strace $0x9FFFFFFF  }
0xc1: {  	(tm) =	ssettm $0x7FFFFFFF  }
tec
execute0_lowered:
.L_overlay_start_1:
0x0: {  	(tag) =	ssettag $0x1  }
0x1: {  	s0 =	srdreg.scid;
	s5 =	rddreg [dreg:$0x0]  }
0x2: {  	s1 =	stileid.u32;
	s6 =	simm.s32 $0x1;
	s9 =	simm.s32 $0x1  }
0x3: {  	s10 =	simm.s32 $0x3;
	s13 =	simm.s32 $0x0;
	s2 =	sshll.u32 s0, $0xD  }
0x4: {  	s12 =	simm.s32 $0x0;
	s3 =	sshll.u32 s1, $0xE;
	s2 =	sand.u32 $0x2000, s2  }
0x5: {  	s0 =	rddreg [dreg:$0x1];
	_ =	strace $0x80000047;
	s2 =	sor.u32 s3, s2  }
0x6: {  	s4 =	sadd.s32 $0x17E00, s5;
	[sflag:s6] =	ssyncpa.u1 $0x0;
	s8 =	ssub.s32 $0x50000, s2  }
.Ltmp0:
0x7: {  	s3 =	sadd.s32 $0xDE00, s5;
	s7 =	sand.u32 $0x3E000, s8;
	(pc) =	sbr.rel .LBB2_1-.Ltmp0, $4  }
0x8: {  	s5 =	sadd.s32 $0x21E00, s5;
	s11 =	smov.u32 s2;
	p0 =	sne.s32 s7, $0x0  }
0x9: {  	s8 =	sshrl.u32 s8, $0x12;
	s7 =	simm.s32 $0x2;
	s9 =	simm.s32 @!p0 $0x0  }
0xa: {  	[sflag:s7] =	ssyncpa.u1 $0x0;
	p0 =	por $0x0, $0x0;
	s8 =	sadd.s32 s9, s8  }
0xb: {  	vm0 =	vmmov $0xffff;
	[sflag:s10] =	ssyncpa.u1 $0x0;
	s10 =	simm.s32 $0x0;
	s9 =	sadd.s32 $0x1, s8  }
.LBB2_4:
0xc: {  	v2 =	vnsel vm1, $0x0, v2  }
0xd: {  	vm1 =	vgt.s32 v0, $0x0;
	v2 =	vmin.u32 v2, $0x4FFFF  }
0xe: {  	v0 =	vnsel vm1, $0x0, v0  }
0xf: {  	v0 =	vmin.u32 v0, $0x4FFFF  }
0x10: {  	[tilespmem:s15], [sflag:$0x1] =	stream.indirect_vreg.gather [hbm4b:s3+s10], $0x1, v1, vm0, $0x4038;
	[tilespmem:$0x8000] =	vst v63  }
0x11: {  	(ifvalue) =	ssetifvalue $0x7FFFFFFF  }
0x12: {  	[tilespmem:s16], [sflag:$0x1] =	stream.indirect_vreg.gather [hbm4b:s3+s10], $0x1, v2, vm0, $0x4038;
	[tilespmem:$0x8000] =	vst v63  }
0x13: {  	s29 =	sadd.s32 $0x10, s16;
	(ifvalue) =	ssetifvalue $0x7FFFFFFF  }
0x14: {  	[tilespmem:s29], [sflag:$0x1] =	stream.indirect_vreg.gather [hbm4b:s3+s10], $0x1, v0, vm0, $0x4038;
	[tilespmem:$0x8000] =	vst v63  }
0x15: {  	_ =	swait.ge [sflag:s6], $0x2000  }
0x16: {  	s30 =	sshrl.u32 s13, $0x3;
	[sflag:s6] =	ssyncset.done $0x0  }
0x17: {  	s31 =	sand.u32 $0x7, s13;
	s15 =	sadd.s32 s5, s30;
	[sflag:s6] =	ssyncadd.s32 $0xFFFFE000  }
0x18: {  	[hbm4b:s15+s31] =	stream.linear.scatter [tilespmem:s14], [sflag:$0x3], $0x2000, $0x38;
	[tilespmem:$0x8000] =	vst v63  }
.LBB2_5:
0x19: {  	s15 =	sadd.s32 $0x40000, s11  }
0x1a: {  	p2 =	sgt.s32 s15, $0x4FFFF  }
0x1b: {  	s15 =	smov.u32 @p2 s2;
	p2 =	sne.s32 s12, s9  }
.Ltmp1:
0x1c: {  	p1 =	slt.u32 s12, $0x2;
	(pc) =	sbr.rel @!p2 .LBB2_6-.Ltmp1, $4  }
0x1d: {  	s14 =	simm.s32 @!p1 $0x3  }
0x1e: {  	s16 =	sadd.s32 $0x1, s12;
	_ =	swait.ge @!p1 [sflag:s14], $0x2000  }
0x1f: {  	s13 =	smov.u32 s11;
	p0 =	por !p0, !p0;
	[sflag:s14] =	ssyncset.done @!p1 $0x0  }
0x20: {  	s12 =	smov.u32 s16;
	s11 =	smov.u32 s15;
	[sflag:s14] =	ssyncadd.s32 @!p1 $0xFFFFE000  }
.LBB2_1:
0x21: {  	p1 =	sge.u32 s12, s8  }
0x22: {  	s14 =	sxor.u32 @!p1 $0xFFFFFFFF, s12  }
0x23: {  	s31 =	sadd.s32 $0xFFFFFFFF, s12;
	s15 =	sshrl.u32 @!p1 s11, $0x3;
	s14 =	sshll.u32 @!p1 s14, $0xD  }
0x24: {  	s16 =	sand.u32 @!p1 $0x7, s11;
	s15 =	sadd.s32 @!p1 s4, s15;
	s14 =	sand.u32 @!p1 $0x2000, s14  }
0x25: {  	[tilespmem:s14], [sflag:$0x2] =	stream.linear.gather @!p1 [hbm4b:s15+s16], $0x2000, $0x38;
	[tilespmem:$0x8000] =	vst v63  }
0x26: {  	p1 =	sge.u32 s31, s8  }
.Ltmp2:
0x27: {  	_ = 	snop;
	(pc) =	sbr.rel @p1 .LBB2_5-.Ltmp2, $1  }
0x28: {  	_ =	sdelay $0x3  }
0x29: {  	s14 =	simm.s32 $0x1  }
0x2a: {  	_ =	swait.ge [sflag:s7], $0x2000;
	s14 =	simm.s32 @!p0 $0x0  }
0x2b: {  	[sflag:s7] =	ssyncset.done $0x0;
	s14 =	sshll.u32 s14, $0xD  }
0x2c: {  	[sflag:s7] =	ssyncadd.s32 $0xFFFFE000;
	(ifvalue) =	ssetifvalue $0x7FFFFFFF;
	v0 =	vld.msk [tilespmem:s14+$0x0 ss:$0x1], $0xffff;
	_ =	sdelay $0x4  }
0x2d: {  	s15 =	sadd.s32 $0x10, s14;
	vm1 =	vgt.s32 v0, $0x0  }
0x2e: {  	v2 =	vld.msk [tilespmem:s15+$0x0 ss:$0x1], $0xffff;
	v1 =	vnsel vm1, $0x0, v0  }
0x2f: {  	v1 =	vmin.u32 v1, $0x4FFFF;
	_ =	sdelay $0x1  }
0x30: {  	s16 =	sshll.u32 s12, $0xD;
	s18 =	simm.s32 $0x20  }
0x31: {  	s16 =	sand.u32 $0x2000, s16;
	s17 =	sadd.s32 $0x10, s15;
	s15 =	sor.u32 $0x4000, s14  }
0x32: {  	s14 =	sor.u32 $0x4000, s16;
	s16 =	sadd.s32 $0x10, s15;
	v0 =	vld.msk [tilespmem:s17+$0x0 ss:$0x1], $0xffff;
	vm1 =	vgt.s32 v2, $0x0;
	(ifvalue) =	ssetifvalue $0x7FFFFFFF  }
.LBB2_3:
0x33: {  	[tilespmem:s15], [sflag:$0x1] =	stream.indirect_vreg.gather [hbm4b:s3+s10], $0x1, v1, vm0, $0x4038;
	[tilespmem:$0x8000] =	vst v63  }
0x34: {  	s18 =	sadd.s32 $0x10, s18  }
0x35: {  	v2 =	vnsel vm1, $0x0, v2;
	p1 =	slt.u32 s18, $0x1FF0  }
.Ltmp3:
0x36: {  	s15 =	smov.u32 s16;
	v1 =	vmin.u32 v2, $0x4FFFF;
	(pc) =	sbr.rel @p1 .LBB2_3-.Ltmp3, $3  }
0x37: {  	_ =	sdelay $0x1  }
0x38: {  	s17 =	sadd.s32 $0x10, s17  }
0x39: {  	vm1 =	vgt.s32 v0, $0x0;
	s16 =	sadd.s32 $0x10, s16;
	v2 =	vmov v0;
	(ifvalue) =	ssetifvalue $0x7FFFFFFF;
	v0 =	vld.msk [tilespmem:s17+$0x0 ss:$0x1], $0xffff  }
.Ltmp4:
0x3a: {  	_ = 	snop;
	(pc) =	sbr.rel .LBB2_4-.Ltmp4, $1  }
0x3b: {  	_ =	sdelay $0x3  }
.LBB2_6:
0x3c: {  	_ =	sfence.sel $0x180000  }
0x3d: {  	s2 =	simm.s32 $0x2;
	[bflag:$0x0] =	sbarrier.arrive $0xFFFF  }
0x3e: {  	s30 =	simm.s32 $0x3;
	[sflag:s2] =	ssyncpa.u1 $0x1  }
0x3f: {  	s31 =	simm.s32 $0x1;
	[sflag:s30] =	ssyncpa.u1 $0x1  }
0x40: {  	[sflag:s31] =	ssyncpa.u1 $0x1  }
0x41: {  	p0 =	sne.s32 s1, $0x0;
	_ =	strace $0x90000047  }
0x42: {  	s0 =	sadd.s32 @!p0 $0x100000, s0;
	[bflag:$0x2] =	sbarrier.arrive $0xFFFF  }
0x43: {  	[sflag:s0] =	ssyncadd.tile.s32 @!p0 $0x1;
	_ =	shalt  }
.Lfunc_end2:
_tile_overlayer_lowered:
.L_overlay_start_2:
0x44: {  	(tag) =	ssettag $0x2  }
0x45: {  	s0 =	rddreg [dreg:$0x0];
	s2 =	stileid.u32  }
0x46: {  	s1 =	rddreg [dreg:$0x1];
	p0 =	sne.s32 s2, $0x0  }
0x47: {  	s3 =	rddreg [dreg:$0x2];
	[bflag:$0x3] =	sbarrier.arrive $0xFFFF;
	s2 =	simm.s32 @!p0 $0x1C01  }
0x48: {  	[timem:s3], [sflag:s2] =	dma.local @!p0 [hbm:s0], s1  }
0x49: {  	s0 =	simm.s32 @!p0 $0x1  }
0x4a: {  	_ =	swait.ge @!p0 [sflag:s0], s1  }
0x4b: {  	s1 =	ssub.s32 @!p0 $0x0, s1;
	[sflag:s0] =	ssyncset.done @!p0 $0x0  }
0x4c: {  	[sflag:s0] =	ssyncadd.s32 @!p0 s1  }
0x4d: {  	[bflag:$0x3] =	sbarrier.arrive $0xFFFF  }
0x4e: {  	_ =	shalt  }

// kernel: gather_offload_async_start
scs
__scs_entry_jumppad:
0x0: {  	(pc) =	sbr.rel $0x88, $3  }
0x1: {  	(tag) =	ssettag $0x0;
	lr =	simm.s32 $0x1  }
0x2: {  	[smem:$0x3F8B] =	sst lr;
	_ =	strace $0xD0000000  }
0x3: {  	_ = 	snop  }
0x4: {  	_ = 	snop  }
0x5: {  	_ = 	snop  }
0x6: {  	_ = 	snop  }
0x7: {  	_ = 	snop  }
__scs_overlays_trampoline_lowered:
0x8: {  	[smem:$0x3F9A] =	sst s0  }
0x9: {  	[smem:$0x3F9B] =	sst s1  }
0xa: {  	[smem:$0x3F9C] =	sst s2  }
0xb: {  	[smem:$0x3F9D] =	sst s3  }
0xc: {  	[smem:$0x3F9E] =	sst s4  }
0xd: {  	[smem:$0x3F9F] =	sst s5  }
0xe: {  	[smem:$0x3FA0] =	sst s6  }
0xf: {  	[smem:$0x3FA1] =	sst s7  }
0x10: {  	[smem:$0x3FA2] =	sst s8  }
0x11: {  	[smem:$0x3FA3] =	sst s9;
	s0 =	simm.s32 @!p0 $0x0  }
0x12: {  	s1 =	sld [smem:$0x3F89];
	s0 =	simm.s32 @p0 $0x1  }
0x13: {  	[smem:$0x3FA4] =	sst s0;
	s0 =	simm.s32 @!p1 $0x0  }
0x14: {  	s2 =	sld [smem:$0x3F88];
	s0 =	simm.s32 @p1 $0x1  }
0x15: {  	[smem:$0x3FA5] =	sst s0;
	s0 =	simm.s32 @!p2 $0x0  }
0x16: {  	s3 =	sld [smem:$0x3FDB];
	s0 =	simm.s32 @p2 $0x1  }
0x17: {  	s4 =	simm.s32 $0x1BF5;
	[smem:$0x3FA7] =	sst s0  }
0x18: {  	s0 =	sld [smem:$0x3F8A];
	_ =	swait.ge [sflag:s4], $0x0  }
0x19: {  	s7 =	sld [smem:$0x3F8B]  }
0x1a: {  	s8 =	sadd.s32 $0xFFFFE003, lr  }
0x1b: {  	s9 =	sadd.s32 $0xFFFFFEF7, lr;
	s5 =	simm.s32 $0xFFFFFFFF;
	p2 =	slt.u32 s8, $0xFFFFF086  }
0x1c: {  	p1 =	slt.u32 s9, $0xF7A;
	s5 =	simm.s32 @!p2 $0x0  }
0x1d: {  	s5 =	simm.s32 @p1 $0x1;
	p0 =	seq.s32 s7, s2  }
0x1e: {  	s7 =	smul.u32 @!p0 $0xF7A, s2;
	p2 =	seq.s32 @!p0 s5, $0x0  }
0x1f: {  	s9 =	smul.u32 $0xF7A, s1;
	s8 =	simm.s32 @!p0 $0x1BF5;
	p2 =	por !p2, p0  }
0x20: {  	[sflag:s8] =	ssyncset.s32 @!p0 $0xFFFFF086;
	s6 =	sadd.s32 @!p0 s3, s7;
	s7 =	simm.s32 @!p0 $0x108  }
0x21: {  	s3 =	sadd.s32 s3, s9;
	s6 =	sadd.s32 @!p0 $0x88, s6;
	s7 =	simm.s32 @p2 $0x1082  }
0x22: {  	[simem:s7], [sflag:s8] =	dma.local @!p0 [hbm:s6], $0xF7A  }
0x23: {  	s9 =	sor.u32 $0xD0000000, s2;
	s6 =	simm.s32 $0x108;
	_ =	swait.ge @!p0 [sflag:s8], $0x0  }
0x24: {  	s3 =	sadd.s32 $0x88, s3;
	s6 =	simm.s32 @!p1 $0x1082;
	[sflag:s4] =	ssyncset.s32 $0xFFFFF086  }
0x25: {  	[simem:s6], [sflag:s4] =	dma.local [hbm:s3], $0xF7A  }
0x26: {  	[smem:$0x3F8B] =	sst s1;
	(tag) =	ssettag s2;
	_ =	strace s9  }
0x27: {  	s1 =	sld [smem:$0x3F9B]  }
0x28: {  	s2 =	sld [smem:$0x3F9C]  }
0x29: {  	s4 =	sld [smem:$0x3F9E]  }
0x2a: {  	p0 =	seq.s32 s5, $0x0;
	s5 =	sld [smem:$0x3F9F]  }
0x2b: {  	s6 =	sld [smem:$0x3FA0]  }
0x2c: {  	s7 =	sld [smem:$0x3FA1]  }
0x2d: {  	s3 =	simm.s32 $0x108;
	s8 =	sld [smem:$0x3FA2]  }
0x2e: {  	s3 =	simm.s32 @!p0 $0x1082;
	s9 =	sld [smem:$0x3FA3]  }
0x2f: {  	lr =	sadd.s32 s0, s3;
	s0 =	sld [smem:$0x3F9A]  }
0x30: {  	s3 =	sld [smem:$0x3F9D]  }
0x31: {  	[smem:$0x3FA6] =	sst s10  }
0x32: {  	s10 =	sld [smem:$0x3FA4];
	_ =	sdelay $0x3  }
0x33: {  	p0 =	seq.s32 s10, $0x1;
	s10 =	sld [smem:$0x3FA6];
	_ =	sdelay $0x3  }
0x34: {  	[smem:$0x3FA6] =	sst s10  }
0x35: {  	s10 =	sld [smem:$0x3FA5];
	_ =	sdelay $0x3  }
0x36: {  	p1 =	seq.s32 s10, $0x1;
	s10 =	sld [smem:$0x3FA6];
	_ =	sdelay $0x3  }
0x37: {  	[smem:$0x3FA6] =	sst s10  }
0x38: {  	s10 =	sld [smem:$0x3FA7]  }
0x39: {  	_ = 	snop;
	(pc) =	sbr.ind lr, $3  }
0x3a: {  	_ = 	snop  }
0x3b: {  	_ = 	snop  }
0x3c: {  	p2 =	seq.s32 s10, $0x1;
	s10 =	sld [smem:$0x3FA6]  }
0x3d: {  	_ =	shalt  }
0x3e: {  	_ =	shalt  }
0x3f: {  	_ =	shalt  }
0x40: {  	_ =	shalt  }
0x41: {  	_ =	shalt  }
0x42: {  	_ =	shalt  }
0x43: {  	_ =	shalt  }
0x44: {  	_ =	shalt  }
0x45: {  	_ =	shalt  }
0x46: {  	_ =	shalt  }
0x47: {  	_ =	shalt  }
0x48: {  	_ =	shalt  }
0x49: {  	_ =	shalt  }
0x4a: {  	_ =	shalt  }
0x4b: {  	_ =	shalt  }
0x4c: {  	_ =	shalt  }
0x4d: {  	_ =	shalt  }
0x4e: {  	_ =	shalt  }
0x4f: {  	_ =	shalt  }
0x50: {  	_ =	shalt  }
0x51: {  	_ =	shalt  }
0x52: {  	_ =	shalt  }
0x53: {  	_ =	shalt  }
0x54: {  	_ =	shalt  }
0x55: {  	_ =	shalt  }
0x56: {  	_ =	shalt  }
0x57: {  	_ =	shalt  }
0x58: {  	_ =	shalt  }
0x59: {  	_ =	shalt  }
0x5a: {  	_ =	shalt  }
0x5b: {  	_ =	shalt  }
0x5c: {  	_ =	shalt  }
0x5d: {  	_ =	shalt  }
0x5e: {  	_ =	shalt  }
0x5f: {  	_ =	shalt  }
0x60: {  	_ =	shalt  }
0x61: {  	_ =	shalt  }
0x62: {  	_ =	shalt  }
0x63: {  	_ =	shalt  }
0x64: {  	_ =	shalt  }
0x65: {  	_ =	shalt  }
0x66: {  	_ =	shalt  }
0x67: {  	_ =	shalt  }
0x68: {  	_ =	shalt  }
0x69: {  	_ =	shalt  }
0x6a: {  	_ =	shalt  }
0x6b: {  	_ =	shalt  }
0x6c: {  	_ =	shalt  }
0x6d: {  	_ =	shalt  }
0x6e: {  	_ =	shalt  }
0x6f: {  	_ =	shalt  }
0x70: {  	_ =	shalt  }
0x71: {  	_ =	shalt  }
0x72: {  	_ =	shalt  }
0x73: {  	_ =	shalt  }
0x74: {  	_ =	shalt  }
0x75: {  	_ =	shalt  }
0x76: {  	_ =	shalt  }
0x77: {  	_ =	shalt  }
0x78: {  	_ =	shalt  }
0x79: {  	_ =	shalt  }
0x7a: {  	_ =	shalt  }
0x7b: {  	_ =	shalt  }
0x7c: {  	_ =	shalt  }
0x7d: {  	_ =	shalt  }
0x7e: {  	_ =	shalt  }
0x7f: {  	_ =	shalt  }
0x80: {  	_ =	shalt  }
0x81: {  	_ =	shalt  }
0x82: {  	_ =	shalt  }
0x83: {  	_ =	shalt  }
0x84: {  	_ =	shalt  }
0x85: {  	_ =	shalt  }
0x86: {  	_ =	shalt  }
0x87: {  	_ =	shalt  }
.Lfunc_end0:
.L_simem_size_0:
called_computation_lowered:
.L_overlay_start_0:
0x88: {  	s2 =	sld [smem:$0x3FD9]  }
0x89: {  	s3 =	sld [smem:$0x3FFE];
	_ =	sdelay $0x1  }
0x8a: {  	s1 =	srdreg.scid  }
0x8b: {  	s0 =	sand.u32 $0x1, s1  }
0x8c: {  	s16 =	sshll.u32 s0, $0xA;
	s2 =	sadd.s32 s3, s2  }
0x8d: {  	s2 =	sadd.s32 s2, s16  }
0x8e: {  	[smem:$0x3FB2] =	sst s2  }
0x8f: {  	_ = 	snop  }
0x90: {  	(tm) =	ssettm $0x1  }
0x91: {  	s17 =	sld [smem:$0x3FFB];
	_ =	sdelay $0x3  }
0x92: {  	_ =	strace s17  }
0x93: {  	s2 =	sld [smem:$0x3FFC];
	_ =	sdelay $0x3  }
0x94: {  	_ =	strace s2  }
0x95: {  	s2 =	sld [smem:$0x3FFD];
	_ =	sdelay $0x3  }
0x96: {  	_ =	strace s2  }
0x97: {  	_ =	strace $0x8FFFFFFF  }
0x98: {  	s18 =	sld [smem:$0x3FDB];
	_ =	sdelay $0x1  }
0x99: {  	s19 =	simm.s32 $_scs_section_size  }
0x9a: {  	s4 =	simm.s32 $_size__tile_overlayer_lowered;
	s5 =	simm.s32 $_tile_overlayer_lowered  }
0x9b: {  	s22 =	simm.s32 $0x1BFF;
	s21 =	sshll.u32 s5, $0x1;
	s2 =	sadd.s32 s19, s18  }
0x9c: {  	s6 =	simm.s32 $0x0;
	s20 =	sshll.u32 s4, $0x1;
	s4 =	sadd.s32 s21, s2  }
0x9d: {  	[timem:s6], [sflag:s22] =	dma.local [hbm:s4], s20  }
0x9e: {  	_ =	swait.ge [sflag:s22], s20  }
0x9f: {  	s3 =	ssub.s32 $0x0, s20;
	[sflag:s22] =	ssyncset.done $0x0  }
0xa0: {  	[sflag:s22] =	ssyncadd.s32 s3;
	_ =	sdelay $0x1  }
0xa1: {  	s23 =	simm.s32 $0x1B8B  }
0xa2: {  	_ =	swait.ge [sflag:s23], $0x1  }
0xa3: {  	[sflag:s23] =	ssyncset.done $0x0  }
0xa4: {  	s25 =	simm.s32 $0x1B8E;
	s24 =	sld [smem:$0x3FFE];
	[sflag:s23] =	ssyncadd.s32 $0xFFFFFFFF  }
0xa5: {  	s26 =	simm.s32 $execute0_lowered;
	[smem:$0x3FD2] =	sst s25  }
0xa6: {  	s4 =	sshll.u32 s26, $0x1;
	_ =	strace $0x80000049;
	[dreg:$0x1] =	wrdreg $0xFFFFFFFF  }
0xa7: {  	s28 =	simm.s32 $_size_execute0_lowered;
	s2 =	sadd.s32 s2, s4;
	[dreg:$0x0] =	wrdreg $0x0  }
0xa8: {  	s4 =	sshll.u32 s28, $0x1;
	[dreg:$0x2] =	wrdreg s2  }
0xa9: {  	[dreg:$0x3] =	wrdreg s4  }
0xaa: {  	[dreg:$0x4] =	wrdreg $0xC0  }
0xab: {  	_ =	task [dreg:s6], $0x5FFFF  }
0xac: {  	[dreg:$0x1] =	wrdreg $0xFFFFFFFF  }
0xad: {  	[dreg:$0x0] =	wrdreg $0x60  }
0xae: {  	[dreg:$0x2] =	wrdreg s24  }
0xaf: {  	[dreg:$0x3] =	wrdreg $0x9  }
0xb0: {  	_ =	task.clear_ibuf [dreg:s6], $0x4FFFF;
	_ =	strace $0x90000049  }
0xb1: {  	s29 =	simm.s32 $0x9;
	_ =	strace $0x8000004B  }
0xb2: {  	_ =	swait.ge [sflag:s29], $0x1  }
0xb3: {  	[sflag:s29] =	ssyncadd.s32 $0xFFFFFFFF  }
0xb4: {  	_ =	strace $0x9000004B  }
0xb5: {  	_ =	sfence  }
0xb6: {  	s30 =	sld [smem:$0x0];
	_ =	sdelay $0x2  }
0xb7: {  	s31 =	sshll.u32 s1, $0xD;
	s1 =	sshrl.u32 s1, $0x2  }
0xb8: {  	s3 =	sand.u32 $0x4000, s31;
	s1 =	sadd.s32 s1, s30  }
0xb9: {  	s0 =	sor.u32 s3, s0;
	s1 =	sshll.u32 s1, $0x11  }
0xba: {  	s0 =	sor.u32 s1, s0  }
0xbb: {  	s0 =	sadd.s32 $0x8F2B, s0  }
0xbc: {  	[sflag:s0] =	ssyncadd.remote.s32 $0x1  }
0xbd: {  	_ =	sfence.sel $0xFFFF  }
0xbe: {  	[dreg:$0x0] =	wrdreg $0xFFFFFFFF;
	(pc) =	sbr.abs _section_cstart, $3  }
0xbf: {  	[dreg:$0x1] =	wrdreg $0xFFFFFFFF  }
0xc0: {  	_ =	task.clear_ibuf [dreg:s6], $0x2FFFF;
	_ =	strace $0x9FFFFFFF  }
0xc1: {  	(tm) =	ssettm $0x7FFFFFFF  }
tec
execute0_lowered:
.L_overlay_start_1:
0x0: {  	(tag) =	ssettag $0x1  }
0x1: {  	s0 =	srdreg.scid;
	s5 =	rddreg [dreg:$0x0]  }
0x2: {  	s1 =	stileid.u32;
	s6 =	simm.s32 $0x1;
	s9 =	simm.s32 $0x1  }
0x3: {  	s10 =	simm.s32 $0x3;
	s13 =	simm.s32 $0x0;
	s2 =	sshll.u32 s0, $0xD  }
0x4: {  	s12 =	simm.s32 $0x0;
	s3 =	sshll.u32 s1, $0xE;
	s2 =	sand.u32 $0x2000, s2  }
0x5: {  	s0 =	rddreg [dreg:$0x1];
	_ =	strace $0x8000004A;
	s2 =	sor.u32 s3, s2  }
0x6: {  	s4 =	sadd.s32 $0x17E00, s5;
	[sflag:s6] =	ssyncpa.u1 $0x0;
	s8 =	ssub.s32 $0x50000, s2  }
.Ltmp0:
0x7: {  	s3 =	sadd.s32 $0x2BE00, s5;
	s7 =	sand.u32 $0x3E000, s8;
	(pc) =	sbr.rel .LBB2_1-.Ltmp0, $4  }
0x8: {  	s5 =	sadd.s32 $0x21E00, s5;
	s11 =	smov.u32 s2;
	p0 =	sne.s32 s7, $0x0  }
0x9: {  	s8 =	sshrl.u32 s8, $0x12;
	s7 =	simm.s32 $0x2;
	s9 =	simm.s32 @!p0 $0x0  }
0xa: {  	[sflag:s7] =	ssyncpa.u1 $0x0;
	p0 =	por $0x0, $0x0;
	s8 =	sadd.s32 s9, s8  }
0xb: {  	vm0 =	vmmov $0xffff;
	[sflag:s10] =	ssyncpa.u1 $0x0;
	s10 =	simm.s32 $0x0;
	s9 =	sadd.s32 $0x1, s8  }
.LBB2_4:
0xc: {  	v2 =	vnsel vm1, $0x0, v2  }
0xd: {  	vm1 =	vgt.s32 v0, $0x0;
	v2 =	vmin.u32 v2, $0x4FFFF  }
0xe: {  	v0 =	vnsel vm1, $0x0, v0  }
0xf: {  	v0 =	vmin.u32 v0, $0x4FFFF  }
0x10: {  	[tilespmem:s15], [sflag:$0x1] =	stream.indirect_vreg.gather [hbm4b:s3+s10], $0x1, v1, vm0, $0x4038;
	[tilespmem:$0x8000] =	vst v63  }
0x11: {  	(ifvalue) =	ssetifvalue $0x7FFFFFFF  }
0x12: {  	[tilespmem:s16], [sflag:$0x1] =	stream.indirect_vreg.gather [hbm4b:s3+s10], $0x1, v2, vm0, $0x4038;
	[tilespmem:$0x8000] =	vst v63  }
0x13: {  	s29 =	sadd.s32 $0x10, s16;
	(ifvalue) =	ssetifvalue $0x7FFFFFFF  }
0x14: {  	[tilespmem:s29], [sflag:$0x1] =	stream.indirect_vreg.gather [hbm4b:s3+s10], $0x1, v0, vm0, $0x4038;
	[tilespmem:$0x8000] =	vst v63  }
0x15: {  	_ =	swait.ge [sflag:s6], $0x2000  }
0x16: {  	s30 =	sshrl.u32 s13, $0x3;
	[sflag:s6] =	ssyncset.done $0x0  }
0x17: {  	s31 =	sand.u32 $0x7, s13;
	s15 =	sadd.s32 s5, s30;
	[sflag:s6] =	ssyncadd.s32 $0xFFFFE000  }
0x18: {  	[hbm4b:s15+s31] =	stream.linear.scatter [tilespmem:s14], [sflag:$0x3], $0x2000, $0x38;
	[tilespmem:$0x8000] =	vst v63  }
.LBB2_5:
0x19: {  	s15 =	sadd.s32 $0x40000, s11  }
0x1a: {  	p2 =	sgt.s32 s15, $0x4FFFF  }
0x1b: {  	s15 =	smov.u32 @p2 s2;
	p2 =	sne.s32 s12, s9  }
.Ltmp1:
0x1c: {  	p1 =	slt.u32 s12, $0x2;
	(pc) =	sbr.rel @!p2 .LBB2_6-.Ltmp1, $4  }
0x1d: {  	s14 =	simm.s32 @!p1 $0x3  }
0x1e: {  	s16 =	sadd.s32 $0x1, s12;
	_ =	swait.ge @!p1 [sflag:s14], $0x2000  }
0x1f: {  	s13 =	smov.u32 s11;
	p0 =	por !p0, !p0;
	[sflag:s14] =	ssyncset.done @!p1 $0x0  }
0x20: {  	s12 =	smov.u32 s16;
	s11 =	smov.u32 s15;
	[sflag:s14] =	ssyncadd.s32 @!p1 $0xFFFFE000  }
.LBB2_1:
0x21: {  	p1 =	sge.u32 s12, s8  }
0x22: {  	s14 =	sxor.u32 @!p1 $0xFFFFFFFF, s12  }
0x23: {  	s31 =	sadd.s32 $0xFFFFFFFF, s12;
	s15 =	sshrl.u32 @!p1 s11, $0x3;
	s14 =	sshll.u32 @!p1 s14, $0xD  }
0x24: {  	s16 =	sand.u32 @!p1 $0x7, s11;
	s15 =	sadd.s32 @!p1 s4, s15;
	s14 =	sand.u32 @!p1 $0x2000, s14  }
0x25: {  	[tilespmem:s14], [sflag:$0x2] =	stream.linear.gather @!p1 [hbm4b:s15+s16], $0x2000, $0x38;
	[tilespmem:$0x8000] =	vst v63  }
0x26: {  	p1 =	sge.u32 s31, s8  }
.Ltmp2:
0x27: {  	_ = 	snop;
	(pc) =	sbr.rel @p1 .LBB2_5-.Ltmp2, $1  }
0x28: {  	_ =	sdelay $0x3  }
0x29: {  	s14 =	simm.s32 $0x1  }
0x2a: {  	_ =	swait.ge [sflag:s7], $0x2000;
	s14 =	simm.s32 @!p0 $0x0  }
0x2b: {  	[sflag:s7] =	ssyncset.done $0x0;
	s14 =	sshll.u32 s14, $0xD  }
0x2c: {  	[sflag:s7] =	ssyncadd.s32 $0xFFFFE000;
	(ifvalue) =	ssetifvalue $0x7FFFFFFF;
	v0 =	vld.msk [tilespmem:s14+$0x0 ss:$0x1], $0xffff;
	_ =	sdelay $0x4  }
0x2d: {  	s15 =	sadd.s32 $0x10, s14;
	vm1 =	vgt.s32 v0, $0x0  }
0x2e: {  	v2 =	vld.msk [tilespmem:s15+$0x0 ss:$0x1], $0xffff;
	v1 =	vnsel vm1, $0x0, v0  }
0x2f: {  	v1 =	vmin.u32 v1, $0x4FFFF;
	_ =	sdelay $0x1  }
0x30: {  	s16 =	sshll.u32 s12, $0xD;
	s18 =	simm.s32 $0x20  }
0x31: {  	s16 =	sand.u32 $0x2000, s16;
	s17 =	sadd.s32 $0x10, s15;
	s15 =	sor.u32 $0x4000, s14  }
0x32: {  	s14 =	sor.u32 $0x4000, s16;
	s16 =	sadd.s32 $0x10, s15;
	v0 =	vld.msk [tilespmem:s17+$0x0 ss:$0x1], $0xffff;
	vm1 =	vgt.s32 v2, $0x0;
	(ifvalue) =	ssetifvalue $0x7FFFFFFF  }
.LBB2_3:
0x33: {  	[tilespmem:s15], [sflag:$0x1] =	stream.indirect_vreg.gather [hbm4b:s3+s10], $0x1, v1, vm0, $0x4038;
	[tilespmem:$0x8000] =	vst v63  }
0x34: {  	s18 =	sadd.s32 $0x10, s18  }
0x35: {  	v2 =	vnsel vm1, $0x0, v2;
	p1 =	slt.u32 s18, $0x1FF0  }
.Ltmp3:
0x36: {  	s15 =	smov.u32 s16;
	v1 =	vmin.u32 v2, $0x4FFFF;
	(pc) =	sbr.rel @p1 .LBB2_3-.Ltmp3, $3  }
0x37: {  	_ =	sdelay $0x1  }
0x38: {  	s17 =	sadd.s32 $0x10, s17  }
0x39: {  	vm1 =	vgt.s32 v0, $0x0;
	s16 =	sadd.s32 $0x10, s16;
	v2 =	vmov v0;
	(ifvalue) =	ssetifvalue $0x7FFFFFFF;
	v0 =	vld.msk [tilespmem:s17+$0x0 ss:$0x1], $0xffff  }
.Ltmp4:
0x3a: {  	_ = 	snop;
	(pc) =	sbr.rel .LBB2_4-.Ltmp4, $1  }
0x3b: {  	_ =	sdelay $0x3  }
.LBB2_6:
0x3c: {  	_ =	sfence.sel $0x180000  }
0x3d: {  	s2 =	simm.s32 $0x2;
	[bflag:$0x0] =	sbarrier.arrive $0xFFFF  }
0x3e: {  	s30 =	simm.s32 $0x3;
	[sflag:s2] =	ssyncpa.u1 $0x1  }
0x3f: {  	s31 =	simm.s32 $0x1;
	[sflag:s30] =	ssyncpa.u1 $0x1  }
0x40: {  	[sflag:s31] =	ssyncpa.u1 $0x1  }
0x41: {  	p0 =	sne.s32 s1, $0x0;
	_ =	strace $0x9000004A  }
0x42: {  	s0 =	sadd.s32 @!p0 $0x100000, s0;
	[bflag:$0x2] =	sbarrier.arrive $0xFFFF  }
0x43: {  	[sflag:s0] =	ssyncadd.tile.s32 @!p0 $0x1;
	_ =	shalt  }
.Lfunc_end2:
_tile_overlayer_lowered:
.L_overlay_start_2:
0x44: {  	(tag) =	ssettag $0x2  }
0x45: {  	s0 =	rddreg [dreg:$0x0];
	s2 =	stileid.u32  }
0x46: {  	s1 =	rddreg [dreg:$0x1];
	p0 =	sne.s32 s2, $0x0  }
0x47: {  	s3 =	rddreg [dreg:$0x2];
	[bflag:$0x3] =	sbarrier.arrive $0xFFFF;
	s2 =	simm.s32 @!p0 $0x1C01  }
0x48: {  	[timem:s3], [sflag:s2] =	dma.local @!p0 [hbm:s0], s1  }
0x49: {  	s0 =	simm.s32 @!p0 $0x1  }
0x4a: {  	_ =	swait.ge @!p0 [sflag:s0], s1  }
0x4b: {  	s1 =	ssub.s32 @!p0 $0x0, s1;
	[sflag:s0] =	ssyncset.done @!p0 $0x0  }
0x4c: {  	[sflag:s0] =	ssyncadd.s32 @!p0 s1  }
0x4d: {  	[bflag:$0x3] =	sbarrier.arrive $0xFFFF  }
0x4e: {  	_ =	shalt  }

// kernel: kernel.12.cloned.1.call-start
scs
__scs_entry_jumppad:
0x0: {  	(pc) =	sbr.rel $0x88, $3  }
0x1: {  	(tag) =	ssettag $0x0;
	lr =	simm.s32 $0x1  }
0x2: {  	[smem:$0x3F8B] =	sst lr;
	_ =	strace $0xD0000000  }
0x3: {  	_ = 	snop  }
0x4: {  	_ = 	snop  }
0x5: {  	_ = 	snop  }
0x6: {  	_ = 	snop  }
0x7: {  	_ = 	snop  }
__scs_overlays_trampoline_lowered:
0x8: {  	[smem:$0x3F9A] =	sst s0  }
0x9: {  	[smem:$0x3F9B] =	sst s1  }
0xa: {  	[smem:$0x3F9C] =	sst s2  }
0xb: {  	[smem:$0x3F9D] =	sst s3  }
0xc: {  	[smem:$0x3F9E] =	sst s4  }
0xd: {  	[smem:$0x3F9F] =	sst s5  }
0xe: {  	[smem:$0x3FA0] =	sst s6  }
0xf: {  	[smem:$0x3FA1] =	sst s7  }
0x10: {  	[smem:$0x3FA2] =	sst s8  }
0x11: {  	[smem:$0x3FA3] =	sst s9;
	s0 =	simm.s32 @!p0 $0x0  }
0x12: {  	s1 =	sld [smem:$0x3F89];
	s0 =	simm.s32 @p0 $0x1  }
0x13: {  	[smem:$0x3FA4] =	sst s0;
	s0 =	simm.s32 @!p1 $0x0  }
0x14: {  	s2 =	sld [smem:$0x3F88];
	s0 =	simm.s32 @p1 $0x1  }
0x15: {  	[smem:$0x3FA5] =	sst s0;
	s0 =	simm.s32 @!p2 $0x0  }
0x16: {  	s3 =	sld [smem:$0x3FDB];
	s0 =	simm.s32 @p2 $0x1  }
0x17: {  	s4 =	simm.s32 $0x1BF5;
	[smem:$0x3FA7] =	sst s0  }
0x18: {  	s0 =	sld [smem:$0x3F8A];
	_ =	swait.ge [sflag:s4], $0x0  }
0x19: {  	s7 =	sld [smem:$0x3F8B]  }
0x1a: {  	s8 =	sadd.s32 $0xFFFFE003, lr  }
0x1b: {  	s9 =	sadd.s32 $0xFFFFFEF7, lr;
	s5 =	simm.s32 $0xFFFFFFFF;
	p2 =	slt.u32 s8, $0xFFFFF086  }
0x1c: {  	p1 =	slt.u32 s9, $0xF7A;
	s5 =	simm.s32 @!p2 $0x0  }
0x1d: {  	s5 =	simm.s32 @p1 $0x1;
	p0 =	seq.s32 s7, s2  }
0x1e: {  	s7 =	smul.u32 @!p0 $0xF7A, s2;
	p2 =	seq.s32 @!p0 s5, $0x0  }
0x1f: {  	s9 =	smul.u32 $0xF7A, s1;
	s8 =	simm.s32 @!p0 $0x1BF5;
	p2 =	por !p2, p0  }
0x20: {  	[sflag:s8] =	ssyncset.s32 @!p0 $0xFFFFF086;
	s6 =	sadd.s32 @!p0 s3, s7;
	s7 =	simm.s32 @!p0 $0x108  }
0x21: {  	s3 =	sadd.s32 s3, s9;
	s6 =	sadd.s32 @!p0 $0x88, s6;
	s7 =	simm.s32 @p2 $0x1082  }
0x22: {  	[simem:s7], [sflag:s8] =	dma.local @!p0 [hbm:s6], $0xF7A  }
0x23: {  	s9 =	sor.u32 $0xD0000000, s2;
	s6 =	simm.s32 $0x108;
	_ =	swait.ge @!p0 [sflag:s8], $0x0  }
0x24: {  	s3 =	sadd.s32 $0x88, s3;
	s6 =	simm.s32 @!p1 $0x1082;
	[sflag:s4] =	ssyncset.s32 $0xFFFFF086  }
0x25: {  	[simem:s6], [sflag:s4] =	dma.local [hbm:s3], $0xF7A  }
0x26: {  	[smem:$0x3F8B] =	sst s1;
	(tag) =	ssettag s2;
	_ =	strace s9  }
0x27: {  	s1 =	sld [smem:$0x3F9B]  }
0x28: {  	s2 =	sld [smem:$0x3F9C]  }
0x29: {  	s4 =	sld [smem:$0x3F9E]  }
0x2a: {  	p0 =	seq.s32 s5, $0x0;
	s5 =	sld [smem:$0x3F9F]  }
0x2b: {  	s6 =	sld [smem:$0x3FA0]  }
0x2c: {  	s7 =	sld [smem:$0x3FA1]  }
0x2d: {  	s3 =	simm.s32 $0x108;
	s8 =	sld [smem:$0x3FA2]  }
0x2e: {  	s3 =	simm.s32 @!p0 $0x1082;
	s9 =	sld [smem:$0x3FA3]  }
0x2f: {  	lr =	sadd.s32 s0, s3;
	s0 =	sld [smem:$0x3F9A]  }
0x30: {  	s3 =	sld [smem:$0x3F9D]  }
0x31: {  	[smem:$0x3FA6] =	sst s10  }
0x32: {  	s10 =	sld [smem:$0x3FA4];
	_ =	sdelay $0x3  }
0x33: {  	p0 =	seq.s32 s10, $0x1;
	s10 =	sld [smem:$0x3FA6];
	_ =	sdelay $0x3  }
0x34: {  	[smem:$0x3FA6] =	sst s10  }
0x35: {  	s10 =	sld [smem:$0x3FA5];
	_ =	sdelay $0x3  }
0x36: {  	p1 =	seq.s32 s10, $0x1;
	s10 =	sld [smem:$0x3FA6];
	_ =	sdelay $0x3  }
0x37: {  	[smem:$0x3FA6] =	sst s10  }
0x38: {  	s10 =	sld [smem:$0x3FA7]  }
0x39: {  	_ = 	snop;
	(pc) =	sbr.ind lr, $3  }
0x3a: {  	_ = 	snop  }
0x3b: {  	_ = 	snop  }
0x3c: {  	p2 =	seq.s32 s10, $0x1;
	s10 =	sld [smem:$0x3FA6]  }
0x3d: {  	_ =	shalt  }
0x3e: {  	_ =	shalt  }
0x3f: {  	_ =	shalt  }
0x40: {  	_ =	shalt  }
0x41: {  	_ =	shalt  }
0x42: {  	_ =	shalt  }
0x43: {  	_ =	shalt  }
0x44: {  	_ =	shalt  }
0x45: {  	_ =	shalt  }
0x46: {  	_ =	shalt  }
0x47: {  	_ =	shalt  }
0x48: {  	_ =	shalt  }
0x49: {  	_ =	shalt  }
0x4a: {  	_ =	shalt  }
0x4b: {  	_ =	shalt  }
0x4c: {  	_ =	shalt  }
0x4d: {  	_ =	shalt  }
0x4e: {  	_ =	shalt  }
0x4f: {  	_ =	shalt  }
0x50: {  	_ =	shalt  }
0x51: {  	_ =	shalt  }
0x52: {  	_ =	shalt  }
0x53: {  	_ =	shalt  }
0x54: {  	_ =	shalt  }
0x55: {  	_ =	shalt  }
0x56: {  	_ =	shalt  }
0x57: {  	_ =	shalt  }
0x58: {  	_ =	shalt  }
0x59: {  	_ =	shalt  }
0x5a: {  	_ =	shalt  }
0x5b: {  	_ =	shalt  }
0x5c: {  	_ =	shalt  }
0x5d: {  	_ =	shalt  }
0x5e: {  	_ =	shalt  }
0x5f: {  	_ =	shalt  }
0x60: {  	_ =	shalt  }
0x61: {  	_ =	shalt  }
0x62: {  	_ =	shalt  }
0x63: {  	_ =	shalt  }
0x64: {  	_ =	shalt  }
0x65: {  	_ =	shalt  }
0x66: {  	_ =	shalt  }
0x67: {  	_ =	shalt  }
0x68: {  	_ =	shalt  }
0x69: {  	_ =	shalt  }
0x6a: {  	_ =	shalt  }
0x6b: {  	_ =	shalt  }
0x6c: {  	_ =	shalt  }
0x6d: {  	_ =	shalt  }
0x6e: {  	_ =	shalt  }
0x6f: {  	_ =	shalt  }
0x70: {  	_ =	shalt  }
0x71: {  	_ =	shalt  }
0x72: {  	_ =	shalt  }
0x73: {  	_ =	shalt  }
0x74: {  	_ =	shalt  }
0x75: {  	_ =	shalt  }
0x76: {  	_ =	shalt  }
0x77: {  	_ =	shalt  }
0x78: {  	_ =	shalt  }
0x79: {  	_ =	shalt  }
0x7a: {  	_ =	shalt  }
0x7b: {  	_ =	shalt  }
0x7c: {  	_ =	shalt  }
0x7d: {  	_ =	shalt  }
0x7e: {  	_ =	shalt  }
0x7f: {  	_ =	shalt  }
0x80: {  	_ =	shalt  }
0x81: {  	_ =	shalt  }
0x82: {  	_ =	shalt  }
0x83: {  	_ =	shalt  }
0x84: {  	_ =	shalt  }
0x85: {  	_ =	shalt  }
0x86: {  	_ =	shalt  }
0x87: {  	_ =	shalt  }
.Lfunc_end0:
.L_simem_size_0:
called_computation.3_lowered:
.L_overlay_start_0:
0x88: {  	s2 =	sld [smem:$0x3FD9]  }
0x89: {  	s3 =	sld [smem:$0x3FFE];
	_ =	sdelay $0x1  }
0x8a: {  	s1 =	srdreg.scid  }
0x8b: {  	s0 =	sand.u32 $0x1, s1  }
0x8c: {  	s16 =	sshll.u32 s0, $0xA;
	s2 =	sadd.s32 s3, s2  }
0x8d: {  	s2 =	sadd.s32 s2, s16  }
0x8e: {  	[smem:$0x3FB2] =	sst s2  }
0x8f: {  	_ = 	snop  }
0x90: {  	(tm) =	ssettm $0x1  }
0x91: {  	s17 =	sld [smem:$0x3FFB];
	_ =	sdelay $0x3  }
0x92: {  	_ =	strace s17  }
0x93: {  	s2 =	sld [smem:$0x3FFC];
	_ =	sdelay $0x3  }
0x94: {  	_ =	strace s2  }
0x95: {  	s2 =	sld [smem:$0x3FFD];
	_ =	sdelay $0x3  }
0x96: {  	_ =	strace s2  }
0x97: {  	_ =	strace $0x8FFFFFFF  }
0x98: {  	s18 =	sld [smem:$0x3FDB];
	_ =	sdelay $0x1  }
0x99: {  	s19 =	simm.s32 $_scs_section_size  }
0x9a: {  	s4 =	simm.s32 $_size__tile_overlayer_lowered;
	s5 =	simm.s32 $_tile_overlayer_lowered  }
0x9b: {  	s22 =	simm.s32 $0x1BFF;
	s21 =	sshll.u32 s5, $0x1;
	s2 =	sadd.s32 s19, s18  }
0x9c: {  	s6 =	simm.s32 $0x0;
	s20 =	sshll.u32 s4, $0x1;
	s4 =	sadd.s32 s21, s2  }
0x9d: {  	[timem:s6], [sflag:s22] =	dma.local [hbm:s4], s20  }
0x9e: {  	_ =	swait.ge [sflag:s22], s20  }
0x9f: {  	s3 =	ssub.s32 $0x0, s20;
	[sflag:s22] =	ssyncset.done $0x0  }
0xa0: {  	[sflag:s22] =	ssyncadd.s32 s3;
	_ =	sdelay $0x1  }
0xa1: {  	s23 =	simm.s32 $0x1B8B  }
0xa2: {  	_ =	swait.ge [sflag:s23], $0x1  }
0xa3: {  	[sflag:s23] =	ssyncset.done $0x0  }
0xa4: {  	s25 =	simm.s32 $0x1B8E;
	s24 =	sld [smem:$0x3FFE];
	[sflag:s23] =	ssyncadd.s32 $0xFFFFFFFF  }
0xa5: {  	s26 =	simm.s32 $execute0_lowered;
	[smem:$0x3FD2] =	sst s25  }
0xa6: {  	s4 =	sshll.u32 s26, $0x1;
	_ =	strace $0x8000004F;
	[dreg:$0x1] =	wrdreg $0xFFFFFFFF  }
0xa7: {  	s28 =	simm.s32 $_size_execute0_lowered;
	s2 =	sadd.s32 s2, s4;
	[dreg:$0x0] =	wrdreg $0x0  }
0xa8: {  	s4 =	sshll.u32 s28, $0x1;
	[dreg:$0x2] =	wrdreg s2  }
0xa9: {  	[dreg:$0x3] =	wrdreg s4  }
0xaa: {  	[dreg:$0x4] =	wrdreg $0xC0  }
0xab: {  	_ =	task [dreg:s6], $0x5FFFF  }
0xac: {  	[dreg:$0x1] =	wrdreg $0xFFFFFFFF  }
0xad: {  	[dreg:$0x0] =	wrdreg $0x60  }
0xae: {  	[dreg:$0x2] =	wrdreg s24  }
0xaf: {  	[dreg:$0x3] =	wrdreg $0x88000  }
0xb0: {  	[dreg:$0x4] =	wrdreg $0x9  }
0xb1: {  	_ =	task.clear_ibuf [dreg:s6], $0x5FFFF;
	_ =	strace $0x9000004F  }
0xb2: {  	s29 =	simm.s32 $0x9;
	_ =	strace $0x80000051  }
0xb3: {  	_ =	swait.ge [sflag:s29], $0x1  }
0xb4: {  	[sflag:s29] =	ssyncadd.s32 $0xFFFFFFFF  }
0xb5: {  	_ =	strace $0x90000051  }
0xb6: {  	_ =	sfence  }
0xb7: {  	s30 =	sld [smem:$0x0];
	_ =	sdelay $0x2  }
0xb8: {  	s31 =	sshll.u32 s1, $0xD;
	s1 =	sshrl.u32 s1, $0x2  }
0xb9: {  	s3 =	sand.u32 $0x4000, s31;
	s1 =	sadd.s32 s1, s30  }
0xba: {  	s0 =	sor.u32 s3, s0;
	s1 =	sshll.u32 s1, $0x11  }
0xbb: {  	s0 =	sor.u32 s1, s0  }
0xbc: {  	s0 =	sadd.s32 $0x8F2B, s0  }
0xbd: {  	[sflag:s0] =	ssyncadd.remote.s32 $0x1  }
0xbe: {  	_ =	sfence.sel $0xFFFF  }
0xbf: {  	[dreg:$0x0] =	wrdreg $0xFFFFFFFF;
	(pc) =	sbr.abs _section_cstart, $3  }
0xc0: {  	[dreg:$0x1] =	wrdreg $0xFFFFFFFF  }
0xc1: {  	_ =	task.clear_ibuf [dreg:s6], $0x2FFFF;
	_ =	strace $0x9FFFFFFF  }
0xc2: {  	(tm) =	ssettm $0x7FFFFFFF  }
0xc3: {  	_ =	shalt  }
tec
execute0_lowered:
.L_overlay_start_1:
0x0: {  	(tag) =	ssettag $0x1  }
0x1: {  	s0 =	srdreg.scid;
	s1 =	rddreg [dreg:$0x0]  }
0x2: {  	s8 =	stileid.u32;
	s2 =	rddreg [dreg:$0x1];
	s3 =	simm.s32 $0x0  }
0x3: {  	s12 =	simm.s32 $0x3;
	s13 =	simm.s32 $0x400;
	s14 =	simm.s32 $0x80  }
0x4: {  	s15 =	simm.s32 $0x800;
	s16 =	simm.s32 $0x1;
	s17 =	simm.s32 $0x4800  }
0x5: {  	s18 =	simm.s32 $0x2;
	s19 =	simm.s32 $0x100;
	s20 =	simm.s32 $0x480  }
0x6: {  	s21 =	simm.s32 $0x180;
	s22 =	simm.s32 $0x500;
	s23 =	simm.s32 $0x200  }
0x7: {  	s28 =	simm.s32 $0x300;
	s29 =	simm.s32 $0x680;
	s4 =	smul.u32 $0x5000, s8  }
0x8: {  	s30 =	simm.s32 $0x380;
	s31 =	simm.s32 $0x700;
	s7 =	smul.u32 $0x14000, s8  }
0x9: {  	s0 =	sand.u32 $0x1, s0;
	[smem:$0x7FF] =	sst s3;
	s24 =	smul.u32 $0x50000, s8  }
0xa: {  	s9 =	sadd.s32 $0x18000, s1;
	s26 =	sshll.u32 s8, $0x6;
	s5 =	smul.u32 $0x2800, s0  }
0xb: {  	s6 =	smul.u32 $0x140000, s0;
	_ =	strace $0x80000050;
	s0 =	ssub.s32 $0x2, s0  }
0xc: {  	[dreg:$0x3] =	wrdreg s9;
	s25 =	sshrl.u32 s0, $0x1;
	s5 =	sadd.s32 s5, s4  }
0xd: {  	s4 =	sadd.s32 $0x1A800, s1;
	s6 =	sadd.s32 s7, s6;
	s7 =	sshrl.u32 s24, $0x2  }
0xe: {  	s0 =	ssub.s32 s0, s25;
	s24 =	simm.s32 $0x580;
	s25 =	simm.s32 $0x280  }
0xf: {  	s5 =	sshrl.u32 s5, $0x3;
	s6 =	sshrl.u32 s6, $0x3;
	s7 =	sadd.s32 s7, s2  }
0x10: {  	s0 =	smax.u32 s0, $0x1;
	s5 =	sadd.s32 s5, s1;
	s1 =	sadd.s32 s6, s1  }
0x11: {  	s6 =	sor.u32 $0x1C03, s26;
	[dreg:$0x6] =	wrdreg s0;
	s7 =	sshrl.u32 s7, $0x3  }
0x12: {  	s26 =	simm.s32 $0x600;
	s0 =	simm.s32 $0x0;
	[dreg:$0x4] =	wrdreg s6  }
0x13: {  	s1 =	sadd.s32 $0x41A00, s1;
	s9 =	sadd.s32 $0x4000, s5;
	[dreg:$0x7] =	wrdreg s7  }
0x14: {  	s10 =	sadd.s32 $0xE000, s5;
	[dreg:$0x5] =	wrdreg s1;
	s1 =	simm.s32 $0x780  }
.LBB2_1:
0x15: {  	s5 =	rddreg [dreg:$0x3]  }
0x16: {  	[spmem:s7], [sflag:s6] =	dma.local [hbm:s5], $0x2800  }
0x17: {  	_ =	swait.ge [sflag:s12], $0x2800  }
0x18: {  	[sflag:s12] =	ssyncset.done $0x0  }
0x19: {  	[sflag:s12] =	ssyncadd.s32 $0xFFFFD800  }
0x1a: {  	s8 =	sadd.s32 $0x0, s10;
	[bflag:$0x0] =	sbarrier.arrive $0xFFFF  }
0x1b: {  	[tilespmem:s3], [sflag:$0x3] =	stream.linear.gather [hbm4b:s8+s3], $0x400, $0x38;
	[tilespmem:$0x1C800] =	vst v63  }
0x1c: {  	_ =	swait.ge [sflag:s12], $0x400  }
0x1d: {  	[sflag:s12] =	ssyncset.done $0x0  }
0x1e: {  	s11 =	sadd.s32 $0x0, s9;
	[sflag:s12] =	ssyncadd.s32 $0xFFFFFC00  }
0x1f: {  	[tilespmem:s13], [sflag:$0x3] =	stream.linear.gather [hbm4b:s11+s3], $0x400, $0x38;
	[tilespmem:$0x1C800] =	vst v63  }
0x20: {  	_ =	swait.ge [sflag:s12], $0x400  }
0x21: {  	[sflag:s12] =	ssyncset.done $0x0  }
0x22: {  	[sflag:s12] =	ssyncadd.s32 $0xFFFFFC00  }
0x23: {  	[tilespmem:s15], [sflag:$0x1] =	stream.indirect.gather [hbm4b:s4+s14], $0x80, s3, s14, $0xb8;
	[tilespmem:$0x1C800] =	vst v63  }
0x24: {  	_ =	swait.ge [sflag:s16], $0x4000  }
0x25: {  	[sflag:s16] =	ssyncset.done $0x0  }
0x26: {  	[sflag:s16] =	ssyncadd.s32 $0xFFFFC000  }
0x27: {  	[tilespmem:s17], [sflag:$0x2] =	stream.indirect.gather [hbm4b:s4+s14], $0x80, s14, s14, $0xb8;
	[tilespmem:$0x1C800] =	vst v63  }
0x28: {  	_ = 	snop  }
0x29: {  	[spmem:s2] =	stream.indirect.scatter.add.f32 [tilespmem:s15], [sflag:$0x3], $0x80, s13, s14, $0xb8;
	[tilespmem:$0x1C800] =	vst v63  }
0x2a: {  	_ =	swait.ge [sflag:s12], $0x4000  }
0x2b: {  	[sflag:s12] =	ssyncset.done $0x0  }
0x2c: {  	[sflag:s12] =	ssyncadd.s32 $0xFFFFC000  }
0x2d: {  	_ =	swait.ge [sflag:s18], $0x4000  }
0x2e: {  	[sflag:s18] =	ssyncset.done $0x0  }
0x2f: {  	[sflag:s18] =	ssyncadd.s32 $0xFFFFC000  }
0x30: {  	[tilespmem:s15], [sflag:$0x1] =	stream.indirect.gather [hbm4b:s4+s14], $0x80, s19, s14, $0xb8;
	[tilespmem:$0x1C800] =	vst v63  }
0x31: {  	_ = 	snop  }
0x32: {  	[spmem:s2] =	stream.indirect.scatter.add.f32 [tilespmem:s17], [sflag:$0x3], $0x80, s20, s14, $0xb8;
	[tilespmem:$0x1C800] =	vst v63  }
0x33: {  	_ =	swait.ge [sflag:s12], $0x4000  }
0x34: {  	[sflag:s12] =	ssyncset.done $0x0  }
0x35: {  	[sflag:s12] =	ssyncadd.s32 $0xFFFFC000  }
0x36: {  	_ =	swait.ge [sflag:s16], $0x4000  }
0x37: {  	[sflag:s16] =	ssyncset.done $0x0  }
0x38: {  	[sflag:s16] =	ssyncadd.s32 $0xFFFFC000  }
0x39: {  	[tilespmem:s17], [sflag:$0x2] =	stream.indirect.gather [hbm4b:s4+s14], $0x80, s21, s14, $0xb8;
	[tilespmem:$0x1C800] =	vst v63  }
0x3a: {  	_ = 	snop  }
0x3b: {  	[spmem:s2] =	stream.indirect.scatter.add.f32 [tilespmem:s15], [sflag:$0x3], $0x80, s22, s14, $0xb8;
	[tilespmem:$0x1C800] =	vst v63  }
0x3c: {  	_ =	swait.ge [sflag:s12], $0x4000  }
0x3d: {  	[sflag:s12] =	ssyncset.done $0x0  }
0x3e: {  	[sflag:s12] =	ssyncadd.s32 $0xFFFFC000  }
0x3f: {  	_ =	swait.ge [sflag:s18], $0x4000  }
0x40: {  	[sflag:s18] =	ssyncset.done $0x0  }
0x41: {  	[sflag:s18] =	ssyncadd.s32 $0xFFFFC000  }
0x42: {  	[tilespmem:s15], [sflag:$0x1] =	stream.indirect.gather [hbm4b:s4+s14], $0x80, s23, s14, $0xb8;
	[tilespmem:$0x1C800] =	vst v63  }
0x43: {  	_ = 	snop  }
0x44: {  	[spmem:s2] =	stream.indirect.scatter.add.f32 [tilespmem:s17], [sflag:$0x3], $0x80, s24, s14, $0xb8;
	[tilespmem:$0x1C800] =	vst v63  }
0x45: {  	_ =	swait.ge [sflag:s12], $0x4000  }
0x46: {  	[sflag:s12] =	ssyncset.done $0x0  }
0x47: {  	[sflag:s12] =	ssyncadd.s32 $0xFFFFC000  }
0x48: {  	_ =	swait.ge [sflag:s16], $0x4000  }
0x49: {  	[sflag:s16] =	ssyncset.done $0x0  }
0x4a: {  	[sflag:s16] =	ssyncadd.s32 $0xFFFFC000  }
0x4b: {  	[tilespmem:s17], [sflag:$0x2] =	stream.indirect.gather [hbm4b:s4+s14], $0x80, s25, s14, $0xb8;
	[tilespmem:$0x1C800] =	vst v63  }
0x4c: {  	_ = 	snop  }
0x4d: {  	[spmem:s2] =	stream.indirect.scatter.add.f32 [tilespmem:s15], [sflag:$0x3], $0x80, s26, s14, $0xb8;
	[tilespmem:$0x1C800] =	vst v63  }
0x4e: {  	_ =	swait.ge [sflag:s12], $0x4000  }
0x4f: {  	[sflag:s12] =	ssyncset.done $0x0  }
0x50: {  	[sflag:s12] =	ssyncadd.s32 $0xFFFFC000  }
0x51: {  	_ =	swait.ge [sflag:s18], $0x4000  }
0x52: {  	[sflag:s18] =	ssyncset.done $0x0  }
0x53: {  	[sflag:s18] =	ssyncadd.s32 $0xFFFFC000  }
0x54: {  	[tilespmem:s15], [sflag:$0x1] =	stream.indirect.gather [hbm4b:s4+s14], $0x80, s28, s14, $0xb8;
	[tilespmem:$0x1C800] =	vst v63  }
0x55: {  	_ = 	snop  }
0x56: {  	[spmem:s2] =	stream.indirect.scatter.add.f32 [tilespmem:s17], [sflag:$0x3], $0x80, s29, s14, $0xb8;
	[tilespmem:$0x1C800] =	vst v63  }
0x57: {  	_ =	swait.ge [sflag:s12], $0x4000  }
0x58: {  	[sflag:s12] =	ssyncset.done $0x0  }
0x59: {  	[sflag:s12] =	ssyncadd.s32 $0xFFFFC000  }
0x5a: {  	_ =	swait.ge [sflag:s16], $0x4000  }
0x5b: {  	[sflag:s16] =	ssyncset.done $0x0  }
0x5c: {  	[sflag:s16] =	ssyncadd.s32 $0xFFFFC000  }
0x5d: {  	[tilespmem:s17], [sflag:$0x2] =	stream.indirect.gather [hbm4b:s4+s14], $0x80, s30, s14, $0xb8;
	[tilespmem:$0x1C800] =	vst v63  }
0x5e: {  	_ = 	snop  }
0x5f: {  	[spmem:s2] =	stream.indirect.scatter.add.f32 [tilespmem:s15], [sflag:$0x3], $0x80, s31, s14, $0xb8;
	[tilespmem:$0x1C800] =	vst v63  }
0x60: {  	_ =	swait.ge [sflag:s12], $0x4000  }
0x61: {  	[sflag:s12] =	ssyncset.done $0x0  }
0x62: {  	[sflag:s12] =	ssyncadd.s32 $0xFFFFC000  }
0x63: {  	_ =	swait.ge [sflag:s18], $0x4000  }
0x64: {  	[sflag:s18] =	ssyncset.done $0x0  }
0x65: {  	[sflag:s18] =	ssyncadd.s32 $0xFFFFC000  }
0x66: {  	[spmem:s2] =	stream.indirect.scatter.add.f32 [tilespmem:s17], [sflag:$0x3], $0x80, s1, s14, $0xb8;
	[tilespmem:$0x1C800] =	vst v63  }
0x67: {  	_ =	swait.ge [sflag:s12], $0x4000  }
0x68: {  	s5 =	simm.s32 $0x80;
	s7 =	simm.s32 $0x100;
	[sflag:s12] =	ssyncset.done $0x0  }
.LBB2_2:
0x69: {  	s6 =	sadd.s32 s5, s10  }
0x6a: {  	[sflag:s12] =	ssyncadd.s32 $0xFFFFC000;
	s11 =	smov.u32 s7;
	s8 =	sadd.s32 $0x80, s7  }
0x6b: {  	[tilespmem:s3], [sflag:$0x3] =	stream.linear.gather [hbm4b:s6+s3], $0x400, $0x38;
	[tilespmem:$0x1C800] =	vst v63  }
0x6c: {  	p0 =	sne.s32 s7, $0x480;
	_ =	swait.ge [sflag:s12], $0x400  }
0x6d: {  	[sflag:s12] =	ssyncset.done $0x0  }
0x6e: {  	s6 =	sadd.s32 s5, s9;
	s5 =	smov.u32 s11;
	[sflag:s12] =	ssyncadd.s32 $0xFFFFFC00  }
0x6f: {  	[tilespmem:s13], [sflag:$0x3] =	stream.linear.gather [hbm4b:s6+s3], $0x400, $0x38;
	[tilespmem:$0x1C800] =	vst v63  }
0x70: {  	_ =	swait.ge [sflag:s12], $0x400  }
0x71: {  	[sflag:s12] =	ssyncset.done $0x0  }
0x72: {  	[sflag:s12] =	ssyncadd.s32 $0xFFFFFC00  }
0x73: {  	[tilespmem:s15], [sflag:$0x1] =	stream.indirect.gather [hbm4b:s4+s14], $0x80, s3, s14, $0xb8;
	[tilespmem:$0x1C800] =	vst v63  }
0x74: {  	_ =	swait.ge [sflag:s16], $0x4000  }
0x75: {  	[sflag:s16] =	ssyncset.done $0x0  }
0x76: {  	[sflag:s16] =	ssyncadd.s32 $0xFFFFC000  }
0x77: {  	[tilespmem:s17], [sflag:$0x2] =	stream.indirect.gather [hbm4b:s4+s14], $0x80, s14, s14, $0xb8;
	[tilespmem:$0x1C800] =	vst v63  }
0x78: {  	_ = 	snop  }
0x79: {  	[spmem:s2] =	stream.indirect.scatter.add.f32 [tilespmem:s15], [sflag:$0x3], $0x80, s13, s14, $0xb8;
	[tilespmem:$0x1C800] =	vst v63  }
0x7a: {  	_ =	swait.ge [sflag:s12], $0x4000  }
0x7b: {  	[sflag:s12] =	ssyncset.done $0x0  }
0x7c: {  	[sflag:s12] =	ssyncadd.s32 $0xFFFFC000  }
0x7d: {  	_ =	swait.ge [sflag:s18], $0x4000  }
0x7e: {  	[sflag:s18] =	ssyncset.done $0x0  }
0x7f: {  	[sflag:s18] =	ssyncadd.s32 $0xFFFFC000  }
0x80: {  	[tilespmem:s15], [sflag:$0x1] =	stream.indirect.gather [hbm4b:s4+s14], $0x80, s19, s14, $0xb8;
	[tilespmem:$0x1C800] =	vst v63  }
0x81: {  	_ = 	snop  }
0x82: {  	[spmem:s2] =	stream.indirect.scatter.add.f32 [tilespmem:s17], [sflag:$0x3], $0x80, s20, s14, $0xb8;
	[tilespmem:$0x1C800] =	vst v63  }
0x83: {  	_ =	swait.ge [sflag:s12], $0x4000  }
0x84: {  	[sflag:s12] =	ssyncset.done $0x0  }
0x85: {  	[sflag:s12] =	ssyncadd.s32 $0xFFFFC000  }
0x86: {  	_ =	swait.ge [sflag:s16], $0x4000  }
0x87: {  	[sflag:s16] =	ssyncset.done $0x0  }
0x88: {  	[sflag:s16] =	ssyncadd.s32 $0xFFFFC000  }
0x89: {  	[tilespmem:s17], [sflag:$0x2] =	stream.indirect.gather [hbm4b:s4+s14], $0x80, s21, s14, $0xb8;
	[tilespmem:$0x1C800] =	vst v63  }
0x8a: {  	_ = 	snop  }
0x8b: {  	[spmem:s2] =	stream.indirect.scatter.add.f32 [tilespmem:s15], [sflag:$0x3], $0x80, s22, s14, $0xb8;
	[tilespmem:$0x1C800] =	vst v63  }
0x8c: {  	_ =	swait.ge [sflag:s12], $0x4000  }
0x8d: {  	[sflag:s12] =	ssyncset.done $0x0  }
0x8e: {  	[sflag:s12] =	ssyncadd.s32 $0xFFFFC000  }
0x8f: {  	_ =	swait.ge [sflag:s18], $0x4000  }
0x90: {  	[sflag:s18] =	ssyncset.done $0x0  }
0x91: {  	[sflag:s18] =	ssyncadd.s32 $0xFFFFC000  }
0x92: {  	[tilespmem:s15], [sflag:$0x1] =	stream.indirect.gather [hbm4b:s4+s14], $0x80, s23, s14, $0xb8;
	[tilespmem:$0x1C800] =	vst v63  }
0x93: {  	_ = 	snop  }
0x94: {  	[spmem:s2] =	stream.indirect.scatter.add.f32 [tilespmem:s17], [sflag:$0x3], $0x80, s24, s14, $0xb8;
	[tilespmem:$0x1C800] =	vst v63  }
0x95: {  	_ =	swait.ge [sflag:s12], $0x4000  }
0x96: {  	[sflag:s12] =	ssyncset.done $0x0  }
0x97: {  	[sflag:s12] =	ssyncadd.s32 $0xFFFFC000  }
0x98: {  	_ =	swait.ge [sflag:s16], $0x4000  }
0x99: {  	[sflag:s16] =	ssyncset.done $0x0  }
0x9a: {  	[sflag:s16] =	ssyncadd.s32 $0xFFFFC000  }
0x9b: {  	[tilespmem:s17], [sflag:$0x2] =	stream.indirect.gather [hbm4b:s4+s14], $0x80, s25, s14, $0xb8;
	[tilespmem:$0x1C800] =	vst v63  }
0x9c: {  	_ = 	snop  }
0x9d: {  	[spmem:s2] =	stream.indirect.scatter.add.f32 [tilespmem:s15], [sflag:$0x3], $0x80, s26, s14, $0xb8;
	[tilespmem:$0x1C800] =	vst v63  }
0x9e: {  	_ =	swait.ge [sflag:s12], $0x4000  }
0x9f: {  	[sflag:s12] =	ssyncset.done $0x0  }
0xa0: {  	[sflag:s12] =	ssyncadd.s32 $0xFFFFC000  }
0xa1: {  	_ =	swait.ge [sflag:s18], $0x4000  }
0xa2: {  	[sflag:s18] =	ssyncset.done $0x0  }
0xa3: {  	[sflag:s18] =	ssyncadd.s32 $0xFFFFC000  }
0xa4: {  	[tilespmem:s15], [sflag:$0x1] =	stream.indirect.gather [hbm4b:s4+s14], $0x80, s28, s14, $0xb8;
	[tilespmem:$0x1C800] =	vst v63  }
0xa5: {  	_ = 	snop  }
0xa6: {  	[spmem:s2] =	stream.indirect.scatter.add.f32 [tilespmem:s17], [sflag:$0x3], $0x80, s29, s14, $0xb8;
	[tilespmem:$0x1C800] =	vst v63  }
0xa7: {  	_ =	swait.ge [sflag:s12], $0x4000  }
0xa8: {  	[sflag:s12] =	ssyncset.done $0x0  }
0xa9: {  	[sflag:s12] =	ssyncadd.s32 $0xFFFFC000  }
0xaa: {  	_ =	swait.ge [sflag:s16], $0x4000  }
0xab: {  	[sflag:s16] =	ssyncset.done $0x0  }
0xac: {  	[sflag:s16] =	ssyncadd.s32 $0xFFFFC000  }
0xad: {  	[tilespmem:s17], [sflag:$0x2] =	stream.indirect.gather [hbm4b:s4+s14], $0x80, s30, s14, $0xb8;
	[tilespmem:$0x1C800] =	vst v63  }
0xae: {  	_ = 	snop  }
0xaf: {  	[spmem:s2] =	stream.indirect.scatter.add.f32 [tilespmem:s15], [sflag:$0x3], $0x80, s31, s14, $0xb8;
	[tilespmem:$0x1C800] =	vst v63  }
0xb0: {  	_ =	swait.ge [sflag:s12], $0x4000  }
0xb1: {  	[sflag:s12] =	ssyncset.done $0x0  }
0xb2: {  	[sflag:s12] =	ssyncadd.s32 $0xFFFFC000  }
0xb3: {  	_ =	swait.ge [sflag:s18], $0x4000  }
.Ltmp0:
0xb4: {  	[sflag:s18] =	ssyncset.done $0x0;
	(pc) =	sbr.rel @p0 .LBB2_2-.Ltmp0, $4  }
0xb5: {  	[sflag:s18] =	ssyncadd.s32 $0xFFFFC000  }
0xb6: {  	[spmem:s2] =	stream.indirect.scatter.add.f32 [tilespmem:s17], [sflag:$0x3], $0x80, s1, s14, $0xb8;
	[tilespmem:$0x1C800] =	vst v63  }
0xb7: {  	_ =	swait.ge [sflag:s12], $0x4000  }
0xb8: {  	s7 =	smov.u32 s8;
	[sflag:s12] =	ssyncset.done $0x0  }
0xb9: {  	s6 =	sadd.s32 s5, s10;
	[sflag:s12] =	ssyncadd.s32 $0xFFFFC000  }
0xba: {  	[tilespmem:s3], [sflag:$0x3] =	stream.linear.gather [hbm4b:s6+s3], $0x400, $0x38;
	[tilespmem:$0x1C800] =	vst v63  }
0xbb: {  	_ =	swait.ge [sflag:s12], $0x400  }
0xbc: {  	[sflag:s12] =	ssyncset.done $0x0  }
0xbd: {  	s7 =	sadd.s32 s5, s9;
	[sflag:s12] =	ssyncadd.s32 $0xFFFFFC00  }
0xbe: {  	[tilespmem:s13], [sflag:$0x3] =	stream.linear.gather [hbm4b:s7+s3], $0x400, $0x38;
	[tilespmem:$0x1C800] =	vst v63  }
0xbf: {  	_ =	swait.ge [sflag:s12], $0x400  }
0xc0: {  	[sflag:s12] =	ssyncset.done $0x0  }
0xc1: {  	[sflag:s12] =	ssyncadd.s32 $0xFFFFFC00  }
0xc2: {  	[tilespmem:s15], [sflag:$0x1] =	stream.indirect.gather [hbm4b:s4+s14], $0x80, s3, s14, $0xb8;
	[tilespmem:$0x1C800] =	vst v63  }
0xc3: {  	_ =	swait.ge [sflag:s16], $0x4000  }
0xc4: {  	[sflag:s16] =	ssyncset.done $0x0  }
0xc5: {  	[sflag:s16] =	ssyncadd.s32 $0xFFFFC000  }
0xc6: {  	[tilespmem:s17], [sflag:$0x2] =	stream.indirect.gather [hbm4b:s4+s14], $0x80, s14, s14, $0xb8;
	[tilespmem:$0x1C800] =	vst v63  }
0xc7: {  	_ = 	snop  }
0xc8: {  	[spmem:s2] =	stream.indirect.scatter.add.f32 [tilespmem:s15], [sflag:$0x3], $0x80, s13, s14, $0xb8;
	[tilespmem:$0x1C800] =	vst v63  }
0xc9: {  	_ =	swait.ge [sflag:s12], $0x4000  }
0xca: {  	[sflag:s12] =	ssyncset.done $0x0  }
0xcb: {  	[sflag:s12] =	ssyncadd.s32 $0xFFFFC000  }
0xcc: {  	_ =	swait.ge [sflag:s18], $0x4000  }
0xcd: {  	[sflag:s18] =	ssyncset.done $0x0  }
0xce: {  	[sflag:s18] =	ssyncadd.s32 $0xFFFFC000  }
0xcf: {  	[tilespmem:s15], [sflag:$0x1] =	stream.indirect.gather [hbm4b:s4+s14], $0x80, s19, s14, $0xb8;
	[tilespmem:$0x1C800] =	vst v63  }
0xd0: {  	_ = 	snop  }
0xd1: {  	[spmem:s2] =	stream.indirect.scatter.add.f32 [tilespmem:s17], [sflag:$0x3], $0x80, s20, s14, $0xb8;
	[tilespmem:$0x1C800] =	vst v63  }
0xd2: {  	_ =	swait.ge [sflag:s12], $0x4000  }
0xd3: {  	[sflag:s12] =	ssyncset.done $0x0  }
0xd4: {  	[sflag:s12] =	ssyncadd.s32 $0xFFFFC000  }
0xd5: {  	_ =	swait.ge [sflag:s16], $0x4000  }
0xd6: {  	[sflag:s16] =	ssyncset.done $0x0  }
0xd7: {  	[sflag:s16] =	ssyncadd.s32 $0xFFFFC000  }
0xd8: {  	[tilespmem:s17], [sflag:$0x2] =	stream.indirect.gather [hbm4b:s4+s14], $0x80, s21, s14, $0xb8;
	[tilespmem:$0x1C800] =	vst v63  }
0xd9: {  	_ = 	snop  }
0xda: {  	[spmem:s2] =	stream.indirect.scatter.add.f32 [tilespmem:s15], [sflag:$0x3], $0x80, s22, s14, $0xb8;
	[tilespmem:$0x1C800] =	vst v63  }
0xdb: {  	_ =	swait.ge [sflag:s12], $0x4000  }
0xdc: {  	[sflag:s12] =	ssyncset.done $0x0  }
0xdd: {  	[sflag:s12] =	ssyncadd.s32 $0xFFFFC000  }
0xde: {  	_ =	swait.ge [sflag:s18], $0x4000  }
0xdf: {  	[sflag:s18] =	ssyncset.done $0x0  }
0xe0: {  	[sflag:s18] =	ssyncadd.s32 $0xFFFFC000  }
0xe1: {  	[tilespmem:s15], [sflag:$0x1] =	stream.indirect.gather [hbm4b:s4+s14], $0x80, s23, s14, $0xb8;
	[tilespmem:$0x1C800] =	vst v63  }
0xe2: {  	_ = 	snop  }
0xe3: {  	[spmem:s2] =	stream.indirect.scatter.add.f32 [tilespmem:s17], [sflag:$0x3], $0x80, s24, s14, $0xb8;
	[tilespmem:$0x1C800] =	vst v63  }
0xe4: {  	_ =	swait.ge [sflag:s12], $0x4000  }
0xe5: {  	[sflag:s12] =	ssyncset.done $0x0  }
0xe6: {  	[sflag:s12] =	ssyncadd.s32 $0xFFFFC000  }
0xe7: {  	_ =	swait.ge [sflag:s16], $0x4000  }
0xe8: {  	[sflag:s16] =	ssyncset.done $0x0  }
0xe9: {  	[sflag:s16] =	ssyncadd.s32 $0xFFFFC000  }
0xea: {  	[tilespmem:s17], [sflag:$0x2] =	stream.indirect.gather [hbm4b:s4+s14], $0x80, s25, s14, $0xb8;
	[tilespmem:$0x1C800] =	vst v63  }
0xeb: {  	_ = 	snop  }
0xec: {  	[spmem:s2] =	stream.indirect.scatter.add.f32 [tilespmem:s15], [sflag:$0x3], $0x80, s26, s14, $0xb8;
	[tilespmem:$0x1C800] =	vst v63  }
0xed: {  	_ =	swait.ge [sflag:s12], $0x4000  }
0xee: {  	[sflag:s12] =	ssyncset.done $0x0  }
0xef: {  	[sflag:s12] =	ssyncadd.s32 $0xFFFFC000  }
0xf0: {  	_ =	swait.ge [sflag:s18], $0x4000  }
0xf1: {  	[sflag:s18] =	ssyncset.done $0x0  }
0xf2: {  	[sflag:s18] =	ssyncadd.s32 $0xFFFFC000  }
0xf3: {  	[tilespmem:s15], [sflag:$0x1] =	stream.indirect.gather [hbm4b:s4+s14], $0x80, s28, s14, $0xb8;
	[tilespmem:$0x1C800] =	vst v63  }
0xf4: {  	_ = 	snop  }
0xf5: {  	[spmem:s2] =	stream.indirect.scatter.add.f32 [tilespmem:s17], [sflag:$0x3], $0x80, s29, s14, $0xb8;
	[tilespmem:$0x1C800] =	vst v63  }
0xf6: {  	_ =	swait.ge [sflag:s12], $0x4000  }
0xf7: {  	[sflag:s12] =	ssyncset.done $0x0  }
0xf8: {  	[sflag:s12] =	ssyncadd.s32 $0xFFFFC000  }
0xf9: {  	_ =	swait.ge [sflag:s16], $0x4000  }
0xfa: {  	[sflag:s16] =	ssyncset.done $0x0  }
0xfb: {  	[sflag:s16] =	ssyncadd.s32 $0xFFFFC000  }
0xfc: {  	[tilespmem:s17], [sflag:$0x2] =	stream.indirect.gather [hbm4b:s4+s14], $0x80, s30, s14, $0xb8;
	[tilespmem:$0x1C800] =	vst v63  }
0xfd: {  	_ = 	snop  }
0xfe: {  	[spmem:s2] =	stream.indirect.scatter.add.f32 [tilespmem:s15], [sflag:$0x3], $0x80, s31, s14, $0xb8;
	[tilespmem:$0x1C800] =	vst v63  }
0xff: {  	_ =	swait.ge [sflag:s12], $0x4000  }
0x100: {  	[sflag:s12] =	ssyncset.done $0x0  }
0x101: {  	[sflag:s12] =	ssyncadd.s32 $0xFFFFC000  }
0x102: {  	_ =	swait.ge [sflag:s18], $0x4000  }
0x103: {  	[sflag:s18] =	ssyncset.done $0x0  }
0x104: {  	[sflag:s18] =	ssyncadd.s32 $0xFFFFC000  }
0x105: {  	[spmem:s2] =	stream.indirect.scatter.add.f32 [tilespmem:s17], [sflag:$0x3], $0x80, s1, s14, $0xb8;
	[tilespmem:$0x1C800] =	vst v63  }
0x106: {  	_ =	swait.ge [sflag:s12], $0x4000  }
0x107: {  	[sflag:s12] =	ssyncset.done $0x0  }
0x108: {  	[sflag:s12] =	ssyncadd.s32 $0xFFFFC000  }
0x109: {  	[bflag:$0x0] =	sbarrier.arrive $0xFFFF  }
0x10a: {  	s6 =	rddreg [dreg:$0x4]  }
0x10b: {  	s8 =	rddreg [dreg:$0x5]  }
0x10c: {  	s7 =	rddreg [dreg:$0x7]  }
0x10d: {  	[hbm:s8], [sflag:s6] =	dma.local [spmem:s7], $0x2800  }
0x10e: {  	_ =	swait.ge [sflag:s12], $0x2800  }
0x10f: {  	s0 =	sadd.s32 $0x1, s0;
	s11 =	rddreg [dreg:$0x6]  }
0x110: {  	p0 =	sne.s32 s0, s11  }
.Ltmp1:
0x111: {  	_ = 	snop;
	(pc) =	sbr.rel @p0 .LBB2_1-.Ltmp1, $3  }
0x112: {  	_ =	sdelay $0x1  }
0x113: {  	[sflag:s12] =	ssyncset.done $0x0  }
0x114: {  	[sflag:s12] =	ssyncadd.s32 $0xFFFFD800  }
0x115: {  	_ =	sfence.sel $0x180000  }
0x116: {  	[bflag:$0x0] =	sbarrier.arrive $0xFFFF  }
0x117: {  	_ =	strace $0x90000050  }
0x118: {  	s0 =	stileid.u32;
	[bflag:$0x2] =	sbarrier.arrive $0xFFFF  }
0x119: {  	p0 =	sne.s32 s0, $0x0;
	s0 =	rddreg [dreg:$0x2]  }
0x11a: {  	s0 =	sadd.s32 @!p0 $0x100000, s0  }
0x11b: {  	[sflag:s0] =	ssyncadd.tile.s32 @!p0 $0x1;
	_ =	shalt  }
.Lfunc_end2:
_tile_overlayer_lowered:
.L_overlay_start_2:
0x11c: {  	(tag) =	ssettag $0x2  }
0x11d: {  	s0 =	rddreg [dreg:$0x0];
	s2 =	stileid.u32  }
0x11e: {  	s1 =	rddreg [dreg:$0x1];
	p0 =	sne.s32 s2, $0x0  }
0x11f: {  	s3 =	rddreg [dreg:$0x2];
	[bflag:$0x3] =	sbarrier.arrive $0xFFFF;
	s2 =	simm.s32 @!p0 $0x1C03  }
0x120: {  	[timem:s3], [sflag:s2] =	dma.local @!p0 [hbm:s0], s1  }
0x121: {  	s0 =	simm.s32 @!p0 $0x3  }
0x122: {  	_ =	swait.ge @!p0 [sflag:s0], s1  }
0x123: {  	s1 =	ssub.s32 @!p0 $0x0, s1;
	[sflag:s0] =	ssyncset.done @!p0 $0x0  }
0x124: {  	[sflag:s0] =	ssyncadd.s32 @!p0 s1  }
0x125: {  	[bflag:$0x3] =	sbarrier.arrive $0xFFFF  }
0x126: {  	_ =	shalt  }

// kernel: kernel.15.cloned.1.call-start
scs
__scs_entry_jumppad:
0x0: {  	(pc) =	sbr.rel $0x88, $3  }
0x1: {  	(tag) =	ssettag $0x0;
	lr =	simm.s32 $0x1  }
0x2: {  	[smem:$0x3F8B] =	sst lr;
	_ =	strace $0xD0000000  }
0x3: {  	_ = 	snop  }
0x4: {  	_ = 	snop  }
0x5: {  	_ = 	snop  }
0x6: {  	_ = 	snop  }
0x7: {  	_ = 	snop  }
__scs_overlays_trampoline_lowered:
0x8: {  	[smem:$0x3F9A] =	sst s0  }
0x9: {  	[smem:$0x3F9B] =	sst s1  }
0xa: {  	[smem:$0x3F9C] =	sst s2  }
0xb: {  	[smem:$0x3F9D] =	sst s3  }
0xc: {  	[smem:$0x3F9E] =	sst s4  }
0xd: {  	[smem:$0x3F9F] =	sst s5  }
0xe: {  	[smem:$0x3FA0] =	sst s6  }
0xf: {  	[smem:$0x3FA1] =	sst s7  }
0x10: {  	[smem:$0x3FA2] =	sst s8  }
0x11: {  	[smem:$0x3FA3] =	sst s9;
	s0 =	simm.s32 @!p0 $0x0  }
0x12: {  	s1 =	sld [smem:$0x3F89];
	s0 =	simm.s32 @p0 $0x1  }
0x13: {  	[smem:$0x3FA4] =	sst s0;
	s0 =	simm.s32 @!p1 $0x0  }
0x14: {  	s2 =	sld [smem:$0x3F88];
	s0 =	simm.s32 @p1 $0x1  }
0x15: {  	[smem:$0x3FA5] =	sst s0;
	s0 =	simm.s32 @!p2 $0x0  }
0x16: {  	s3 =	sld [smem:$0x3FDB];
	s0 =	simm.s32 @p2 $0x1  }
0x17: {  	s4 =	simm.s32 $0x1BF5;
	[smem:$0x3FA7] =	sst s0  }
0x18: {  	s0 =	sld [smem:$0x3F8A];
	_ =	swait.ge [sflag:s4], $0x0  }
0x19: {  	s7 =	sld [smem:$0x3F8B]  }
0x1a: {  	s8 =	sadd.s32 $0xFFFFE003, lr  }
0x1b: {  	s9 =	sadd.s32 $0xFFFFFEF7, lr;
	s5 =	simm.s32 $0xFFFFFFFF;
	p2 =	slt.u32 s8, $0xFFFFF086  }
0x1c: {  	p1 =	slt.u32 s9, $0xF7A;
	s5 =	simm.s32 @!p2 $0x0  }
0x1d: {  	s5 =	simm.s32 @p1 $0x1;
	p0 =	seq.s32 s7, s2  }
0x1e: {  	s7 =	smul.u32 @!p0 $0xF7A, s2;
	p2 =	seq.s32 @!p0 s5, $0x0  }
0x1f: {  	s9 =	smul.u32 $0xF7A, s1;
	s8 =	simm.s32 @!p0 $0x1BF5;
	p2 =	por !p2, p0  }
0x20: {  	[sflag:s8] =	ssyncset.s32 @!p0 $0xFFFFF086;
	s6 =	sadd.s32 @!p0 s3, s7;
	s7 =	simm.s32 @!p0 $0x108  }
0x21: {  	s3 =	sadd.s32 s3, s9;
	s6 =	sadd.s32 @!p0 $0x88, s6;
	s7 =	simm.s32 @p2 $0x1082  }
0x22: {  	[simem:s7], [sflag:s8] =	dma.local @!p0 [hbm:s6], $0xF7A  }
0x23: {  	s9 =	sor.u32 $0xD0000000, s2;
	s6 =	simm.s32 $0x108;
	_ =	swait.ge @!p0 [sflag:s8], $0x0  }
0x24: {  	s3 =	sadd.s32 $0x88, s3;
	s6 =	simm.s32 @!p1 $0x1082;
	[sflag:s4] =	ssyncset.s32 $0xFFFFF086  }
0x25: {  	[simem:s6], [sflag:s4] =	dma.local [hbm:s3], $0xF7A  }
0x26: {  	[smem:$0x3F8B] =	sst s1;
	(tag) =	ssettag s2;
	_ =	strace s9  }
0x27: {  	s1 =	sld [smem:$0x3F9B]  }
0x28: {  	s2 =	sld [smem:$0x3F9C]  }
0x29: {  	s4 =	sld [smem:$0x3F9E]  }
0x2a: {  	p0 =	seq.s32 s5, $0x0;
	s5 =	sld [smem:$0x3F9F]  }
0x2b: {  	s6 =	sld [smem:$0x3FA0]  }
0x2c: {  	s7 =	sld [smem:$0x3FA1]  }
0x2d: {  	s3 =	simm.s32 $0x108;
	s8 =	sld [smem:$0x3FA2]  }
0x2e: {  	s3 =	simm.s32 @!p0 $0x1082;
	s9 =	sld [smem:$0x3FA3]  }
0x2f: {  	lr =	sadd.s32 s0, s3;
	s0 =	sld [smem:$0x3F9A]  }
0x30: {  	s3 =	sld [smem:$0x3F9D]  }
0x31: {  	[smem:$0x3FA6] =	sst s10  }
0x32: {  	s10 =	sld [smem:$0x3FA4];
	_ =	sdelay $0x3  }
0x33: {  	p0 =	seq.s32 s10, $0x1;
	s10 =	sld [smem:$0x3FA6];
	_ =	sdelay $0x3  }
0x34: {  	[smem:$0x3FA6] =	sst s10  }
0x35: {  	s10 =	sld [smem:$0x3FA5];
	_ =	sdelay $0x3  }
0x36: {  	p1 =	seq.s32 s10, $0x1;
	s10 =	sld [smem:$0x3FA6];
	_ =	sdelay $0x3  }
0x37: {  	[smem:$0x3FA6] =	sst s10  }
0x38: {  	s10 =	sld [smem:$0x3FA7]  }
0x39: {  	_ = 	snop;
	(pc) =	sbr.ind lr, $3  }
0x3a: {  	_ = 	snop  }
0x3b: {  	_ = 	snop  }
0x3c: {  	p2 =	seq.s32 s10, $0x1;
	s10 =	sld [smem:$0x3FA6]  }
0x3d: {  	_ =	shalt  }
0x3e: {  	_ =	shalt  }
0x3f: {  	_ =	shalt  }
0x40: {  	_ =	shalt  }
0x41: {  	_ =	shalt  }
0x42: {  	_ =	shalt  }
0x43: {  	_ =	shalt  }
0x44: {  	_ =	shalt  }
0x45: {  	_ =	shalt  }
0x46: {  	_ =	shalt  }
0x47: {  	_ =	shalt  }
0x48: {  	_ =	shalt  }
0x49: {  	_ =	shalt  }
0x4a: {  	_ =	shalt  }
0x4b: {  	_ =	shalt  }
0x4c: {  	_ =	shalt  }
0x4d: {  	_ =	shalt  }
0x4e: {  	_ =	shalt  }
0x4f: {  	_ =	shalt  }
0x50: {  	_ =	shalt  }
0x51: {  	_ =	shalt  }
0x52: {  	_ =	shalt  }
0x53: {  	_ =	shalt  }
0x54: {  	_ =	shalt  }
0x55: {  	_ =	shalt  }
0x56: {  	_ =	shalt  }
0x57: {  	_ =	shalt  }
0x58: {  	_ =	shalt  }
0x59: {  	_ =	shalt  }
0x5a: {  	_ =	shalt  }
0x5b: {  	_ =	shalt  }
0x5c: {  	_ =	shalt  }
0x5d: {  	_ =	shalt  }
0x5e: {  	_ =	shalt  }
0x5f: {  	_ =	shalt  }
0x60: {  	_ =	shalt  }
0x61: {  	_ =	shalt  }
0x62: {  	_ =	shalt  }
0x63: {  	_ =	shalt  }
0x64: {  	_ =	shalt  }
0x65: {  	_ =	shalt  }
0x66: {  	_ =	shalt  }
0x67: {  	_ =	shalt  }
0x68: {  	_ =	shalt  }
0x69: {  	_ =	shalt  }
0x6a: {  	_ =	shalt  }
0x6b: {  	_ =	shalt  }
0x6c: {  	_ =	shalt  }
0x6d: {  	_ =	shalt  }
0x6e: {  	_ =	shalt  }
0x6f: {  	_ =	shalt  }
0x70: {  	_ =	shalt  }
0x71: {  	_ =	shalt  }
0x72: {  	_ =	shalt  }
0x73: {  	_ =	shalt  }
0x74: {  	_ =	shalt  }
0x75: {  	_ =	shalt  }
0x76: {  	_ =	shalt  }
0x77: {  	_ =	shalt  }
0x78: {  	_ =	shalt  }
0x79: {  	_ =	shalt  }
0x7a: {  	_ =	shalt  }
0x7b: {  	_ =	shalt  }
0x7c: {  	_ =	shalt  }
0x7d: {  	_ =	shalt  }
0x7e: {  	_ =	shalt  }
0x7f: {  	_ =	shalt  }
0x80: {  	_ =	shalt  }
0x81: {  	_ =	shalt  }
0x82: {  	_ =	shalt  }
0x83: {  	_ =	shalt  }
0x84: {  	_ =	shalt  }
0x85: {  	_ =	shalt  }
0x86: {  	_ =	shalt  }
0x87: {  	_ =	shalt  }
.Lfunc_end0:
.L_simem_size_0:
called_computation.4_lowered:
.L_overlay_start_0:
0x88: {  	s2 =	sld [smem:$0x3FD9]  }
0x89: {  	s3 =	sld [smem:$0x3FFE];
	_ =	sdelay $0x1  }
0x8a: {  	s1 =	srdreg.scid  }
0x8b: {  	s0 =	sand.u32 $0x1, s1  }
0x8c: {  	s16 =	sshll.u32 s0, $0xA;
	s2 =	sadd.s32 s3, s2  }
0x8d: {  	s2 =	sadd.s32 s2, s16  }
0x8e: {  	[smem:$0x3FB2] =	sst s2  }
0x8f: {  	_ = 	snop  }
0x90: {  	(tm) =	ssettm $0x1  }
0x91: {  	s17 =	sld [smem:$0x3FFB];
	_ =	sdelay $0x3  }
0x92: {  	_ =	strace s17  }
0x93: {  	s2 =	sld [smem:$0x3FFC];
	_ =	sdelay $0x3  }
0x94: {  	_ =	strace s2  }
0x95: {  	s2 =	sld [smem:$0x3FFD];
	_ =	sdelay $0x3  }
0x96: {  	_ =	strace s2  }
0x97: {  	_ =	strace $0x8FFFFFFF  }
0x98: {  	s18 =	sld [smem:$0x3FDB];
	_ =	sdelay $0x1  }
0x99: {  	s19 =	simm.s32 $_scs_section_size  }
0x9a: {  	s4 =	simm.s32 $_size__tile_overlayer_lowered;
	s5 =	simm.s32 $_tile_overlayer_lowered  }
0x9b: {  	s22 =	simm.s32 $0x1BFF;
	s21 =	sshll.u32 s5, $0x1;
	s2 =	sadd.s32 s19, s18  }
0x9c: {  	s6 =	simm.s32 $0x0;
	s20 =	sshll.u32 s4, $0x1;
	s4 =	sadd.s32 s21, s2  }
0x9d: {  	[timem:s6], [sflag:s22] =	dma.local [hbm:s4], s20  }
0x9e: {  	_ =	swait.ge [sflag:s22], s20  }
0x9f: {  	s3 =	ssub.s32 $0x0, s20;
	[sflag:s22] =	ssyncset.done $0x0  }
0xa0: {  	[sflag:s22] =	ssyncadd.s32 s3;
	_ =	sdelay $0x1  }
0xa1: {  	s23 =	simm.s32 $0x1B8B  }
0xa2: {  	_ =	swait.ge [sflag:s23], $0x1  }
0xa3: {  	[sflag:s23] =	ssyncset.done $0x0  }
0xa4: {  	s25 =	simm.s32 $0x1B8E;
	s24 =	sld [smem:$0x3FFE];
	[sflag:s23] =	ssyncadd.s32 $0xFFFFFFFF  }
0xa5: {  	s26 =	simm.s32 $execute0_lowered;
	[smem:$0x3FD2] =	sst s25  }
0xa6: {  	s4 =	sshll.u32 s26, $0x1;
	_ =	strace $0x80000052;
	[dreg:$0x1] =	wrdreg $0xFFFFFFFF  }
0xa7: {  	s28 =	simm.s32 $_size_execute0_lowered;
	s2 =	sadd.s32 s2, s4;
	[dreg:$0x0] =	wrdreg $0x0  }
0xa8: {  	s4 =	sshll.u32 s28, $0x1;
	[dreg:$0x2] =	wrdreg s2  }
0xa9: {  	[dreg:$0x3] =	wrdreg s4  }
0xaa: {  	[dreg:$0x4] =	wrdreg $0xC0  }
0xab: {  	_ =	task [dreg:s6], $0x5FFFF  }
0xac: {  	[dreg:$0x1] =	wrdreg $0xFFFFFFFF  }
0xad: {  	[dreg:$0x0] =	wrdreg $0x60  }
0xae: {  	[dreg:$0x2] =	wrdreg s24  }
0xaf: {  	[dreg:$0x3] =	wrdreg $0x88000  }
0xb0: {  	[dreg:$0x4] =	wrdreg $0x9  }
0xb1: {  	_ =	task.clear_ibuf [dreg:s6], $0x5FFFF;
	_ =	strace $0x90000052  }
0xb2: {  	s29 =	simm.s32 $0x9;
	_ =	strace $0x80000054  }
0xb3: {  	_ =	swait.ge [sflag:s29], $0x1  }
0xb4: {  	[sflag:s29] =	ssyncadd.s32 $0xFFFFFFFF  }
0xb5: {  	_ =	strace $0x90000054  }
0xb6: {  	_ =	sfence  }
0xb7: {  	s30 =	sld [smem:$0x0];
	_ =	sdelay $0x2  }
0xb8: {  	s31 =	sshll.u32 s1, $0xD;
	s1 =	sshrl.u32 s1, $0x2  }
0xb9: {  	s3 =	sand.u32 $0x4000, s31;
	s1 =	sadd.s32 s1, s30  }
0xba: {  	s0 =	sor.u32 s3, s0;
	s1 =	sshll.u32 s1, $0x11  }
0xbb: {  	s0 =	sor.u32 s1, s0  }
0xbc: {  	s0 =	sadd.s32 $0x8F2B, s0  }
0xbd: {  	[sflag:s0] =	ssyncadd.remote.s32 $0x1  }
0xbe: {  	_ =	sfence.sel $0xFFFF  }
0xbf: {  	[dreg:$0x0] =	wrdreg $0xFFFFFFFF;
	(pc) =	sbr.abs _section_cstart, $3  }
0xc0: {  	[dreg:$0x1] =	wrdreg $0xFFFFFFFF  }
0xc1: {  	_ =	task.clear_ibuf [dreg:s6], $0x2FFFF;
	_ =	strace $0x9FFFFFFF  }
0xc2: {  	(tm) =	ssettm $0x7FFFFFFF  }
0xc3: {  	_ =	shalt  }
tec
execute0_lowered:
.L_overlay_start_1:
0x0: {  	(tag) =	ssettag $0x1  }
0x1: {  	s0 =	srdreg.scid;
	s1 =	rddreg [dreg:$0x0]  }
0x2: {  	s8 =	stileid.u32;
	s2 =	rddreg [dreg:$0x1];
	s3 =	simm.s32 $0x0  }
0x3: {  	s12 =	simm.s32 $0x3;
	s13 =	simm.s32 $0x400;
	s14 =	simm.s32 $0x80  }
0x4: {  	s15 =	simm.s32 $0x800;
	s16 =	simm.s32 $0x1;
	s17 =	simm.s32 $0x4800  }
0x5: {  	s18 =	simm.s32 $0x2;
	s19 =	simm.s32 $0x100;
	s20 =	simm.s32 $0x480  }
0x6: {  	s21 =	simm.s32 $0x180;
	s22 =	simm.s32 $0x500;
	s23 =	simm.s32 $0x200  }
0x7: {  	s28 =	simm.s32 $0x300;
	s29 =	simm.s32 $0x680;
	s4 =	smul.u32 $0x5000, s8  }
0x8: {  	s30 =	simm.s32 $0x380;
	s31 =	simm.s32 $0x700;
	s7 =	smul.u32 $0x14000, s8  }
0x9: {  	s0 =	sand.u32 $0x1, s0;
	[smem:$0x7FF] =	sst s3;
	s24 =	smul.u32 $0x50000, s8  }
0xa: {  	s9 =	sadd.s32 $0x18000, s1;
	s26 =	sshll.u32 s8, $0x6;
	s5 =	smul.u32 $0x2800, s0  }
0xb: {  	s6 =	smul.u32 $0x140000, s0;
	_ =	strace $0x80000053;
	s0 =	ssub.s32 $0x2, s0  }
0xc: {  	[dreg:$0x3] =	wrdreg s9;
	s25 =	sshrl.u32 s0, $0x1;
	s5 =	sadd.s32 s5, s4  }
0xd: {  	s4 =	sadd.s32 $0x1A800, s1;
	s6 =	sadd.s32 s7, s6;
	s7 =	sshrl.u32 s24, $0x2  }
0xe: {  	s0 =	ssub.s32 s0, s25;
	s24 =	simm.s32 $0x580;
	s25 =	simm.s32 $0x280  }
0xf: {  	s5 =	sshrl.u32 s5, $0x3;
	s6 =	sshrl.u32 s6, $0x3;
	s7 =	sadd.s32 s7, s2  }
0x10: {  	s0 =	smax.u32 s0, $0x1;
	s5 =	sadd.s32 s5, s1;
	s1 =	sadd.s32 s6, s1  }
0x11: {  	s6 =	sor.u32 $0x1C03, s26;
	[dreg:$0x6] =	wrdreg s0;
	s7 =	sshrl.u32 s7, $0x3  }
0x12: {  	s26 =	simm.s32 $0x600;
	s0 =	simm.s32 $0x0;
	[dreg:$0x4] =	wrdreg s6  }
0x13: {  	s1 =	sadd.s32 $0x41A00, s1;
	s9 =	sadd.s32 $0x4000, s5;
	[dreg:$0x7] =	wrdreg s7  }
0x14: {  	s10 =	sadd.s32 $0xE000, s5;
	[dreg:$0x5] =	wrdreg s1;
	s1 =	simm.s32 $0x780  }
.LBB2_1:
0x15: {  	s5 =	rddreg [dreg:$0x3]  }
0x16: {  	[spmem:s7], [sflag:s6] =	dma.local [hbm:s5], $0x2800  }
0x17: {  	_ =	swait.ge [sflag:s12], $0x2800  }
0x18: {  	[sflag:s12] =	ssyncset.done $0x0  }
0x19: {  	[sflag:s12] =	ssyncadd.s32 $0xFFFFD800  }
0x1a: {  	s8 =	sadd.s32 $0x0, s10;
	[bflag:$0x0] =	sbarrier.arrive $0xFFFF  }
0x1b: {  	[tilespmem:s3], [sflag:$0x3] =	stream.linear.gather [hbm4b:s8+s3], $0x400, $0x38;
	[tilespmem:$0x1C800] =	vst v63  }
0x1c: {  	_ =	swait.ge [sflag:s12], $0x400  }
0x1d: {  	[sflag:s12] =	ssyncset.done $0x0  }
0x1e: {  	s11 =	sadd.s32 $0x0, s9;
	[sflag:s12] =	ssyncadd.s32 $0xFFFFFC00  }
0x1f: {  	[tilespmem:s13], [sflag:$0x3] =	stream.linear.gather [hbm4b:s11+s3], $0x400, $0x38;
	[tilespmem:$0x1C800] =	vst v63  }
0x20: {  	_ =	swait.ge [sflag:s12], $0x400  }
0x21: {  	[sflag:s12] =	ssyncset.done $0x0  }
0x22: {  	[sflag:s12] =	ssyncadd.s32 $0xFFFFFC00  }
0x23: {  	[tilespmem:s15], [sflag:$0x1] =	stream.indirect.gather [hbm4b:s4+s14], $0x80, s3, s14, $0xb8;
	[tilespmem:$0x1C800] =	vst v63  }
0x24: {  	_ =	swait.ge [sflag:s16], $0x4000  }
0x25: {  	[sflag:s16] =	ssyncset.done $0x0  }
0x26: {  	[sflag:s16] =	ssyncadd.s32 $0xFFFFC000  }
0x27: {  	[tilespmem:s17], [sflag:$0x2] =	stream.indirect.gather [hbm4b:s4+s14], $0x80, s14, s14, $0xb8;
	[tilespmem:$0x1C800] =	vst v63  }
0x28: {  	_ = 	snop  }
0x29: {  	[spmem:s2] =	stream.indirect.scatter.add.f32 [tilespmem:s15], [sflag:$0x3], $0x80, s13, s14, $0xb8;
	[tilespmem:$0x1C800] =	vst v63  }
0x2a: {  	_ =	swait.ge [sflag:s12], $0x4000  }
0x2b: {  	[sflag:s12] =	ssyncset.done $0x0  }
0x2c: {  	[sflag:s12] =	ssyncadd.s32 $0xFFFFC000  }
0x2d: {  	_ =	swait.ge [sflag:s18], $0x4000  }
0x2e: {  	[sflag:s18] =	ssyncset.done $0x0  }
0x2f: {  	[sflag:s18] =	ssyncadd.s32 $0xFFFFC000  }
0x30: {  	[tilespmem:s15], [sflag:$0x1] =	stream.indirect.gather [hbm4b:s4+s14], $0x80, s19, s14, $0xb8;
	[tilespmem:$0x1C800] =	vst v63  }
0x31: {  	_ = 	snop  }
0x32: {  	[spmem:s2] =	stream.indirect.scatter.add.f32 [tilespmem:s17], [sflag:$0x3], $0x80, s20, s14, $0xb8;
	[tilespmem:$0x1C800] =	vst v63  }
0x33: {  	_ =	swait.ge [sflag:s12], $0x4000  }
0x34: {  	[sflag:s12] =	ssyncset.done $0x0  }
0x35: {  	[sflag:s12] =	ssyncadd.s32 $0xFFFFC000  }
0x36: {  	_ =	swait.ge [sflag:s16], $0x4000  }
0x37: {  	[sflag:s16] =	ssyncset.done $0x0  }
0x38: {  	[sflag:s16] =	ssyncadd.s32 $0xFFFFC000  }
0x39: {  	[tilespmem:s17], [sflag:$0x2] =	stream.indirect.gather [hbm4b:s4+s14], $0x80, s21, s14, $0xb8;
	[tilespmem:$0x1C800] =	vst v63  }
0x3a: {  	_ = 	snop  }
0x3b: {  	[spmem:s2] =	stream.indirect.scatter.add.f32 [tilespmem:s15], [sflag:$0x3], $0x80, s22, s14, $0xb8;
	[tilespmem:$0x1C800] =	vst v63  }
0x3c: {  	_ =	swait.ge [sflag:s12], $0x4000  }
0x3d: {  	[sflag:s12] =	ssyncset.done $0x0  }
0x3e: {  	[sflag:s12] =	ssyncadd.s32 $0xFFFFC000  }
0x3f: {  	_ =	swait.ge [sflag:s18], $0x4000  }
0x40: {  	[sflag:s18] =	ssyncset.done $0x0  }
0x41: {  	[sflag:s18] =	ssyncadd.s32 $0xFFFFC000  }
0x42: {  	[tilespmem:s15], [sflag:$0x1] =	stream.indirect.gather [hbm4b:s4+s14], $0x80, s23, s14, $0xb8;
	[tilespmem:$0x1C800] =	vst v63  }
0x43: {  	_ = 	snop  }
0x44: {  	[spmem:s2] =	stream.indirect.scatter.add.f32 [tilespmem:s17], [sflag:$0x3], $0x80, s24, s14, $0xb8;
	[tilespmem:$0x1C800] =	vst v63  }
0x45: {  	_ =	swait.ge [sflag:s12], $0x4000  }
0x46: {  	[sflag:s12] =	ssyncset.done $0x0  }
0x47: {  	[sflag:s12] =	ssyncadd.s32 $0xFFFFC000  }
0x48: {  	_ =	swait.ge [sflag:s16], $0x4000  }
0x49: {  	[sflag:s16] =	ssyncset.done $0x0  }
0x4a: {  	[sflag:s16] =	ssyncadd.s32 $0xFFFFC000  }
0x4b: {  	[tilespmem:s17], [sflag:$0x2] =	stream.indirect.gather [hbm4b:s4+s14], $0x80, s25, s14, $0xb8;
	[tilespmem:$0x1C800] =	vst v63  }
0x4c: {  	_ = 	snop  }
0x4d: {  	[spmem:s2] =	stream.indirect.scatter.add.f32 [tilespmem:s15], [sflag:$0x3], $0x80, s26, s14, $0xb8;
	[tilespmem:$0x1C800] =	vst v63  }
0x4e: {  	_ =	swait.ge [sflag:s12], $0x4000  }
0x4f: {  	[sflag:s12] =	ssyncset.done $0x0  }
0x50: {  	[sflag:s12] =	ssyncadd.s32 $0xFFFFC000  }
0x51: {  	_ =	swait.ge [sflag:s18], $0x4000  }
0x52: {  	[sflag:s18] =	ssyncset.done $0x0  }
0x53: {  	[sflag:s18] =	ssyncadd.s32 $0xFFFFC000  }
0x54: {  	[tilespmem:s15], [sflag:$0x1] =	stream.indirect.gather [hbm4b:s4+s14], $0x80, s28, s14, $0xb8;
	[tilespmem:$0x1C800] =	vst v63  }
0x55: {  	_ = 	snop  }
0x56: {  	[spmem:s2] =	stream.indirect.scatter.add.f32 [tilespmem:s17], [sflag:$0x3], $0x80, s29, s14, $0xb8;
	[tilespmem:$0x1C800] =	vst v63  }
0x57: {  	_ =	swait.ge [sflag:s12], $0x4000  }
0x58: {  	[sflag:s12] =	ssyncset.done $0x0  }
0x59: {  	[sflag:s12] =	ssyncadd.s32 $0xFFFFC000  }
0x5a: {  	_ =	swait.ge [sflag:s16], $0x4000  }
0x5b: {  	[sflag:s16] =	ssyncset.done $0x0  }
0x5c: {  	[sflag:s16] =	ssyncadd.s32 $0xFFFFC000  }
0x5d: {  	[tilespmem:s17], [sflag:$0x2] =	stream.indirect.gather [hbm4b:s4+s14], $0x80, s30, s14, $0xb8;
	[tilespmem:$0x1C800] =	vst v63  }
0x5e: {  	_ = 	snop  }
0x5f: {  	[spmem:s2] =	stream.indirect.scatter.add.f32 [tilespmem:s15], [sflag:$0x3], $0x80, s31, s14, $0xb8;
	[tilespmem:$0x1C800] =	vst v63  }
0x60: {  	_ =	swait.ge [sflag:s12], $0x4000  }
0x61: {  	[sflag:s12] =	ssyncset.done $0x0  }
0x62: {  	[sflag:s12] =	ssyncadd.s32 $0xFFFFC000  }
0x63: {  	_ =	swait.ge [sflag:s18], $0x4000  }
0x64: {  	[sflag:s18] =	ssyncset.done $0x0  }
0x65: {  	[sflag:s18] =	ssyncadd.s32 $0xFFFFC000  }
0x66: {  	[spmem:s2] =	stream.indirect.scatter.add.f32 [tilespmem:s17], [sflag:$0x3], $0x80, s1, s14, $0xb8;
	[tilespmem:$0x1C800] =	vst v63  }
0x67: {  	_ =	swait.ge [sflag:s12], $0x4000  }
0x68: {  	s5 =	simm.s32 $0x80;
	s7 =	simm.s32 $0x100;
	[sflag:s12] =	ssyncset.done $0x0  }
.LBB2_2:
0x69: {  	s6 =	sadd.s32 s5, s10  }
0x6a: {  	[sflag:s12] =	ssyncadd.s32 $0xFFFFC000;
	s11 =	smov.u32 s7;
	s8 =	sadd.s32 $0x80, s7  }
0x6b: {  	[tilespmem:s3], [sflag:$0x3] =	stream.linear.gather [hbm4b:s6+s3], $0x400, $0x38;
	[tilespmem:$0x1C800] =	vst v63  }
0x6c: {  	p0 =	sne.s32 s7, $0x480;
	_ =	swait.ge [sflag:s12], $0x400  }
0x6d: {  	[sflag:s12] =	ssyncset.done $0x0  }
0x6e: {  	s6 =	sadd.s32 s5, s9;
	s5 =	smov.u32 s11;
	[sflag:s12] =	ssyncadd.s32 $0xFFFFFC00  }
0x6f: {  	[tilespmem:s13], [sflag:$0x3] =	stream.linear.gather [hbm4b:s6+s3], $0x400, $0x38;
	[tilespmem:$0x1C800] =	vst v63  }
0x70: {  	_ =	swait.ge [sflag:s12], $0x400  }
0x71: {  	[sflag:s12] =	ssyncset.done $0x0  }
0x72: {  	[sflag:s12] =	ssyncadd.s32 $0xFFFFFC00  }
0x73: {  	[tilespmem:s15], [sflag:$0x1] =	stream.indirect.gather [hbm4b:s4+s14], $0x80, s3, s14, $0xb8;
	[tilespmem:$0x1C800] =	vst v63  }
0x74: {  	_ =	swait.ge [sflag:s16], $0x4000  }
0x75: {  	[sflag:s16] =	ssyncset.done $0x0  }
0x76: {  	[sflag:s16] =	ssyncadd.s32 $0xFFFFC000  }
0x77: {  	[tilespmem:s17], [sflag:$0x2] =	stream.indirect.gather [hbm4b:s4+s14], $0x80, s14, s14, $0xb8;
	[tilespmem:$0x1C800] =	vst v63  }
0x78: {  	_ = 	snop  }
0x79: {  	[spmem:s2] =	stream.indirect.scatter.add.f32 [tilespmem:s15], [sflag:$0x3], $0x80, s13, s14, $0xb8;
	[tilespmem:$0x1C800] =	vst v63  }
0x7a: {  	_ =	swait.ge [sflag:s12], $0x4000  }
0x7b: {  	[sflag:s12] =	ssyncset.done $0x0  }
0x7c: {  	[sflag:s12] =	ssyncadd.s32 $0xFFFFC000  }
0x7d: {  	_ =	swait.ge [sflag:s18], $0x4000  }
0x7e: {  	[sflag:s18] =	ssyncset.done $0x0  }
0x7f: {  	[sflag:s18] =	ssyncadd.s32 $0xFFFFC000  }
0x80: {  	[tilespmem:s15], [sflag:$0x1] =	stream.indirect.gather [hbm4b:s4+s14], $0x80, s19, s14, $0xb8;
	[tilespmem:$0x1C800] =	vst v63  }
0x81: {  	_ = 	snop  }
0x82: {  	[spmem:s2] =	stream.indirect.scatter.add.f32 [tilespmem:s17], [sflag:$0x3], $0x80, s20, s14, $0xb8;
	[tilespmem:$0x1C800] =	vst v63  }
0x83: {  	_ =	swait.ge [sflag:s12], $0x4000  }
0x84: {  	[sflag:s12] =	ssyncset.done $0x0  }
0x85: {  	[sflag:s12] =	ssyncadd.s32 $0xFFFFC000  }
0x86: {  	_ =	swait.ge [sflag:s16], $0x4000  }
0x87: {  	[sflag:s16] =	ssyncset.done $0x0  }
0x88: {  	[sflag:s16] =	ssyncadd.s32 $0xFFFFC000  }
0x89: {  	[tilespmem:s17], [sflag:$0x2] =	stream.indirect.gather [hbm4b:s4+s14], $0x80, s21, s14, $0xb8;
	[tilespmem:$0x1C800] =	vst v63  }
0x8a: {  	_ = 	snop  }
0x8b: {  	[spmem:s2] =	stream.indirect.scatter.add.f32 [tilespmem:s15], [sflag:$0x3], $0x80, s22, s14, $0xb8;
	[tilespmem:$0x1C800] =	vst v63  }
0x8c: {  	_ =	swait.ge [sflag:s12], $0x4000  }
0x8d: {  	[sflag:s12] =	ssyncset.done $0x0  }
0x8e: {  	[sflag:s12] =	ssyncadd.s32 $0xFFFFC000  }
0x8f: {  	_ =	swait.ge [sflag:s18], $0x4000  }
0x90: {  	[sflag:s18] =	ssyncset.done $0x0  }
0x91: {  	[sflag:s18] =	ssyncadd.s32 $0xFFFFC000  }
0x92: {  	[tilespmem:s15], [sflag:$0x1] =	stream.indirect.gather [hbm4b:s4+s14], $0x80, s23, s14, $0xb8;
	[tilespmem:$0x1C800] =	vst v63  }
0x93: {  	_ = 	snop  }
0x94: {  	[spmem:s2] =	stream.indirect.scatter.add.f32 [tilespmem:s17], [sflag:$0x3], $0x80, s24, s14, $0xb8;
	[tilespmem:$0x1C800] =	vst v63  }
0x95: {  	_ =	swait.ge [sflag:s12], $0x4000  }
0x96: {  	[sflag:s12] =	ssyncset.done $0x0  }
0x97: {  	[sflag:s12] =	ssyncadd.s32 $0xFFFFC000  }
0x98: {  	_ =	swait.ge [sflag:s16], $0x4000  }
0x99: {  	[sflag:s16] =	ssyncset.done $0x0  }
0x9a: {  	[sflag:s16] =	ssyncadd.s32 $0xFFFFC000  }
0x9b: {  	[tilespmem:s17], [sflag:$0x2] =	stream.indirect.gather [hbm4b:s4+s14], $0x80, s25, s14, $0xb8;
	[tilespmem:$0x1C800] =	vst v63  }
0x9c: {  	_ = 	snop  }
0x9d: {  	[spmem:s2] =	stream.indirect.scatter.add.f32 [tilespmem:s15], [sflag:$0x3], $0x80, s26, s14, $0xb8;
	[tilespmem:$0x1C800] =	vst v63  }
0x9e: {  	_ =	swait.ge [sflag:s12], $0x4000  }
0x9f: {  	[sflag:s12] =	ssyncset.done $0x0  }
0xa0: {  	[sflag:s12] =	ssyncadd.s32 $0xFFFFC000  }
0xa1: {  	_ =	swait.ge [sflag:s18], $0x4000  }
0xa2: {  	[sflag:s18] =	ssyncset.done $0x0  }
0xa3: {  	[sflag:s18] =	ssyncadd.s32 $0xFFFFC000  }
0xa4: {  	[tilespmem:s15], [sflag:$0x1] =	stream.indirect.gather [hbm4b:s4+s14], $0x80, s28, s14, $0xb8;
	[tilespmem:$0x1C800] =	vst v63  }
0xa5: {  	_ = 	snop  }
0xa6: {  	[spmem:s2] =	stream.indirect.scatter.add.f32 [tilespmem:s17], [sflag:$0x3], $0x80, s29, s14, $0xb8;
	[tilespmem:$0x1C800] =	vst v63  }
0xa7: {  	_ =	swait.ge [sflag:s12], $0x4000  }
0xa8: {  	[sflag:s12] =	ssyncset.done $0x0  }
0xa9: {  	[sflag:s12] =	ssyncadd.s32 $0xFFFFC000  }
0xaa: {  	_ =	swait.ge [sflag:s16], $0x4000  }
0xab: {  	[sflag:s16] =	ssyncset.done $0x0  }
0xac: {  	[sflag:s16] =	ssyncadd.s32 $0xFFFFC000  }
0xad: {  	[tilespmem:s17], [sflag:$0x2] =	stream.indirect.gather [hbm4b:s4+s14], $0x80, s30, s14, $0xb8;
	[tilespmem:$0x1C800] =	vst v63  }
0xae: {  	_ = 	snop  }
0xaf: {  	[spmem:s2] =	stream.indirect.scatter.add.f32 [tilespmem:s15], [sflag:$0x3], $0x80, s31, s14, $0xb8;
	[tilespmem:$0x1C800] =	vst v63  }
0xb0: {  	_ =	swait.ge [sflag:s12], $0x4000  }
0xb1: {  	[sflag:s12] =	ssyncset.done $0x0  }
0xb2: {  	[sflag:s12] =	ssyncadd.s32 $0xFFFFC000  }
0xb3: {  	_ =	swait.ge [sflag:s18], $0x4000  }
.Ltmp0:
0xb4: {  	[sflag:s18] =	ssyncset.done $0x0;
	(pc) =	sbr.rel @p0 .LBB2_2-.Ltmp0, $4  }
0xb5: {  	[sflag:s18] =	ssyncadd.s32 $0xFFFFC000  }
0xb6: {  	[spmem:s2] =	stream.indirect.scatter.add.f32 [tilespmem:s17], [sflag:$0x3], $0x80, s1, s14, $0xb8;
	[tilespmem:$0x1C800] =	vst v63  }
0xb7: {  	_ =	swait.ge [sflag:s12], $0x4000  }
0xb8: {  	s7 =	smov.u32 s8;
	[sflag:s12] =	ssyncset.done $0x0  }
0xb9: {  	s6 =	sadd.s32 s5, s10;
	[sflag:s12] =	ssyncadd.s32 $0xFFFFC000  }
0xba: {  	[tilespmem:s3], [sflag:$0x3] =	stream.linear.gather [hbm4b:s6+s3], $0x400, $0x38;
	[tilespmem:$0x1C800] =	vst v63  }
0xbb: {  	_ =	swait.ge [sflag:s12], $0x400  }
0xbc: {  	[sflag:s12] =	ssyncset.done $0x0  }
0xbd: {  	s7 =	sadd.s32 s5, s9;
	[sflag:s12] =	ssyncadd.s32 $0xFFFFFC00  }
0xbe: {  	[tilespmem:s13], [sflag:$0x3] =	stream.linear.gather [hbm4b:s7+s3], $0x400, $0x38;
	[tilespmem:$0x1C800] =	vst v63  }
0xbf: {  	_ =	swait.ge [sflag:s12], $0x400  }
0xc0: {  	[sflag:s12] =	ssyncset.done $0x0  }
0xc1: {  	[sflag:s12] =	ssyncadd.s32 $0xFFFFFC00  }
0xc2: {  	[tilespmem:s15], [sflag:$0x1] =	stream.indirect.gather [hbm4b:s4+s14], $0x80, s3, s14, $0xb8;
	[tilespmem:$0x1C800] =	vst v63  }
0xc3: {  	_ =	swait.ge [sflag:s16], $0x4000  }
0xc4: {  	[sflag:s16] =	ssyncset.done $0x0  }
0xc5: {  	[sflag:s16] =	ssyncadd.s32 $0xFFFFC000  }
0xc6: {  	[tilespmem:s17], [sflag:$0x2] =	stream.indirect.gather [hbm4b:s4+s14], $0x80, s14, s14, $0xb8;
	[tilespmem:$0x1C800] =	vst v63  }
0xc7: {  	_ = 	snop  }
0xc8: {  	[spmem:s2] =	stream.indirect.scatter.add.f32 [tilespmem:s15], [sflag:$0x3], $0x80, s13, s14, $0xb8;
	[tilespmem:$0x1C800] =	vst v63  }
0xc9: {  	_ =	swait.ge [sflag:s12], $0x4000  }
0xca: {  	[sflag:s12] =	ssyncset.done $0x0  }
0xcb: {  	[sflag:s12] =	ssyncadd.s32 $0xFFFFC000  }
0xcc: {  	_ =	swait.ge [sflag:s18], $0x4000  }
0xcd: {  	[sflag:s18] =	ssyncset.done $0x0  }
0xce: {  	[sflag:s18] =	ssyncadd.s32 $0xFFFFC000  }
0xcf: {  	[tilespmem:s15], [sflag:$0x1] =	stream.indirect.gather [hbm4b:s4+s14], $0x80, s19, s14, $0xb8;
	[tilespmem:$0x1C800] =	vst v63  }
0xd0: {  	_ = 	snop  }
0xd1: {  	[spmem:s2] =	stream.indirect.scatter.add.f32 [tilespmem:s17], [sflag:$0x3], $0x80, s20, s14, $0xb8;
	[tilespmem:$0x1C800] =	vst v63  }
0xd2: {  	_ =	swait.ge [sflag:s12], $0x4000  }
0xd3: {  	[sflag:s12] =	ssyncset.done $0x0  }
0xd4: {  	[sflag:s12] =	ssyncadd.s32 $0xFFFFC000  }
0xd5: {  	_ =	swait.ge [sflag:s16], $0x4000  }
0xd6: {  	[sflag:s16] =	ssyncset.done $0x0  }
0xd7: {  	[sflag:s16] =	ssyncadd.s32 $0xFFFFC000  }
0xd8: {  	[tilespmem:s17], [sflag:$0x2] =	stream.indirect.gather [hbm4b:s4+s14], $0x80, s21, s14, $0xb8;
	[tilespmem:$0x1C800] =	vst v63  }
0xd9: {  	_ = 	snop  }
0xda: {  	[spmem:s2] =	stream.indirect.scatter.add.f32 [tilespmem:s15], [sflag:$0x3], $0x80, s22, s14, $0xb8;
	[tilespmem:$0x1C800] =	vst v63  }
0xdb: {  	_ =	swait.ge [sflag:s12], $0x4000  }
0xdc: {  	[sflag:s12] =	ssyncset.done $0x0  }
0xdd: {  	[sflag:s12] =	ssyncadd.s32 $0xFFFFC000  }
0xde: {  	_ =	swait.ge [sflag:s18], $0x4000  }
0xdf: {  	[sflag:s18] =	ssyncset.done $0x0  }
0xe0: {  	[sflag:s18] =	ssyncadd.s32 $0xFFFFC000  }
0xe1: {  	[tilespmem:s15], [sflag:$0x1] =	stream.indirect.gather [hbm4b:s4+s14], $0x80, s23, s14, $0xb8;
	[tilespmem:$0x1C800] =	vst v63  }
0xe2: {  	_ = 	snop  }
0xe3: {  	[spmem:s2] =	stream.indirect.scatter.add.f32 [tilespmem:s17], [sflag:$0x3], $0x80, s24, s14, $0xb8;
	[tilespmem:$0x1C800] =	vst v63  }
0xe4: {  	_ =	swait.ge [sflag:s12], $0x4000  }
0xe5: {  	[sflag:s12] =	ssyncset.done $0x0  }
0xe6: {  	[sflag:s12] =	ssyncadd.s32 $0xFFFFC000  }
0xe7: {  	_ =	swait.ge [sflag:s16], $0x4000  }
0xe8: {  	[sflag:s16] =	ssyncset.done $0x0  }
0xe9: {  	[sflag:s16] =	ssyncadd.s32 $0xFFFFC000  }
0xea: {  	[tilespmem:s17], [sflag:$0x2] =	stream.indirect.gather [hbm4b:s4+s14], $0x80, s25, s14, $0xb8;
	[tilespmem:$0x1C800] =	vst v63  }
0xeb: {  	_ = 	snop  }
0xec: {  	[spmem:s2] =	stream.indirect.scatter.add.f32 [tilespmem:s15], [sflag:$0x3], $0x80, s26, s14, $0xb8;
	[tilespmem:$0x1C800] =	vst v63  }
0xed: {  	_ =	swait.ge [sflag:s12], $0x4000  }
0xee: {  	[sflag:s12] =	ssyncset.done $0x0  }
0xef: {  	[sflag:s12] =	ssyncadd.s32 $0xFFFFC000  }
0xf0: {  	_ =	swait.ge [sflag:s18], $0x4000  }
0xf1: {  	[sflag:s18] =	ssyncset.done $0x0  }
0xf2: {  	[sflag:s18] =	ssyncadd.s32 $0xFFFFC000  }
0xf3: {  	[tilespmem:s15], [sflag:$0x1] =	stream.indirect.gather [hbm4b:s4+s14], $0x80, s28, s14, $0xb8;
	[tilespmem:$0x1C800] =	vst v63  }
0xf4: {  	_ = 	snop  }
0xf5: {  	[spmem:s2] =	stream.indirect.scatter.add.f32 [tilespmem:s17], [sflag:$0x3], $0x80, s29, s14, $0xb8;
	[tilespmem:$0x1C800] =	vst v63  }
0xf6: {  	_ =	swait.ge [sflag:s12], $0x4000  }
0xf7: {  	[sflag:s12] =	ssyncset.done $0x0  }
0xf8: {  	[sflag:s12] =	ssyncadd.s32 $0xFFFFC000  }
0xf9: {  	_ =	swait.ge [sflag:s16], $0x4000  }
0xfa: {  	[sflag:s16] =	ssyncset.done $0x0  }
0xfb: {  	[sflag:s16] =	ssyncadd.s32 $0xFFFFC000  }
0xfc: {  	[tilespmem:s17], [sflag:$0x2] =	stream.indirect.gather [hbm4b:s4+s14], $0x80, s30, s14, $0xb8;
	[tilespmem:$0x1C800] =	vst v63  }
0xfd: {  	_ = 	snop  }
0xfe: {  	[spmem:s2] =	stream.indirect.scatter.add.f32 [tilespmem:s15], [sflag:$0x3], $0x80, s31, s14, $0xb8;
	[tilespmem:$0x1C800] =	vst v63  }
0xff: {  	_ =	swait.ge [sflag:s12], $0x4000  }
0x100: {  	[sflag:s12] =	ssyncset.done $0x0  }
0x101: {  	[sflag:s12] =	ssyncadd.s32 $0xFFFFC000  }
0x102: {  	_ =	swait.ge [sflag:s18], $0x4000  }
0x103: {  	[sflag:s18] =	ssyncset.done $0x0  }
0x104: {  	[sflag:s18] =	ssyncadd.s32 $0xFFFFC000  }
0x105: {  	[spmem:s2] =	stream.indirect.scatter.add.f32 [tilespmem:s17], [sflag:$0x3], $0x80, s1, s14, $0xb8;
	[tilespmem:$0x1C800] =	vst v63  }
0x106: {  	_ =	swait.ge [sflag:s12], $0x4000  }
0x107: {  	[sflag:s12] =	ssyncset.done $0x0  }
0x108: {  	[sflag:s12] =	ssyncadd.s32 $0xFFFFC000  }
0x109: {  	[bflag:$0x0] =	sbarrier.arrive $0xFFFF  }
0x10a: {  	s6 =	rddreg [dreg:$0x4]  }
0x10b: {  	s8 =	rddreg [dreg:$0x5]  }
0x10c: {  	s7 =	rddreg [dreg:$0x7]  }
0x10d: {  	[hbm:s8], [sflag:s6] =	dma.local [spmem:s7], $0x2800  }
0x10e: {  	_ =	swait.ge [sflag:s12], $0x2800  }
0x10f: {  	s0 =	sadd.s32 $0x1, s0;
	s11 =	rddreg [dreg:$0x6]  }
0x110: {  	p0 =	sne.s32 s0, s11  }
.Ltmp1:
0x111: {  	_ = 	snop;
	(pc) =	sbr.rel @p0 .LBB2_1-.Ltmp1, $3  }
0x112: {  	_ =	sdelay $0x1  }
0x113: {  	[sflag:s12] =	ssyncset.done $0x0  }
0x114: {  	[sflag:s12] =	ssyncadd.s32 $0xFFFFD800  }
0x115: {  	_ =	sfence.sel $0x180000  }
0x116: {  	[bflag:$0x0] =	sbarrier.arrive $0xFFFF  }
0x117: {  	_ =	strace $0x90000053  }
0x118: {  	s0 =	stileid.u32;
	[bflag:$0x2] =	sbarrier.arrive $0xFFFF  }
0x119: {  	p0 =	sne.s32 s0, $0x0;
	s0 =	rddreg [dreg:$0x2]  }
0x11a: {  	s0 =	sadd.s32 @!p0 $0x100000, s0  }
0x11b: {  	[sflag:s0] =	ssyncadd.tile.s32 @!p0 $0x1;
	_ =	shalt  }
.Lfunc_end2:
_tile_overlayer_lowered:
.L_overlay_start_2:
0x11c: {  	(tag) =	ssettag $0x2  }
0x11d: {  	s0 =	rddreg [dreg:$0x0];
	s2 =	stileid.u32  }
0x11e: {  	s1 =	rddreg [dreg:$0x1];
	p0 =	sne.s32 s2, $0x0  }
0x11f: {  	s3 =	rddreg [dreg:$0x2];
	[bflag:$0x3] =	sbarrier.arrive $0xFFFF;
	s2 =	simm.s32 @!p0 $0x1C03  }
0x120: {  	[timem:s3], [sflag:s2] =	dma.local @!p0 [hbm:s0], s1  }
0x121: {  	s0 =	simm.s32 @!p0 $0x3  }
0x122: {  	_ =	swait.ge @!p0 [sflag:s0], s1  }
0x123: {  	s1 =	ssub.s32 @!p0 $0x0, s1;
	[sflag:s0] =	ssyncset.done @!p0 $0x0  }
0x124: {  	[sflag:s0] =	ssyncadd.s32 @!p0 s1  }
0x125: {  	[bflag:$0x3] =	sbarrier.arrive $0xFFFF  }
0x126: {  	_ =	shalt  }

// kernel: kernel.9.cloned.1.call-start
scs
__scs_entry_jumppad:
0x0: {  	(pc) =	sbr.rel $0x88, $3  }
0x1: {  	(tag) =	ssettag $0x0;
	lr =	simm.s32 $0x1  }
0x2: {  	[smem:$0x3F8B] =	sst lr;
	_ =	strace $0xD0000000  }
0x3: {  	_ = 	snop  }
0x4: {  	_ = 	snop  }
0x5: {  	_ = 	snop  }
0x6: {  	_ = 	snop  }
0x7: {  	_ = 	snop  }
__scs_overlays_trampoline_lowered:
0x8: {  	[smem:$0x3F9A] =	sst s0  }
0x9: {  	[smem:$0x3F9B] =	sst s1  }
0xa: {  	[smem:$0x3F9C] =	sst s2  }
0xb: {  	[smem:$0x3F9D] =	sst s3  }
0xc: {  	[smem:$0x3F9E] =	sst s4  }
0xd: {  	[smem:$0x3F9F] =	sst s5  }
0xe: {  	[smem:$0x3FA0] =	sst s6  }
0xf: {  	[smem:$0x3FA1] =	sst s7  }
0x10: {  	[smem:$0x3FA2] =	sst s8  }
0x11: {  	[smem:$0x3FA3] =	sst s9;
	s0 =	simm.s32 @!p0 $0x0  }
0x12: {  	s1 =	sld [smem:$0x3F89];
	s0 =	simm.s32 @p0 $0x1  }
0x13: {  	[smem:$0x3FA4] =	sst s0;
	s0 =	simm.s32 @!p1 $0x0  }
0x14: {  	s2 =	sld [smem:$0x3F88];
	s0 =	simm.s32 @p1 $0x1  }
0x15: {  	[smem:$0x3FA5] =	sst s0;
	s0 =	simm.s32 @!p2 $0x0  }
0x16: {  	s3 =	sld [smem:$0x3FDB];
	s0 =	simm.s32 @p2 $0x1  }
0x17: {  	s4 =	simm.s32 $0x1BF5;
	[smem:$0x3FA7] =	sst s0  }
0x18: {  	s0 =	sld [smem:$0x3F8A];
	_ =	swait.ge [sflag:s4], $0x0  }
0x19: {  	s7 =	sld [smem:$0x3F8B]  }
0x1a: {  	s8 =	sadd.s32 $0xFFFFE003, lr  }
0x1b: {  	s9 =	sadd.s32 $0xFFFFFEF7, lr;
	s5 =	simm.s32 $0xFFFFFFFF;
	p2 =	slt.u32 s8, $0xFFFFF086  }
0x1c: {  	p1 =	slt.u32 s9, $0xF7A;
	s5 =	simm.s32 @!p2 $0x0  }
0x1d: {  	s5 =	simm.s32 @p1 $0x1;
	p0 =	seq.s32 s7, s2  }
0x1e: {  	s7 =	smul.u32 @!p0 $0xF7A, s2;
	p2 =	seq.s32 @!p0 s5, $0x0  }
0x1f: {  	s9 =	smul.u32 $0xF7A, s1;
	s8 =	simm.s32 @!p0 $0x1BF5;
	p2 =	por !p2, p0  }
0x20: {  	[sflag:s8] =	ssyncset.s32 @!p0 $0xFFFFF086;
	s6 =	sadd.s32 @!p0 s3, s7;
	s7 =	simm.s32 @!p0 $0x108  }
0x21: {  	s3 =	sadd.s32 s3, s9;
	s6 =	sadd.s32 @!p0 $0x88, s6;
	s7 =	simm.s32 @p2 $0x1082  }
0x22: {  	[simem:s7], [sflag:s8] =	dma.local @!p0 [hbm:s6], $0xF7A  }
0x23: {  	s9 =	sor.u32 $0xD0000000, s2;
	s6 =	simm.s32 $0x108;
	_ =	swait.ge @!p0 [sflag:s8], $0x0  }
0x24: {  	s3 =	sadd.s32 $0x88, s3;
	s6 =	simm.s32 @!p1 $0x1082;
	[sflag:s4] =	ssyncset.s32 $0xFFFFF086  }
0x25: {  	[simem:s6], [sflag:s4] =	dma.local [hbm:s3], $0xF7A  }
0x26: {  	[smem:$0x3F8B] =	sst s1;
	(tag) =	ssettag s2;
	_ =	strace s9  }
0x27: {  	s1 =	sld [smem:$0x3F9B]  }
0x28: {  	s2 =	sld [smem:$0x3F9C]  }
0x29: {  	s4 =	sld [smem:$0x3F9E]  }
0x2a: {  	p0 =	seq.s32 s5, $0x0;
	s5 =	sld [smem:$0x3F9F]  }
0x2b: {  	s6 =	sld [smem:$0x3FA0]  }
0x2c: {  	s7 =	sld [smem:$0x3FA1]  }
0x2d: {  	s3 =	simm.s32 $0x108;
	s8 =	sld [smem:$0x3FA2]  }
0x2e: {  	s3 =	simm.s32 @!p0 $0x1082;
	s9 =	sld [smem:$0x3FA3]  }
0x2f: {  	lr =	sadd.s32 s0, s3;
	s0 =	sld [smem:$0x3F9A]  }
0x30: {  	s3 =	sld [smem:$0x3F9D]  }
0x31: {  	[smem:$0x3FA6] =	sst s10  }
0x32: {  	s10 =	sld [smem:$0x3FA4];
	_ =	sdelay $0x3  }
0x33: {  	p0 =	seq.s32 s10, $0x1;
	s10 =	sld [smem:$0x3FA6];
	_ =	sdelay $0x3  }
0x34: {  	[smem:$0x3FA6] =	sst s10  }
0x35: {  	s10 =	sld [smem:$0x3FA5];
	_ =	sdelay $0x3  }
0x36: {  	p1 =	seq.s32 s10, $0x1;
	s10 =	sld [smem:$0x3FA6];
	_ =	sdelay $0x3  }
0x37: {  	[smem:$0x3FA6] =	sst s10  }
0x38: {  	s10 =	sld [smem:$0x3FA7]  }
0x39: {  	_ = 	snop;
	(pc) =	sbr.ind lr, $3  }
0x3a: {  	_ = 	snop  }
0x3b: {  	_ = 	snop  }
0x3c: {  	p2 =	seq.s32 s10, $0x1;
	s10 =	sld [smem:$0x3FA6]  }
0x3d: {  	_ =	shalt  }
0x3e: {  	_ =	shalt  }
0x3f: {  	_ =	shalt  }
0x40: {  	_ =	shalt  }
0x41: {  	_ =	shalt  }
0x42: {  	_ =	shalt  }
0x43: {  	_ =	shalt  }
0x44: {  	_ =	shalt  }
0x45: {  	_ =	shalt  }
0x46: {  	_ =	shalt  }
0x47: {  	_ =	shalt  }
0x48: {  	_ =	shalt  }
0x49: {  	_ =	shalt  }
0x4a: {  	_ =	shalt  }
0x4b: {  	_ =	shalt  }
0x4c: {  	_ =	shalt  }
0x4d: {  	_ =	shalt  }
0x4e: {  	_ =	shalt  }
0x4f: {  	_ =	shalt  }
0x50: {  	_ =	shalt  }
0x51: {  	_ =	shalt  }
0x52: {  	_ =	shalt  }
0x53: {  	_ =	shalt  }
0x54: {  	_ =	shalt  }
0x55: {  	_ =	shalt  }
0x56: {  	_ =	shalt  }
0x57: {  	_ =	shalt  }
0x58: {  	_ =	shalt  }
0x59: {  	_ =	shalt  }
0x5a: {  	_ =	shalt  }
0x5b: {  	_ =	shalt  }
0x5c: {  	_ =	shalt  }
0x5d: {  	_ =	shalt  }
0x5e: {  	_ =	shalt  }
0x5f: {  	_ =	shalt  }
0x60: {  	_ =	shalt  }
0x61: {  	_ =	shalt  }
0x62: {  	_ =	shalt  }
0x63: {  	_ =	shalt  }
0x64: {  	_ =	shalt  }
0x65: {  	_ =	shalt  }
0x66: {  	_ =	shalt  }
0x67: {  	_ =	shalt  }
0x68: {  	_ =	shalt  }
0x69: {  	_ =	shalt  }
0x6a: {  	_ =	shalt  }
0x6b: {  	_ =	shalt  }
0x6c: {  	_ =	shalt  }
0x6d: {  	_ =	shalt  }
0x6e: {  	_ =	shalt  }
0x6f: {  	_ =	shalt  }
0x70: {  	_ =	shalt  }
0x71: {  	_ =	shalt  }
0x72: {  	_ =	shalt  }
0x73: {  	_ =	shalt  }
0x74: {  	_ =	shalt  }
0x75: {  	_ =	shalt  }
0x76: {  	_ =	shalt  }
0x77: {  	_ =	shalt  }
0x78: {  	_ =	shalt  }
0x79: {  	_ =	shalt  }
0x7a: {  	_ =	shalt  }
0x7b: {  	_ =	shalt  }
0x7c: {  	_ =	shalt  }
0x7d: {  	_ =	shalt  }
0x7e: {  	_ =	shalt  }
0x7f: {  	_ =	shalt  }
0x80: {  	_ =	shalt  }
0x81: {  	_ =	shalt  }
0x82: {  	_ =	shalt  }
0x83: {  	_ =	shalt  }
0x84: {  	_ =	shalt  }
0x85: {  	_ =	shalt  }
0x86: {  	_ =	shalt  }
0x87: {  	_ =	shalt  }
.Lfunc_end0:
.L_simem_size_0:
called_computation.2_lowered:
.L_overlay_start_0:
0x88: {  	s2 =	sld [smem:$0x3FD9]  }
0x89: {  	s3 =	sld [smem:$0x3FFE];
	_ =	sdelay $0x1  }
0x8a: {  	s1 =	srdreg.scid  }
0x8b: {  	s0 =	sand.u32 $0x1, s1  }
0x8c: {  	s17 =	sshll.u32 s0, $0xA;
	s2 =	sadd.s32 s3, s2  }
0x8d: {  	s2 =	sadd.s32 s2, s17  }
0x8e: {  	[smem:$0x3FB2] =	sst s2  }
0x8f: {  	_ = 	snop  }
0x90: {  	s2 =	sld [smem:$0x3FC9];
	(tm) =	ssettm $0x1  }
0x91: {  	s18 =	sld [smem:$0x3FFB];
	_ =	sdelay $0x3  }
0x92: {  	_ =	strace s18  }
0x93: {  	s3 =	sld [smem:$0x3FFC];
	_ =	sdelay $0x3  }
0x94: {  	_ =	strace s3  }
0x95: {  	s3 =	sld [smem:$0x3FFD];
	_ =	sdelay $0x3  }
0x96: {  	_ =	strace s3  }
0x97: {  	_ =	strace $0x8FFFFFFF  }
0x98: {  	s19 =	sld [smem:$0x3FDB];
	_ =	sdelay $0x1  }
0x99: {  	s4 =	simm.s32 $_scs_section_size  }
0x9a: {  	s5 =	simm.s32 $_size__tile_overlayer_lowered;
	s6 =	simm.s32 $_tile_overlayer_lowered  }
0x9b: {  	s22 =	simm.s32 $0x1BFF;
	s21 =	sshll.u32 s6, $0x1;
	s3 =	sadd.s32 s4, s19  }
0x9c: {  	s7 =	simm.s32 $0x0;
	s20 =	sshll.u32 s5, $0x1;
	s5 =	sadd.s32 s21, s3  }
0x9d: {  	[timem:s7], [sflag:s22] =	dma.local [hbm:s5], s20  }
0x9e: {  	_ =	swait.ge [sflag:s22], s20  }
0x9f: {  	s4 =	ssub.s32 $0x0, s20;
	[sflag:s22] =	ssyncset.done $0x0  }
0xa0: {  	[sflag:s22] =	ssyncadd.s32 s4;
	_ =	sdelay $0x1  }
0xa1: {  	s23 =	simm.s32 $0x1B8B  }
0xa2: {  	_ =	swait.ge [sflag:s23], $0x1  }
0xa3: {  	[sflag:s23] =	ssyncset.done $0x0  }
0xa4: {  	s25 =	simm.s32 $0x1B8E;
	s24 =	sld [smem:$0x3FFE];
	[sflag:s23] =	ssyncadd.s32 $0xFFFFFFFF  }
0xa5: {  	s26 =	simm.s32 $execute0_lowered;
	[smem:$0x3FD2] =	sst s25  }
0xa6: {  	s5 =	sshll.u32 s26, $0x1;
	_ =	strace $0x8000004C;
	[dreg:$0x1] =	wrdreg $0xFFFFFFFF  }
0xa7: {  	s28 =	simm.s32 $_size_execute0_lowered;
	s3 =	sadd.s32 s3, s5;
	[dreg:$0x0] =	wrdreg $0x0  }
0xa8: {  	s5 =	sshll.u32 s28, $0x1;
	[dreg:$0x2] =	wrdreg s3  }
0xa9: {  	[dreg:$0x3] =	wrdreg s5  }
0xaa: {  	[dreg:$0x4] =	wrdreg $0xC0  }
0xab: {  	_ =	task [dreg:s7], $0x5FFFF  }
0xac: {  	[dreg:$0x1] =	wrdreg $0xFFFFFFFF  }
0xad: {  	[dreg:$0x0] =	wrdreg $0x60  }
0xae: {  	[dreg:$0x2] =	wrdreg s2  }
0xaf: {  	[dreg:$0x3] =	wrdreg s24  }
0xb0: {  	[dreg:$0x4] =	wrdreg $0x88000  }
0xb1: {  	[dreg:$0x5] =	wrdreg $0x9  }
0xb2: {  	_ =	task.clear_ibuf [dreg:s7], $0x6FFFF;
	_ =	strace $0x9000004C  }
0xb3: {  	s29 =	simm.s32 $0x9;
	_ =	strace $0x8000004E  }
0xb4: {  	_ =	swait.ge [sflag:s29], $0x1  }
0xb5: {  	[sflag:s29] =	ssyncadd.s32 $0xFFFFFFFF  }
0xb6: {  	_ =	strace $0x9000004E  }
0xb7: {  	_ =	sfence  }
0xb8: {  	s30 =	sld [smem:$0x0];
	_ =	sdelay $0x2  }
0xb9: {  	s31 =	sshll.u32 s1, $0xD;
	s1 =	sshrl.u32 s1, $0x2  }
0xba: {  	s3 =	sand.u32 $0x4000, s31;
	s1 =	sadd.s32 s1, s30  }
0xbb: {  	s0 =	sor.u32 s3, s0;
	s1 =	sshll.u32 s1, $0x11  }
0xbc: {  	s0 =	sor.u32 s1, s0  }
0xbd: {  	s0 =	sadd.s32 $0x8F2B, s0  }
0xbe: {  	[sflag:s0] =	ssyncadd.remote.s32 $0x1  }
0xbf: {  	_ =	sfence.sel $0xFFFF  }
0xc0: {  	[dreg:$0x0] =	wrdreg $0xFFFFFFFF;
	(pc) =	sbr.abs _section_cstart, $3  }
0xc1: {  	[dreg:$0x1] =	wrdreg $0xFFFFFFFF  }
0xc2: {  	_ =	task.clear_ibuf [dreg:s7], $0x2FFFF;
	_ =	strace $0x9FFFFFFF  }
0xc3: {  	(tm) =	ssettm $0x7FFFFFFF  }
tec
execute0_lowered:
.L_overlay_start_1:
0x0: {  	(tag) =	ssettag $0x1  }
0x1: {  	s1 =	rddreg [dreg:$0x0]  }
0x2: {  	s0 =	srdreg.scid;
	s2 =	rddreg [dreg:$0x1]  }
0x3: {  	s8 =	stileid.u32;
	s3 =	rddreg [dreg:$0x2]  }
0x4: {  	s4 =	simm.s32 $0x0;
	s12 =	simm.s32 $0x3;
	s13 =	simm.s32 $0x400  }
0x5: {  	s14 =	simm.s32 $0x80;
	s15 =	simm.s32 $0x800;
	s16 =	simm.s32 $0x1  }
0x6: {  	s17 =	simm.s32 $0x4800;
	s18 =	simm.s32 $0x2;
	s19 =	simm.s32 $0x100  }
0x7: {  	s20 =	simm.s32 $0x480;
	s21 =	simm.s32 $0x180;
	s22 =	simm.s32 $0x500  }
0x8: {  	s28 =	simm.s32 $0x300;
	s29 =	simm.s32 $0x680;
	s5 =	smul.u32 $0x5000, s8  }
0x9: {  	s30 =	simm.s32 $0x380;
	s31 =	simm.s32 $0x700;
	s23 =	smul.u32 $0x14000, s8  }
0xa: {  	s0 =	sand.u32 $0x1, s0;
	[smem:$0x7FF] =	sst s4;
	s24 =	smul.u32 $0x50000, s8  }
0xb: {  	s9 =	sadd.s32 $0x18000, s2;
	s26 =	sshll.u32 s8, $0x6;
	s6 =	smul.u32 $0x2800, s0  }
0xc: {  	s7 =	smul.u32 $0x140000, s0;
	_ =	strace $0x8000004D;
	s0 =	ssub.s32 $0x2, s0  }
0xd: {  	[dreg:$0x4] =	wrdreg s9;
	s25 =	sshrl.u32 s0, $0x1;
	s5 =	sadd.s32 s6, s5  }
0xe: {  	s6 =	sadd.s32 s23, s7;
	s7 =	sshrl.u32 s24, $0x2;
	s0 =	ssub.s32 s0, s25  }
0xf: {  	s23 =	simm.s32 $0x200;
	s24 =	simm.s32 $0x580;
	s25 =	simm.s32 $0x280  }
0x10: {  	s5 =	sshrl.u32 s5, $0x3;
	s6 =	sshrl.u32 s6, $0x3;
	s7 =	sadd.s32 s7, s3  }
0x11: {  	s0 =	smax.u32 s0, $0x1;
	s5 =	sadd.s32 s5, s2;
	s2 =	sadd.s32 s6, s2  }
0x12: {  	s6 =	sor.u32 $0x1C03, s26;
	[dreg:$0x7] =	wrdreg s0;
	s7 =	sshrl.u32 s7, $0x3  }
0x13: {  	s26 =	simm.s32 $0x600;
	s0 =	simm.s32 $0x0;
	[dreg:$0x5] =	wrdreg s6  }
0x14: {  	s2 =	sadd.s32 $0x1A800, s2;
	s9 =	sadd.s32 $0x4000, s5;
	[dreg:$0x8] =	wrdreg s7  }
0x15: {  	s10 =	sadd.s32 $0xE000, s5;
	[dreg:$0x6] =	wrdreg s2;
	s2 =	simm.s32 $0x780  }
.LBB2_1:
0x16: {  	s5 =	rddreg [dreg:$0x4]  }
0x17: {  	[spmem:s7], [sflag:s6] =	dma.local [hbm:s5], $0x2800  }
0x18: {  	_ =	swait.ge [sflag:s12], $0x2800  }
0x19: {  	[sflag:s12] =	ssyncset.done $0x0  }
0x1a: {  	[sflag:s12] =	ssyncadd.s32 $0xFFFFD800  }
0x1b: {  	s8 =	sadd.s32 $0x0, s10;
	[bflag:$0x0] =	sbarrier.arrive $0xFFFF  }
0x1c: {  	[tilespmem:s4], [sflag:$0x3] =	stream.linear.gather [hbm4b:s8+s4], $0x400, $0x38;
	[tilespmem:$0x1C800] =	vst v63  }
0x1d: {  	_ =	swait.ge [sflag:s12], $0x400  }
0x1e: {  	[sflag:s12] =	ssyncset.done $0x0  }
0x1f: {  	s11 =	sadd.s32 $0x0, s9;
	[sflag:s12] =	ssyncadd.s32 $0xFFFFFC00  }
0x20: {  	[tilespmem:s13], [sflag:$0x3] =	stream.linear.gather [hbm4b:s11+s4], $0x400, $0x38;
	[tilespmem:$0x1C800] =	vst v63  }
0x21: {  	_ =	swait.ge [sflag:s12], $0x400  }
0x22: {  	[sflag:s12] =	ssyncset.done $0x0  }
0x23: {  	[sflag:s12] =	ssyncadd.s32 $0xFFFFFC00  }
0x24: {  	[tilespmem:s15], [sflag:$0x1] =	stream.indirect.gather [hbm4b:s1+s14], $0x80, s4, s14, $0xb8;
	[tilespmem:$0x1C800] =	vst v63  }
0x25: {  	_ =	swait.ge [sflag:s16], $0x4000  }
0x26: {  	[sflag:s16] =	ssyncset.done $0x0  }
0x27: {  	[sflag:s16] =	ssyncadd.s32 $0xFFFFC000  }
0x28: {  	[tilespmem:s17], [sflag:$0x2] =	stream.indirect.gather [hbm4b:s1+s14], $0x80, s14, s14, $0xb8;
	[tilespmem:$0x1C800] =	vst v63  }
0x29: {  	_ = 	snop  }
0x2a: {  	[spmem:s3] =	stream.indirect.scatter.add.f32 [tilespmem:s15], [sflag:$0x3], $0x80, s13, s14, $0xb8;
	[tilespmem:$0x1C800] =	vst v63  }
0x2b: {  	_ =	swait.ge [sflag:s12], $0x4000  }
0x2c: {  	[sflag:s12] =	ssyncset.done $0x0  }
0x2d: {  	[sflag:s12] =	ssyncadd.s32 $0xFFFFC000  }
0x2e: {  	_ =	swait.ge [sflag:s18], $0x4000  }
0x2f: {  	[sflag:s18] =	ssyncset.done $0x0  }
0x30: {  	[sflag:s18] =	ssyncadd.s32 $0xFFFFC000  }
0x31: {  	[tilespmem:s15], [sflag:$0x1] =	stream.indirect.gather [hbm4b:s1+s14], $0x80, s19, s14, $0xb8;
	[tilespmem:$0x1C800] =	vst v63  }
0x32: {  	_ = 	snop  }
0x33: {  	[spmem:s3] =	stream.indirect.scatter.add.f32 [tilespmem:s17], [sflag:$0x3], $0x80, s20, s14, $0xb8;
	[tilespmem:$0x1C800] =	vst v63  }
0x34: {  	_ =	swait.ge [sflag:s12], $0x4000  }
0x35: {  	[sflag:s12] =	ssyncset.done $0x0  }
0x36: {  	[sflag:s12] =	ssyncadd.s32 $0xFFFFC000  }
0x37: {  	_ =	swait.ge [sflag:s16], $0x4000  }
0x38: {  	[sflag:s16] =	ssyncset.done $0x0  }
0x39: {  	[sflag:s16] =	ssyncadd.s32 $0xFFFFC000  }
0x3a: {  	[tilespmem:s17], [sflag:$0x2] =	stream.indirect.gather [hbm4b:s1+s14], $0x80, s21, s14, $0xb8;
	[tilespmem:$0x1C800] =	vst v63  }
0x3b: {  	_ = 	snop  }
0x3c: {  	[spmem:s3] =	stream.indirect.scatter.add.f32 [tilespmem:s15], [sflag:$0x3], $0x80, s22, s14, $0xb8;
	[tilespmem:$0x1C800] =	vst v63  }
0x3d: {  	_ =	swait.ge [sflag:s12], $0x4000  }
0x3e: {  	[sflag:s12] =	ssyncset.done $0x0  }
0x3f: {  	[sflag:s12] =	ssyncadd.s32 $0xFFFFC000  }
0x40: {  	_ =	swait.ge [sflag:s18], $0x4000  }
0x41: {  	[sflag:s18] =	ssyncset.done $0x0  }
0x42: {  	[sflag:s18] =	ssyncadd.s32 $0xFFFFC000  }
0x43: {  	[tilespmem:s15], [sflag:$0x1] =	stream.indirect.gather [hbm4b:s1+s14], $0x80, s23, s14, $0xb8;
	[tilespmem:$0x1C800] =	vst v63  }
0x44: {  	_ = 	snop  }
0x45: {  	[spmem:s3] =	stream.indirect.scatter.add.f32 [tilespmem:s17], [sflag:$0x3], $0x80, s24, s14, $0xb8;
	[tilespmem:$0x1C800] =	vst v63  }
0x46: {  	_ =	swait.ge [sflag:s12], $0x4000  }
0x47: {  	[sflag:s12] =	ssyncset.done $0x0  }
0x48: {  	[sflag:s12] =	ssyncadd.s32 $0xFFFFC000  }
0x49: {  	_ =	swait.ge [sflag:s16], $0x4000  }
0x4a: {  	[sflag:s16] =	ssyncset.done $0x0  }
0x4b: {  	[sflag:s16] =	ssyncadd.s32 $0xFFFFC000  }
0x4c: {  	[tilespmem:s17], [sflag:$0x2] =	stream.indirect.gather [hbm4b:s1+s14], $0x80, s25, s14, $0xb8;
	[tilespmem:$0x1C800] =	vst v63  }
0x4d: {  	_ = 	snop  }
0x4e: {  	[spmem:s3] =	stream.indirect.scatter.add.f32 [tilespmem:s15], [sflag:$0x3], $0x80, s26, s14, $0xb8;
	[tilespmem:$0x1C800] =	vst v63  }
0x4f: {  	_ =	swait.ge [sflag:s12], $0x4000  }
0x50: {  	[sflag:s12] =	ssyncset.done $0x0  }
0x51: {  	[sflag:s12] =	ssyncadd.s32 $0xFFFFC000  }
0x52: {  	_ =	swait.ge [sflag:s18], $0x4000  }
0x53: {  	[sflag:s18] =	ssyncset.done $0x0  }
0x54: {  	[sflag:s18] =	ssyncadd.s32 $0xFFFFC000  }
0x55: {  	[tilespmem:s15], [sflag:$0x1] =	stream.indirect.gather [hbm4b:s1+s14], $0x80, s28, s14, $0xb8;
	[tilespmem:$0x1C800] =	vst v63  }
0x56: {  	_ = 	snop  }
0x57: {  	[spmem:s3] =	stream.indirect.scatter.add.f32 [tilespmem:s17], [sflag:$0x3], $0x80, s29, s14, $0xb8;
	[tilespmem:$0x1C800] =	vst v63  }
0x58: {  	_ =	swait.ge [sflag:s12], $0x4000  }
0x59: {  	[sflag:s12] =	ssyncset.done $0x0  }
0x5a: {  	[sflag:s12] =	ssyncadd.s32 $0xFFFFC000  }
0x5b: {  	_ =	swait.ge [sflag:s16], $0x4000  }
0x5c: {  	[sflag:s16] =	ssyncset.done $0x0  }
0x5d: {  	[sflag:s16] =	ssyncadd.s32 $0xFFFFC000  }
0x5e: {  	[tilespmem:s17], [sflag:$0x2] =	stream.indirect.gather [hbm4b:s1+s14], $0x80, s30, s14, $0xb8;
	[tilespmem:$0x1C800] =	vst v63  }
0x5f: {  	_ = 	snop  }
0x60: {  	[spmem:s3] =	stream.indirect.scatter.add.f32 [tilespmem:s15], [sflag:$0x3], $0x80, s31, s14, $0xb8;
	[tilespmem:$0x1C800] =	vst v63  }
0x61: {  	_ =	swait.ge [sflag:s12], $0x4000  }
0x62: {  	[sflag:s12] =	ssyncset.done $0x0  }
0x63: {  	[sflag:s12] =	ssyncadd.s32 $0xFFFFC000  }
0x64: {  	_ =	swait.ge [sflag:s18], $0x4000  }
0x65: {  	[sflag:s18] =	ssyncset.done $0x0  }
0x66: {  	[sflag:s18] =	ssyncadd.s32 $0xFFFFC000  }
0x67: {  	[spmem:s3] =	stream.indirect.scatter.add.f32 [tilespmem:s17], [sflag:$0x3], $0x80, s2, s14, $0xb8;
	[tilespmem:$0x1C800] =	vst v63  }
0x68: {  	_ =	swait.ge [sflag:s12], $0x4000  }
0x69: {  	s5 =	simm.s32 $0x80;
	s7 =	simm.s32 $0x100;
	[sflag:s12] =	ssyncset.done $0x0  }
.LBB2_2:
0x6a: {  	s6 =	sadd.s32 s5, s10  }
0x6b: {  	[sflag:s12] =	ssyncadd.s32 $0xFFFFC000;
	s11 =	smov.u32 s7;
	s8 =	sadd.s32 $0x80, s7  }
0x6c: {  	[tilespmem:s4], [sflag:$0x3] =	stream.linear.gather [hbm4b:s6+s4], $0x400, $0x38;
	[tilespmem:$0x1C800] =	vst v63  }
0x6d: {  	p0 =	sne.s32 s7, $0x480;
	_ =	swait.ge [sflag:s12], $0x400  }
0x6e: {  	[sflag:s12] =	ssyncset.done $0x0  }
0x6f: {  	s6 =	sadd.s32 s5, s9;
	s5 =	smov.u32 s11;
	[sflag:s12] =	ssyncadd.s32 $0xFFFFFC00  }
0x70: {  	[tilespmem:s13], [sflag:$0x3] =	stream.linear.gather [hbm4b:s6+s4], $0x400, $0x38;
	[tilespmem:$0x1C800] =	vst v63  }
0x71: {  	_ =	swait.ge [sflag:s12], $0x400  }
0x72: {  	[sflag:s12] =	ssyncset.done $0x0  }
0x73: {  	[sflag:s12] =	ssyncadd.s32 $0xFFFFFC00  }
0x74: {  	[tilespmem:s15], [sflag:$0x1] =	stream.indirect.gather [hbm4b:s1+s14], $0x80, s4, s14, $0xb8;
	[tilespmem:$0x1C800] =	vst v63  }
0x75: {  	_ =	swait.ge [sflag:s16], $0x4000  }
0x76: {  	[sflag:s16] =	ssyncset.done $0x0  }
0x77: {  	[sflag:s16] =	ssyncadd.s32 $0xFFFFC000  }
0x78: {  	[tilespmem:s17], [sflag:$0x2] =	stream.indirect.gather [hbm4b:s1+s14], $0x80, s14, s14, $0xb8;
	[tilespmem:$0x1C800] =	vst v63  }
0x79: {  	_ = 	snop  }
0x7a: {  	[spmem:s3] =	stream.indirect.scatter.add.f32 [tilespmem:s15], [sflag:$0x3], $0x80, s13, s14, $0xb8;
	[tilespmem:$0x1C800] =	vst v63  }
0x7b: {  	_ =	swait.ge [sflag:s12], $0x4000  }
0x7c: {  	[sflag:s12] =	ssyncset.done $0x0  }
0x7d: {  	[sflag:s12] =	ssyncadd.s32 $0xFFFFC000  }
0x7e: {  	_ =	swait.ge [sflag:s18], $0x4000  }
0x7f: {  	[sflag:s18] =	ssyncset.done $0x0  }
0x80: {  	[sflag:s18] =	ssyncadd.s32 $0xFFFFC000  }
0x81: {  	[tilespmem:s15], [sflag:$0x1] =	stream.indirect.gather [hbm4b:s1+s14], $0x80, s19, s14, $0xb8;
	[tilespmem:$0x1C800] =	vst v63  }
0x82: {  	_ = 	snop  }
0x83: {  	[spmem:s3] =	stream.indirect.scatter.add.f32 [tilespmem:s17], [sflag:$0x3], $0x80, s20, s14, $0xb8;
	[tilespmem:$0x1C800] =	vst v63  }
0x84: {  	_ =	swait.ge [sflag:s12], $0x4000  }
0x85: {  	[sflag:s12] =	ssyncset.done $0x0  }
0x86: {  	[sflag:s12] =	ssyncadd.s32 $0xFFFFC000  }
0x87: {  	_ =	swait.ge [sflag:s16], $0x4000  }
0x88: {  	[sflag:s16] =	ssyncset.done $0x0  }
0x89: {  	[sflag:s16] =	ssyncadd.s32 $0xFFFFC000  }
0x8a: {  	[tilespmem:s17], [sflag:$0x2] =	stream.indirect.gather [hbm4b:s1+s14], $0x80, s21, s14, $0xb8;
	[tilespmem:$0x1C800] =	vst v63  }
0x8b: {  	_ = 	snop  }
0x8c: {  	[spmem:s3] =	stream.indirect.scatter.add.f32 [tilespmem:s15], [sflag:$0x3], $0x80, s22, s14, $0xb8;
	[tilespmem:$0x1C800] =	vst v63  }
0x8d: {  	_ =	swait.ge [sflag:s12], $0x4000  }
0x8e: {  	[sflag:s12] =	ssyncset.done $0x0  }
0x8f: {  	[sflag:s12] =	ssyncadd.s32 $0xFFFFC000  }
0x90: {  	_ =	swait.ge [sflag:s18], $0x4000  }
0x91: {  	[sflag:s18] =	ssyncset.done $0x0  }
0x92: {  	[sflag:s18] =	ssyncadd.s32 $0xFFFFC000  }
0x93: {  	[tilespmem:s15], [sflag:$0x1] =	stream.indirect.gather [hbm4b:s1+s14], $0x80, s23, s14, $0xb8;
	[tilespmem:$0x1C800] =	vst v63  }
0x94: {  	_ = 	snop  }
0x95: {  	[spmem:s3] =	stream.indirect.scatter.add.f32 [tilespmem:s17], [sflag:$0x3], $0x80, s24, s14, $0xb8;
	[tilespmem:$0x1C800] =	vst v63  }
0x96: {  	_ =	swait.ge [sflag:s12], $0x4000  }
0x97: {  	[sflag:s12] =	ssyncset.done $0x0  }
0x98: {  	[sflag:s12] =	ssyncadd.s32 $0xFFFFC000  }
0x99: {  	_ =	swait.ge [sflag:s16], $0x4000  }
0x9a: {  	[sflag:s16] =	ssyncset.done $0x0  }
0x9b: {  	[sflag:s16] =	ssyncadd.s32 $0xFFFFC000  }
0x9c: {  	[tilespmem:s17], [sflag:$0x2] =	stream.indirect.gather [hbm4b:s1+s14], $0x80, s25, s14, $0xb8;
	[tilespmem:$0x1C800] =	vst v63  }
0x9d: {  	_ = 	snop  }
0x9e: {  	[spmem:s3] =	stream.indirect.scatter.add.f32 [tilespmem:s15], [sflag:$0x3], $0x80, s26, s14, $0xb8;
	[tilespmem:$0x1C800] =	vst v63  }
0x9f: {  	_ =	swait.ge [sflag:s12], $0x4000  }
0xa0: {  	[sflag:s12] =	ssyncset.done $0x0  }
0xa1: {  	[sflag:s12] =	ssyncadd.s32 $0xFFFFC000  }
0xa2: {  	_ =	swait.ge [sflag:s18], $0x4000  }
0xa3: {  	[sflag:s18] =	ssyncset.done $0x0  }
0xa4: {  	[sflag:s18] =	ssyncadd.s32 $0xFFFFC000  }
0xa5: {  	[tilespmem:s15], [sflag:$0x1] =	stream.indirect.gather [hbm4b:s1+s14], $0x80, s28, s14, $0xb8;
	[tilespmem:$0x1C800] =	vst v63  }
0xa6: {  	_ = 	snop  }
0xa7: {  	[spmem:s3] =	stream.indirect.scatter.add.f32 [tilespmem:s17], [sflag:$0x3], $0x80, s29, s14, $0xb8;
	[tilespmem:$0x1C800] =	vst v63  }
0xa8: {  	_ =	swait.ge [sflag:s12], $0x4000  }
0xa9: {  	[sflag:s12] =	ssyncset.done $0x0  }
0xaa: {  	[sflag:s12] =	ssyncadd.s32 $0xFFFFC000  }
0xab: {  	_ =	swait.ge [sflag:s16], $0x4000  }
0xac: {  	[sflag:s16] =	ssyncset.done $0x0  }
0xad: {  	[sflag:s16] =	ssyncadd.s32 $0xFFFFC000  }
0xae: {  	[tilespmem:s17], [sflag:$0x2] =	stream.indirect.gather [hbm4b:s1+s14], $0x80, s30, s14, $0xb8;
	[tilespmem:$0x1C800] =	vst v63  }
0xaf: {  	_ = 	snop  }
0xb0: {  	[spmem:s3] =	stream.indirect.scatter.add.f32 [tilespmem:s15], [sflag:$0x3], $0x80, s31, s14, $0xb8;
	[tilespmem:$0x1C800] =	vst v63  }
0xb1: {  	_ =	swait.ge [sflag:s12], $0x4000  }
0xb2: {  	[sflag:s12] =	ssyncset.done $0x0  }
0xb3: {  	[sflag:s12] =	ssyncadd.s32 $0xFFFFC000  }
0xb4: {  	_ =	swait.ge [sflag:s18], $0x4000  }
.Ltmp0:
0xb5: {  	[sflag:s18] =	ssyncset.done $0x0;
	(pc) =	sbr.rel @p0 .LBB2_2-.Ltmp0, $4  }
0xb6: {  	[sflag:s18] =	ssyncadd.s32 $0xFFFFC000  }
0xb7: {  	[spmem:s3] =	stream.indirect.scatter.add.f32 [tilespmem:s17], [sflag:$0x3], $0x80, s2, s14, $0xb8;
	[tilespmem:$0x1C800] =	vst v63  }
0xb8: {  	_ =	swait.ge [sflag:s12], $0x4000  }
0xb9: {  	s7 =	smov.u32 s8;
	[sflag:s12] =	ssyncset.done $0x0  }
0xba: {  	s6 =	sadd.s32 s5, s10;
	[sflag:s12] =	ssyncadd.s32 $0xFFFFC000  }
0xbb: {  	[tilespmem:s4], [sflag:$0x3] =	stream.linear.gather [hbm4b:s6+s4], $0x400, $0x38;
	[tilespmem:$0x1C800] =	vst v63  }
0xbc: {  	_ =	swait.ge [sflag:s12], $0x400  }
0xbd: {  	[sflag:s12] =	ssyncset.done $0x0  }
0xbe: {  	s7 =	sadd.s32 s5, s9;
	[sflag:s12] =	ssyncadd.s32 $0xFFFFFC00  }
0xbf: {  	[tilespmem:s13], [sflag:$0x3] =	stream.linear.gather [hbm4b:s7+s4], $0x400, $0x38;
	[tilespmem:$0x1C800] =	vst v63  }
0xc0: {  	_ =	swait.ge [sflag:s12], $0x400  }
0xc1: {  	[sflag:s12] =	ssyncset.done $0x0  }
0xc2: {  	[sflag:s12] =	ssyncadd.s32 $0xFFFFFC00  }
0xc3: {  	[tilespmem:s15], [sflag:$0x1] =	stream.indirect.gather [hbm4b:s1+s14], $0x80, s4, s14, $0xb8;
	[tilespmem:$0x1C800] =	vst v63  }
0xc4: {  	_ =	swait.ge [sflag:s16], $0x4000  }
0xc5: {  	[sflag:s16] =	ssyncset.done $0x0  }
0xc6: {  	[sflag:s16] =	ssyncadd.s32 $0xFFFFC000  }
0xc7: {  	[tilespmem:s17], [sflag:$0x2] =	stream.indirect.gather [hbm4b:s1+s14], $0x80, s14, s14, $0xb8;
	[tilespmem:$0x1C800] =	vst v63  }
0xc8: {  	_ = 	snop  }
0xc9: {  	[spmem:s3] =	stream.indirect.scatter.add.f32 [tilespmem:s15], [sflag:$0x3], $0x80, s13, s14, $0xb8;
	[tilespmem:$0x1C800] =	vst v63  }
0xca: {  	_ =	swait.ge [sflag:s12], $0x4000  }
0xcb: {  	[sflag:s12] =	ssyncset.done $0x0  }
0xcc: {  	[sflag:s12] =	ssyncadd.s32 $0xFFFFC000  }
0xcd: {  	_ =	swait.ge [sflag:s18], $0x4000  }
0xce: {  	[sflag:s18] =	ssyncset.done $0x0  }
0xcf: {  	[sflag:s18] =	ssyncadd.s32 $0xFFFFC000  }
0xd0: {  	[tilespmem:s15], [sflag:$0x1] =	stream.indirect.gather [hbm4b:s1+s14], $0x80, s19, s14, $0xb8;
	[tilespmem:$0x1C800] =	vst v63  }
0xd1: {  	_ = 	snop  }
0xd2: {  	[spmem:s3] =	stream.indirect.scatter.add.f32 [tilespmem:s17], [sflag:$0x3], $0x80, s20, s14, $0xb8;
	[tilespmem:$0x1C800] =	vst v63  }
0xd3: {  	_ =	swait.ge [sflag:s12], $0x4000  }
0xd4: {  	[sflag:s12] =	ssyncset.done $0x0  }
0xd5: {  	[sflag:s12] =	ssyncadd.s32 $0xFFFFC000  }
0xd6: {  	_ =	swait.ge [sflag:s16], $0x4000  }
0xd7: {  	[sflag:s16] =	ssyncset.done $0x0  }
0xd8: {  	[sflag:s16] =	ssyncadd.s32 $0xFFFFC000  }
0xd9: {  	[tilespmem:s17], [sflag:$0x2] =	stream.indirect.gather [hbm4b:s1+s14], $0x80, s21, s14, $0xb8;
	[tilespmem:$0x1C800] =	vst v63  }
0xda: {  	_ = 	snop  }
0xdb: {  	[spmem:s3] =	stream.indirect.scatter.add.f32 [tilespmem:s15], [sflag:$0x3], $0x80, s22, s14, $0xb8;
	[tilespmem:$0x1C800] =	vst v63  }
0xdc: {  	_ =	swait.ge [sflag:s12], $0x4000  }
0xdd: {  	[sflag:s12] =	ssyncset.done $0x0  }
0xde: {  	[sflag:s12] =	ssyncadd.s32 $0xFFFFC000  }
0xdf: {  	_ =	swait.ge [sflag:s18], $0x4000  }
0xe0: {  	[sflag:s18] =	ssyncset.done $0x0  }
0xe1: {  	[sflag:s18] =	ssyncadd.s32 $0xFFFFC000  }
0xe2: {  	[tilespmem:s15], [sflag:$0x1] =	stream.indirect.gather [hbm4b:s1+s14], $0x80, s23, s14, $0xb8;
	[tilespmem:$0x1C800] =	vst v63  }
0xe3: {  	_ = 	snop  }
0xe4: {  	[spmem:s3] =	stream.indirect.scatter.add.f32 [tilespmem:s17], [sflag:$0x3], $0x80, s24, s14, $0xb8;
	[tilespmem:$0x1C800] =	vst v63  }
0xe5: {  	_ =	swait.ge [sflag:s12], $0x4000  }
0xe6: {  	[sflag:s12] =	ssyncset.done $0x0  }
0xe7: {  	[sflag:s12] =	ssyncadd.s32 $0xFFFFC000  }
0xe8: {  	_ =	swait.ge [sflag:s16], $0x4000  }
0xe9: {  	[sflag:s16] =	ssyncset.done $0x0  }
0xea: {  	[sflag:s16] =	ssyncadd.s32 $0xFFFFC000  }
0xeb: {  	[tilespmem:s17], [sflag:$0x2] =	stream.indirect.gather [hbm4b:s1+s14], $0x80, s25, s14, $0xb8;
	[tilespmem:$0x1C800] =	vst v63  }
0xec: {  	_ = 	snop  }
0xed: {  	[spmem:s3] =	stream.indirect.scatter.add.f32 [tilespmem:s15], [sflag:$0x3], $0x80, s26, s14, $0xb8;
	[tilespmem:$0x1C800] =	vst v63  }
0xee: {  	_ =	swait.ge [sflag:s12], $0x4000  }
0xef: {  	[sflag:s12] =	ssyncset.done $0x0  }
0xf0: {  	[sflag:s12] =	ssyncadd.s32 $0xFFFFC000  }
0xf1: {  	_ =	swait.ge [sflag:s18], $0x4000  }
0xf2: {  	[sflag:s18] =	ssyncset.done $0x0  }
0xf3: {  	[sflag:s18] =	ssyncadd.s32 $0xFFFFC000  }
0xf4: {  	[tilespmem:s15], [sflag:$0x1] =	stream.indirect.gather [hbm4b:s1+s14], $0x80, s28, s14, $0xb8;
	[tilespmem:$0x1C800] =	vst v63  }
0xf5: {  	_ = 	snop  }
0xf6: {  	[spmem:s3] =	stream.indirect.scatter.add.f32 [tilespmem:s17], [sflag:$0x3], $0x80, s29, s14, $0xb8;
	[tilespmem:$0x1C800] =	vst v63  }
0xf7: {  	_ =	swait.ge [sflag:s12], $0x4000  }
0xf8: {  	[sflag:s12] =	ssyncset.done $0x0  }
0xf9: {  	[sflag:s12] =	ssyncadd.s32 $0xFFFFC000  }
0xfa: {  	_ =	swait.ge [sflag:s16], $0x4000  }
0xfb: {  	[sflag:s16] =	ssyncset.done $0x0  }
0xfc: {  	[sflag:s16] =	ssyncadd.s32 $0xFFFFC000  }
0xfd: {  	[tilespmem:s17], [sflag:$0x2] =	stream.indirect.gather [hbm4b:s1+s14], $0x80, s30, s14, $0xb8;
	[tilespmem:$0x1C800] =	vst v63  }
0xfe: {  	_ = 	snop  }
0xff: {  	[spmem:s3] =	stream.indirect.scatter.add.f32 [tilespmem:s15], [sflag:$0x3], $0x80, s31, s14, $0xb8;
	[tilespmem:$0x1C800] =	vst v63  }
0x100: {  	_ =	swait.ge [sflag:s12], $0x4000  }
0x101: {  	[sflag:s12] =	ssyncset.done $0x0  }
0x102: {  	[sflag:s12] =	ssyncadd.s32 $0xFFFFC000  }
0x103: {  	_ =	swait.ge [sflag:s18], $0x4000  }
0x104: {  	[sflag:s18] =	ssyncset.done $0x0  }
0x105: {  	[sflag:s18] =	ssyncadd.s32 $0xFFFFC000  }
0x106: {  	[spmem:s3] =	stream.indirect.scatter.add.f32 [tilespmem:s17], [sflag:$0x3], $0x80, s2, s14, $0xb8;
	[tilespmem:$0x1C800] =	vst v63  }
0x107: {  	_ =	swait.ge [sflag:s12], $0x4000  }
0x108: {  	[sflag:s12] =	ssyncset.done $0x0  }
0x109: {  	[sflag:s12] =	ssyncadd.s32 $0xFFFFC000  }
0x10a: {  	[bflag:$0x0] =	sbarrier.arrive $0xFFFF  }
0x10b: {  	s6 =	rddreg [dreg:$0x5]  }
0x10c: {  	s8 =	rddreg [dreg:$0x6]  }
0x10d: {  	s7 =	rddreg [dreg:$0x8]  }
0x10e: {  	[hbm:s8], [sflag:s6] =	dma.local [spmem:s7], $0x2800  }
0x10f: {  	_ =	swait.ge [sflag:s12], $0x2800  }
0x110: {  	s0 =	sadd.s32 $0x1, s0;
	s11 =	rddreg [dreg:$0x7]  }
0x111: {  	p0 =	sne.s32 s0, s11  }
.Ltmp1:
0x112: {  	_ = 	snop;
	(pc) =	sbr.rel @p0 .LBB2_1-.Ltmp1, $3  }
0x113: {  	_ =	sdelay $0x1  }
0x114: {  	[sflag:s12] =	ssyncset.done $0x0  }
0x115: {  	[sflag:s12] =	ssyncadd.s32 $0xFFFFD800  }
0x116: {  	_ =	sfence.sel $0x180000  }
0x117: {  	[bflag:$0x0] =	sbarrier.arrive $0xFFFF  }
0x118: {  	_ =	strace $0x9000004D  }
0x119: {  	s0 =	stileid.u32;
	[bflag:$0x2] =	sbarrier.arrive $0xFFFF  }
0x11a: {  	p0 =	sne.s32 s0, $0x0;
	s0 =	rddreg [dreg:$0x3]  }
0x11b: {  	s0 =	sadd.s32 @!p0 $0x100000, s0  }
0x11c: {  	[sflag:s0] =	ssyncadd.tile.s32 @!p0 $0x1;
	_ =	shalt  }
.Lfunc_end2:
_tile_overlayer_lowered:
.L_overlay_start_2:
0x11d: {  	(tag) =	ssettag $0x2  }
0x11e: {  	s0 =	rddreg [dreg:$0x0];
	s2 =	stileid.u32  }
0x11f: {  	s1 =	rddreg [dreg:$0x1];
	p0 =	sne.s32 s2, $0x0  }
0x120: {  	s3 =	rddreg [dreg:$0x2];
	[bflag:$0x3] =	sbarrier.arrive $0xFFFF;
	s2 =	simm.s32 @!p0 $0x1C03  }
0x121: {  	[timem:s3], [sflag:s2] =	dma.local @!p0 [hbm:s0], s1  }
0x122: {  	s0 =	simm.s32 @!p0 $0x3  }
0x123: {  	_ =	swait.ge @!p0 [sflag:s0], s1  }
0x124: {  	s1 =	ssub.s32 @!p0 $0x0, s1;
	[sflag:s0] =	ssyncset.done @!p0 $0x0  }
0x125: {  	[sflag:s0] =	ssyncadd.s32 @!p0 s1  }
0x126: {  	[bflag:$0x3] =	sbarrier.arrive $0xFFFF  }
0x127: {  	_ =	shalt  }

</sc_bundles>
